<compile_context>
chip_gen: v7x
topology: tpu7x:2x2x1
jax: 0.10.2.dev20260603
libtpu: 0.0.44.dev20260713+nightly
codegen_flags: <defaults>
</compile_context>

<pallas_src>
import functools

import jax
import jax.numpy as jnp
from jax import lax
from jax.experimental import pallas as pl
from jax.experimental.pallas import tpu as pltpu
from jax.experimental.pallas import tpu_sc as plsc

N_ATOMS = 100000
N_EDGES = 6400000
N_MOL = 512
KE = 14.3996
LN5 = 1.6094379124341003

CHUNK = 1024
SUB = 128
NSUB = CHUNK // SUB
NCHUNKS = N_EDGES // CHUNK
NW = 32
GROUPS = CHUNK // 16

BT = 10240


def _full(v):
    return jnp.full((16,), v, jnp.int32)


def _lnd_body(x_ref, y_ref, z_ref, out_ref):
    x, y, z = x_ref[...], y_ref[...], z_ref[...]
    d2 = x * x + y * y + z * z
    out_ref[...] = 0.5 * jnp.log(d2)


def _lnd(rij):
    rt = rij.T
    spec = pl.BlockSpec((BT,), lambda i: (i,))
    return pl.pallas_call(
        _lnd_body,
        grid=(N_EDGES // BT,),
        in_specs=[spec, spec, spec],
        out_specs=spec,
        out_shape=jax.ShapeDtypeStruct((N_EDGES,), jnp.float32),
    )(rt[0], rt[1], rt[2])


def _body(tab, ii, jj, lnd, lr0, out, ii_v, jj_v, lnd_v, rows_i, rows_j,
          lr0_v, hist_v, sem):
    wid = lax.axis_index("s") * 2 + lax.axis_index("c")

    pltpu.async_copy(lr0, lr0_v, sem).wait()

    zeros = jnp.zeros((16,), jnp.float32)
    for z in range(N_MOL // 16):
        hist_v[pl.ds(z * 16, 16)] = zeros

    lane = lax.iota(jnp.int32, 16)

    def group_body(g, carry):
        r = g * 16 + lane
        qi = plsc.load_gather(rows_i, [r, _full(0)])
        nsi = plsc.load_gather(rows_i, [r, _full(1)])
        ci = plsc.load_gather(rows_i, [r, _full(2)])
        qj = plsc.load_gather(rows_j, [r, _full(0)])
        nsj = plsc.load_gather(rows_j, [r, _full(1)])
        cb = plsc.load_gather(rows_j, [r, _full(3)])
        lnd16 = lnd_v[pl.ds(g * 16, 16)]

        cii = ci.astype(jnp.int32)
        m = cii >> 10
        av = cii & 1023
        ridx = av + cb.astype(jnp.int32)
        lr = plsc.load_gather(lr0_v, [ridx])

        n = nsi + nsj * 0.5
        u = (n - 1.0) * lr
        p1 = jnp.exp(u - n * lnd16)
        p2 = jnp.exp(u - n * LN5)
        coef = (0.5 * KE) * jnp.abs(qi * qj) / n
        pot = coef * (p1 - p2)
        pot = jnp.where(lnd16 <= LN5, pot, 0.0)
        plsc.addupdate_scatter(hist_v, [m], pot)
        return carry

    def chunk_body(k, carry):
        g = wid + k * NW
        c1 = pltpu.async_copy(ii.at[pl.ds(g * CHUNK, CHUNK)], ii_v, sem)
        c2 = pltpu.async_copy(jj.at[pl.ds(g * CHUNK, CHUNK)], jj_v, sem)
        c3 = pltpu.async_copy(lnd.at[pl.ds(g * CHUNK, CHUNK)], lnd_v, sem)
        c1.wait()
        c2.wait()
        descs = []
        for s in range(NSUB):
            descs.append(pltpu.async_copy(
                tab.at[ii_v.at[pl.ds(s * SUB, SUB)]],
                rows_i.at[pl.ds(s * SUB, SUB), :], sem))
            descs.append(pltpu.async_copy(
                tab.at[jj_v.at[pl.ds(s * SUB, SUB)]],
                rows_j.at[pl.ds(s * SUB, SUB), :], sem))
        c3.wait()
        gps = GROUPS // NSUB
        for s in range(NSUB):
            descs[2 * s].wait()
            descs[2 * s + 1].wait()
            lax.fori_loop(s * gps, (s + 1) * gps, group_body, 0, unroll=2)
        return carry

    nk = jnp.where(wid < (NCHUNKS % NW), NCHUNKS // NW + 1, NCHUNKS // NW)
    lax.fori_loop(0, nk, chunk_body, 0)

    pltpu.async_copy(hist_v, out.at[wid], sem).wait()


def _partials(partial_charges, Z, ns, idx_m, Rij, idx_i, idx_j, is_film,
              r0_table):
    q = jnp.squeeze(partial_charges, -1).astype(jnp.float32)
    Zi = Z.astype(jnp.int32)
    film = is_film.astype(jnp.int32)
    mol = idx_m.astype(jnp.int32)
    ci = mol * 1024 + film * 200 + Zi * 10
    cb = film * 100 + Zi
    cols = jnp.stack([q, ns.astype(jnp.float32),
                      ci.astype(jnp.float32), cb.astype(jnp.float32)], axis=-1)
    tab = jnp.pad(cols, ((0, 0), (0, 12)))
    lr0 = jnp.log(r0_table.astype(jnp.float32)).reshape(-1)
    ii = idx_i.astype(jnp.int32)
    jj = idx_j.astype(jnp.int32)
    lnd = _lnd(Rij.astype(jnp.float32))

    mesh = plsc.VectorSubcoreMesh(core_axis_name="c", subcore_axis_name="s")
    run = functools.partial(
        pl.kernel,
        mesh=mesh,
        out_type=jax.ShapeDtypeStruct((NW, N_MOL), jnp.float32),
        compiler_params=pltpu.CompilerParams(
            needs_layout_passes=False, use_tc_tiling_on_sc=False),
        scratch_types=[
            pltpu.VMEM((CHUNK,), jnp.int32),
            pltpu.VMEM((CHUNK,), jnp.int32),
            pltpu.VMEM((CHUNK,), jnp.float32),
            pltpu.VMEM((CHUNK, 16), jnp.float32),
            pltpu.VMEM((CHUNK, 16), jnp.float32),
            pltpu.VMEM((400,), jnp.float32),
            pltpu.VMEM((N_MOL,), jnp.float32),
            pltpu.SemaphoreType.DMA,
        ],
    )(_body)
    return run(tab, ii, jj, lnd, lr0)


def kernel(partial_charges, Z, ns, idx_m, Rij, idx_i, idx_j, is_film, r0_table):
    partials = _partials(partial_charges, Z, ns, idx_m, Rij, idx_i, idx_j,
                         is_film, r0_table)
    return partials.sum(axis=0)

# --- scband reference (transcript-rebuilt; emitter-appended) ---
"""Pipeline reference for scband-energy-born-33543694582097 (READ-ONLY COPY).

The authoritative reference and input builder live on the scoring server;
editing this copy changes nothing except your own understanding.
"""

import jax, jax.numpy as jnp
import numpy as np

N = 100000
E = 6400000
M = 512
KE = 14.3996
CUTOFF = 5.0

def setup_inputs(seed: int = 0) -> dict:
    key = jax.random.key(seed)
    ks = jax.random.split(key, 10)
    partial_charges = jax.random.normal(ks[0], (N, 1), dtype=jnp.float32)
    Z = jax.random.randint(ks[1], (N,), 0, 10)
    ns = jax.random.uniform(ks[2], (N,), minval=1.0, maxval=3.0, dtype=jnp.float32)
    idx_m = jnp.sort(jax.random.randint(ks[3], (N,), 0, M))
    idx_m = idx_m.at[-1].set(M - 1)
    Rij = jax.random.normal(ks[4], (E, 3), dtype=jnp.float32)
    idx_i = jax.random.randint(ks[5], (E,), 0, N)
    idx_j = jax.random.randint(ks[6], (E,), 0, N)
    is_film = jax.random.randint(ks[7], (N,), 0, 2)
    # r0_dict[(is_film_i, is_film_j, z_i, z_j)] materialized as a dense 4-D lookup table
    r0_table = jax.random.uniform(ks[8], (2, 2, 10, 10), minval=0.5, maxval=2.0, dtype=jnp.float32)
    return {"partial_charges": partial_charges, "Z": Z, "ns": ns, "idx_m": idx_m,
            "Rij": Rij, "idx_i": idx_i, "idx_j": idx_j, "is_film": is_film,
            "r0_table": r0_table}

def reference(partial_charges, Z, ns, idx_m, Rij, idx_i, idx_j, is_film, r0_table):
    q = jnp.squeeze(partial_charges, -1)
    q_ij = jnp.abs(q[idx_i] * q[idx_j])
    d_ij = jnp.linalg.norm(Rij, axis=1)
    n_ij = ns[idx_i] + ns[idx_j] / 2.0
    r0_ij = r0_table[is_film[idx_i], is_film[idx_j], Z[idx_i], Z[idx_j]]
    B_ij = q_ij * r0_ij ** (n_ij - 1.0) / n_ij
    # born_potential with cutoff shift
    potential = B_ij * (1.0 / d_ij ** n_ij - 1.0 / CUTOFF ** n_ij)
    potential = jnp.where(d_ij <= CUTOFF, potential, jnp.zeros_like(potential))
    n_atoms = Z.shape[0]
    n_molecules = M
    y = jax.ops.segment_sum(potential, idx_i, num_segments=n_atoms)
    y = jax.ops.segment_sum(y, idx_m, num_segments=n_molecules)
    y = 0.5 * KE * y
    return y

if __name__ == "__main__":
    import jax
    _d = setup_inputs()
    print(jax.jit(kernel)(*tuple(_d.values())))

</pallas_src>

<mosaic_0001>
#map = affine_map<(d0, d1) -> (0, 0)>
#map1 = affine_map<(d0, d1) -> (0)>
module attributes {stable_mosaic.version = 14 : i64} {
  func.func @_body(%arg0: i32, %arg1: i32, %arg2: memref<100000x16xf32, #tpu.memory_space<hbm>>, %arg3: memref<6400000xi32, #tpu.memory_space<hbm>>, %arg4: memref<6400000xi32, #tpu.memory_space<hbm>>, %arg5: memref<6400000xf32, #tpu.memory_space<hbm>>, %arg6: memref<400xf32, #tpu.memory_space<hbm>>, %arg7: memref<32x512xf32, #tpu.memory_space<hbm>>, %arg8: memref<1024xi32, #tpu.memory_space<vmem>>, %arg9: memref<1024xi32, #tpu.memory_space<vmem>>, %arg10: memref<1024xf32, #tpu.memory_space<vmem>>, %arg11: memref<1024x16xf32, #tpu.memory_space<vmem>>, %arg12: memref<1024x16xf32, #tpu.memory_space<vmem>>, %arg13: memref<400xf32, #tpu.memory_space<vmem>>, %arg14: memref<512xf32, #tpu.memory_space<vmem>>, %arg15: memref<!tpu.dma_semaphore, #tpu.memory_space<semaphore_mem>>) attributes {dimension_semantics = [#tpu.dimension_semantics<core_parallel>, #tpu.dimension_semantics<subcore_parallel>], iteration_bounds = array<i64: 2, 16>, scalar_prefetch = 0 : i64, scratch_operands = 8 : i64, tpu.core_type = #tpu.core_type<sc_vector_subcore>, window_params = [{transform_indices = #map}, {transform_indices = #map1}, {transform_indices = #map1}, {transform_indices = #map1}, {transform_indices = #map1}, {transform_indices = #map}]} {
    %mul3A = arith.constant 2 : i32
    %mul3A_0 = arith.muli %arg1, %mul3A : i32
    %add3A = arith.addi %mul3A_0, %arg0 : i32
    tpu.enqueue_dma source(%arg6 : memref<400xf32, #tpu.memory_space<hbm>>) target(%arg13 : memref<400xf32, #tpu.memory_space<vmem>>) target_semaphore(%arg15 : memref<!tpu.dma_semaphore, #tpu.memory_space<semaphore_mem>>)
    tpu.wait_dma2 semaphore(%arg15 : memref<!tpu.dma_semaphore, #tpu.memory_space<semaphore_mem>>) src(%arg6 : memref<400xf32, #tpu.memory_space<hbm>>) dst(%arg13 : memref<400xf32, #tpu.memory_space<vmem>>)
    %broadcast_in_dim3A = arith.constant 0.000000e+00 : f32
    %broadcast_in_dim3A_1 = vector.broadcast %broadcast_in_dim3A : f32 to vector<16xf32>
    %swap3A = arith.constant 0 : index
    %swap3A_2 = tpu.vector_load %arg14[%swap3A] {strides = array<i32>} : memref<512xf32, #tpu.memory_space<vmem>>, vector<16xf32>,
    tpu.vector_store %arg14[%swap3A], %broadcast_in_dim3A_1 {strides = array<i32>} : memref<512xf32, #tpu.memory_space<vmem>>, vector<16xf32>,
    %swap3A_3 = arith.constant 16 : index
    %swap3A_4 = tpu.vector_load %arg14[%swap3A_3] {strides = array<i32>} : memref<512xf32, #tpu.memory_space<vmem>>, vector<16xf32>,
    tpu.vector_store %arg14[%swap3A_3], %broadcast_in_dim3A_1 {strides = array<i32>} : memref<512xf32, #tpu.memory_space<vmem>>, vector<16xf32>,
    %swap3A_5 = arith.constant 32 : index
    %swap3A_6 = tpu.vector_load %arg14[%swap3A_5] {strides = array<i32>} : memref<512xf32, #tpu.memory_space<vmem>>, vector<16xf32>,
    tpu.vector_store %arg14[%swap3A_5], %broadcast_in_dim3A_1 {strides = array<i32>} : memref<512xf32, #tpu.memory_space<vmem>>, vector<16xf32>,
    %swap3A_7 = arith.constant 48 : index
    %swap3A_8 = tpu.vector_load %arg14[%swap3A_7] {strides = array<i32>} : memref<512xf32, #tpu.memory_space<vmem>>, vector<16xf32>,
    tpu.vector_store %arg14[%swap3A_7], %broadcast_in_dim3A_1 {strides = array<i32>} : memref<512xf32, #tpu.memory_space<vmem>>, vector<16xf32>,
    %swap3A_9 = arith.constant 64 : index
    %swap3A_10 = tpu.vector_load %arg14[%swap3A_9] {strides = array<i32>} : memref<512xf32, #tpu.memory_space<vmem>>, vector<16xf32>,
    tpu.vector_store %arg14[%swap3A_9], %broadcast_in_dim3A_1 {strides = array<i32>} : memref<512xf32, #tpu.memory_space<vmem>>, vector<16xf32>,
    %swap3A_11 = arith.constant 80 : index
    %swap3A_12 = tpu.vector_load %arg14[%swap3A_11] {strides = array<i32>} : memref<512xf32, #tpu.memory_space<vmem>>, vector<16xf32>,
    tpu.vector_store %arg14[%swap3A_11], %broadcast_in_dim3A_1 {strides = array<i32>} : memref<512xf32, #tpu.memory_space<vmem>>, vector<16xf32>,
    %swap3A_13 = arith.constant 96 : index
    %swap3A_14 = tpu.vector_load %arg14[%swap3A_13] {strides = array<i32>} : memref<512xf32, #tpu.memory_space<vmem>>, vector<16xf32>,
    tpu.vector_store %arg14[%swap3A_13], %broadcast_in_dim3A_1 {strides = array<i32>} : memref<512xf32, #tpu.memory_space<vmem>>, vector<16xf32>,
    %swap3A_15 = arith.constant 112 : index
    %swap3A_16 = tpu.vector_load %arg14[%swap3A_15] {strides = array<i32>} : memref<512xf32, #tpu.memory_space<vmem>>, vector<16xf32>,
    tpu.vector_store %arg14[%swap3A_15], %broadcast_in_dim3A_1 {strides = array<i32>} : memref<512xf32, #tpu.memory_space<vmem>>, vector<16xf32>,
    %swap3A_17 = arith.constant 128 : index
    %swap3A_18 = tpu.vector_load %arg14[%swap3A_17] {strides = array<i32>} : memref<512xf32, #tpu.memory_space<vmem>>, vector<16xf32>,
    tpu.vector_store %arg14[%swap3A_17], %broadcast_in_dim3A_1 {strides = array<i32>} : memref<512xf32, #tpu.memory_space<vmem>>, vector<16xf32>,
    %swap3A_19 = arith.constant 144 : index
    %swap3A_20 = tpu.vector_load %arg14[%swap3A_19] {strides = array<i32>} : memref<512xf32, #tpu.memory_space<vmem>>, vector<16xf32>,
    tpu.vector_store %arg14[%swap3A_19], %broadcast_in_dim3A_1 {strides = array<i32>} : memref<512xf32, #tpu.memory_space<vmem>>, vector<16xf32>,
    %swap3A_21 = arith.constant 160 : index
    %swap3A_22 = tpu.vector_load %arg14[%swap3A_21] {strides = array<i32>} : memref<512xf32, #tpu.memory_space<vmem>>, vector<16xf32>,
    tpu.vector_store %arg14[%swap3A_21], %broadcast_in_dim3A_1 {strides = array<i32>} : memref<512xf32, #tpu.memory_space<vmem>>, vector<16xf32>,
    %swap3A_23 = arith.constant 176 : index
    %swap3A_24 = tpu.vector_load %arg14[%swap3A_23] {strides = array<i32>} : memref<512xf32, #tpu.memory_space<vmem>>, vector<16xf32>,
    tpu.vector_store %arg14[%swap3A_23], %broadcast_in_dim3A_1 {strides = array<i32>} : memref<512xf32, #tpu.memory_space<vmem>>, vector<16xf32>,
    %swap3A_25 = arith.constant 192 : index
    %swap3A_26 = tpu.vector_load %arg14[%swap3A_25] {strides = array<i32>} : memref<512xf32, #tpu.memory_space<vmem>>, vector<16xf32>,
    tpu.vector_store %arg14[%swap3A_25], %broadcast_in_dim3A_1 {strides = array<i32>} : memref<512xf32, #tpu.memory_space<vmem>>, vector<16xf32>,
    %swap3A_27 = arith.constant 208 : index
    %swap3A_28 = tpu.vector_load %arg14[%swap3A_27] {strides = array<i32>} : memref<512xf32, #tpu.memory_space<vmem>>, vector<16xf32>,
    tpu.vector_store %arg14[%swap3A_27], %broadcast_in_dim3A_1 {strides = array<i32>} : memref<512xf32, #tpu.memory_space<vmem>>, vector<16xf32>,
    %swap3A_29 = arith.constant 224 : index
    %swap3A_30 = tpu.vector_load %arg14[%swap3A_29] {strides = array<i32>} : memref<512xf32, #tpu.memory_space<vmem>>, vector<16xf32>,
    tpu.vector_store %arg14[%swap3A_29], %broadcast_in_dim3A_1 {strides = array<i32>} : memref<512xf32, #tpu.memory_space<vmem>>, vector<16xf32>,
    %swap3A_31 = arith.constant 240 : index
    %swap3A_32 = tpu.vector_load %arg14[%swap3A_31] {strides = array<i32>} : memref<512xf32, #tpu.memory_space<vmem>>, vector<16xf32>,
    tpu.vector_store %arg14[%swap3A_31], %broadcast_in_dim3A_1 {strides = array<i32>} : memref<512xf32, #tpu.memory_space<vmem>>, vector<16xf32>,
    %swap3A_33 = arith.constant 256 : index
    %swap3A_34 = tpu.vector_load %arg14[%swap3A_33] {strides = array<i32>} : memref<512xf32, #tpu.memory_space<vmem>>, vector<16xf32>,
    tpu.vector_store %arg14[%swap3A_33], %broadcast_in_dim3A_1 {strides = array<i32>} : memref<512xf32, #tpu.memory_space<vmem>>, vector<16xf32>,
    %swap3A_35 = arith.constant 272 : index
    %swap3A_36 = tpu.vector_load %arg14[%swap3A_35] {strides = array<i32>} : memref<512xf32, #tpu.memory_space<vmem>>, vector<16xf32>,
    tpu.vector_store %arg14[%swap3A_35], %broadcast_in_dim3A_1 {strides = array<i32>} : memref<512xf32, #tpu.memory_space<vmem>>, vector<16xf32>,
    %swap3A_37 = arith.constant 288 : index
    %swap3A_38 = tpu.vector_load %arg14[%swap3A_37] {strides = array<i32>} : memref<512xf32, #tpu.memory_space<vmem>>, vector<16xf32>,
    tpu.vector_store %arg14[%swap3A_37], %broadcast_in_dim3A_1 {strides = array<i32>} : memref<512xf32, #tpu.memory_space<vmem>>, vector<16xf32>,
    %swap3A_39 = arith.constant 304 : index
    %swap3A_40 = tpu.vector_load %arg14[%swap3A_39] {strides = array<i32>} : memref<512xf32, #tpu.memory_space<vmem>>, vector<16xf32>,
    tpu.vector_store %arg14[%swap3A_39], %broadcast_in_dim3A_1 {strides = array<i32>} : memref<512xf32, #tpu.memory_space<vmem>>, vector<16xf32>,
    %swap3A_41 = arith.constant 320 : index
    %swap3A_42 = tpu.vector_load %arg14[%swap3A_41] {strides = array<i32>} : memref<512xf32, #tpu.memory_space<vmem>>, vector<16xf32>,
    tpu.vector_store %arg14[%swap3A_41], %broadcast_in_dim3A_1 {strides = array<i32>} : memref<512xf32, #tpu.memory_space<vmem>>, vector<16xf32>,
    %swap3A_43 = arith.constant 336 : index
    %swap3A_44 = tpu.vector_load %arg14[%swap3A_43] {strides = array<i32>} : memref<512xf32, #tpu.memory_space<vmem>>, vector<16xf32>,
    tpu.vector_store %arg14[%swap3A_43], %broadcast_in_dim3A_1 {strides = array<i32>} : memref<512xf32, #tpu.memory_space<vmem>>, vector<16xf32>,
    %swap3A_45 = arith.constant 352 : index
    %swap3A_46 = tpu.vector_load %arg14[%swap3A_45] {strides = array<i32>} : memref<512xf32, #tpu.memory_space<vmem>>, vector<16xf32>,
    tpu.vector_store %arg14[%swap3A_45], %broadcast_in_dim3A_1 {strides = array<i32>} : memref<512xf32, #tpu.memory_space<vmem>>, vector<16xf32>,
    %swap3A_47 = arith.constant 368 : index
    %swap3A_48 = tpu.vector_load %arg14[%swap3A_47] {strides = array<i32>} : memref<512xf32, #tpu.memory_space<vmem>>, vector<16xf32>,
    tpu.vector_store %arg14[%swap3A_47], %broadcast_in_dim3A_1 {strides = array<i32>} : memref<512xf32, #tpu.memory_space<vmem>>, vector<16xf32>,
    %swap3A_49 = arith.constant 384 : index
    %swap3A_50 = tpu.vector_load %arg14[%swap3A_49] {strides = array<i32>} : memref<512xf32, #tpu.memory_space<vmem>>, vector<16xf32>,
    tpu.vector_store %arg14[%swap3A_49], %broadcast_in_dim3A_1 {strides = array<i32>} : memref<512xf32, #tpu.memory_space<vmem>>, vector<16xf32>,
    %swap3A_51 = arith.constant 400 : index
    %swap3A_52 = tpu.vector_load %arg14[%swap3A_51] {strides = array<i32>} : memref<512xf32, #tpu.memory_space<vmem>>, vector<16xf32>,
    tpu.vector_store %arg14[%swap3A_51], %broadcast_in_dim3A_1 {strides = array<i32>} : memref<512xf32, #tpu.memory_space<vmem>>, vector<16xf32>,
    %swap3A_53 = arith.constant 416 : index
    %swap3A_54 = tpu.vector_load %arg14[%swap3A_53] {strides = array<i32>} : memref<512xf32, #tpu.memory_space<vmem>>, vector<16xf32>,
    tpu.vector_store %arg14[%swap3A_53], %broadcast_in_dim3A_1 {strides = array<i32>} : memref<512xf32, #tpu.memory_space<vmem>>, vector<16xf32>,
    %swap3A_55 = arith.constant 432 : index
    %swap3A_56 = tpu.vector_load %arg14[%swap3A_55] {strides = array<i32>} : memref<512xf32, #tpu.memory_space<vmem>>, vector<16xf32>,
    tpu.vector_store %arg14[%swap3A_55], %broadcast_in_dim3A_1 {strides = array<i32>} : memref<512xf32, #tpu.memory_space<vmem>>, vector<16xf32>,
    %swap3A_57 = arith.constant 448 : index
    %swap3A_58 = tpu.vector_load %arg14[%swap3A_57] {strides = array<i32>} : memref<512xf32, #tpu.memory_space<vmem>>, vector<16xf32>,
    tpu.vector_store %arg14[%swap3A_57], %broadcast_in_dim3A_1 {strides = array<i32>} : memref<512xf32, #tpu.memory_space<vmem>>, vector<16xf32>,
    %swap3A_59 = arith.constant 464 : index
    %swap3A_60 = tpu.vector_load %arg14[%swap3A_59] {strides = array<i32>} : memref<512xf32, #tpu.memory_space<vmem>>, vector<16xf32>,
    tpu.vector_store %arg14[%swap3A_59], %broadcast_in_dim3A_1 {strides = array<i32>} : memref<512xf32, #tpu.memory_space<vmem>>, vector<16xf32>,
    %swap3A_61 = arith.constant 480 : index
    %swap3A_62 = tpu.vector_load %arg14[%swap3A_61] {strides = array<i32>} : memref<512xf32, #tpu.memory_space<vmem>>, vector<16xf32>,
    tpu.vector_store %arg14[%swap3A_61], %broadcast_in_dim3A_1 {strides = array<i32>} : memref<512xf32, #tpu.memory_space<vmem>>, vector<16xf32>,
    %swap3A_63 = arith.constant 496 : index
    %swap3A_64 = tpu.vector_load %arg14[%swap3A_63] {strides = array<i32>} : memref<512xf32, #tpu.memory_space<vmem>>, vector<16xf32>,
    tpu.vector_store %arg14[%swap3A_63], %broadcast_in_dim3A_1 {strides = array<i32>} : memref<512xf32, #tpu.memory_space<vmem>>, vector<16xf32>,
    %iota3A = tpu.iota {dimensions = array<i32: 0>} : vector<16xi32>
    %lt3A = arith.constant 10 : i32
    %lt3A_65 = arith.cmpi slt, %add3A, %lt3A : i32
    %jit3A = arith.constant 196 : i32
    %jit3A_66 = arith.constant 195 : i32
    %select_n3A = arith.select %lt3A_65, %jit3A, %jit3A_66 : i32
    %while3A = arith.constant 0 : i32
    %while3A_67 = arith.constant 0 : i32
    %while3A_68 = arith.subi %select_n3A, %while3A_67 : i32
    %while3A_69 = arith.addi %while3A_67, %while3A_68 : i32
    %while3A_70 = arith.constant 1 : i32
    %while3A_71 = arith.divsi %while3A_68, %while3A_70 : i32
    %while3A_72 = arith.muli %while3A_71, %while3A_70 : i32
    %while3A_73 = arith.addi %while3A_67, %while3A_72 : i32
    %while3A_74 = arith.constant 1 : i32
    scf.for %while3A_86 = %while3A_67 to %while3A_73 step %while3A_74  : i32 {
      %mul3A_87 = arith.constant 32 : i32
      %mul3A_88 = arith.muli %while3A_86, %mul3A_87 : i32
      %add3A_89 = arith.addi %add3A, %mul3A_88 : i32
      %mul3A_90 = arith.constant 1024 : i32
      %mul3A_91 = arith.muli %add3A_89, %mul3A_90 : i32
      %dma_start3A_92 = tpu.memref_slice %arg3[%mul3A_91] : memref<6400000xi32, #tpu.memory_space<hbm>> -> memref<1024xi32, #tpu.memory_space<hbm>>
      %dma_start3A_93 = tpu.memref_slice %arg3[%mul3A_91] : memref<6400000xi32, #tpu.memory_space<hbm>> -> memref<1024xi32, #tpu.memory_space<hbm>>
      tpu.enqueue_dma source(%dma_start3A_93 : memref<1024xi32, #tpu.memory_space<hbm>>) target(%arg8 : memref<1024xi32, #tpu.memory_space<vmem>>) target_semaphore(%arg15 : memref<!tpu.dma_semaphore, #tpu.memory_space<semaphore_mem>>)
      %mul3A_94 = arith.constant 1024 : i32
      %mul3A_95 = arith.muli %add3A_89, %mul3A_94 : i32
      %dma_start3A_96 = tpu.memref_slice %arg4[%mul3A_95] : memref<6400000xi32, #tpu.memory_space<hbm>> -> memref<1024xi32, #tpu.memory_space<hbm>>
      %dma_start3A_97 = tpu.memref_slice %arg4[%mul3A_95] : memref<6400000xi32, #tpu.memory_space<hbm>> -> memref<1024xi32, #tpu.memory_space<hbm>>
      tpu.enqueue_dma source(%dma_start3A_97 : memref<1024xi32, #tpu.memory_space<hbm>>) target(%arg9 : memref<1024xi32, #tpu.memory_space<vmem>>) target_semaphore(%arg15 : memref<!tpu.dma_semaphore, #tpu.memory_space<semaphore_mem>>)
      %mul3A_98 = arith.constant 1024 : i32
      %mul3A_99 = arith.muli %add3A_89, %mul3A_98 : i32
      %dma_start3A_100 = tpu.memref_slice %arg5[%mul3A_99] : memref<6400000xf32, #tpu.memory_space<hbm>> -> memref<1024xf32, #tpu.memory_space<hbm>>
      %dma_start3A_101 = tpu.memref_slice %arg5[%mul3A_99] : memref<6400000xf32, #tpu.memory_space<hbm>> -> memref<1024xf32, #tpu.memory_space<hbm>>
      tpu.enqueue_dma source(%dma_start3A_101 : memref<1024xf32, #tpu.memory_space<hbm>>) target(%arg10 : memref<1024xf32, #tpu.memory_space<vmem>>) target_semaphore(%arg15 : memref<!tpu.dma_semaphore, #tpu.memory_space<semaphore_mem>>)
      %dma_wait3A_102 = tpu.memref_slice %arg3[%mul3A_91] : memref<6400000xi32, #tpu.memory_space<hbm>> -> memref<1024xi32, #tpu.memory_space<hbm>>
      %dma_wait3A_103 = tpu.memref_slice %arg3[%mul3A_91] : memref<6400000xi32, #tpu.memory_space<hbm>> -> memref<1024xi32, #tpu.memory_space<hbm>>
      tpu.wait_dma2 semaphore(%arg15 : memref<!tpu.dma_semaphore, #tpu.memory_space<semaphore_mem>>) src(%dma_wait3A_103 : memref<1024xi32, #tpu.memory_space<hbm>>) dst(%arg8 : memref<1024xi32, #tpu.memory_space<vmem>>)
      %dma_wait3A_104 = tpu.memref_slice %arg4[%mul3A_95] : memref<6400000xi32, #tpu.memory_space<hbm>> -> memref<1024xi32, #tpu.memory_space<hbm>>
      %dma_wait3A_105 = tpu.memref_slice %arg4[%mul3A_95] : memref<6400000xi32, #tpu.memory_space<hbm>> -> memref<1024xi32, #tpu.memory_space<hbm>>
      tpu.wait_dma2 semaphore(%arg15 : memref<!tpu.dma_semaphore, #tpu.memory_space<semaphore_mem>>) src(%dma_wait3A_105 : memref<1024xi32, #tpu.memory_space<hbm>>) dst(%arg9 : memref<1024xi32, #tpu.memory_space<vmem>>)
      %dma_start3A_106 = arith.constant 0 : i32
      %dma_start3A_107 = arith.constant 0 : i32
      %dma_start3A_108 = tpu.memref_slice %arg11[%dma_start3A_106, %dma_start3A_107] : memref<1024x16xf32, #tpu.memory_space<vmem>> -> memref<128x16xf32, #tpu.memory_space<vmem>>
      %dma_start3A_109 = arith.constant 0 : i32
      %dma_start3A_110 = tpu.memref_slice %arg8[%dma_start3A_109] : memref<1024xi32, #tpu.memory_space<vmem>> -> memref<128xi32, #tpu.memory_space<vmem>>
      %dma_start3A_111 = arith.constant 0 : i32
      %dma_start3A_112 = arith.constant 0 : i32
      %dma_start3A_113 = tpu.memref_slice %arg2[%dma_start3A_111, %dma_start3A_112] : memref<100000x16xf32, #tpu.memory_space<hbm>> -> memref<100000x16xf32, #tpu.memory_space<hbm>>
      tpu.enqueue_indirect_dma source(%dma_start3A_113 : memref<100000x16xf32, #tpu.memory_space<hbm>>) target(%dma_start3A_108 : memref<128x16xf32, #tpu.memory_space<vmem>>) offsets(%dma_start3A_110 : memref<128xi32, #tpu.memory_space<vmem>>) semaphore(%arg15 : memref<!tpu.dma_semaphore, #tpu.memory_space<semaphore_mem>>)
      %dma_start3A_114 = arith.constant 0 : i32
      %dma_start3A_115 = arith.constant 0 : i32
      %dma_start3A_116 = tpu.memref_slice %arg12[%dma_start3A_114, %dma_start3A_115] : memref<1024x16xf32, #tpu.memory_space<vmem>> -> memref<128x16xf32, #tpu.memory_space<vmem>>
      %dma_start3A_117 = arith.constant 0 : i32
      %dma_start3A_118 = tpu.memref_slice %arg9[%dma_start3A_117] : memref<1024xi32, #tpu.memory_space<vmem>> -> memref<128xi32, #tpu.memory_space<vmem>>
      %dma_start3A_119 = arith.constant 0 : i32
      %dma_start3A_120 = arith.constant 0 : i32
      %dma_start3A_121 = tpu.memref_slice %arg2[%dma_start3A_119, %dma_start3A_120] : memref<100000x16xf32, #tpu.memory_space<hbm>> -> memref<100000x16xf32, #tpu.memory_space<hbm>>
      tpu.enqueue_indirect_dma source(%dma_start3A_121 : memref<100000x16xf32, #tpu.memory_space<hbm>>) target(%dma_start3A_116 : memref<128x16xf32, #tpu.memory_space<vmem>>) offsets(%dma_start3A_118 : memref<128xi32, #tpu.memory_space<vmem>>) semaphore(%arg15 : memref<!tpu.dma_semaphore, #tpu.memory_space<semaphore_mem>>)
      %dma_start3A_122 = arith.constant 128 : i32
      %dma_start3A_123 = arith.constant 0 : i32
      %dma_start3A_124 = tpu.memref_slice %arg11[%dma_start3A_122, %dma_start3A_123] : memref<1024x16xf32, #tpu.memory_space<vmem>> -> memref<128x16xf32, #tpu.memory_space<vmem>>
      %dma_start3A_125 = arith.constant 128 : i32
      %dma_start3A_126 = tpu.memref_slice %arg8[%dma_start3A_125] : memref<1024xi32, #tpu.memory_space<vmem>> -> memref<128xi32, #tpu.memory_space<vmem>>
      %dma_start3A_127 = arith.constant 0 : i32
      %dma_start3A_128 = arith.constant 0 : i32
      %dma_start3A_129 = tpu.memref_slice %arg2[%dma_start3A_127, %dma_start3A_128] : memref<100000x16xf32, #tpu.memory_space<hbm>> -> memref<100000x16xf32, #tpu.memory_space<hbm>>
      tpu.enqueue_indirect_dma source(%dma_start3A_129 : memref<100000x16xf32, #tpu.memory_space<hbm>>) target(%dma_start3A_124 : memref<128x16xf32, #tpu.memory_space<vmem>>) offsets(%dma_start3A_126 : memref<128xi32, #tpu.memory_space<vmem>>) semaphore(%arg15 : memref<!tpu.dma_semaphore, #tpu.memory_space<semaphore_mem>>)
      %dma_start3A_130 = arith.constant 128 : i32
      %dma_start3A_131 = arith.constant 0 : i32
      %dma_start3A_132 = tpu.memref_slice %arg12[%dma_start3A_130, %dma_start3A_131] : memref<1024x16xf32, #tpu.memory_space<vmem>> -> memref<128x16xf32, #tpu.memory_space<vmem>>
      %dma_start3A_133 = arith.constant 128 : i32
      %dma_start3A_134 = tpu.memref_slice %arg9[%dma_start3A_133] : memref<1024xi32, #tpu.memory_space<vmem>> -> memref<128xi32, #tpu.memory_space<vmem>>
      %dma_start3A_135 = arith.constant 0 : i32
      %dma_start3A_136 = arith.constant 0 : i32
      %dma_start3A_137 = tpu.memref_slice %arg2[%dma_start3A_135, %dma_start3A_136] : memref<100000x16xf32, #tpu.memory_space<hbm>> -> memref<100000x16xf32, #tpu.memory_space<hbm>>
      tpu.enqueue_indirect_dma source(%dma_start3A_137 : memref<100000x16xf32, #tpu.memory_space<hbm>>) target(%dma_start3A_132 : memref<128x16xf32, #tpu.memory_space<vmem>>) offsets(%dma_start3A_134 : memref<128xi32, #tpu.memory_space<vmem>>) semaphore(%arg15 : memref<!tpu.dma_semaphore, #tpu.memory_space<semaphore_mem>>)
      %dma_start3A_138 = arith.constant 256 : i32
      %dma_start3A_139 = arith.constant 0 : i32
      %dma_start3A_140 = tpu.memref_slice %arg11[%dma_start3A_138, %dma_start3A_139] : memref<1024x16xf32, #tpu.memory_space<vmem>> -> memref<128x16xf32, #tpu.memory_space<vmem>>
      %dma_start3A_141 = arith.constant 256 : i32
      %dma_start3A_142 = tpu.memref_slice %arg8[%dma_start3A_141] : memref<1024xi32, #tpu.memory_space<vmem>> -> memref<128xi32, #tpu.memory_space<vmem>>
      %dma_start3A_143 = arith.constant 0 : i32
      %dma_start3A_144 = arith.constant 0 : i32
      %dma_start3A_145 = tpu.memref_slice %arg2[%dma_start3A_143, %dma_start3A_144] : memref<100000x16xf32, #tpu.memory_space<hbm>> -> memref<100000x16xf32, #tpu.memory_space<hbm>>
      tpu.enqueue_indirect_dma source(%dma_start3A_145 : memref<100000x16xf32, #tpu.memory_space<hbm>>) target(%dma_start3A_140 : memref<128x16xf32, #tpu.memory_space<vmem>>) offsets(%dma_start3A_142 : memref<128xi32, #tpu.memory_space<vmem>>) semaphore(%arg15 : memref<!tpu.dma_semaphore, #tpu.memory_space<semaphore_mem>>)
      %dma_start3A_146 = arith.constant 256 : i32
      %dma_start3A_147 = arith.constant 0 : i32
      %dma_start3A_148 = tpu.memref_slice %arg12[%dma_start3A_146, %dma_start3A_147] : memref<1024x16xf32, #tpu.memory_space<vmem>> -> memref<128x16xf32, #tpu.memory_space<vmem>>
      %dma_start3A_149 = arith.constant 256 : i32
      %dma_start3A_150 = tpu.memref_slice %arg9[%dma_start3A_149] : memref<1024xi32, #tpu.memory_space<vmem>> -> memref<128xi32, #tpu.memory_space<vmem>>
      %dma_start3A_151 = arith.constant 0 : i32
      %dma_start3A_152 = arith.constant 0 : i32
      %dma_start3A_153 = tpu.memref_slice %arg2[%dma_start3A_151, %dma_start3A_152] : memref<100000x16xf32, #tpu.memory_space<hbm>> -> memref<100000x16xf32, #tpu.memory_space<hbm>>
      tpu.enqueue_indirect_dma source(%dma_start3A_153 : memref<100000x16xf32, #tpu.memory_space<hbm>>) target(%dma_start3A_148 : memref<128x16xf32, #tpu.memory_space<vmem>>) offsets(%dma_start3A_150 : memref<128xi32, #tpu.memory_space<vmem>>) semaphore(%arg15 : memref<!tpu.dma_semaphore, #tpu.memory_space<semaphore_mem>>)
      %dma_start3A_154 = arith.constant 384 : i32
      %dma_start3A_155 = arith.constant 0 : i32
      %dma_start3A_156 = tpu.memref_slice %arg11[%dma_start3A_154, %dma_start3A_155] : memref<1024x16xf32, #tpu.memory_space<vmem>> -> memref<128x16xf32, #tpu.memory_space<vmem>>
      %dma_start3A_157 = arith.constant 384 : i32
      %dma_start3A_158 = tpu.memref_slice %arg8[%dma_start3A_157] : memref<1024xi32, #tpu.memory_space<vmem>> -> memref<128xi32, #tpu.memory_space<vmem>>
      %dma_start3A_159 = arith.constant 0 : i32
      %dma_start3A_160 = arith.constant 0 : i32
      %dma_start3A_161 = tpu.memref_slice %arg2[%dma_start3A_159, %dma_start3A_160] : memref<100000x16xf32, #tpu.memory_space<hbm>> -> memref<100000x16xf32, #tpu.memory_space<hbm>>
      tpu.enqueue_indirect_dma source(%dma_start3A_161 : memref<100000x16xf32, #tpu.memory_space<hbm>>) target(%dma_start3A_156 : memref<128x16xf32, #tpu.memory_space<vmem>>) offsets(%dma_start3A_158 : memref<128xi32, #tpu.memory_space<vmem>>) semaphore(%arg15 : memref<!tpu.dma_semaphore, #tpu.memory_space<semaphore_mem>>)
      %dma_start3A_162 = arith.constant 384 : i32
      %dma_start3A_163 = arith.constant 0 : i32
      %dma_start3A_164 = tpu.memref_slice %arg12[%dma_start3A_162, %dma_start3A_163] : memref<1024x16xf32, #tpu.memory_space<vmem>> -> memref<128x16xf32, #tpu.memory_space<vmem>>
      %dma_start3A_165 = arith.constant 384 : i32
      %dma_start3A_166 = tpu.memref_slice %arg9[%dma_start3A_165] : memref<1024xi32, #tpu.memory_space<vmem>> -> memref<128xi32, #tpu.memory_space<vmem>>
      %dma_start3A_167 = arith.constant 0 : i32
      %dma_start3A_168 = arith.constant 0 : i32
      %dma_start3A_169 = tpu.memref_slice %arg2[%dma_start3A_167, %dma_start3A_168] : memref<100000x16xf32, #tpu.memory_space<hbm>> -> memref<100000x16xf32, #tpu.memory_space<hbm>>
      tpu.enqueue_indirect_dma source(%dma_start3A_169 : memref<100000x16xf32, #tpu.memory_space<hbm>>) target(%dma_start3A_164 : memref<128x16xf32, #tpu.memory_space<vmem>>) offsets(%dma_start3A_166 : memref<128xi32, #tpu.memory_space<vmem>>) semaphore(%arg15 : memref<!tpu.dma_semaphore, #tpu.memory_space<semaphore_mem>>)
      %dma_start3A_170 = arith.constant 512 : i32
      %dma_start3A_171 = arith.constant 0 : i32
      %dma_start3A_172 = tpu.memref_slice %arg11[%dma_start3A_170, %dma_start3A_171] : memref<1024x16xf32, #tpu.memory_space<vmem>> -> memref<128x16xf32, #tpu.memory_space<vmem>>
      %dma_start3A_173 = arith.constant 512 : i32
      %dma_start3A_174 = tpu.memref_slice %arg8[%dma_start3A_173] : memref<1024xi32, #tpu.memory_space<vmem>> -> memref<128xi32, #tpu.memory_space<vmem>>
      %dma_start3A_175 = arith.constant 0 : i32
      %dma_start3A_176 = arith.constant 0 : i32
      %dma_start3A_177 = tpu.memref_slice %arg2[%dma_start3A_175, %dma_start3A_176] : memref<100000x16xf32, #tpu.memory_space<hbm>> -> memref<100000x16xf32, #tpu.memory_space<hbm>>
      tpu.enqueue_indirect_dma source(%dma_start3A_177 : memref<100000x16xf32, #tpu.memory_space<hbm>>) target(%dma_start3A_172 : memref<128x16xf32, #tpu.memory_space<vmem>>) offsets(%dma_start3A_174 : memref<128xi32, #tpu.memory_space<vmem>>) semaphore(%arg15 : memref<!tpu.dma_semaphore, #tpu.memory_space<semaphore_mem>>)
      %dma_start3A_178 = arith.constant 512 : i32
      %dma_start3A_179 = arith.constant 0 : i32
      %dma_start3A_180 = tpu.memref_slice %arg12[%dma_start3A_178, %dma_start3A_179] : memref<1024x16xf32, #tpu.memory_space<vmem>> -> memref<128x16xf32, #tpu.memory_space<vmem>>
      %dma_start3A_181 = arith.constant 512 : i32
      %dma_start3A_182 = tpu.memref_slice %arg9[%dma_start3A_181] : memref<1024xi32, #tpu.memory_space<vmem>> -> memref<128xi32, #tpu.memory_space<vmem>>
      %dma_start3A_183 = arith.constant 0 : i32
      %dma_start3A_184 = arith.constant 0 : i32
      %dma_start3A_185 = tpu.memref_slice %arg2[%dma_start3A_183, %dma_start3A_184] : memref<100000x16xf32, #tpu.memory_space<hbm>> -> memref<100000x16xf32, #tpu.memory_space<hbm>>
      tpu.enqueue_indirect_dma source(%dma_start3A_185 : memref<100000x16xf32, #tpu.memory_space<hbm>>) target(%dma_start3A_180 : memref<128x16xf32, #tpu.memory_space<vmem>>) offsets(%dma_start3A_182 : memref<128xi32, #tpu.memory_space<vmem>>) semaphore(%arg15 : memref<!tpu.dma_semaphore, #tpu.memory_space<semaphore_mem>>)
      %dma_start3A_186 = arith.constant 640 : i32
      %dma_start3A_187 = arith.constant 0 : i32
      %dma_start3A_188 = tpu.memref_slice %arg11[%dma_start3A_186, %dma_start3A_187] : memref<1024x16xf32, #tpu.memory_space<vmem>> -> memref<128x16xf32, #tpu.memory_space<vmem>>
      %dma_start3A_189 = arith.constant 640 : i32
      %dma_start3A_190 = tpu.memref_slice %arg8[%dma_start3A_189] : memref<1024xi32, #tpu.memory_space<vmem>> -> memref<128xi32, #tpu.memory_space<vmem>>
      %dma_start3A_191 = arith.constant 0 : i32
      %dma_start3A_192 = arith.constant 0 : i32
      %dma_start3A_193 = tpu.memref_slice %arg2[%dma_start3A_191, %dma_start3A_192] : memref<100000x16xf32, #tpu.memory_space<hbm>> -> memref<100000x16xf32, #tpu.memory_space<hbm>>
      tpu.enqueue_indirect_dma source(%dma_start3A_193 : memref<100000x16xf32, #tpu.memory_space<hbm>>) target(%dma_start3A_188 : memref<128x16xf32, #tpu.memory_space<vmem>>) offsets(%dma_start3A_190 : memref<128xi32, #tpu.memory_space<vmem>>) semaphore(%arg15 : memref<!tpu.dma_semaphore, #tpu.memory_space<semaphore_mem>>)
      %dma_start3A_194 = arith.constant 640 : i32
      %dma_start3A_195 = arith.constant 0 : i32
      %dma_start3A_196 = tpu.memref_slice %arg12[%dma_start3A_194, %dma_start3A_195] : memref<1024x16xf32, #tpu.memory_space<vmem>> -> memref<128x16xf32, #tpu.memory_space<vmem>>
      %dma_start3A_197 = arith.constant 640 : i32
      %dma_start3A_198 = tpu.memref_slice %arg9[%dma_start3A_197] : memref<1024xi32, #tpu.memory_space<vmem>> -> memref<128xi32, #tpu.memory_space<vmem>>
      %dma_start3A_199 = arith.constant 0 : i32
      %dma_start3A_200 = arith.constant 0 : i32
      %dma_start3A_201 = tpu.memref_slice %arg2[%dma_start3A_199, %dma_start3A_200] : memref<100000x16xf32, #tpu.memory_space<hbm>> -> memref<100000x16xf32, #tpu.memory_space<hbm>>
      tpu.enqueue_indirect_dma source(%dma_start3A_201 : memref<100000x16xf32, #tpu.memory_space<hbm>>) target(%dma_start3A_196 : memref<128x16xf32, #tpu.memory_space<vmem>>) offsets(%dma_start3A_198 : memref<128xi32, #tpu.memory_space<vmem>>) semaphore(%arg15 : memref<!tpu.dma_semaphore, #tpu.memory_space<semaphore_mem>>)
      %dma_start3A_202 = arith.constant 768 : i32
      %dma_start3A_203 = arith.constant 0 : i32
      %dma_start3A_204 = tpu.memref_slice %arg11[%dma_start3A_202, %dma_start3A_203] : memref<1024x16xf32, #tpu.memory_space<vmem>> -> memref<128x16xf32, #tpu.memory_space<vmem>>
      %dma_start3A_205 = arith.constant 768 : i32
      %dma_start3A_206 = tpu.memref_slice %arg8[%dma_start3A_205] : memref<1024xi32, #tpu.memory_space<vmem>> -> memref<128xi32, #tpu.memory_space<vmem>>
      %dma_start3A_207 = arith.constant 0 : i32
      %dma_start3A_208 = arith.constant 0 : i32
      %dma_start3A_209 = tpu.memref_slice %arg2[%dma_start3A_207, %dma_start3A_208] : memref<100000x16xf32, #tpu.memory_space<hbm>> -> memref<100000x16xf32, #tpu.memory_space<hbm>>
      tpu.enqueue_indirect_dma source(%dma_start3A_209 : memref<100000x16xf32, #tpu.memory_space<hbm>>) target(%dma_start3A_204 : memref<128x16xf32, #tpu.memory_space<vmem>>) offsets(%dma_start3A_206 : memref<128xi32, #tpu.memory_space<vmem>>) semaphore(%arg15 : memref<!tpu.dma_semaphore, #tpu.memory_space<semaphore_mem>>)
      %dma_start3A_210 = arith.constant 768 : i32
      %dma_start3A_211 = arith.constant 0 : i32
      %dma_start3A_212 = tpu.memref_slice %arg12[%dma_start3A_210, %dma_start3A_211] : memref<1024x16xf32, #tpu.memory_space<vmem>> -> memref<128x16xf32, #tpu.memory_space<vmem>>
      %dma_start3A_213 = arith.constant 768 : i32
      %dma_start3A_214 = tpu.memref_slice %arg9[%dma_start3A_213] : memref<1024xi32, #tpu.memory_space<vmem>> -> memref<128xi32, #tpu.memory_space<vmem>>
      %dma_start3A_215 = arith.constant 0 : i32
      %dma_start3A_216 = arith.constant 0 : i32
      %dma_start3A_217 = tpu.memref_slice %arg2[%dma_start3A_215, %dma_start3A_216] : memref<100000x16xf32, #tpu.memory_space<hbm>> -> memref<100000x16xf32, #tpu.memory_space<hbm>>
      tpu.enqueue_indirect_dma source(%dma_start3A_217 : memref<100000x16xf32, #tpu.memory_space<hbm>>) target(%dma_start3A_212 : memref<128x16xf32, #tpu.memory_space<vmem>>) offsets(%dma_start3A_214 : memref<128xi32, #tpu.memory_space<vmem>>) semaphore(%arg15 : memref<!tpu.dma_semaphore, #tpu.memory_space<semaphore_mem>>)
      %dma_start3A_218 = arith.constant 896 : i32
      %dma_start3A_219 = arith.constant 0 : i32
      %dma_start3A_220 = tpu.memref_slice %arg11[%dma_start3A_218, %dma_start3A_219] : memref<1024x16xf32, #tpu.memory_space<vmem>> -> memref<128x16xf32, #tpu.memory_space<vmem>>
      %dma_start3A_221 = arith.constant 896 : i32
      %dma_start3A_222 = tpu.memref_slice %arg8[%dma_start3A_221] : memref<1024xi32, #tpu.memory_space<vmem>> -> memref<128xi32, #tpu.memory_space<vmem>>
      %dma_start3A_223 = arith.constant 0 : i32
      %dma_start3A_224 = arith.constant 0 : i32
      %dma_start3A_225 = tpu.memref_slice %arg2[%dma_start3A_223, %dma_start3A_224] : memref<100000x16xf32, #tpu.memory_space<hbm>> -> memref<100000x16xf32, #tpu.memory_space<hbm>>
      tpu.enqueue_indirect_dma source(%dma_start3A_225 : memref<100000x16xf32, #tpu.memory_space<hbm>>) target(%dma_start3A_220 : memref<128x16xf32, #tpu.memory_space<vmem>>) offsets(%dma_start3A_222 : memref<128xi32, #tpu.memory_space<vmem>>) semaphore(%arg15 : memref<!tpu.dma_semaphore, #tpu.memory_space<semaphore_mem>>)
      %dma_start3A_226 = arith.constant 896 : i32
      %dma_start3A_227 = arith.constant 0 : i32
      %dma_start3A_228 = tpu.memref_slice %arg12[%dma_start3A_226, %dma_start3A_227] : memref<1024x16xf32, #tpu.memory_space<vmem>> -> memref<128x16xf32, #tpu.memory_space<vmem>>
      %dma_start3A_229 = arith.constant 896 : i32
      %dma_start3A_230 = tpu.memref_slice %arg9[%dma_start3A_229] : memref<1024xi32, #tpu.memory_space<vmem>> -> memref<128xi32, #tpu.memory_space<vmem>>
      %dma_start3A_231 = arith.constant 0 : i32
      %dma_start3A_232 = arith.constant 0 : i32
      %dma_start3A_233 = tpu.memref_slice %arg2[%dma_start3A_231, %dma_start3A_232] : memref<100000x16xf32, #tpu.memory_space<hbm>> -> memref<100000x16xf32, #tpu.memory_space<hbm>>
      tpu.enqueue_indirect_dma source(%dma_start3A_233 : memref<100000x16xf32, #tpu.memory_space<hbm>>) target(%dma_start3A_228 : memref<128x16xf32, #tpu.memory_space<vmem>>) offsets(%dma_start3A_230 : memref<128xi32, #tpu.memory_space<vmem>>) semaphore(%arg15 : memref<!tpu.dma_semaphore, #tpu.memory_space<semaphore_mem>>)
      %dma_wait3A_234 = tpu.memref_slice %arg5[%mul3A_99] : memref<6400000xf32, #tpu.memory_space<hbm>> -> memref<1024xf32, #tpu.memory_space<hbm>>
      %dma_wait3A_235 = tpu.memref_slice %arg5[%mul3A_99] : memref<6400000xf32, #tpu.memory_space<hbm>> -> memref<1024xf32, #tpu.memory_space<hbm>>
      tpu.wait_dma2 semaphore(%arg15 : memref<!tpu.dma_semaphore, #tpu.memory_space<semaphore_mem>>) src(%dma_wait3A_235 : memref<1024xf32, #tpu.memory_space<hbm>>) dst(%arg10 : memref<1024xf32, #tpu.memory_space<vmem>>)
      %dma_wait3A_236 = arith.constant 0 : i32
      %dma_wait3A_237 = arith.constant 0 : i32
      %dma_wait3A_238 = tpu.memref_slice %arg11[%dma_wait3A_236, %dma_wait3A_237] : memref<1024x16xf32, #tpu.memory_space<vmem>> -> memref<128x16xf32, #tpu.memory_space<vmem>>
      %dma_wait3A_239 = arith.constant 0 : i32
      %dma_wait3A_240 = tpu.memref_slice %arg8[%dma_wait3A_239] : memref<1024xi32, #tpu.memory_space<vmem>> -> memref<128xi32, #tpu.memory_space<vmem>>
      %dma_wait3A_241 = arith.constant 0 : i32
      %dma_wait3A_242 = arith.constant 0 : i32
      %dma_wait3A_243 = tpu.memref_slice %arg2[%dma_wait3A_241, %dma_wait3A_242] : memref<100000x16xf32, #tpu.memory_space<hbm>> -> memref<100000x16xf32, #tpu.memory_space<hbm>>
      tpu.wait_indirect_dma semaphore(%arg15 : memref<!tpu.dma_semaphore, #tpu.memory_space<semaphore_mem>>) src(%dma_wait3A_243 : memref<100000x16xf32, #tpu.memory_space<hbm>>) dst(%dma_wait3A_238 : memref<128x16xf32, #tpu.memory_space<vmem>>)
      %dma_wait3A_244 = arith.constant 0 : i32
      %dma_wait3A_245 = arith.constant 0 : i32
      %dma_wait3A_246 = tpu.memref_slice %arg12[%dma_wait3A_244, %dma_wait3A_245] : memref<1024x16xf32, #tpu.memory_space<vmem>> -> memref<128x16xf32, #tpu.memory_space<vmem>>
      %dma_wait3A_247 = arith.constant 0 : i32
      %dma_wait3A_248 = tpu.memref_slice %arg9[%dma_wait3A_247] : memref<1024xi32, #tpu.memory_space<vmem>> -> memref<128xi32, #tpu.memory_space<vmem>>
      %dma_wait3A_249 = arith.constant 0 : i32
      %dma_wait3A_250 = arith.constant 0 : i32
      %dma_wait3A_251 = tpu.memref_slice %arg2[%dma_wait3A_249, %dma_wait3A_250] : memref<100000x16xf32, #tpu.memory_space<hbm>> -> memref<100000x16xf32, #tpu.memory_space<hbm>>
      tpu.wait_indirect_dma semaphore(%arg15 : memref<!tpu.dma_semaphore, #tpu.memory_space<semaphore_mem>>) src(%dma_wait3A_251 : memref<100000x16xf32, #tpu.memory_space<hbm>>) dst(%dma_wait3A_246 : memref<128x16xf32, #tpu.memory_space<vmem>>)
      %scan3A = arith.constant 0 : i32
      %scan3A_252 = arith.constant 0 : i32
      %scan3A_253 = arith.constant 8 : i32
      %scan3A_254 = arith.addi %scan3A_252, %scan3A_253 : i32
      %scan3A_255 = arith.constant 2 : i32
      scf.for %scan3A_411 = %scan3A_252 to %scan3A_254 step %scan3A_255  : i32 {
        %mul3A_412 = arith.constant 16 : i32
        %mul3A_413 = arith.muli %scan3A_411, %mul3A_412 : i32
        %add3A_414 = vector.broadcast %mul3A_413 : i32 to vector<16xi32>
        %add3A_415 = arith.addi %add3A_414, %iota3A : vector<16xi32>
        %broadcast_in_dim3A_416 = arith.constant 0 : i32
        %broadcast_in_dim3A_417 = vector.broadcast %broadcast_in_dim3A_416 : i32 to vector<16xi32>
        %gather3A = tpu.vector_load_idx %arg11[%add3A_415, %broadcast_in_dim3A_417] : memref<1024x16xf32, #tpu.memory_space<vmem>>[vector<16xi32>, vector<16xi32>], vector<16xf32>,
        %broadcast_in_dim3A_418 = arith.constant 1 : i32
        %broadcast_in_dim3A_419 = vector.broadcast %broadcast_in_dim3A_418 : i32 to vector<16xi32>
        %gather3A_420 = tpu.vector_load_idx %arg11[%add3A_415, %broadcast_in_dim3A_419] : memref<1024x16xf32, #tpu.memory_space<vmem>>[vector<16xi32>, vector<16xi32>], vector<16xf32>,
        %broadcast_in_dim3A_421 = arith.constant 2 : i32
        %broadcast_in_dim3A_422 = vector.broadcast %broadcast_in_dim3A_421 : i32 to vector<16xi32>
        %gather3A_423 = tpu.vector_load_idx %arg11[%add3A_415, %broadcast_in_dim3A_422] : memref<1024x16xf32, #tpu.memory_space<vmem>>[vector<16xi32>, vector<16xi32>], vector<16xf32>,
        %broadcast_in_dim3A_424 = arith.constant 0 : i32
        %broadcast_in_dim3A_425 = vector.broadcast %broadcast_in_dim3A_424 : i32 to vector<16xi32>
        %gather3A_426 = tpu.vector_load_idx %arg12[%add3A_415, %broadcast_in_dim3A_425] : memref<1024x16xf32, #tpu.memory_space<vmem>>[vector<16xi32>, vector<16xi32>], vector<16xf32>,
        %broadcast_in_dim3A_427 = arith.constant 1 : i32
        %broadcast_in_dim3A_428 = vector.broadcast %broadcast_in_dim3A_427 : i32 to vector<16xi32>
        %gather3A_429 = tpu.vector_load_idx %arg12[%add3A_415, %broadcast_in_dim3A_428] : memref<1024x16xf32, #tpu.memory_space<vmem>>[vector<16xi32>, vector<16xi32>], vector<16xf32>,
        %broadcast_in_dim3A_430 = arith.constant 3 : i32
        %broadcast_in_dim3A_431 = vector.broadcast %broadcast_in_dim3A_430 : i32 to vector<16xi32>
        %gather3A_432 = tpu.vector_load_idx %arg12[%add3A_415, %broadcast_in_dim3A_431] : memref<1024x16xf32, #tpu.memory_space<vmem>>[vector<16xi32>, vector<16xi32>], vector<16xf32>,
        %mul3A_433 = arith.constant 16 : i32
        %mul3A_434 = arith.muli %scan3A_411, %mul3A_433 : i32
        %get3A = arith.index_cast %mul3A_434 : i32 to index
        %get3A_435 = tpu.vector_load %arg10[%get3A] {strides = array<i32>} : memref<1024xf32, #tpu.memory_space<vmem>>, vector<16xf32>,
        %convert_element_type3A = arith.fptosi %gather3A_423 : vector<16xf32> to vector<16xi32>
        %shift_right_arithmetic3A = arith.constant 10 : i32
        %shift_right_arithmetic3A_436 = vector.broadcast %shift_right_arithmetic3A : i32 to vector<16xi32>
        %shift_right_arithmetic3A_437 = arith.shrsi %convert_element_type3A, %shift_right_arithmetic3A_436 : vector<16xi32>
        %and3A = arith.constant 1023 : i32
        %and3A_438 = vector.broadcast %and3A : i32 to vector<16xi32>
        %and3A_439 = arith.andi %convert_element_type3A, %and3A_438 : vector<16xi32>
        %convert_element_type3A_440 = arith.fptosi %gather3A_432 : vector<16xf32> to vector<16xi32>
        %add3A_441 = arith.addi %and3A_439, %convert_element_type3A_440 : vector<16xi32>
        %gather3A_442 = tpu.vector_load_idx %arg13[%add3A_441] : memref<400xf32, #tpu.memory_space<vmem>>[vector<16xi32>], vector<16xf32>,
        %mul3A_443 = arith.constant 5.000000e-01 : f32
        %mul3A_444 = vector.broadcast %mul3A_443 : f32 to vector<16xf32>
        %mul3A_445 = arith.mulf %gather3A_429, %mul3A_444 : vector<16xf32>
        %add3A_446 = arith.addf %gather3A_420, %mul3A_445 : vector<16xf32>
        %sub3A = arith.constant 1.000000e+00 : f32
        %sub3A_447 = vector.broadcast %sub3A : f32 to vector<16xf32>
        %sub3A_448 = arith.subf %add3A_446, %sub3A_447 : vector<16xf32>
        %mul3A_449 = arith.mulf %sub3A_448, %gather3A_442 : vector<16xf32>
        %mul3A_450 = arith.mulf %add3A_446, %get3A_435 : vector<16xf32>
        %sub3A_451 = arith.subf %mul3A_449, %mul3A_450 : vector<16xf32>
        %exp3A = math.exp %sub3A_451 : vector<16xf32>
        %mul3A_452 = arith.constant 1.60943794 : f32
        %mul3A_453 = vector.broadcast %mul3A_452 : f32 to vector<16xf32>
        %mul3A_454 = arith.mulf %add3A_446, %mul3A_453 : vector<16xf32>
        %sub3A_455 = arith.subf %mul3A_449, %mul3A_454 : vector<16xf32>
        %exp3A_456 = math.exp %sub3A_455 : vector<16xf32>
        %mul3A_457 = arith.mulf %gather3A, %gather3A_426 : vector<16xf32>
        %abs3A = math.absf %mul3A_457 : vector<16xf32>
        %mul3A_458 = arith.constant 7.199800e+00 : f32
        %mul3A_459 = vector.broadcast %mul3A_458 : f32 to vector<16xf32>
        %mul3A_460 = arith.mulf %mul3A_459, %abs3A : vector<16xf32>
        %div3A = arith.divf %mul3A_460, %add3A_446 : vector<16xf32>
        %sub3A_461 = arith.subf %exp3A, %exp3A_456 : vector<16xf32>
        %mul3A_462 = arith.mulf %div3A, %sub3A_461 : vector<16xf32>
        %le3A = arith.constant 1.60943794 : f32
        %le3A_463 = vector.broadcast %le3A : f32 to vector<16xf32>
        %le3A_464 = arith.cmpf ole, %get3A_435, %le3A_463 : vector<16xf32>
        %jit3A_465 = arith.constant 0.000000e+00 : f32
        %broadcast_in_dim3A_466 = vector.broadcast %jit3A_465 : f32 to vector<16xf32>
        %select_n3A_467 = arith.select %le3A_464, %mul3A_462, %broadcast_in_dim3A_466 : vector<16xi1>, vector<16xf32>
        tpu.vector_store_idx %arg14[%shift_right_arithmetic3A_437], %select_n3A_467 {add = true} : memref<512xf32, #tpu.memory_space<vmem>>[vector<16xi32>], vector<16xf32>,
        %scan3A_468 = arith.constant 1 : i32
        %scan3A_469 = arith.addi %scan3A_411, %scan3A_468 : i32
        %mul3A_470 = arith.constant 16 : i32
        %mul3A_471 = arith.muli %scan3A_469, %mul3A_470 : i32
        %add3A_472 = vector.broadcast %mul3A_471 : i32 to vector<16xi32>
        %add3A_473 = arith.addi %add3A_472, %iota3A : vector<16xi32>
        %broadcast_in_dim3A_474 = arith.constant 0 : i32
        %broadcast_in_dim3A_475 = vector.broadcast %broadcast_in_dim3A_474 : i32 to vector<16xi32>
        %gather3A_476 = tpu.vector_load_idx %arg11[%add3A_473, %broadcast_in_dim3A_475] : memref<1024x16xf32, #tpu.memory_space<vmem>>[vector<16xi32>, vector<16xi32>], vector<16xf32>,
        %broadcast_in_dim3A_477 = arith.constant 1 : i32
        %broadcast_in_dim3A_478 = vector.broadcast %broadcast_in_dim3A_477 : i32 to vector<16xi32>
        %gather3A_479 = tpu.vector_load_idx %arg11[%add3A_473, %broadcast_in_dim3A_478] : memref<1024x16xf32, #tpu.memory_space<vmem>>[vector<16xi32>, vector<16xi32>], vector<16xf32>,
        %broadcast_in_dim3A_480 = arith.constant 2 : i32
        %broadcast_in_dim3A_481 = vector.broadcast %broadcast_in_dim3A_480 : i32 to vector<16xi32>
        %gather3A_482 = tpu.vector_load_idx %arg11[%add3A_473, %broadcast_in_dim3A_481] : memref<1024x16xf32, #tpu.memory_space<vmem>>[vector<16xi32>, vector<16xi32>], vector<16xf32>,
        %broadcast_in_dim3A_483 = arith.constant 0 : i32
        %broadcast_in_dim3A_484 = vector.broadcast %broadcast_in_dim3A_483 : i32 to vector<16xi32>
        %gather3A_485 = tpu.vector_load_idx %arg12[%add3A_473, %broadcast_in_dim3A_484] : memref<1024x16xf32, #tpu.memory_space<vmem>>[vector<16xi32>, vector<16xi32>], vector<16xf32>,
        %broadcast_in_dim3A_486 = arith.constant 1 : i32
        %broadcast_in_dim3A_487 = vector.broadcast %broadcast_in_dim3A_486 : i32 to vector<16xi32>
        %gather3A_488 = tpu.vector_load_idx %arg12[%add3A_473, %broadcast_in_dim3A_487] : memref<1024x16xf32, #tpu.memory_space<vmem>>[vector<16xi32>, vector<16xi32>], vector<16xf32>,
        %broadcast_in_dim3A_489 = arith.constant 3 : i32
        %broadcast_in_dim3A_490 = vector.broadcast %broadcast_in_dim3A_489 : i32 to vector<16xi32>
        %gather3A_491 = tpu.vector_load_idx %arg12[%add3A_473, %broadcast_in_dim3A_490] : memref<1024x16xf32, #tpu.memory_space<vmem>>[vector<16xi32>, vector<16xi32>], vector<16xf32>,
        %mul3A_492 = arith.constant 16 : i32
        %mul3A_493 = arith.muli %scan3A_469, %mul3A_492 : i32
        %get3A_494 = arith.index_cast %mul3A_493 : i32 to index
        %get3A_495 = tpu.vector_load %arg10[%get3A_494] {strides = array<i32>} : memref<1024xf32, #tpu.memory_space<vmem>>, vector<16xf32>,
        %convert_element_type3A_496 = arith.fptosi %gather3A_482 : vector<16xf32> to vector<16xi32>
        %shift_right_arithmetic3A_497 = arith.constant 10 : i32
        %shift_right_arithmetic3A_498 = vector.broadcast %shift_right_arithmetic3A_497 : i32 to vector<16xi32>
        %shift_right_arithmetic3A_499 = arith.shrsi %convert_element_type3A_496, %shift_right_arithmetic3A_498 : vector<16xi32>
        %and3A_500 = arith.constant 1023 : i32
        %and3A_501 = vector.broadcast %and3A_500 : i32 to vector<16xi32>
        %and3A_502 = arith.andi %convert_element_type3A_496, %and3A_501 : vector<16xi32>
        %convert_element_type3A_503 = arith.fptosi %gather3A_491 : vector<16xf32> to vector<16xi32>
        %add3A_504 = arith.addi %and3A_502, %convert_element_type3A_503 : vector<16xi32>
        %gather3A_505 = tpu.vector_load_idx %arg13[%add3A_504] : memref<400xf32, #tpu.memory_space<vmem>>[vector<16xi32>], vector<16xf32>,
        %mul3A_506 = arith.constant 5.000000e-01 : f32
        %mul3A_507 = vector.broadcast %mul3A_506 : f32 to vector<16xf32>
        %mul3A_508 = arith.mulf %gather3A_488, %mul3A_507 : vector<16xf32>
        %add3A_509 = arith.addf %gather3A_479, %mul3A_508 : vector<16xf32>
        %sub3A_510 = arith.constant 1.000000e+00 : f32
        %sub3A_511 = vector.broadcast %sub3A_510 : f32 to vector<16xf32>
        %sub3A_512 = arith.subf %add3A_509, %sub3A_511 : vector<16xf32>
        %mul3A_513 = arith.mulf %sub3A_512, %gather3A_505 : vector<16xf32>
        %mul3A_514 = arith.mulf %add3A_509, %get3A_495 : vector<16xf32>
        %sub3A_515 = arith.subf %mul3A_513, %mul3A_514 : vector<16xf32>
        %exp3A_516 = math.exp %sub3A_515 : vector<16xf32>
        %mul3A_517 = arith.constant 1.60943794 : f32
        %mul3A_518 = vector.broadcast %mul3A_517 : f32 to vector<16xf32>
        %mul3A_519 = arith.mulf %add3A_509, %mul3A_518 : vector<16xf32>
        %sub3A_520 = arith.subf %mul3A_513, %mul3A_519 : vector<16xf32>
        %exp3A_521 = math.exp %sub3A_520 : vector<16xf32>
        %mul3A_522 = arith.mulf %gather3A_476, %gather3A_485 : vector<16xf32>
        %abs3A_523 = math.absf %mul3A_522 : vector<16xf32>
        %mul3A_524 = arith.constant 7.199800e+00 : f32
        %mul3A_525 = vector.broadcast %mul3A_524 : f32 to vector<16xf32>
        %mul3A_526 = arith.mulf %mul3A_525, %abs3A_523 : vector<16xf32>
        %div3A_527 = arith.divf %mul3A_526, %add3A_509 : vector<16xf32>
        %sub3A_528 = arith.subf %exp3A_516, %exp3A_521 : vector<16xf32>
        %mul3A_529 = arith.mulf %div3A_527, %sub3A_528 : vector<16xf32>
        %le3A_530 = arith.constant 1.60943794 : f32
        %le3A_531 = vector.broadcast %le3A_530 : f32 to vector<16xf32>
        %le3A_532 = arith.cmpf ole, %get3A_495, %le3A_531 : vector<16xf32>
        %jit3A_533 = arith.constant 0.000000e+00 : f32
        %broadcast_in_dim3A_534 = vector.broadcast %jit3A_533 : f32 to vector<16xf32>
        %select_n3A_535 = arith.select %le3A_532, %mul3A_529, %broadcast_in_dim3A_534 : vector<16xi1>, vector<16xf32>
        tpu.vector_store_idx %arg14[%shift_right_arithmetic3A_499], %select_n3A_535 {add = true} : memref<512xf32, #tpu.memory_space<vmem>>[vector<16xi32>], vector<16xf32>,
      }
      %scan3A_256 = arith.constant 8 : i32
      %dma_wait3A_257 = arith.constant 128 : i32
      %dma_wait3A_258 = arith.constant 0 : i32
      %dma_wait3A_259 = tpu.memref_slice %arg11[%dma_wait3A_257, %dma_wait3A_258] : memref<1024x16xf32, #tpu.memory_space<vmem>> -> memref<128x16xf32, #tpu.memory_space<vmem>>
      %dma_wait3A_260 = arith.constant 128 : i32
      %dma_wait3A_261 = tpu.memref_slice %arg8[%dma_wait3A_260] : memref<1024xi32, #tpu.memory_space<vmem>> -> memref<128xi32, #tpu.memory_space<vmem>>
      %dma_wait3A_262 = arith.constant 0 : i32
      %dma_wait3A_263 = arith.constant 0 : i32
      %dma_wait3A_264 = tpu.memref_slice %arg2[%dma_wait3A_262, %dma_wait3A_263] : memref<100000x16xf32, #tpu.memory_space<hbm>> -> memref<100000x16xf32, #tpu.memory_space<hbm>>
      tpu.wait_indirect_dma semaphore(%arg15 : memref<!tpu.dma_semaphore, #tpu.memory_space<semaphore_mem>>) src(%dma_wait3A_264 : memref<100000x16xf32, #tpu.memory_space<hbm>>) dst(%dma_wait3A_259 : memref<128x16xf32, #tpu.memory_space<vmem>>)
      %dma_wait3A_265 = arith.constant 128 : i32
      %dma_wait3A_266 = arith.constant 0 : i32
      %dma_wait3A_267 = tpu.memref_slice %arg12[%dma_wait3A_265, %dma_wait3A_266] : memref<1024x16xf32, #tpu.memory_space<vmem>> -> memref<128x16xf32, #tpu.memory_space<vmem>>
      %dma_wait3A_268 = arith.constant 128 : i32
      %dma_wait3A_269 = tpu.memref_slice %arg9[%dma_wait3A_268] : memref<1024xi32, #tpu.memory_space<vmem>> -> memref<128xi32, #tpu.memory_space<vmem>>
      %dma_wait3A_270 = arith.constant 0 : i32
      %dma_wait3A_271 = arith.constant 0 : i32
      %dma_wait3A_272 = tpu.memref_slice %arg2[%dma_wait3A_270, %dma_wait3A_271] : memref<100000x16xf32, #tpu.memory_space<hbm>> -> memref<100000x16xf32, #tpu.memory_space<hbm>>
      tpu.wait_indirect_dma semaphore(%arg15 : memref<!tpu.dma_semaphore, #tpu.memory_space<semaphore_mem>>) src(%dma_wait3A_272 : memref<100000x16xf32, #tpu.memory_space<hbm>>) dst(%dma_wait3A_267 : memref<128x16xf32, #tpu.memory_space<vmem>>)
      %scan3A_273 = arith.constant 0 : i32
      %scan3A_274 = arith.constant 8 : i32
      %scan3A_275 = arith.constant 8 : i32
      %scan3A_276 = arith.addi %scan3A_274, %scan3A_275 : i32
      %scan3A_277 = arith.constant 2 : i32
      scf.for %scan3A_411 = %scan3A_274 to %scan3A_276 step %scan3A_277  : i32 {
        %mul3A_412 = arith.constant 16 : i32
        %mul3A_413 = arith.muli %scan3A_411, %mul3A_412 : i32
        %add3A_414 = vector.broadcast %mul3A_413 : i32 to vector<16xi32>
        %add3A_415 = arith.addi %add3A_414, %iota3A : vector<16xi32>
        %broadcast_in_dim3A_416 = arith.constant 0 : i32
        %broadcast_in_dim3A_417 = vector.broadcast %broadcast_in_dim3A_416 : i32 to vector<16xi32>
        %gather3A = tpu.vector_load_idx %arg11[%add3A_415, %broadcast_in_dim3A_417] : memref<1024x16xf32, #tpu.memory_space<vmem>>[vector<16xi32>, vector<16xi32>], vector<16xf32>,
        %broadcast_in_dim3A_418 = arith.constant 1 : i32
        %broadcast_in_dim3A_419 = vector.broadcast %broadcast_in_dim3A_418 : i32 to vector<16xi32>
        %gather3A_420 = tpu.vector_load_idx %arg11[%add3A_415, %broadcast_in_dim3A_419] : memref<1024x16xf32, #tpu.memory_space<vmem>>[vector<16xi32>, vector<16xi32>], vector<16xf32>,
        %broadcast_in_dim3A_421 = arith.constant 2 : i32
        %broadcast_in_dim3A_422 = vector.broadcast %broadcast_in_dim3A_421 : i32 to vector<16xi32>
        %gather3A_423 = tpu.vector_load_idx %arg11[%add3A_415, %broadcast_in_dim3A_422] : memref<1024x16xf32, #tpu.memory_space<vmem>>[vector<16xi32>, vector<16xi32>], vector<16xf32>,
        %broadcast_in_dim3A_424 = arith.constant 0 : i32
        %broadcast_in_dim3A_425 = vector.broadcast %broadcast_in_dim3A_424 : i32 to vector<16xi32>
        %gather3A_426 = tpu.vector_load_idx %arg12[%add3A_415, %broadcast_in_dim3A_425] : memref<1024x16xf32, #tpu.memory_space<vmem>>[vector<16xi32>, vector<16xi32>], vector<16xf32>,
        %broadcast_in_dim3A_427 = arith.constant 1 : i32
        %broadcast_in_dim3A_428 = vector.broadcast %broadcast_in_dim3A_427 : i32 to vector<16xi32>
        %gather3A_429 = tpu.vector_load_idx %arg12[%add3A_415, %broadcast_in_dim3A_428] : memref<1024x16xf32, #tpu.memory_space<vmem>>[vector<16xi32>, vector<16xi32>], vector<16xf32>,
        %broadcast_in_dim3A_430 = arith.constant 3 : i32
        %broadcast_in_dim3A_431 = vector.broadcast %broadcast_in_dim3A_430 : i32 to vector<16xi32>
        %gather3A_432 = tpu.vector_load_idx %arg12[%add3A_415, %broadcast_in_dim3A_431] : memref<1024x16xf32, #tpu.memory_space<vmem>>[vector<16xi32>, vector<16xi32>], vector<16xf32>,
        %mul3A_433 = arith.constant 16 : i32
        %mul3A_434 = arith.muli %scan3A_411, %mul3A_433 : i32
        %get3A = arith.index_cast %mul3A_434 : i32 to index
        %get3A_435 = tpu.vector_load %arg10[%get3A] {strides = array<i32>} : memref<1024xf32, #tpu.memory_space<vmem>>, vector<16xf32>,
        %convert_element_type3A = arith.fptosi %gather3A_423 : vector<16xf32> to vector<16xi32>
        %shift_right_arithmetic3A = arith.constant 10 : i32
        %shift_right_arithmetic3A_436 = vector.broadcast %shift_right_arithmetic3A : i32 to vector<16xi32>
        %shift_right_arithmetic3A_437 = arith.shrsi %convert_element_type3A, %shift_right_arithmetic3A_436 : vector<16xi32>
        %and3A = arith.constant 1023 : i32
        %and3A_438 = vector.broadcast %and3A : i32 to vector<16xi32>
        %and3A_439 = arith.andi %convert_element_type3A, %and3A_438 : vector<16xi32>
        %convert_element_type3A_440 = arith.fptosi %gather3A_432 : vector<16xf32> to vector<16xi32>
        %add3A_441 = arith.addi %and3A_439, %convert_element_type3A_440 : vector<16xi32>
        %gather3A_442 = tpu.vector_load_idx %arg13[%add3A_441] : memref<400xf32, #tpu.memory_space<vmem>>[vector<16xi32>], vector<16xf32>,
        %mul3A_443 = arith.constant 5.000000e-01 : f32
        %mul3A_444 = vector.broadcast %mul3A_443 : f32 to vector<16xf32>
        %mul3A_445 = arith.mulf %gather3A_429, %mul3A_444 : vector<16xf32>
        %add3A_446 = arith.addf %gather3A_420, %mul3A_445 : vector<16xf32>
        %sub3A = arith.constant 1.000000e+00 : f32
        %sub3A_447 = vector.broadcast %sub3A : f32 to vector<16xf32>
        %sub3A_448 = arith.subf %add3A_446, %sub3A_447 : vector<16xf32>
        %mul3A_449 = arith.mulf %sub3A_448, %gather3A_442 : vector<16xf32>
        %mul3A_450 = arith.mulf %add3A_446, %get3A_435 : vector<16xf32>
        %sub3A_451 = arith.subf %mul3A_449, %mul3A_450 : vector<16xf32>
        %exp3A = math.exp %sub3A_451 : vector<16xf32>
        %mul3A_452 = arith.constant 1.60943794 : f32
        %mul3A_453 = vector.broadcast %mul3A_452 : f32 to vector<16xf32>
        %mul3A_454 = arith.mulf %add3A_446, %mul3A_453 : vector<16xf32>
        %sub3A_455 = arith.subf %mul3A_449, %mul3A_454 : vector<16xf32>
        %exp3A_456 = math.exp %sub3A_455 : vector<16xf32>
        %mul3A_457 = arith.mulf %gather3A, %gather3A_426 : vector<16xf32>
        %abs3A = math.absf %mul3A_457 : vector<16xf32>
        %mul3A_458 = arith.constant 7.199800e+00 : f32
        %mul3A_459 = vector.broadcast %mul3A_458 : f32 to vector<16xf32>
        %mul3A_460 = arith.mulf %mul3A_459, %abs3A : vector<16xf32>
        %div3A = arith.divf %mul3A_460, %add3A_446 : vector<16xf32>
        %sub3A_461 = arith.subf %exp3A, %exp3A_456 : vector<16xf32>
        %mul3A_462 = arith.mulf %div3A, %sub3A_461 : vector<16xf32>
        %le3A = arith.constant 1.60943794 : f32
        %le3A_463 = vector.broadcast %le3A : f32 to vector<16xf32>
        %le3A_464 = arith.cmpf ole, %get3A_435, %le3A_463 : vector<16xf32>
        %jit3A_465 = arith.constant 0.000000e+00 : f32
        %broadcast_in_dim3A_466 = vector.broadcast %jit3A_465 : f32 to vector<16xf32>
        %select_n3A_467 = arith.select %le3A_464, %mul3A_462, %broadcast_in_dim3A_466 : vector<16xi1>, vector<16xf32>
        tpu.vector_store_idx %arg14[%shift_right_arithmetic3A_437], %select_n3A_467 {add = true} : memref<512xf32, #tpu.memory_space<vmem>>[vector<16xi32>], vector<16xf32>,
        %scan3A_468 = arith.constant 1 : i32
        %scan3A_469 = arith.addi %scan3A_411, %scan3A_468 : i32
        %mul3A_470 = arith.constant 16 : i32
        %mul3A_471 = arith.muli %scan3A_469, %mul3A_470 : i32
        %add3A_472 = vector.broadcast %mul3A_471 : i32 to vector<16xi32>
        %add3A_473 = arith.addi %add3A_472, %iota3A : vector<16xi32>
        %broadcast_in_dim3A_474 = arith.constant 0 : i32
        %broadcast_in_dim3A_475 = vector.broadcast %broadcast_in_dim3A_474 : i32 to vector<16xi32>
        %gather3A_476 = tpu.vector_load_idx %arg11[%add3A_473, %broadcast_in_dim3A_475] : memref<1024x16xf32, #tpu.memory_space<vmem>>[vector<16xi32>, vector<16xi32>], vector<16xf32>,
        %broadcast_in_dim3A_477 = arith.constant 1 : i32
        %broadcast_in_dim3A_478 = vector.broadcast %broadcast_in_dim3A_477 : i32 to vector<16xi32>
        %gather3A_479 = tpu.vector_load_idx %arg11[%add3A_473, %broadcast_in_dim3A_478] : memref<1024x16xf32, #tpu.memory_space<vmem>>[vector<16xi32>, vector<16xi32>], vector<16xf32>,
        %broadcast_in_dim3A_480 = arith.constant 2 : i32
        %broadcast_in_dim3A_481 = vector.broadcast %broadcast_in_dim3A_480 : i32 to vector<16xi32>
        %gather3A_482 = tpu.vector_load_idx %arg11[%add3A_473, %broadcast_in_dim3A_481] : memref<1024x16xf32, #tpu.memory_space<vmem>>[vector<16xi32>, vector<16xi32>], vector<16xf32>,
        %broadcast_in_dim3A_483 = arith.constant 0 : i32
        %broadcast_in_dim3A_484 = vector.broadcast %broadcast_in_dim3A_483 : i32 to vector<16xi32>
        %gather3A_485 = tpu.vector_load_idx %arg12[%add3A_473, %broadcast_in_dim3A_484] : memref<1024x16xf32, #tpu.memory_space<vmem>>[vector<16xi32>, vector<16xi32>], vector<16xf32>,
        %broadcast_in_dim3A_486 = arith.constant 1 : i32
        %broadcast_in_dim3A_487 = vector.broadcast %broadcast_in_dim3A_486 : i32 to vector<16xi32>
        %gather3A_488 = tpu.vector_load_idx %arg12[%add3A_473, %broadcast_in_dim3A_487] : memref<1024x16xf32, #tpu.memory_space<vmem>>[vector<16xi32>, vector<16xi32>], vector<16xf32>,
        %broadcast_in_dim3A_489 = arith.constant 3 : i32
        %broadcast_in_dim3A_490 = vector.broadcast %broadcast_in_dim3A_489 : i32 to vector<16xi32>
        %gather3A_491 = tpu.vector_load_idx %arg12[%add3A_473, %broadcast_in_dim3A_490] : memref<1024x16xf32, #tpu.memory_space<vmem>>[vector<16xi32>, vector<16xi32>], vector<16xf32>,
        %mul3A_492 = arith.constant 16 : i32
        %mul3A_493 = arith.muli %scan3A_469, %mul3A_492 : i32
        %get3A_494 = arith.index_cast %mul3A_493 : i32 to index
        %get3A_495 = tpu.vector_load %arg10[%get3A_494] {strides = array<i32>} : memref<1024xf32, #tpu.memory_space<vmem>>, vector<16xf32>,
        %convert_element_type3A_496 = arith.fptosi %gather3A_482 : vector<16xf32> to vector<16xi32>
        %shift_right_arithmetic3A_497 = arith.constant 10 : i32
        %shift_right_arithmetic3A_498 = vector.broadcast %shift_right_arithmetic3A_497 : i32 to vector<16xi32>
        %shift_right_arithmetic3A_499 = arith.shrsi %convert_element_type3A_496, %shift_right_arithmetic3A_498 : vector<16xi32>
        %and3A_500 = arith.constant 1023 : i32
        %and3A_501 = vector.broadcast %and3A_500 : i32 to vector<16xi32>
        %and3A_502 = arith.andi %convert_element_type3A_496, %and3A_501 : vector<16xi32>
        %convert_element_type3A_503 = arith.fptosi %gather3A_491 : vector<16xf32> to vector<16xi32>
        %add3A_504 = arith.addi %and3A_502, %convert_element_type3A_503 : vector<16xi32>
        %gather3A_505 = tpu.vector_load_idx %arg13[%add3A_504] : memref<400xf32, #tpu.memory_space<vmem>>[vector<16xi32>], vector<16xf32>,
        %mul3A_506 = arith.constant 5.000000e-01 : f32
        %mul3A_507 = vector.broadcast %mul3A_506 : f32 to vector<16xf32>
        %mul3A_508 = arith.mulf %gather3A_488, %mul3A_507 : vector<16xf32>
        %add3A_509 = arith.addf %gather3A_479, %mul3A_508 : vector<16xf32>
        %sub3A_510 = arith.constant 1.000000e+00 : f32
        %sub3A_511 = vector.broadcast %sub3A_510 : f32 to vector<16xf32>
        %sub3A_512 = arith.subf %add3A_509, %sub3A_511 : vector<16xf32>
        %mul3A_513 = arith.mulf %sub3A_512, %gather3A_505 : vector<16xf32>
        %mul3A_514 = arith.mulf %add3A_509, %get3A_495 : vector<16xf32>
        %sub3A_515 = arith.subf %mul3A_513, %mul3A_514 : vector<16xf32>
        %exp3A_516 = math.exp %sub3A_515 : vector<16xf32>
        %mul3A_517 = arith.constant 1.60943794 : f32
        %mul3A_518 = vector.broadcast %mul3A_517 : f32 to vector<16xf32>
        %mul3A_519 = arith.mulf %add3A_509, %mul3A_518 : vector<16xf32>
        %sub3A_520 = arith.subf %mul3A_513, %mul3A_519 : vector<16xf32>
        %exp3A_521 = math.exp %sub3A_520 : vector<16xf32>
        %mul3A_522 = arith.mulf %gather3A_476, %gather3A_485 : vector<16xf32>
        %abs3A_523 = math.absf %mul3A_522 : vector<16xf32>
        %mul3A_524 = arith.constant 7.199800e+00 : f32
        %mul3A_525 = vector.broadcast %mul3A_524 : f32 to vector<16xf32>
        %mul3A_526 = arith.mulf %mul3A_525, %abs3A_523 : vector<16xf32>
        %div3A_527 = arith.divf %mul3A_526, %add3A_509 : vector<16xf32>
        %sub3A_528 = arith.subf %exp3A_516, %exp3A_521 : vector<16xf32>
        %mul3A_529 = arith.mulf %div3A_527, %sub3A_528 : vector<16xf32>
        %le3A_530 = arith.constant 1.60943794 : f32
        %le3A_531 = vector.broadcast %le3A_530 : f32 to vector<16xf32>
        %le3A_532 = arith.cmpf ole, %get3A_495, %le3A_531 : vector<16xf32>
        %jit3A_533 = arith.constant 0.000000e+00 : f32
        %broadcast_in_dim3A_534 = vector.broadcast %jit3A_533 : f32 to vector<16xf32>
        %select_n3A_535 = arith.select %le3A_532, %mul3A_529, %broadcast_in_dim3A_534 : vector<16xi1>, vector<16xf32>
        tpu.vector_store_idx %arg14[%shift_right_arithmetic3A_499], %select_n3A_535 {add = true} : memref<512xf32, #tpu.memory_space<vmem>>[vector<16xi32>], vector<16xf32>,
      }
      %scan3A_278 = arith.constant 8 : i32
      %dma_wait3A_279 = arith.constant 256 : i32
      %dma_wait3A_280 = arith.constant 0 : i32
      %dma_wait3A_281 = tpu.memref_slice %arg11[%dma_wait3A_279, %dma_wait3A_280] : memref<1024x16xf32, #tpu.memory_space<vmem>> -> memref<128x16xf32, #tpu.memory_space<vmem>>
      %dma_wait3A_282 = arith.constant 256 : i32
      %dma_wait3A_283 = tpu.memref_slice %arg8[%dma_wait3A_282] : memref<1024xi32, #tpu.memory_space<vmem>> -> memref<128xi32, #tpu.memory_space<vmem>>
      %dma_wait3A_284 = arith.constant 0 : i32
      %dma_wait3A_285 = arith.constant 0 : i32
      %dma_wait3A_286 = tpu.memref_slice %arg2[%dma_wait3A_284, %dma_wait3A_285] : memref<100000x16xf32, #tpu.memory_space<hbm>> -> memref<100000x16xf32, #tpu.memory_space<hbm>>
      tpu.wait_indirect_dma semaphore(%arg15 : memref<!tpu.dma_semaphore, #tpu.memory_space<semaphore_mem>>) src(%dma_wait3A_286 : memref<100000x16xf32, #tpu.memory_space<hbm>>) dst(%dma_wait3A_281 : memref<128x16xf32, #tpu.memory_space<vmem>>)
      %dma_wait3A_287 = arith.constant 256 : i32
      %dma_wait3A_288 = arith.constant 0 : i32
      %dma_wait3A_289 = tpu.memref_slice %arg12[%dma_wait3A_287, %dma_wait3A_288] : memref<1024x16xf32, #tpu.memory_space<vmem>> -> memref<128x16xf32, #tpu.memory_space<vmem>>
      %dma_wait3A_290 = arith.constant 256 : i32
      %dma_wait3A_291 = tpu.memref_slice %arg9[%dma_wait3A_290] : memref<1024xi32, #tpu.memory_space<vmem>> -> memref<128xi32, #tpu.memory_space<vmem>>
      %dma_wait3A_292 = arith.constant 0 : i32
      %dma_wait3A_293 = arith.constant 0 : i32
      %dma_wait3A_294 = tpu.memref_slice %arg2[%dma_wait3A_292, %dma_wait3A_293] : memref<100000x16xf32, #tpu.memory_space<hbm>> -> memref<100000x16xf32, #tpu.memory_space<hbm>>
      tpu.wait_indirect_dma semaphore(%arg15 : memref<!tpu.dma_semaphore, #tpu.memory_space<semaphore_mem>>) src(%dma_wait3A_294 : memref<100000x16xf32, #tpu.memory_space<hbm>>) dst(%dma_wait3A_289 : memref<128x16xf32, #tpu.memory_space<vmem>>)
      %scan3A_295 = arith.constant 0 : i32
      %scan3A_296 = arith.constant 16 : i32
      %scan3A_297 = arith.constant 8 : i32
      %scan3A_298 = arith.addi %scan3A_296, %scan3A_297 : i32
      %scan3A_299 = arith.constant 2 : i32
      scf.for %scan3A_411 = %scan3A_296 to %scan3A_298 step %scan3A_299  : i32 {
        %mul3A_412 = arith.constant 16 : i32
        %mul3A_413 = arith.muli %scan3A_411, %mul3A_412 : i32
        %add3A_414 = vector.broadcast %mul3A_413 : i32 to vector<16xi32>
        %add3A_415 = arith.addi %add3A_414, %iota3A : vector<16xi32>
        %broadcast_in_dim3A_416 = arith.constant 0 : i32
        %broadcast_in_dim3A_417 = vector.broadcast %broadcast_in_dim3A_416 : i32 to vector<16xi32>
        %gather3A = tpu.vector_load_idx %arg11[%add3A_415, %broadcast_in_dim3A_417] : memref<1024x16xf32, #tpu.memory_space<vmem>>[vector<16xi32>, vector<16xi32>], vector<16xf32>,
        %broadcast_in_dim3A_418 = arith.constant 1 : i32
        %broadcast_in_dim3A_419 = vector.broadcast %broadcast_in_dim3A_418 : i32 to vector<16xi32>
        %gather3A_420 = tpu.vector_load_idx %arg11[%add3A_415, %broadcast_in_dim3A_419] : memref<1024x16xf32, #tpu.memory_space<vmem>>[vector<16xi32>, vector<16xi32>], vector<16xf32>,
        %broadcast_in_dim3A_421 = arith.constant 2 : i32
        %broadcast_in_dim3A_422 = vector.broadcast %broadcast_in_dim3A_421 : i32 to vector<16xi32>
        %gather3A_423 = tpu.vector_load_idx %arg11[%add3A_415, %broadcast_in_dim3A_422] : memref<1024x16xf32, #tpu.memory_space<vmem>>[vector<16xi32>, vector<16xi32>], vector<16xf32>,
        %broadcast_in_dim3A_424 = arith.constant 0 : i32
        %broadcast_in_dim3A_425 = vector.broadcast %broadcast_in_dim3A_424 : i32 to vector<16xi32>
        %gather3A_426 = tpu.vector_load_idx %arg12[%add3A_415, %broadcast_in_dim3A_425] : memref<1024x16xf32, #tpu.memory_space<vmem>>[vector<16xi32>, vector<16xi32>], vector<16xf32>,
        %broadcast_in_dim3A_427 = arith.constant 1 : i32
        %broadcast_in_dim3A_428 = vector.broadcast %broadcast_in_dim3A_427 : i32 to vector<16xi32>
        %gather3A_429 = tpu.vector_load_idx %arg12[%add3A_415, %broadcast_in_dim3A_428] : memref<1024x16xf32, #tpu.memory_space<vmem>>[vector<16xi32>, vector<16xi32>], vector<16xf32>,
        %broadcast_in_dim3A_430 = arith.constant 3 : i32
        %broadcast_in_dim3A_431 = vector.broadcast %broadcast_in_dim3A_430 : i32 to vector<16xi32>
        %gather3A_432 = tpu.vector_load_idx %arg12[%add3A_415, %broadcast_in_dim3A_431] : memref<1024x16xf32, #tpu.memory_space<vmem>>[vector<16xi32>, vector<16xi32>], vector<16xf32>,
        %mul3A_433 = arith.constant 16 : i32
        %mul3A_434 = arith.muli %scan3A_411, %mul3A_433 : i32
        %get3A = arith.index_cast %mul3A_434 : i32 to index
        %get3A_435 = tpu.vector_load %arg10[%get3A] {strides = array<i32>} : memref<1024xf32, #tpu.memory_space<vmem>>, vector<16xf32>,
        %convert_element_type3A = arith.fptosi %gather3A_423 : vector<16xf32> to vector<16xi32>
        %shift_right_arithmetic3A = arith.constant 10 : i32
        %shift_right_arithmetic3A_436 = vector.broadcast %shift_right_arithmetic3A : i32 to vector<16xi32>
        %shift_right_arithmetic3A_437 = arith.shrsi %convert_element_type3A, %shift_right_arithmetic3A_436 : vector<16xi32>
        %and3A = arith.constant 1023 : i32
        %and3A_438 = vector.broadcast %and3A : i32 to vector<16xi32>
        %and3A_439 = arith.andi %convert_element_type3A, %and3A_438 : vector<16xi32>
        %convert_element_type3A_440 = arith.fptosi %gather3A_432 : vector<16xf32> to vector<16xi32>
        %add3A_441 = arith.addi %and3A_439, %convert_element_type3A_440 : vector<16xi32>
        %gather3A_442 = tpu.vector_load_idx %arg13[%add3A_441] : memref<400xf32, #tpu.memory_space<vmem>>[vector<16xi32>], vector<16xf32>,
        %mul3A_443 = arith.constant 5.000000e-01 : f32
        %mul3A_444 = vector.broadcast %mul3A_443 : f32 to vector<16xf32>
        %mul3A_445 = arith.mulf %gather3A_429, %mul3A_444 : vector<16xf32>
        %add3A_446 = arith.addf %gather3A_420, %mul3A_445 : vector<16xf32>
        %sub3A = arith.constant 1.000000e+00 : f32
        %sub3A_447 = vector.broadcast %sub3A : f32 to vector<16xf32>
        %sub3A_448 = arith.subf %add3A_446, %sub3A_447 : vector<16xf32>
        %mul3A_449 = arith.mulf %sub3A_448, %gather3A_442 : vector<16xf32>
        %mul3A_450 = arith.mulf %add3A_446, %get3A_435 : vector<16xf32>
        %sub3A_451 = arith.subf %mul3A_449, %mul3A_450 : vector<16xf32>
        %exp3A = math.exp %sub3A_451 : vector<16xf32>
        %mul3A_452 = arith.constant 1.60943794 : f32
        %mul3A_453 = vector.broadcast %mul3A_452 : f32 to vector<16xf32>
        %mul3A_454 = arith.mulf %add3A_446, %mul3A_453 : vector<16xf32>
        %sub3A_455 = arith.subf %mul3A_449, %mul3A_454 : vector<16xf32>
        %exp3A_456 = math.exp %sub3A_455 : vector<16xf32>
        %mul3A_457 = arith.mulf %gather3A, %gather3A_426 : vector<16xf32>
        %abs3A = math.absf %mul3A_457 : vector<16xf32>
        %mul3A_458 = arith.constant 7.199800e+00 : f32
        %mul3A_459 = vector.broadcast %mul3A_458 : f32 to vector<16xf32>
        %mul3A_460 = arith.mulf %mul3A_459, %abs3A : vector<16xf32>
        %div3A = arith.divf %mul3A_460, %add3A_446 : vector<16xf32>
        %sub3A_461 = arith.subf %exp3A, %exp3A_456 : vector<16xf32>
        %mul3A_462 = arith.mulf %div3A, %sub3A_461 : vector<16xf32>
        %le3A = arith.constant 1.60943794 : f32
        %le3A_463 = vector.broadcast %le3A : f32 to vector<16xf32>
        %le3A_464 = arith.cmpf ole, %get3A_435, %le3A_463 : vector<16xf32>
        %jit3A_465 = arith.constant 0.000000e+00 : f32
        %broadcast_in_dim3A_466 = vector.broadcast %jit3A_465 : f32 to vector<16xf32>
        %select_n3A_467 = arith.select %le3A_464, %mul3A_462, %broadcast_in_dim3A_466 : vector<16xi1>, vector<16xf32>
        tpu.vector_store_idx %arg14[%shift_right_arithmetic3A_437], %select_n3A_467 {add = true} : memref<512xf32, #tpu.memory_space<vmem>>[vector<16xi32>], vector<16xf32>,
        %scan3A_468 = arith.constant 1 : i32
        %scan3A_469 = arith.addi %scan3A_411, %scan3A_468 : i32
        %mul3A_470 = arith.constant 16 : i32
        %mul3A_471 = arith.muli %scan3A_469, %mul3A_470 : i32
        %add3A_472 = vector.broadcast %mul3A_471 : i32 to vector<16xi32>
        %add3A_473 = arith.addi %add3A_472, %iota3A : vector<16xi32>
        %broadcast_in_dim3A_474 = arith.constant 0 : i32
        %broadcast_in_dim3A_475 = vector.broadcast %broadcast_in_dim3A_474 : i32 to vector<16xi32>
        %gather3A_476 = tpu.vector_load_idx %arg11[%add3A_473, %broadcast_in_dim3A_475] : memref<1024x16xf32, #tpu.memory_space<vmem>>[vector<16xi32>, vector<16xi32>], vector<16xf32>,
        %broadcast_in_dim3A_477 = arith.constant 1 : i32
        %broadcast_in_dim3A_478 = vector.broadcast %broadcast_in_dim3A_477 : i32 to vector<16xi32>
        %gather3A_479 = tpu.vector_load_idx %arg11[%add3A_473, %broadcast_in_dim3A_478] : memref<1024x16xf32, #tpu.memory_space<vmem>>[vector<16xi32>, vector<16xi32>], vector<16xf32>,
        %broadcast_in_dim3A_480 = arith.constant 2 : i32
        %broadcast_in_dim3A_481 = vector.broadcast %broadcast_in_dim3A_480 : i32 to vector<16xi32>
        %gather3A_482 = tpu.vector_load_idx %arg11[%add3A_473, %broadcast_in_dim3A_481] : memref<1024x16xf32, #tpu.memory_space<vmem>>[vector<16xi32>, vector<16xi32>], vector<16xf32>,
        %broadcast_in_dim3A_483 = arith.constant 0 : i32
        %broadcast_in_dim3A_484 = vector.broadcast %broadcast_in_dim3A_483 : i32 to vector<16xi32>
        %gather3A_485 = tpu.vector_load_idx %arg12[%add3A_473, %broadcast_in_dim3A_484] : memref<1024x16xf32, #tpu.memory_space<vmem>>[vector<16xi32>, vector<16xi32>], vector<16xf32>,
        %broadcast_in_dim3A_486 = arith.constant 1 : i32
        %broadcast_in_dim3A_487 = vector.broadcast %broadcast_in_dim3A_486 : i32 to vector<16xi32>
        %gather3A_488 = tpu.vector_load_idx %arg12[%add3A_473, %broadcast_in_dim3A_487] : memref<1024x16xf32, #tpu.memory_space<vmem>>[vector<16xi32>, vector<16xi32>], vector<16xf32>,
        %broadcast_in_dim3A_489 = arith.constant 3 : i32
        %broadcast_in_dim3A_490 = vector.broadcast %broadcast_in_dim3A_489 : i32 to vector<16xi32>
        %gather3A_491 = tpu.vector_load_idx %arg12[%add3A_473, %broadcast_in_dim3A_490] : memref<1024x16xf32, #tpu.memory_space<vmem>>[vector<16xi32>, vector<16xi32>], vector<16xf32>,
        %mul3A_492 = arith.constant 16 : i32
        %mul3A_493 = arith.muli %scan3A_469, %mul3A_492 : i32
        %get3A_494 = arith.index_cast %mul3A_493 : i32 to index
        %get3A_495 = tpu.vector_load %arg10[%get3A_494] {strides = array<i32>} : memref<1024xf32, #tpu.memory_space<vmem>>, vector<16xf32>,
        %convert_element_type3A_496 = arith.fptosi %gather3A_482 : vector<16xf32> to vector<16xi32>
        %shift_right_arithmetic3A_497 = arith.constant 10 : i32
        %shift_right_arithmetic3A_498 = vector.broadcast %shift_right_arithmetic3A_497 : i32 to vector<16xi32>
        %shift_right_arithmetic3A_499 = arith.shrsi %convert_element_type3A_496, %shift_right_arithmetic3A_498 : vector<16xi32>
        %and3A_500 = arith.constant 1023 : i32
        %and3A_501 = vector.broadcast %and3A_500 : i32 to vector<16xi32>
        %and3A_502 = arith.andi %convert_element_type3A_496, %and3A_501 : vector<16xi32>
        %convert_element_type3A_503 = arith.fptosi %gather3A_491 : vector<16xf32> to vector<16xi32>
        %add3A_504 = arith.addi %and3A_502, %convert_element_type3A_503 : vector<16xi32>
        %gather3A_505 = tpu.vector_load_idx %arg13[%add3A_504] : memref<400xf32, #tpu.memory_space<vmem>>[vector<16xi32>], vector<16xf32>,
        %mul3A_506 = arith.constant 5.000000e-01 : f32
        %mul3A_507 = vector.broadcast %mul3A_506 : f32 to vector<16xf32>
        %mul3A_508 = arith.mulf %gather3A_488, %mul3A_507 : vector<16xf32>
        %add3A_509 = arith.addf %gather3A_479, %mul3A_508 : vector<16xf32>
        %sub3A_510 = arith.constant 1.000000e+00 : f32
        %sub3A_511 = vector.broadcast %sub3A_510 : f32 to vector<16xf32>
        %sub3A_512 = arith.subf %add3A_509, %sub3A_511 : vector<16xf32>
        %mul3A_513 = arith.mulf %sub3A_512, %gather3A_505 : vector<16xf32>
        %mul3A_514 = arith.mulf %add3A_509, %get3A_495 : vector<16xf32>
        %sub3A_515 = arith.subf %mul3A_513, %mul3A_514 : vector<16xf32>
        %exp3A_516 = math.exp %sub3A_515 : vector<16xf32>
        %mul3A_517 = arith.constant 1.60943794 : f32
        %mul3A_518 = vector.broadcast %mul3A_517 : f32 to vector<16xf32>
        %mul3A_519 = arith.mulf %add3A_509, %mul3A_518 : vector<16xf32>
        %sub3A_520 = arith.subf %mul3A_513, %mul3A_519 : vector<16xf32>
        %exp3A_521 = math.exp %sub3A_520 : vector<16xf32>
        %mul3A_522 = arith.mulf %gather3A_476, %gather3A_485 : vector<16xf32>
        %abs3A_523 = math.absf %mul3A_522 : vector<16xf32>
        %mul3A_524 = arith.constant 7.199800e+00 : f32
        %mul3A_525 = vector.broadcast %mul3A_524 : f32 to vector<16xf32>
        %mul3A_526 = arith.mulf %mul3A_525, %abs3A_523 : vector<16xf32>
        %div3A_527 = arith.divf %mul3A_526, %add3A_509 : vector<16xf32>
        %sub3A_528 = arith.subf %exp3A_516, %exp3A_521 : vector<16xf32>
        %mul3A_529 = arith.mulf %div3A_527, %sub3A_528 : vector<16xf32>
        %le3A_530 = arith.constant 1.60943794 : f32
        %le3A_531 = vector.broadcast %le3A_530 : f32 to vector<16xf32>
        %le3A_532 = arith.cmpf ole, %get3A_495, %le3A_531 : vector<16xf32>
        %jit3A_533 = arith.constant 0.000000e+00 : f32
        %broadcast_in_dim3A_534 = vector.broadcast %jit3A_533 : f32 to vector<16xf32>
        %select_n3A_535 = arith.select %le3A_532, %mul3A_529, %broadcast_in_dim3A_534 : vector<16xi1>, vector<16xf32>
        tpu.vector_store_idx %arg14[%shift_right_arithmetic3A_499], %select_n3A_535 {add = true} : memref<512xf32, #tpu.memory_space<vmem>>[vector<16xi32>], vector<16xf32>,
      }
      %scan3A_300 = arith.constant 8 : i32
      %dma_wait3A_301 = arith.constant 384 : i32
      %dma_wait3A_302 = arith.constant 0 : i32
      %dma_wait3A_303 = tpu.memref_slice %arg11[%dma_wait3A_301, %dma_wait3A_302] : memref<1024x16xf32, #tpu.memory_space<vmem>> -> memref<128x16xf32, #tpu.memory_space<vmem>>
      %dma_wait3A_304 = arith.constant 384 : i32
      %dma_wait3A_305 = tpu.memref_slice %arg8[%dma_wait3A_304] : memref<1024xi32, #tpu.memory_space<vmem>> -> memref<128xi32, #tpu.memory_space<vmem>>
      %dma_wait3A_306 = arith.constant 0 : i32
      %dma_wait3A_307 = arith.constant 0 : i32
      %dma_wait3A_308 = tpu.memref_slice %arg2[%dma_wait3A_306, %dma_wait3A_307] : memref<100000x16xf32, #tpu.memory_space<hbm>> -> memref<100000x16xf32, #tpu.memory_space<hbm>>
      tpu.wait_indirect_dma semaphore(%arg15 : memref<!tpu.dma_semaphore, #tpu.memory_space<semaphore_mem>>) src(%dma_wait3A_308 : memref<100000x16xf32, #tpu.memory_space<hbm>>) dst(%dma_wait3A_303 : memref<128x16xf32, #tpu.memory_space<vmem>>)
      %dma_wait3A_309 = arith.constant 384 : i32
      %dma_wait3A_310 = arith.constant 0 : i32
      %dma_wait3A_311 = tpu.memref_slice %arg12[%dma_wait3A_309, %dma_wait3A_310] : memref<1024x16xf32, #tpu.memory_space<vmem>> -> memref<128x16xf32, #tpu.memory_space<vmem>>
      %dma_wait3A_312 = arith.constant 384 : i32
      %dma_wait3A_313 = tpu.memref_slice %arg9[%dma_wait3A_312] : memref<1024xi32, #tpu.memory_space<vmem>> -> memref<128xi32, #tpu.memory_space<vmem>>
      %dma_wait3A_314 = arith.constant 0 : i32
      %dma_wait3A_315 = arith.constant 0 : i32
      %dma_wait3A_316 = tpu.memref_slice %arg2[%dma_wait3A_314, %dma_wait3A_315] : memref<100000x16xf32, #tpu.memory_space<hbm>> -> memref<100000x16xf32, #tpu.memory_space<hbm>>
      tpu.wait_indirect_dma semaphore(%arg15 : memref<!tpu.dma_semaphore, #tpu.memory_space<semaphore_mem>>) src(%dma_wait3A_316 : memref<100000x16xf32, #tpu.memory_space<hbm>>) dst(%dma_wait3A_311 : memref<128x16xf32, #tpu.memory_space<vmem>>)
      %scan3A_317 = arith.constant 0 : i32
      %scan3A_318 = arith.constant 24 : i32
      %scan3A_319 = arith.constant 8 : i32
      %scan3A_320 = arith.addi %scan3A_318, %scan3A_319 : i32
      %scan3A_321 = arith.constant 2 : i32
      scf.for %scan3A_411 = %scan3A_318 to %scan3A_320 step %scan3A_321  : i32 {
        %mul3A_412 = arith.constant 16 : i32
        %mul3A_413 = arith.muli %scan3A_411, %mul3A_412 : i32
        %add3A_414 = vector.broadcast %mul3A_413 : i32 to vector<16xi32>
        %add3A_415 = arith.addi %add3A_414, %iota3A : vector<16xi32>
        %broadcast_in_dim3A_416 = arith.constant 0 : i32
        %broadcast_in_dim3A_417 = vector.broadcast %broadcast_in_dim3A_416 : i32 to vector<16xi32>
        %gather3A = tpu.vector_load_idx %arg11[%add3A_415, %broadcast_in_dim3A_417] : memref<1024x16xf32, #tpu.memory_space<vmem>>[vector<16xi32>, vector<16xi32>], vector<16xf32>,
        %broadcast_in_dim3A_418 = arith.constant 1 : i32
        %broadcast_in_dim3A_419 = vector.broadcast %broadcast_in_dim3A_418 : i32 to vector<16xi32>
        %gather3A_420 = tpu.vector_load_idx %arg11[%add3A_415, %broadcast_in_dim3A_419] : memref<1024x16xf32, #tpu.memory_space<vmem>>[vector<16xi32>, vector<16xi32>], vector<16xf32>,
        %broadcast_in_dim3A_421 = arith.constant 2 : i32
        %broadcast_in_dim3A_422 = vector.broadcast %broadcast_in_dim3A_421 : i32 to vector<16xi32>
        %gather3A_423 = tpu.vector_load_idx %arg11[%add3A_415, %broadcast_in_dim3A_422] : memref<1024x16xf32, #tpu.memory_space<vmem>>[vector<16xi32>, vector<16xi32>], vector<16xf32>,
        %broadcast_in_dim3A_424 = arith.constant 0 : i32
        %broadcast_in_dim3A_425 = vector.broadcast %broadcast_in_dim3A_424 : i32 to vector<16xi32>
        %gather3A_426 = tpu.vector_load_idx %arg12[%add3A_415, %broadcast_in_dim3A_425] : memref<1024x16xf32, #tpu.memory_space<vmem>>[vector<16xi32>, vector<16xi32>], vector<16xf32>,
        %broadcast_in_dim3A_427 = arith.constant 1 : i32
        %broadcast_in_dim3A_428 = vector.broadcast %broadcast_in_dim3A_427 : i32 to vector<16xi32>
        %gather3A_429 = tpu.vector_load_idx %arg12[%add3A_415, %broadcast_in_dim3A_428] : memref<1024x16xf32, #tpu.memory_space<vmem>>[vector<16xi32>, vector<16xi32>], vector<16xf32>,
        %broadcast_in_dim3A_430 = arith.constant 3 : i32
        %broadcast_in_dim3A_431 = vector.broadcast %broadcast_in_dim3A_430 : i32 to vector<16xi32>
        %gather3A_432 = tpu.vector_load_idx %arg12[%add3A_415, %broadcast_in_dim3A_431] : memref<1024x16xf32, #tpu.memory_space<vmem>>[vector<16xi32>, vector<16xi32>], vector<16xf32>,
        %mul3A_433 = arith.constant 16 : i32
        %mul3A_434 = arith.muli %scan3A_411, %mul3A_433 : i32
        %get3A = arith.index_cast %mul3A_434 : i32 to index
        %get3A_435 = tpu.vector_load %arg10[%get3A] {strides = array<i32>} : memref<1024xf32, #tpu.memory_space<vmem>>, vector<16xf32>,
        %convert_element_type3A = arith.fptosi %gather3A_423 : vector<16xf32> to vector<16xi32>
        %shift_right_arithmetic3A = arith.constant 10 : i32
        %shift_right_arithmetic3A_436 = vector.broadcast %shift_right_arithmetic3A : i32 to vector<16xi32>
        %shift_right_arithmetic3A_437 = arith.shrsi %convert_element_type3A, %shift_right_arithmetic3A_436 : vector<16xi32>
        %and3A = arith.constant 1023 : i32
        %and3A_438 = vector.broadcast %and3A : i32 to vector<16xi32>
        %and3A_439 = arith.andi %convert_element_type3A, %and3A_438 : vector<16xi32>
        %convert_element_type3A_440 = arith.fptosi %gather3A_432 : vector<16xf32> to vector<16xi32>
        %add3A_441 = arith.addi %and3A_439, %convert_element_type3A_440 : vector<16xi32>
        %gather3A_442 = tpu.vector_load_idx %arg13[%add3A_441] : memref<400xf32, #tpu.memory_space<vmem>>[vector<16xi32>], vector<16xf32>,
        %mul3A_443 = arith.constant 5.000000e-01 : f32
        %mul3A_444 = vector.broadcast %mul3A_443 : f32 to vector<16xf32>
        %mul3A_445 = arith.mulf %gather3A_429, %mul3A_444 : vector<16xf32>
        %add3A_446 = arith.addf %gather3A_420, %mul3A_445 : vector<16xf32>
        %sub3A = arith.constant 1.000000e+00 : f32
        %sub3A_447 = vector.broadcast %sub3A : f32 to vector<16xf32>
        %sub3A_448 = arith.subf %add3A_446, %sub3A_447 : vector<16xf32>
        %mul3A_449 = arith.mulf %sub3A_448, %gather3A_442 : vector<16xf32>
        %mul3A_450 = arith.mulf %add3A_446, %get3A_435 : vector<16xf32>
        %sub3A_451 = arith.subf %mul3A_449, %mul3A_450 : vector<16xf32>
        %exp3A = math.exp %sub3A_451 : vector<16xf32>
        %mul3A_452 = arith.constant 1.60943794 : f32
        %mul3A_453 = vector.broadcast %mul3A_452 : f32 to vector<16xf32>
        %mul3A_454 = arith.mulf %add3A_446, %mul3A_453 : vector<16xf32>
        %sub3A_455 = arith.subf %mul3A_449, %mul3A_454 : vector<16xf32>
        %exp3A_456 = math.exp %sub3A_455 : vector<16xf32>
        %mul3A_457 = arith.mulf %gather3A, %gather3A_426 : vector<16xf32>
        %abs3A = math.absf %mul3A_457 : vector<16xf32>
        %mul3A_458 = arith.constant 7.199800e+00 : f32
        %mul3A_459 = vector.broadcast %mul3A_458 : f32 to vector<16xf32>
        %mul3A_460 = arith.mulf %mul3A_459, %abs3A : vector<16xf32>
        %div3A = arith.divf %mul3A_460, %add3A_446 : vector<16xf32>
        %sub3A_461 = arith.subf %exp3A, %exp3A_456 : vector<16xf32>
        %mul3A_462 = arith.mulf %div3A, %sub3A_461 : vector<16xf32>
        %le3A = arith.constant 1.60943794 : f32
        %le3A_463 = vector.broadcast %le3A : f32 to vector<16xf32>
        %le3A_464 = arith.cmpf ole, %get3A_435, %le3A_463 : vector<16xf32>
        %jit3A_465 = arith.constant 0.000000e+00 : f32
        %broadcast_in_dim3A_466 = vector.broadcast %jit3A_465 : f32 to vector<16xf32>
        %select_n3A_467 = arith.select %le3A_464, %mul3A_462, %broadcast_in_dim3A_466 : vector<16xi1>, vector<16xf32>
        tpu.vector_store_idx %arg14[%shift_right_arithmetic3A_437], %select_n3A_467 {add = true} : memref<512xf32, #tpu.memory_space<vmem>>[vector<16xi32>], vector<16xf32>,
        %scan3A_468 = arith.constant 1 : i32
        %scan3A_469 = arith.addi %scan3A_411, %scan3A_468 : i32
        %mul3A_470 = arith.constant 16 : i32
        %mul3A_471 = arith.muli %scan3A_469, %mul3A_470 : i32
        %add3A_472 = vector.broadcast %mul3A_471 : i32 to vector<16xi32>
        %add3A_473 = arith.addi %add3A_472, %iota3A : vector<16xi32>
        %broadcast_in_dim3A_474 = arith.constant 0 : i32
        %broadcast_in_dim3A_475 = vector.broadcast %broadcast_in_dim3A_474 : i32 to vector<16xi32>
        %gather3A_476 = tpu.vector_load_idx %arg11[%add3A_473, %broadcast_in_dim3A_475] : memref<1024x16xf32, #tpu.memory_space<vmem>>[vector<16xi32>, vector<16xi32>], vector<16xf32>,
        %broadcast_in_dim3A_477 = arith.constant 1 : i32
        %broadcast_in_dim3A_478 = vector.broadcast %broadcast_in_dim3A_477 : i32 to vector<16xi32>
        %gather3A_479 = tpu.vector_load_idx %arg11[%add3A_473, %broadcast_in_dim3A_478] : memref<1024x16xf32, #tpu.memory_space<vmem>>[vector<16xi32>, vector<16xi32>], vector<16xf32>,
        %broadcast_in_dim3A_480 = arith.constant 2 : i32
        %broadcast_in_dim3A_481 = vector.broadcast %broadcast_in_dim3A_480 : i32 to vector<16xi32>
        %gather3A_482 = tpu.vector_load_idx %arg11[%add3A_473, %broadcast_in_dim3A_481] : memref<1024x16xf32, #tpu.memory_space<vmem>>[vector<16xi32>, vector<16xi32>], vector<16xf32>,
        %broadcast_in_dim3A_483 = arith.constant 0 : i32
        %broadcast_in_dim3A_484 = vector.broadcast %broadcast_in_dim3A_483 : i32 to vector<16xi32>
        %gather3A_485 = tpu.vector_load_idx %arg12[%add3A_473, %broadcast_in_dim3A_484] : memref<1024x16xf32, #tpu.memory_space<vmem>>[vector<16xi32>, vector<16xi32>], vector<16xf32>,
        %broadcast_in_dim3A_486 = arith.constant 1 : i32
        %broadcast_in_dim3A_487 = vector.broadcast %broadcast_in_dim3A_486 : i32 to vector<16xi32>
        %gather3A_488 = tpu.vector_load_idx %arg12[%add3A_473, %broadcast_in_dim3A_487] : memref<1024x16xf32, #tpu.memory_space<vmem>>[vector<16xi32>, vector<16xi32>], vector<16xf32>,
        %broadcast_in_dim3A_489 = arith.constant 3 : i32
        %broadcast_in_dim3A_490 = vector.broadcast %broadcast_in_dim3A_489 : i32 to vector<16xi32>
        %gather3A_491 = tpu.vector_load_idx %arg12[%add3A_473, %broadcast_in_dim3A_490] : memref<1024x16xf32, #tpu.memory_space<vmem>>[vector<16xi32>, vector<16xi32>], vector<16xf32>,
        %mul3A_492 = arith.constant 16 : i32
        %mul3A_493 = arith.muli %scan3A_469, %mul3A_492 : i32
        %get3A_494 = arith.index_cast %mul3A_493 : i32 to index
        %get3A_495 = tpu.vector_load %arg10[%get3A_494] {strides = array<i32>} : memref<1024xf32, #tpu.memory_space<vmem>>, vector<16xf32>,
        %convert_element_type3A_496 = arith.fptosi %gather3A_482 : vector<16xf32> to vector<16xi32>
        %shift_right_arithmetic3A_497 = arith.constant 10 : i32
        %shift_right_arithmetic3A_498 = vector.broadcast %shift_right_arithmetic3A_497 : i32 to vector<16xi32>
        %shift_right_arithmetic3A_499 = arith.shrsi %convert_element_type3A_496, %shift_right_arithmetic3A_498 : vector<16xi32>
        %and3A_500 = arith.constant 1023 : i32
        %and3A_501 = vector.broadcast %and3A_500 : i32 to vector<16xi32>
        %and3A_502 = arith.andi %convert_element_type3A_496, %and3A_501 : vector<16xi32>
        %convert_element_type3A_503 = arith.fptosi %gather3A_491 : vector<16xf32> to vector<16xi32>
        %add3A_504 = arith.addi %and3A_502, %convert_element_type3A_503 : vector<16xi32>
        %gather3A_505 = tpu.vector_load_idx %arg13[%add3A_504] : memref<400xf32, #tpu.memory_space<vmem>>[vector<16xi32>], vector<16xf32>,
        %mul3A_506 = arith.constant 5.000000e-01 : f32
        %mul3A_507 = vector.broadcast %mul3A_506 : f32 to vector<16xf32>
        %mul3A_508 = arith.mulf %gather3A_488, %mul3A_507 : vector<16xf32>
        %add3A_509 = arith.addf %gather3A_479, %mul3A_508 : vector<16xf32>
        %sub3A_510 = arith.constant 1.000000e+00 : f32
        %sub3A_511 = vector.broadcast %sub3A_510 : f32 to vector<16xf32>
        %sub3A_512 = arith.subf %add3A_509, %sub3A_511 : vector<16xf32>
        %mul3A_513 = arith.mulf %sub3A_512, %gather3A_505 : vector<16xf32>
        %mul3A_514 = arith.mulf %add3A_509, %get3A_495 : vector<16xf32>
        %sub3A_515 = arith.subf %mul3A_513, %mul3A_514 : vector<16xf32>
        %exp3A_516 = math.exp %sub3A_515 : vector<16xf32>
        %mul3A_517 = arith.constant 1.60943794 : f32
        %mul3A_518 = vector.broadcast %mul3A_517 : f32 to vector<16xf32>
        %mul3A_519 = arith.mulf %add3A_509, %mul3A_518 : vector<16xf32>
        %sub3A_520 = arith.subf %mul3A_513, %mul3A_519 : vector<16xf32>
        %exp3A_521 = math.exp %sub3A_520 : vector<16xf32>
        %mul3A_522 = arith.mulf %gather3A_476, %gather3A_485 : vector<16xf32>
        %abs3A_523 = math.absf %mul3A_522 : vector<16xf32>
        %mul3A_524 = arith.constant 7.199800e+00 : f32
        %mul3A_525 = vector.broadcast %mul3A_524 : f32 to vector<16xf32>
        %mul3A_526 = arith.mulf %mul3A_525, %abs3A_523 : vector<16xf32>
        %div3A_527 = arith.divf %mul3A_526, %add3A_509 : vector<16xf32>
        %sub3A_528 = arith.subf %exp3A_516, %exp3A_521 : vector<16xf32>
        %mul3A_529 = arith.mulf %div3A_527, %sub3A_528 : vector<16xf32>
        %le3A_530 = arith.constant 1.60943794 : f32
        %le3A_531 = vector.broadcast %le3A_530 : f32 to vector<16xf32>
        %le3A_532 = arith.cmpf ole, %get3A_495, %le3A_531 : vector<16xf32>
        %jit3A_533 = arith.constant 0.000000e+00 : f32
        %broadcast_in_dim3A_534 = vector.broadcast %jit3A_533 : f32 to vector<16xf32>
        %select_n3A_535 = arith.select %le3A_532, %mul3A_529, %broadcast_in_dim3A_534 : vector<16xi1>, vector<16xf32>
        tpu.vector_store_idx %arg14[%shift_right_arithmetic3A_499], %select_n3A_535 {add = true} : memref<512xf32, #tpu.memory_space<vmem>>[vector<16xi32>], vector<16xf32>,
      }
      %scan3A_322 = arith.constant 8 : i32
      %dma_wait3A_323 = arith.constant 512 : i32
      %dma_wait3A_324 = arith.constant 0 : i32
      %dma_wait3A_325 = tpu.memref_slice %arg11[%dma_wait3A_323, %dma_wait3A_324] : memref<1024x16xf32, #tpu.memory_space<vmem>> -> memref<128x16xf32, #tpu.memory_space<vmem>>
      %dma_wait3A_326 = arith.constant 512 : i32
      %dma_wait3A_327 = tpu.memref_slice %arg8[%dma_wait3A_326] : memref<1024xi32, #tpu.memory_space<vmem>> -> memref<128xi32, #tpu.memory_space<vmem>>
      %dma_wait3A_328 = arith.constant 0 : i32
      %dma_wait3A_329 = arith.constant 0 : i32
      %dma_wait3A_330 = tpu.memref_slice %arg2[%dma_wait3A_328, %dma_wait3A_329] : memref<100000x16xf32, #tpu.memory_space<hbm>> -> memref<100000x16xf32, #tpu.memory_space<hbm>>
      tpu.wait_indirect_dma semaphore(%arg15 : memref<!tpu.dma_semaphore, #tpu.memory_space<semaphore_mem>>) src(%dma_wait3A_330 : memref<100000x16xf32, #tpu.memory_space<hbm>>) dst(%dma_wait3A_325 : memref<128x16xf32, #tpu.memory_space<vmem>>)
      %dma_wait3A_331 = arith.constant 512 : i32
      %dma_wait3A_332 = arith.constant 0 : i32
      %dma_wait3A_333 = tpu.memref_slice %arg12[%dma_wait3A_331, %dma_wait3A_332] : memref<1024x16xf32, #tpu.memory_space<vmem>> -> memref<128x16xf32, #tpu.memory_space<vmem>>
      %dma_wait3A_334 = arith.constant 512 : i32
      %dma_wait3A_335 = tpu.memref_slice %arg9[%dma_wait3A_334] : memref<1024xi32, #tpu.memory_space<vmem>> -> memref<128xi32, #tpu.memory_space<vmem>>
      %dma_wait3A_336 = arith.constant 0 : i32
      %dma_wait3A_337 = arith.constant 0 : i32
      %dma_wait3A_338 = tpu.memref_slice %arg2[%dma_wait3A_336, %dma_wait3A_337] : memref<100000x16xf32, #tpu.memory_space<hbm>> -> memref<100000x16xf32, #tpu.memory_space<hbm>>
      tpu.wait_indirect_dma semaphore(%arg15 : memref<!tpu.dma_semaphore, #tpu.memory_space<semaphore_mem>>) src(%dma_wait3A_338 : memref<100000x16xf32, #tpu.memory_space<hbm>>) dst(%dma_wait3A_333 : memref<128x16xf32, #tpu.memory_space<vmem>>)
      %scan3A_339 = arith.constant 0 : i32
      %scan3A_340 = arith.constant 32 : i32
      %scan3A_341 = arith.constant 8 : i32
      %scan3A_342 = arith.addi %scan3A_340, %scan3A_341 : i32
      %scan3A_343 = arith.constant 2 : i32
      scf.for %scan3A_411 = %scan3A_340 to %scan3A_342 step %scan3A_343  : i32 {
        %mul3A_412 = arith.constant 16 : i32
        %mul3A_413 = arith.muli %scan3A_411, %mul3A_412 : i32
        %add3A_414 = vector.broadcast %mul3A_413 : i32 to vector<16xi32>
        %add3A_415 = arith.addi %add3A_414, %iota3A : vector<16xi32>
        %broadcast_in_dim3A_416 = arith.constant 0 : i32
        %broadcast_in_dim3A_417 = vector.broadcast %broadcast_in_dim3A_416 : i32 to vector<16xi32>
        %gather3A = tpu.vector_load_idx %arg11[%add3A_415, %broadcast_in_dim3A_417] : memref<1024x16xf32, #tpu.memory_space<vmem>>[vector<16xi32>, vector<16xi32>], vector<16xf32>,
        %broadcast_in_dim3A_418 = arith.constant 1 : i32
        %broadcast_in_dim3A_419 = vector.broadcast %broadcast_in_dim3A_418 : i32 to vector<16xi32>
        %gather3A_420 = tpu.vector_load_idx %arg11[%add3A_415, %broadcast_in_dim3A_419] : memref<1024x16xf32, #tpu.memory_space<vmem>>[vector<16xi32>, vector<16xi32>], vector<16xf32>,
        %broadcast_in_dim3A_421 = arith.constant 2 : i32
        %broadcast_in_dim3A_422 = vector.broadcast %broadcast_in_dim3A_421 : i32 to vector<16xi32>
        %gather3A_423 = tpu.vector_load_idx %arg11[%add3A_415, %broadcast_in_dim3A_422] : memref<1024x16xf32, #tpu.memory_space<vmem>>[vector<16xi32>, vector<16xi32>], vector<16xf32>,
        %broadcast_in_dim3A_424 = arith.constant 0 : i32
        %broadcast_in_dim3A_425 = vector.broadcast %broadcast_in_dim3A_424 : i32 to vector<16xi32>
        %gather3A_426 = tpu.vector_load_idx %arg12[%add3A_415, %broadcast_in_dim3A_425] : memref<1024x16xf32, #tpu.memory_space<vmem>>[vector<16xi32>, vector<16xi32>], vector<16xf32>,
        %broadcast_in_dim3A_427 = arith.constant 1 : i32
        %broadcast_in_dim3A_428 = vector.broadcast %broadcast_in_dim3A_427 : i32 to vector<16xi32>
        %gather3A_429 = tpu.vector_load_idx %arg12[%add3A_415, %broadcast_in_dim3A_428] : memref<1024x16xf32, #tpu.memory_space<vmem>>[vector<16xi32>, vector<16xi32>], vector<16xf32>,
        %broadcast_in_dim3A_430 = arith.constant 3 : i32
        %broadcast_in_dim3A_431 = vector.broadcast %broadcast_in_dim3A_430 : i32 to vector<16xi32>
        %gather3A_432 = tpu.vector_load_idx %arg12[%add3A_415, %broadcast_in_dim3A_431] : memref<1024x16xf32, #tpu.memory_space<vmem>>[vector<16xi32>, vector<16xi32>], vector<16xf32>,
        %mul3A_433 = arith.constant 16 : i32
        %mul3A_434 = arith.muli %scan3A_411, %mul3A_433 : i32
        %get3A = arith.index_cast %mul3A_434 : i32 to index
        %get3A_435 = tpu.vector_load %arg10[%get3A] {strides = array<i32>} : memref<1024xf32, #tpu.memory_space<vmem>>, vector<16xf32>,
        %convert_element_type3A = arith.fptosi %gather3A_423 : vector<16xf32> to vector<16xi32>
        %shift_right_arithmetic3A = arith.constant 10 : i32
        %shift_right_arithmetic3A_436 = vector.broadcast %shift_right_arithmetic3A : i32 to vector<16xi32>
        %shift_right_arithmetic3A_437 = arith.shrsi %convert_element_type3A, %shift_right_arithmetic3A_436 : vector<16xi32>
        %and3A = arith.constant 1023 : i32
        %and3A_438 = vector.broadcast %and3A : i32 to vector<16xi32>
        %and3A_439 = arith.andi %convert_element_type3A, %and3A_438 : vector<16xi32>
        %convert_element_type3A_440 = arith.fptosi %gather3A_432 : vector<16xf32> to vector<16xi32>
        %add3A_441 = arith.addi %and3A_439, %convert_element_type3A_440 : vector<16xi32>
        %gather3A_442 = tpu.vector_load_idx %arg13[%add3A_441] : memref<400xf32, #tpu.memory_space<vmem>>[vector<16xi32>], vector<16xf32>,
        %mul3A_443 = arith.constant 5.000000e-01 : f32
        %mul3A_444 = vector.broadcast %mul3A_443 : f32 to vector<16xf32>
        %mul3A_445 = arith.mulf %gather3A_429, %mul3A_444 : vector<16xf32>
        %add3A_446 = arith.addf %gather3A_420, %mul3A_445 : vector<16xf32>
        %sub3A = arith.constant 1.000000e+00 : f32
        %sub3A_447 = vector.broadcast %sub3A : f32 to vector<16xf32>
        %sub3A_448 = arith.subf %add3A_446, %sub3A_447 : vector<16xf32>
        %mul3A_449 = arith.mulf %sub3A_448, %gather3A_442 : vector<16xf32>
        %mul3A_450 = arith.mulf %add3A_446, %get3A_435 : vector<16xf32>
        %sub3A_451 = arith.subf %mul3A_449, %mul3A_450 : vector<16xf32>
        %exp3A = math.exp %sub3A_451 : vector<16xf32>
        %mul3A_452 = arith.constant 1.60943794 : f32
        %mul3A_453 = vector.broadcast %mul3A_452 : f32 to vector<16xf32>
        %mul3A_454 = arith.mulf %add3A_446, %mul3A_453 : vector<16xf32>
        %sub3A_455 = arith.subf %mul3A_449, %mul3A_454 : vector<16xf32>
        %exp3A_456 = math.exp %sub3A_455 : vector<16xf32>
        %mul3A_457 = arith.mulf %gather3A, %gather3A_426 : vector<16xf32>
        %abs3A = math.absf %mul3A_457 : vector<16xf32>
        %mul3A_458 = arith.constant 7.199800e+00 : f32
        %mul3A_459 = vector.broadcast %mul3A_458 : f32 to vector<16xf32>
        %mul3A_460 = arith.mulf %mul3A_459, %abs3A : vector<16xf32>
        %div3A = arith.divf %mul3A_460, %add3A_446 : vector<16xf32>
        %sub3A_461 = arith.subf %exp3A, %exp3A_456 : vector<16xf32>
        %mul3A_462 = arith.mulf %div3A, %sub3A_461 : vector<16xf32>
        %le3A = arith.constant 1.60943794 : f32
        %le3A_463 = vector.broadcast %le3A : f32 to vector<16xf32>
        %le3A_464 = arith.cmpf ole, %get3A_435, %le3A_463 : vector<16xf32>
        %jit3A_465 = arith.constant 0.000000e+00 : f32
        %broadcast_in_dim3A_466 = vector.broadcast %jit3A_465 : f32 to vector<16xf32>
        %select_n3A_467 = arith.select %le3A_464, %mul3A_462, %broadcast_in_dim3A_466 : vector<16xi1>, vector<16xf32>
        tpu.vector_store_idx %arg14[%shift_right_arithmetic3A_437], %select_n3A_467 {add = true} : memref<512xf32, #tpu.memory_space<vmem>>[vector<16xi32>], vector<16xf32>,
        %scan3A_468 = arith.constant 1 : i32
        %scan3A_469 = arith.addi %scan3A_411, %scan3A_468 : i32
        %mul3A_470 = arith.constant 16 : i32
        %mul3A_471 = arith.muli %scan3A_469, %mul3A_470 : i32
        %add3A_472 = vector.broadcast %mul3A_471 : i32 to vector<16xi32>
        %add3A_473 = arith.addi %add3A_472, %iota3A : vector<16xi32>
        %broadcast_in_dim3A_474 = arith.constant 0 : i32
        %broadcast_in_dim3A_475 = vector.broadcast %broadcast_in_dim3A_474 : i32 to vector<16xi32>
        %gather3A_476 = tpu.vector_load_idx %arg11[%add3A_473, %broadcast_in_dim3A_475] : memref<1024x16xf32, #tpu.memory_space<vmem>>[vector<16xi32>, vector<16xi32>], vector<16xf32>,
        %broadcast_in_dim3A_477 = arith.constant 1 : i32
        %broadcast_in_dim3A_478 = vector.broadcast %broadcast_in_dim3A_477 : i32 to vector<16xi32>
        %gather3A_479 = tpu.vector_load_idx %arg11[%add3A_473, %broadcast_in_dim3A_478] : memref<1024x16xf32, #tpu.memory_space<vmem>>[vector<16xi32>, vector<16xi32>], vector<16xf32>,
        %broadcast_in_dim3A_480 = arith.constant 2 : i32
        %broadcast_in_dim3A_481 = vector.broadcast %broadcast_in_dim3A_480 : i32 to vector<16xi32>
        %gather3A_482 = tpu.vector_load_idx %arg11[%add3A_473, %broadcast_in_dim3A_481] : memref<1024x16xf32, #tpu.memory_space<vmem>>[vector<16xi32>, vector<16xi32>], vector<16xf32>,
        %broadcast_in_dim3A_483 = arith.constant 0 : i32
        %broadcast_in_dim3A_484 = vector.broadcast %broadcast_in_dim3A_483 : i32 to vector<16xi32>
        %gather3A_485 = tpu.vector_load_idx %arg12[%add3A_473, %broadcast_in_dim3A_484] : memref<1024x16xf32, #tpu.memory_space<vmem>>[vector<16xi32>, vector<16xi32>], vector<16xf32>,
        %broadcast_in_dim3A_486 = arith.constant 1 : i32
        %broadcast_in_dim3A_487 = vector.broadcast %broadcast_in_dim3A_486 : i32 to vector<16xi32>
        %gather3A_488 = tpu.vector_load_idx %arg12[%add3A_473, %broadcast_in_dim3A_487] : memref<1024x16xf32, #tpu.memory_space<vmem>>[vector<16xi32>, vector<16xi32>], vector<16xf32>,
        %broadcast_in_dim3A_489 = arith.constant 3 : i32
        %broadcast_in_dim3A_490 = vector.broadcast %broadcast_in_dim3A_489 : i32 to vector<16xi32>
        %gather3A_491 = tpu.vector_load_idx %arg12[%add3A_473, %broadcast_in_dim3A_490] : memref<1024x16xf32, #tpu.memory_space<vmem>>[vector<16xi32>, vector<16xi32>], vector<16xf32>,
        %mul3A_492 = arith.constant 16 : i32
        %mul3A_493 = arith.muli %scan3A_469, %mul3A_492 : i32
        %get3A_494 = arith.index_cast %mul3A_493 : i32 to index
        %get3A_495 = tpu.vector_load %arg10[%get3A_494] {strides = array<i32>} : memref<1024xf32, #tpu.memory_space<vmem>>, vector<16xf32>,
        %convert_element_type3A_496 = arith.fptosi %gather3A_482 : vector<16xf32> to vector<16xi32>
        %shift_right_arithmetic3A_497 = arith.constant 10 : i32
        %shift_right_arithmetic3A_498 = vector.broadcast %shift_right_arithmetic3A_497 : i32 to vector<16xi32>
        %shift_right_arithmetic3A_499 = arith.shrsi %convert_element_type3A_496, %shift_right_arithmetic3A_498 : vector<16xi32>
        %and3A_500 = arith.constant 1023 : i32
        %and3A_501 = vector.broadcast %and3A_500 : i32 to vector<16xi32>
        %and3A_502 = arith.andi %convert_element_type3A_496, %and3A_501 : vector<16xi32>
        %convert_element_type3A_503 = arith.fptosi %gather3A_491 : vector<16xf32> to vector<16xi32>
        %add3A_504 = arith.addi %and3A_502, %convert_element_type3A_503 : vector<16xi32>
        %gather3A_505 = tpu.vector_load_idx %arg13[%add3A_504] : memref<400xf32, #tpu.memory_space<vmem>>[vector<16xi32>], vector<16xf32>,
        %mul3A_506 = arith.constant 5.000000e-01 : f32
        %mul3A_507 = vector.broadcast %mul3A_506 : f32 to vector<16xf32>
        %mul3A_508 = arith.mulf %gather3A_488, %mul3A_507 : vector<16xf32>
        %add3A_509 = arith.addf %gather3A_479, %mul3A_508 : vector<16xf32>
        %sub3A_510 = arith.constant 1.000000e+00 : f32
        %sub3A_511 = vector.broadcast %sub3A_510 : f32 to vector<16xf32>
        %sub3A_512 = arith.subf %add3A_509, %sub3A_511 : vector<16xf32>
        %mul3A_513 = arith.mulf %sub3A_512, %gather3A_505 : vector<16xf32>
        %mul3A_514 = arith.mulf %add3A_509, %get3A_495 : vector<16xf32>
        %sub3A_515 = arith.subf %mul3A_513, %mul3A_514 : vector<16xf32>
        %exp3A_516 = math.exp %sub3A_515 : vector<16xf32>
        %mul3A_517 = arith.constant 1.60943794 : f32
        %mul3A_518 = vector.broadcast %mul3A_517 : f32 to vector<16xf32>
        %mul3A_519 = arith.mulf %add3A_509, %mul3A_518 : vector<16xf32>
        %sub3A_520 = arith.subf %mul3A_513, %mul3A_519 : vector<16xf32>
        %exp3A_521 = math.exp %sub3A_520 : vector<16xf32>
        %mul3A_522 = arith.mulf %gather3A_476, %gather3A_485 : vector<16xf32>
        %abs3A_523 = math.absf %mul3A_522 : vector<16xf32>
        %mul3A_524 = arith.constant 7.199800e+00 : f32
        %mul3A_525 = vector.broadcast %mul3A_524 : f32 to vector<16xf32>
        %mul3A_526 = arith.mulf %mul3A_525, %abs3A_523 : vector<16xf32>
        %div3A_527 = arith.divf %mul3A_526, %add3A_509 : vector<16xf32>
        %sub3A_528 = arith.subf %exp3A_516, %exp3A_521 : vector<16xf32>
        %mul3A_529 = arith.mulf %div3A_527, %sub3A_528 : vector<16xf32>
        %le3A_530 = arith.constant 1.60943794 : f32
        %le3A_531 = vector.broadcast %le3A_530 : f32 to vector<16xf32>
        %le3A_532 = arith.cmpf ole, %get3A_495, %le3A_531 : vector<16xf32>
        %jit3A_533 = arith.constant 0.000000e+00 : f32
        %broadcast_in_dim3A_534 = vector.broadcast %jit3A_533 : f32 to vector<16xf32>
        %select_n3A_535 = arith.select %le3A_532, %mul3A_529, %broadcast_in_dim3A_534 : vector<16xi1>, vector<16xf32>
        tpu.vector_store_idx %arg14[%shift_right_arithmetic3A_499], %select_n3A_535 {add = true} : memref<512xf32, #tpu.memory_space<vmem>>[vector<16xi32>], vector<16xf32>,
      }
      %scan3A_344 = arith.constant 8 : i32
      %dma_wait3A_345 = arith.constant 640 : i32
      %dma_wait3A_346 = arith.constant 0 : i32
      %dma_wait3A_347 = tpu.memref_slice %arg11[%dma_wait3A_345, %dma_wait3A_346] : memref<1024x16xf32, #tpu.memory_space<vmem>> -> memref<128x16xf32, #tpu.memory_space<vmem>>
      %dma_wait3A_348 = arith.constant 640 : i32
      %dma_wait3A_349 = tpu.memref_slice %arg8[%dma_wait3A_348] : memref<1024xi32, #tpu.memory_space<vmem>> -> memref<128xi32, #tpu.memory_space<vmem>>
      %dma_wait3A_350 = arith.constant 0 : i32
      %dma_wait3A_351 = arith.constant 0 : i32
      %dma_wait3A_352 = tpu.memref_slice %arg2[%dma_wait3A_350, %dma_wait3A_351] : memref<100000x16xf32, #tpu.memory_space<hbm>> -> memref<100000x16xf32, #tpu.memory_space<hbm>>
      tpu.wait_indirect_dma semaphore(%arg15 : memref<!tpu.dma_semaphore, #tpu.memory_space<semaphore_mem>>) src(%dma_wait3A_352 : memref<100000x16xf32, #tpu.memory_space<hbm>>) dst(%dma_wait3A_347 : memref<128x16xf32, #tpu.memory_space<vmem>>)
      %dma_wait3A_353 = arith.constant 640 : i32
      %dma_wait3A_354 = arith.constant 0 : i32
      %dma_wait3A_355 = tpu.memref_slice %arg12[%dma_wait3A_353, %dma_wait3A_354] : memref<1024x16xf32, #tpu.memory_space<vmem>> -> memref<128x16xf32, #tpu.memory_space<vmem>>
      %dma_wait3A_356 = arith.constant 640 : i32
      %dma_wait3A_357 = tpu.memref_slice %arg9[%dma_wait3A_356] : memref<1024xi32, #tpu.memory_space<vmem>> -> memref<128xi32, #tpu.memory_space<vmem>>
      %dma_wait3A_358 = arith.constant 0 : i32
      %dma_wait3A_359 = arith.constant 0 : i32
      %dma_wait3A_360 = tpu.memref_slice %arg2[%dma_wait3A_358, %dma_wait3A_359] : memref<100000x16xf32, #tpu.memory_space<hbm>> -> memref<100000x16xf32, #tpu.memory_space<hbm>>
      tpu.wait_indirect_dma semaphore(%arg15 : memref<!tpu.dma_semaphore, #tpu.memory_space<semaphore_mem>>) src(%dma_wait3A_360 : memref<100000x16xf32, #tpu.memory_space<hbm>>) dst(%dma_wait3A_355 : memref<128x16xf32, #tpu.memory_space<vmem>>)
      %scan3A_361 = arith.constant 0 : i32
      %scan3A_362 = arith.constant 40 : i32
      %scan3A_363 = arith.constant 8 : i32
      %scan3A_364 = arith.addi %scan3A_362, %scan3A_363 : i32
      %scan3A_365 = arith.constant 2 : i32
      scf.for %scan3A_411 = %scan3A_362 to %scan3A_364 step %scan3A_365  : i32 {
        %mul3A_412 = arith.constant 16 : i32
        %mul3A_413 = arith.muli %scan3A_411, %mul3A_412 : i32
        %add3A_414 = vector.broadcast %mul3A_413 : i32 to vector<16xi32>
        %add3A_415 = arith.addi %add3A_414, %iota3A : vector<16xi32>
        %broadcast_in_dim3A_416 = arith.constant 0 : i32
        %broadcast_in_dim3A_417 = vector.broadcast %broadcast_in_dim3A_416 : i32 to vector<16xi32>
        %gather3A = tpu.vector_load_idx %arg11[%add3A_415, %broadcast_in_dim3A_417] : memref<1024x16xf32, #tpu.memory_space<vmem>>[vector<16xi32>, vector<16xi32>], vector<16xf32>,
        %broadcast_in_dim3A_418 = arith.constant 1 : i32
        %broadcast_in_dim3A_419 = vector.broadcast %broadcast_in_dim3A_418 : i32 to vector<16xi32>
        %gather3A_420 = tpu.vector_load_idx %arg11[%add3A_415, %broadcast_in_dim3A_419] : memref<1024x16xf32, #tpu.memory_space<vmem>>[vector<16xi32>, vector<16xi32>], vector<16xf32>,
        %broadcast_in_dim3A_421 = arith.constant 2 : i32
        %broadcast_in_dim3A_422 = vector.broadcast %broadcast_in_dim3A_421 : i32 to vector<16xi32>
        %gather3A_423 = tpu.vector_load_idx %arg11[%add3A_415, %broadcast_in_dim3A_422] : memref<1024x16xf32, #tpu.memory_space<vmem>>[vector<16xi32>, vector<16xi32>], vector<16xf32>,
        %broadcast_in_dim3A_424 = arith.constant 0 : i32
        %broadcast_in_dim3A_425 = vector.broadcast %broadcast_in_dim3A_424 : i32 to vector<16xi32>
        %gather3A_426 = tpu.vector_load_idx %arg12[%add3A_415, %broadcast_in_dim3A_425] : memref<1024x16xf32, #tpu.memory_space<vmem>>[vector<16xi32>, vector<16xi32>], vector<16xf32>,
        %broadcast_in_dim3A_427 = arith.constant 1 : i32
        %broadcast_in_dim3A_428 = vector.broadcast %broadcast_in_dim3A_427 : i32 to vector<16xi32>
        %gather3A_429 = tpu.vector_load_idx %arg12[%add3A_415, %broadcast_in_dim3A_428] : memref<1024x16xf32, #tpu.memory_space<vmem>>[vector<16xi32>, vector<16xi32>], vector<16xf32>,
        %broadcast_in_dim3A_430 = arith.constant 3 : i32
        %broadcast_in_dim3A_431 = vector.broadcast %broadcast_in_dim3A_430 : i32 to vector<16xi32>
        %gather3A_432 = tpu.vector_load_idx %arg12[%add3A_415, %broadcast_in_dim3A_431] : memref<1024x16xf32, #tpu.memory_space<vmem>>[vector<16xi32>, vector<16xi32>], vector<16xf32>,
        %mul3A_433 = arith.constant 16 : i32
        %mul3A_434 = arith.muli %scan3A_411, %mul3A_433 : i32
        %get3A = arith.index_cast %mul3A_434 : i32 to index
        %get3A_435 = tpu.vector_load %arg10[%get3A] {strides = array<i32>} : memref<1024xf32, #tpu.memory_space<vmem>>, vector<16xf32>,
        %convert_element_type3A = arith.fptosi %gather3A_423 : vector<16xf32> to vector<16xi32>
        %shift_right_arithmetic3A = arith.constant 10 : i32
        %shift_right_arithmetic3A_436 = vector.broadcast %shift_right_arithmetic3A : i32 to vector<16xi32>
        %shift_right_arithmetic3A_437 = arith.shrsi %convert_element_type3A, %shift_right_arithmetic3A_436 : vector<16xi32>
        %and3A = arith.constant 1023 : i32
        %and3A_438 = vector.broadcast %and3A : i32 to vector<16xi32>
        %and3A_439 = arith.andi %convert_element_type3A, %and3A_438 : vector<16xi32>
        %convert_element_type3A_440 = arith.fptosi %gather3A_432 : vector<16xf32> to vector<16xi32>
        %add3A_441 = arith.addi %and3A_439, %convert_element_type3A_440 : vector<16xi32>
        %gather3A_442 = tpu.vector_load_idx %arg13[%add3A_441] : memref<400xf32, #tpu.memory_space<vmem>>[vector<16xi32>], vector<16xf32>,
        %mul3A_443 = arith.constant 5.000000e-01 : f32
        %mul3A_444 = vector.broadcast %mul3A_443 : f32 to vector<16xf32>
        %mul3A_445 = arith.mulf %gather3A_429, %mul3A_444 : vector<16xf32>
        %add3A_446 = arith.addf %gather3A_420, %mul3A_445 : vector<16xf32>
        %sub3A = arith.constant 1.000000e+00 : f32
        %sub3A_447 = vector.broadcast %sub3A : f32 to vector<16xf32>
        %sub3A_448 = arith.subf %add3A_446, %sub3A_447 : vector<16xf32>
        %mul3A_449 = arith.mulf %sub3A_448, %gather3A_442 : vector<16xf32>
        %mul3A_450 = arith.mulf %add3A_446, %get3A_435 : vector<16xf32>
        %sub3A_451 = arith.subf %mul3A_449, %mul3A_450 : vector<16xf32>
        %exp3A = math.exp %sub3A_451 : vector<16xf32>
        %mul3A_452 = arith.constant 1.60943794 : f32
        %mul3A_453 = vector.broadcast %mul3A_452 : f32 to vector<16xf32>
        %mul3A_454 = arith.mulf %add3A_446, %mul3A_453 : vector<16xf32>
        %sub3A_455 = arith.subf %mul3A_449, %mul3A_454 : vector<16xf32>
        %exp3A_456 = math.exp %sub3A_455 : vector<16xf32>
        %mul3A_457 = arith.mulf %gather3A, %gather3A_426 : vector<16xf32>
        %abs3A = math.absf %mul3A_457 : vector<16xf32>
        %mul3A_458 = arith.constant 7.199800e+00 : f32
        %mul3A_459 = vector.broadcast %mul3A_458 : f32 to vector<16xf32>
        %mul3A_460 = arith.mulf %mul3A_459, %abs3A : vector<16xf32>
        %div3A = arith.divf %mul3A_460, %add3A_446 : vector<16xf32>
        %sub3A_461 = arith.subf %exp3A, %exp3A_456 : vector<16xf32>
        %mul3A_462 = arith.mulf %div3A, %sub3A_461 : vector<16xf32>
        %le3A = arith.constant 1.60943794 : f32
        %le3A_463 = vector.broadcast %le3A : f32 to vector<16xf32>
        %le3A_464 = arith.cmpf ole, %get3A_435, %le3A_463 : vector<16xf32>
        %jit3A_465 = arith.constant 0.000000e+00 : f32
        %broadcast_in_dim3A_466 = vector.broadcast %jit3A_465 : f32 to vector<16xf32>
        %select_n3A_467 = arith.select %le3A_464, %mul3A_462, %broadcast_in_dim3A_466 : vector<16xi1>, vector<16xf32>
        tpu.vector_store_idx %arg14[%shift_right_arithmetic3A_437], %select_n3A_467 {add = true} : memref<512xf32, #tpu.memory_space<vmem>>[vector<16xi32>], vector<16xf32>,
        %scan3A_468 = arith.constant 1 : i32
        %scan3A_469 = arith.addi %scan3A_411, %scan3A_468 : i32
        %mul3A_470 = arith.constant 16 : i32
        %mul3A_471 = arith.muli %scan3A_469, %mul3A_470 : i32
        %add3A_472 = vector.broadcast %mul3A_471 : i32 to vector<16xi32>
        %add3A_473 = arith.addi %add3A_472, %iota3A : vector<16xi32>
        %broadcast_in_dim3A_474 = arith.constant 0 : i32
        %broadcast_in_dim3A_475 = vector.broadcast %broadcast_in_dim3A_474 : i32 to vector<16xi32>
        %gather3A_476 = tpu.vector_load_idx %arg11[%add3A_473, %broadcast_in_dim3A_475] : memref<1024x16xf32, #tpu.memory_space<vmem>>[vector<16xi32>, vector<16xi32>], vector<16xf32>,
        %broadcast_in_dim3A_477 = arith.constant 1 : i32
        %broadcast_in_dim3A_478 = vector.broadcast %broadcast_in_dim3A_477 : i32 to vector<16xi32>
        %gather3A_479 = tpu.vector_load_idx %arg11[%add3A_473, %broadcast_in_dim3A_478] : memref<1024x16xf32, #tpu.memory_space<vmem>>[vector<16xi32>, vector<16xi32>], vector<16xf32>,
        %broadcast_in_dim3A_480 = arith.constant 2 : i32
        %broadcast_in_dim3A_481 = vector.broadcast %broadcast_in_dim3A_480 : i32 to vector<16xi32>
        %gather3A_482 = tpu.vector_load_idx %arg11[%add3A_473, %broadcast_in_dim3A_481] : memref<1024x16xf32, #tpu.memory_space<vmem>>[vector<16xi32>, vector<16xi32>], vector<16xf32>,
        %broadcast_in_dim3A_483 = arith.constant 0 : i32
        %broadcast_in_dim3A_484 = vector.broadcast %broadcast_in_dim3A_483 : i32 to vector<16xi32>
        %gather3A_485 = tpu.vector_load_idx %arg12[%add3A_473, %broadcast_in_dim3A_484] : memref<1024x16xf32, #tpu.memory_space<vmem>>[vector<16xi32>, vector<16xi32>], vector<16xf32>,
        %broadcast_in_dim3A_486 = arith.constant 1 : i32
        %broadcast_in_dim3A_487 = vector.broadcast %broadcast_in_dim3A_486 : i32 to vector<16xi32>
        %gather3A_488 = tpu.vector_load_idx %arg12[%add3A_473, %broadcast_in_dim3A_487] : memref<1024x16xf32, #tpu.memory_space<vmem>>[vector<16xi32>, vector<16xi32>], vector<16xf32>,
        %broadcast_in_dim3A_489 = arith.constant 3 : i32
        %broadcast_in_dim3A_490 = vector.broadcast %broadcast_in_dim3A_489 : i32 to vector<16xi32>
        %gather3A_491 = tpu.vector_load_idx %arg12[%add3A_473, %broadcast_in_dim3A_490] : memref<1024x16xf32, #tpu.memory_space<vmem>>[vector<16xi32>, vector<16xi32>], vector<16xf32>,
        %mul3A_492 = arith.constant 16 : i32
        %mul3A_493 = arith.muli %scan3A_469, %mul3A_492 : i32
        %get3A_494 = arith.index_cast %mul3A_493 : i32 to index
        %get3A_495 = tpu.vector_load %arg10[%get3A_494] {strides = array<i32>} : memref<1024xf32, #tpu.memory_space<vmem>>, vector<16xf32>,
        %convert_element_type3A_496 = arith.fptosi %gather3A_482 : vector<16xf32> to vector<16xi32>
        %shift_right_arithmetic3A_497 = arith.constant 10 : i32
        %shift_right_arithmetic3A_498 = vector.broadcast %shift_right_arithmetic3A_497 : i32 to vector<16xi32>
        %shift_right_arithmetic3A_499 = arith.shrsi %convert_element_type3A_496, %shift_right_arithmetic3A_498 : vector<16xi32>
        %and3A_500 = arith.constant 1023 : i32
        %and3A_501 = vector.broadcast %and3A_500 : i32 to vector<16xi32>
        %and3A_502 = arith.andi %convert_element_type3A_496, %and3A_501 : vector<16xi32>
        %convert_element_type3A_503 = arith.fptosi %gather3A_491 : vector<16xf32> to vector<16xi32>
        %add3A_504 = arith.addi %and3A_502, %convert_element_type3A_503 : vector<16xi32>
        %gather3A_505 = tpu.vector_load_idx %arg13[%add3A_504] : memref<400xf32, #tpu.memory_space<vmem>>[vector<16xi32>], vector<16xf32>,
        %mul3A_506 = arith.constant 5.000000e-01 : f32
        %mul3A_507 = vector.broadcast %mul3A_506 : f32 to vector<16xf32>
        %mul3A_508 = arith.mulf %gather3A_488, %mul3A_507 : vector<16xf32>
        %add3A_509 = arith.addf %gather3A_479, %mul3A_508 : vector<16xf32>
        %sub3A_510 = arith.constant 1.000000e+00 : f32
        %sub3A_511 = vector.broadcast %sub3A_510 : f32 to vector<16xf32>
        %sub3A_512 = arith.subf %add3A_509, %sub3A_511 : vector<16xf32>
        %mul3A_513 = arith.mulf %sub3A_512, %gather3A_505 : vector<16xf32>
        %mul3A_514 = arith.mulf %add3A_509, %get3A_495 : vector<16xf32>
        %sub3A_515 = arith.subf %mul3A_513, %mul3A_514 : vector<16xf32>
        %exp3A_516 = math.exp %sub3A_515 : vector<16xf32>
        %mul3A_517 = arith.constant 1.60943794 : f32
        %mul3A_518 = vector.broadcast %mul3A_517 : f32 to vector<16xf32>
        %mul3A_519 = arith.mulf %add3A_509, %mul3A_518 : vector<16xf32>
        %sub3A_520 = arith.subf %mul3A_513, %mul3A_519 : vector<16xf32>
        %exp3A_521 = math.exp %sub3A_520 : vector<16xf32>
        %mul3A_522 = arith.mulf %gather3A_476, %gather3A_485 : vector<16xf32>
        %abs3A_523 = math.absf %mul3A_522 : vector<16xf32>
        %mul3A_524 = arith.constant 7.199800e+00 : f32
        %mul3A_525 = vector.broadcast %mul3A_524 : f32 to vector<16xf32>
        %mul3A_526 = arith.mulf %mul3A_525, %abs3A_523 : vector<16xf32>
        %div3A_527 = arith.divf %mul3A_526, %add3A_509 : vector<16xf32>
        %sub3A_528 = arith.subf %exp3A_516, %exp3A_521 : vector<16xf32>
        %mul3A_529 = arith.mulf %div3A_527, %sub3A_528 : vector<16xf32>
        %le3A_530 = arith.constant 1.60943794 : f32
        %le3A_531 = vector.broadcast %le3A_530 : f32 to vector<16xf32>
        %le3A_532 = arith.cmpf ole, %get3A_495, %le3A_531 : vector<16xf32>
        %jit3A_533 = arith.constant 0.000000e+00 : f32
        %broadcast_in_dim3A_534 = vector.broadcast %jit3A_533 : f32 to vector<16xf32>
        %select_n3A_535 = arith.select %le3A_532, %mul3A_529, %broadcast_in_dim3A_534 : vector<16xi1>, vector<16xf32>
        tpu.vector_store_idx %arg14[%shift_right_arithmetic3A_499], %select_n3A_535 {add = true} : memref<512xf32, #tpu.memory_space<vmem>>[vector<16xi32>], vector<16xf32>,
      }
      %scan3A_366 = arith.constant 8 : i32
      %dma_wait3A_367 = arith.constant 768 : i32
      %dma_wait3A_368 = arith.constant 0 : i32
      %dma_wait3A_369 = tpu.memref_slice %arg11[%dma_wait3A_367, %dma_wait3A_368] : memref<1024x16xf32, #tpu.memory_space<vmem>> -> memref<128x16xf32, #tpu.memory_space<vmem>>
      %dma_wait3A_370 = arith.constant 768 : i32
      %dma_wait3A_371 = tpu.memref_slice %arg8[%dma_wait3A_370] : memref<1024xi32, #tpu.memory_space<vmem>> -> memref<128xi32, #tpu.memory_space<vmem>>
      %dma_wait3A_372 = arith.constant 0 : i32
      %dma_wait3A_373 = arith.constant 0 : i32
      %dma_wait3A_374 = tpu.memref_slice %arg2[%dma_wait3A_372, %dma_wait3A_373] : memref<100000x16xf32, #tpu.memory_space<hbm>> -> memref<100000x16xf32, #tpu.memory_space<hbm>>
      tpu.wait_indirect_dma semaphore(%arg15 : memref<!tpu.dma_semaphore, #tpu.memory_space<semaphore_mem>>) src(%dma_wait3A_374 : memref<100000x16xf32, #tpu.memory_space<hbm>>) dst(%dma_wait3A_369 : memref<128x16xf32, #tpu.memory_space<vmem>>)
      %dma_wait3A_375 = arith.constant 768 : i32
      %dma_wait3A_376 = arith.constant 0 : i32
      %dma_wait3A_377 = tpu.memref_slice %arg12[%dma_wait3A_375, %dma_wait3A_376] : memref<1024x16xf32, #tpu.memory_space<vmem>> -> memref<128x16xf32, #tpu.memory_space<vmem>>
      %dma_wait3A_378 = arith.constant 768 : i32
      %dma_wait3A_379 = tpu.memref_slice %arg9[%dma_wait3A_378] : memref<1024xi32, #tpu.memory_space<vmem>> -> memref<128xi32, #tpu.memory_space<vmem>>
      %dma_wait3A_380 = arith.constant 0 : i32
      %dma_wait3A_381 = arith.constant 0 : i32
      %dma_wait3A_382 = tpu.memref_slice %arg2[%dma_wait3A_380, %dma_wait3A_381] : memref<100000x16xf32, #tpu.memory_space<hbm>> -> memref<100000x16xf32, #tpu.memory_space<hbm>>
      tpu.wait_indirect_dma semaphore(%arg15 : memref<!tpu.dma_semaphore, #tpu.memory_space<semaphore_mem>>) src(%dma_wait3A_382 : memref<100000x16xf32, #tpu.memory_space<hbm>>) dst(%dma_wait3A_377 : memref<128x16xf32, #tpu.memory_space<vmem>>)
      %scan3A_383 = arith.constant 0 : i32
      %scan3A_384 = arith.constant 48 : i32
      %scan3A_385 = arith.constant 8 : i32
      %scan3A_386 = arith.addi %scan3A_384, %scan3A_385 : i32
      %scan3A_387 = arith.constant 2 : i32
      scf.for %scan3A_411 = %scan3A_384 to %scan3A_386 step %scan3A_387  : i32 {
        %mul3A_412 = arith.constant 16 : i32
        %mul3A_413 = arith.muli %scan3A_411, %mul3A_412 : i32
        %add3A_414 = vector.broadcast %mul3A_413 : i32 to vector<16xi32>
        %add3A_415 = arith.addi %add3A_414, %iota3A : vector<16xi32>
        %broadcast_in_dim3A_416 = arith.constant 0 : i32
        %broadcast_in_dim3A_417 = vector.broadcast %broadcast_in_dim3A_416 : i32 to vector<16xi32>
        %gather3A = tpu.vector_load_idx %arg11[%add3A_415, %broadcast_in_dim3A_417] : memref<1024x16xf32, #tpu.memory_space<vmem>>[vector<16xi32>, vector<16xi32>], vector<16xf32>,
        %broadcast_in_dim3A_418 = arith.constant 1 : i32
        %broadcast_in_dim3A_419 = vector.broadcast %broadcast_in_dim3A_418 : i32 to vector<16xi32>
        %gather3A_420 = tpu.vector_load_idx %arg11[%add3A_415, %broadcast_in_dim3A_419] : memref<1024x16xf32, #tpu.memory_space<vmem>>[vector<16xi32>, vector<16xi32>], vector<16xf32>,
        %broadcast_in_dim3A_421 = arith.constant 2 : i32
        %broadcast_in_dim3A_422 = vector.broadcast %broadcast_in_dim3A_421 : i32 to vector<16xi32>
        %gather3A_423 = tpu.vector_load_idx %arg11[%add3A_415, %broadcast_in_dim3A_422] : memref<1024x16xf32, #tpu.memory_space<vmem>>[vector<16xi32>, vector<16xi32>], vector<16xf32>,
        %broadcast_in_dim3A_424 = arith.constant 0 : i32
        %broadcast_in_dim3A_425 = vector.broadcast %broadcast_in_dim3A_424 : i32 to vector<16xi32>
        %gather3A_426 = tpu.vector_load_idx %arg12[%add3A_415, %broadcast_in_dim3A_425] : memref<1024x16xf32, #tpu.memory_space<vmem>>[vector<16xi32>, vector<16xi32>], vector<16xf32>,
        %broadcast_in_dim3A_427 = arith.constant 1 : i32
        %broadcast_in_dim3A_428 = vector.broadcast %broadcast_in_dim3A_427 : i32 to vector<16xi32>
        %gather3A_429 = tpu.vector_load_idx %arg12[%add3A_415, %broadcast_in_dim3A_428] : memref<1024x16xf32, #tpu.memory_space<vmem>>[vector<16xi32>, vector<16xi32>], vector<16xf32>,
        %broadcast_in_dim3A_430 = arith.constant 3 : i32
        %broadcast_in_dim3A_431 = vector.broadcast %broadcast_in_dim3A_430 : i32 to vector<16xi32>
        %gather3A_432 = tpu.vector_load_idx %arg12[%add3A_415, %broadcast_in_dim3A_431] : memref<1024x16xf32, #tpu.memory_space<vmem>>[vector<16xi32>, vector<16xi32>], vector<16xf32>,
        %mul3A_433 = arith.constant 16 : i32
        %mul3A_434 = arith.muli %scan3A_411, %mul3A_433 : i32
        %get3A = arith.index_cast %mul3A_434 : i32 to index
        %get3A_435 = tpu.vector_load %arg10[%get3A] {strides = array<i32>} : memref<1024xf32, #tpu.memory_space<vmem>>, vector<16xf32>,
        %convert_element_type3A = arith.fptosi %gather3A_423 : vector<16xf32> to vector<16xi32>
        %shift_right_arithmetic3A = arith.constant 10 : i32
        %shift_right_arithmetic3A_436 = vector.broadcast %shift_right_arithmetic3A : i32 to vector<16xi32>
        %shift_right_arithmetic3A_437 = arith.shrsi %convert_element_type3A, %shift_right_arithmetic3A_436 : vector<16xi32>
        %and3A = arith.constant 1023 : i32
        %and3A_438 = vector.broadcast %and3A : i32 to vector<16xi32>
        %and3A_439 = arith.andi %convert_element_type3A, %and3A_438 : vector<16xi32>
        %convert_element_type3A_440 = arith.fptosi %gather3A_432 : vector<16xf32> to vector<16xi32>
        %add3A_441 = arith.addi %and3A_439, %convert_element_type3A_440 : vector<16xi32>
        %gather3A_442 = tpu.vector_load_idx %arg13[%add3A_441] : memref<400xf32, #tpu.memory_space<vmem>>[vector<16xi32>], vector<16xf32>,
        %mul3A_443 = arith.constant 5.000000e-01 : f32
        %mul3A_444 = vector.broadcast %mul3A_443 : f32 to vector<16xf32>
        %mul3A_445 = arith.mulf %gather3A_429, %mul3A_444 : vector<16xf32>
        %add3A_446 = arith.addf %gather3A_420, %mul3A_445 : vector<16xf32>
        %sub3A = arith.constant 1.000000e+00 : f32
        %sub3A_447 = vector.broadcast %sub3A : f32 to vector<16xf32>
        %sub3A_448 = arith.subf %add3A_446, %sub3A_447 : vector<16xf32>
        %mul3A_449 = arith.mulf %sub3A_448, %gather3A_442 : vector<16xf32>
        %mul3A_450 = arith.mulf %add3A_446, %get3A_435 : vector<16xf32>
        %sub3A_451 = arith.subf %mul3A_449, %mul3A_450 : vector<16xf32>
        %exp3A = math.exp %sub3A_451 : vector<16xf32>
        %mul3A_452 = arith.constant 1.60943794 : f32
        %mul3A_453 = vector.broadcast %mul3A_452 : f32 to vector<16xf32>
        %mul3A_454 = arith.mulf %add3A_446, %mul3A_453 : vector<16xf32>
        %sub3A_455 = arith.subf %mul3A_449, %mul3A_454 : vector<16xf32>
        %exp3A_456 = math.exp %sub3A_455 : vector<16xf32>
        %mul3A_457 = arith.mulf %gather3A, %gather3A_426 : vector<16xf32>
        %abs3A = math.absf %mul3A_457 : vector<16xf32>
        %mul3A_458 = arith.constant 7.199800e+00 : f32
        %mul3A_459 = vector.broadcast %mul3A_458 : f32 to vector<16xf32>
        %mul3A_460 = arith.mulf %mul3A_459, %abs3A : vector<16xf32>
        %div3A = arith.divf %mul3A_460, %add3A_446 : vector<16xf32>
        %sub3A_461 = arith.subf %exp3A, %exp3A_456 : vector<16xf32>
        %mul3A_462 = arith.mulf %div3A, %sub3A_461 : vector<16xf32>
        %le3A = arith.constant 1.60943794 : f32
        %le3A_463 = vector.broadcast %le3A : f32 to vector<16xf32>
        %le3A_464 = arith.cmpf ole, %get3A_435, %le3A_463 : vector<16xf32>
        %jit3A_465 = arith.constant 0.000000e+00 : f32
        %broadcast_in_dim3A_466 = vector.broadcast %jit3A_465 : f32 to vector<16xf32>
        %select_n3A_467 = arith.select %le3A_464, %mul3A_462, %broadcast_in_dim3A_466 : vector<16xi1>, vector<16xf32>
        tpu.vector_store_idx %arg14[%shift_right_arithmetic3A_437], %select_n3A_467 {add = true} : memref<512xf32, #tpu.memory_space<vmem>>[vector<16xi32>], vector<16xf32>,
        %scan3A_468 = arith.constant 1 : i32
        %scan3A_469 = arith.addi %scan3A_411, %scan3A_468 : i32
        %mul3A_470 = arith.constant 16 : i32
        %mul3A_471 = arith.muli %scan3A_469, %mul3A_470 : i32
        %add3A_472 = vector.broadcast %mul3A_471 : i32 to vector<16xi32>
        %add3A_473 = arith.addi %add3A_472, %iota3A : vector<16xi32>
        %broadcast_in_dim3A_474 = arith.constant 0 : i32
        %broadcast_in_dim3A_475 = vector.broadcast %broadcast_in_dim3A_474 : i32 to vector<16xi32>
        %gather3A_476 = tpu.vector_load_idx %arg11[%add3A_473, %broadcast_in_dim3A_475] : memref<1024x16xf32, #tpu.memory_space<vmem>>[vector<16xi32>, vector<16xi32>], vector<16xf32>,
        %broadcast_in_dim3A_477 = arith.constant 1 : i32
        %broadcast_in_dim3A_478 = vector.broadcast %broadcast_in_dim3A_477 : i32 to vector<16xi32>
        %gather3A_479 = tpu.vector_load_idx %arg11[%add3A_473, %broadcast_in_dim3A_478] : memref<1024x16xf32, #tpu.memory_space<vmem>>[vector<16xi32>, vector<16xi32>], vector<16xf32>,
        %broadcast_in_dim3A_480 = arith.constant 2 : i32
        %broadcast_in_dim3A_481 = vector.broadcast %broadcast_in_dim3A_480 : i32 to vector<16xi32>
        %gather3A_482 = tpu.vector_load_idx %arg11[%add3A_473, %broadcast_in_dim3A_481] : memref<1024x16xf32, #tpu.memory_space<vmem>>[vector<16xi32>, vector<16xi32>], vector<16xf32>,
        %broadcast_in_dim3A_483 = arith.constant 0 : i32
        %broadcast_in_dim3A_484 = vector.broadcast %broadcast_in_dim3A_483 : i32 to vector<16xi32>
        %gather3A_485 = tpu.vector_load_idx %arg12[%add3A_473, %broadcast_in_dim3A_484] : memref<1024x16xf32, #tpu.memory_space<vmem>>[vector<16xi32>, vector<16xi32>], vector<16xf32>,
        %broadcast_in_dim3A_486 = arith.constant 1 : i32
        %broadcast_in_dim3A_487 = vector.broadcast %broadcast_in_dim3A_486 : i32 to vector<16xi32>
        %gather3A_488 = tpu.vector_load_idx %arg12[%add3A_473, %broadcast_in_dim3A_487] : memref<1024x16xf32, #tpu.memory_space<vmem>>[vector<16xi32>, vector<16xi32>], vector<16xf32>,
        %broadcast_in_dim3A_489 = arith.constant 3 : i32
        %broadcast_in_dim3A_490 = vector.broadcast %broadcast_in_dim3A_489 : i32 to vector<16xi32>
        %gather3A_491 = tpu.vector_load_idx %arg12[%add3A_473, %broadcast_in_dim3A_490] : memref<1024x16xf32, #tpu.memory_space<vmem>>[vector<16xi32>, vector<16xi32>], vector<16xf32>,
        %mul3A_492 = arith.constant 16 : i32
        %mul3A_493 = arith.muli %scan3A_469, %mul3A_492 : i32
        %get3A_494 = arith.index_cast %mul3A_493 : i32 to index
        %get3A_495 = tpu.vector_load %arg10[%get3A_494] {strides = array<i32>} : memref<1024xf32, #tpu.memory_space<vmem>>, vector<16xf32>,
        %convert_element_type3A_496 = arith.fptosi %gather3A_482 : vector<16xf32> to vector<16xi32>
        %shift_right_arithmetic3A_497 = arith.constant 10 : i32
        %shift_right_arithmetic3A_498 = vector.broadcast %shift_right_arithmetic3A_497 : i32 to vector<16xi32>
        %shift_right_arithmetic3A_499 = arith.shrsi %convert_element_type3A_496, %shift_right_arithmetic3A_498 : vector<16xi32>
        %and3A_500 = arith.constant 1023 : i32
        %and3A_501 = vector.broadcast %and3A_500 : i32 to vector<16xi32>
        %and3A_502 = arith.andi %convert_element_type3A_496, %and3A_501 : vector<16xi32>
        %convert_element_type3A_503 = arith.fptosi %gather3A_491 : vector<16xf32> to vector<16xi32>
        %add3A_504 = arith.addi %and3A_502, %convert_element_type3A_503 : vector<16xi32>
        %gather3A_505 = tpu.vector_load_idx %arg13[%add3A_504] : memref<400xf32, #tpu.memory_space<vmem>>[vector<16xi32>], vector<16xf32>,
        %mul3A_506 = arith.constant 5.000000e-01 : f32
        %mul3A_507 = vector.broadcast %mul3A_506 : f32 to vector<16xf32>
        %mul3A_508 = arith.mulf %gather3A_488, %mul3A_507 : vector<16xf32>
        %add3A_509 = arith.addf %gather3A_479, %mul3A_508 : vector<16xf32>
        %sub3A_510 = arith.constant 1.000000e+00 : f32
        %sub3A_511 = vector.broadcast %sub3A_510 : f32 to vector<16xf32>
        %sub3A_512 = arith.subf %add3A_509, %sub3A_511 : vector<16xf32>
        %mul3A_513 = arith.mulf %sub3A_512, %gather3A_505 : vector<16xf32>
        %mul3A_514 = arith.mulf %add3A_509, %get3A_495 : vector<16xf32>
        %sub3A_515 = arith.subf %mul3A_513, %mul3A_514 : vector<16xf32>
        %exp3A_516 = math.exp %sub3A_515 : vector<16xf32>
        %mul3A_517 = arith.constant 1.60943794 : f32
        %mul3A_518 = vector.broadcast %mul3A_517 : f32 to vector<16xf32>
        %mul3A_519 = arith.mulf %add3A_509, %mul3A_518 : vector<16xf32>
        %sub3A_520 = arith.subf %mul3A_513, %mul3A_519 : vector<16xf32>
        %exp3A_521 = math.exp %sub3A_520 : vector<16xf32>
        %mul3A_522 = arith.mulf %gather3A_476, %gather3A_485 : vector<16xf32>
        %abs3A_523 = math.absf %mul3A_522 : vector<16xf32>
        %mul3A_524 = arith.constant 7.199800e+00 : f32
        %mul3A_525 = vector.broadcast %mul3A_524 : f32 to vector<16xf32>
        %mul3A_526 = arith.mulf %mul3A_525, %abs3A_523 : vector<16xf32>
        %div3A_527 = arith.divf %mul3A_526, %add3A_509 : vector<16xf32>
        %sub3A_528 = arith.subf %exp3A_516, %exp3A_521 : vector<16xf32>
        %mul3A_529 = arith.mulf %div3A_527, %sub3A_528 : vector<16xf32>
        %le3A_530 = arith.constant 1.60943794 : f32
        %le3A_531 = vector.broadcast %le3A_530 : f32 to vector<16xf32>
        %le3A_532 = arith.cmpf ole, %get3A_495, %le3A_531 : vector<16xf32>
        %jit3A_533 = arith.constant 0.000000e+00 : f32
        %broadcast_in_dim3A_534 = vector.broadcast %jit3A_533 : f32 to vector<16xf32>
        %select_n3A_535 = arith.select %le3A_532, %mul3A_529, %broadcast_in_dim3A_534 : vector<16xi1>, vector<16xf32>
        tpu.vector_store_idx %arg14[%shift_right_arithmetic3A_499], %select_n3A_535 {add = true} : memref<512xf32, #tpu.memory_space<vmem>>[vector<16xi32>], vector<16xf32>,
      }
      %scan3A_388 = arith.constant 8 : i32
      %dma_wait3A_389 = arith.constant 896 : i32
      %dma_wait3A_390 = arith.constant 0 : i32
      %dma_wait3A_391 = tpu.memref_slice %arg11[%dma_wait3A_389, %dma_wait3A_390] : memref<1024x16xf32, #tpu.memory_space<vmem>> -> memref<128x16xf32, #tpu.memory_space<vmem>>
      %dma_wait3A_392 = arith.constant 896 : i32
      %dma_wait3A_393 = tpu.memref_slice %arg8[%dma_wait3A_392] : memref<1024xi32, #tpu.memory_space<vmem>> -> memref<128xi32, #tpu.memory_space<vmem>>
      %dma_wait3A_394 = arith.constant 0 : i32
      %dma_wait3A_395 = arith.constant 0 : i32
      %dma_wait3A_396 = tpu.memref_slice %arg2[%dma_wait3A_394, %dma_wait3A_395] : memref<100000x16xf32, #tpu.memory_space<hbm>> -> memref<100000x16xf32, #tpu.memory_space<hbm>>
      tpu.wait_indirect_dma semaphore(%arg15 : memref<!tpu.dma_semaphore, #tpu.memory_space<semaphore_mem>>) src(%dma_wait3A_396 : memref<100000x16xf32, #tpu.memory_space<hbm>>) dst(%dma_wait3A_391 : memref<128x16xf32, #tpu.memory_space<vmem>>)
      %dma_wait3A_397 = arith.constant 896 : i32
      %dma_wait3A_398 = arith.constant 0 : i32
      %dma_wait3A_399 = tpu.memref_slice %arg12[%dma_wait3A_397, %dma_wait3A_398] : memref<1024x16xf32, #tpu.memory_space<vmem>> -> memref<128x16xf32, #tpu.memory_space<vmem>>
      %dma_wait3A_400 = arith.constant 896 : i32
      %dma_wait3A_401 = tpu.memref_slice %arg9[%dma_wait3A_400] : memref<1024xi32, #tpu.memory_space<vmem>> -> memref<128xi32, #tpu.memory_space<vmem>>
      %dma_wait3A_402 = arith.constant 0 : i32
      %dma_wait3A_403 = arith.constant 0 : i32
      %dma_wait3A_404 = tpu.memref_slice %arg2[%dma_wait3A_402, %dma_wait3A_403] : memref<100000x16xf32, #tpu.memory_space<hbm>> -> memref<100000x16xf32, #tpu.memory_space<hbm>>
      tpu.wait_indirect_dma semaphore(%arg15 : memref<!tpu.dma_semaphore, #tpu.memory_space<semaphore_mem>>) src(%dma_wait3A_404 : memref<100000x16xf32, #tpu.memory_space<hbm>>) dst(%dma_wait3A_399 : memref<128x16xf32, #tpu.memory_space<vmem>>)
      %scan3A_405 = arith.constant 0 : i32
      %scan3A_406 = arith.constant 56 : i32
      %scan3A_407 = arith.constant 8 : i32
      %scan3A_408 = arith.addi %scan3A_406, %scan3A_407 : i32
      %scan3A_409 = arith.constant 2 : i32
      scf.for %scan3A_411 = %scan3A_406 to %scan3A_408 step %scan3A_409  : i32 {
        %mul3A_412 = arith.constant 16 : i32
        %mul3A_413 = arith.muli %scan3A_411, %mul3A_412 : i32
        %add3A_414 = vector.broadcast %mul3A_413 : i32 to vector<16xi32>
        %add3A_415 = arith.addi %add3A_414, %iota3A : vector<16xi32>
        %broadcast_in_dim3A_416 = arith.constant 0 : i32
        %broadcast_in_dim3A_417 = vector.broadcast %broadcast_in_dim3A_416 : i32 to vector<16xi32>
        %gather3A = tpu.vector_load_idx %arg11[%add3A_415, %broadcast_in_dim3A_417] : memref<1024x16xf32, #tpu.memory_space<vmem>>[vector<16xi32>, vector<16xi32>], vector<16xf32>,
        %broadcast_in_dim3A_418 = arith.constant 1 : i32
        %broadcast_in_dim3A_419 = vector.broadcast %broadcast_in_dim3A_418 : i32 to vector<16xi32>
        %gather3A_420 = tpu.vector_load_idx %arg11[%add3A_415, %broadcast_in_dim3A_419] : memref<1024x16xf32, #tpu.memory_space<vmem>>[vector<16xi32>, vector<16xi32>], vector<16xf32>,
        %broadcast_in_dim3A_421 = arith.constant 2 : i32
        %broadcast_in_dim3A_422 = vector.broadcast %broadcast_in_dim3A_421 : i32 to vector<16xi32>
        %gather3A_423 = tpu.vector_load_idx %arg11[%add3A_415, %broadcast_in_dim3A_422] : memref<1024x16xf32, #tpu.memory_space<vmem>>[vector<16xi32>, vector<16xi32>], vector<16xf32>,
        %broadcast_in_dim3A_424 = arith.constant 0 : i32
        %broadcast_in_dim3A_425 = vector.broadcast %broadcast_in_dim3A_424 : i32 to vector<16xi32>
        %gather3A_426 = tpu.vector_load_idx %arg12[%add3A_415, %broadcast_in_dim3A_425] : memref<1024x16xf32, #tpu.memory_space<vmem>>[vector<16xi32>, vector<16xi32>], vector<16xf32>,
        %broadcast_in_dim3A_427 = arith.constant 1 : i32
        %broadcast_in_dim3A_428 = vector.broadcast %broadcast_in_dim3A_427 : i32 to vector<16xi32>
        %gather3A_429 = tpu.vector_load_idx %arg12[%add3A_415, %broadcast_in_dim3A_428] : memref<1024x16xf32, #tpu.memory_space<vmem>>[vector<16xi32>, vector<16xi32>], vector<16xf32>,
        %broadcast_in_dim3A_430 = arith.constant 3 : i32
        %broadcast_in_dim3A_431 = vector.broadcast %broadcast_in_dim3A_430 : i32 to vector<16xi32>
        %gather3A_432 = tpu.vector_load_idx %arg12[%add3A_415, %broadcast_in_dim3A_431] : memref<1024x16xf32, #tpu.memory_space<vmem>>[vector<16xi32>, vector<16xi32>], vector<16xf32>,
        %mul3A_433 = arith.constant 16 : i32
        %mul3A_434 = arith.muli %scan3A_411, %mul3A_433 : i32
        %get3A = arith.index_cast %mul3A_434 : i32 to index
        %get3A_435 = tpu.vector_load %arg10[%get3A] {strides = array<i32>} : memref<1024xf32, #tpu.memory_space<vmem>>, vector<16xf32>,
        %convert_element_type3A = arith.fptosi %gather3A_423 : vector<16xf32> to vector<16xi32>
        %shift_right_arithmetic3A = arith.constant 10 : i32
        %shift_right_arithmetic3A_436 = vector.broadcast %shift_right_arithmetic3A : i32 to vector<16xi32>
        %shift_right_arithmetic3A_437 = arith.shrsi %convert_element_type3A, %shift_right_arithmetic3A_436 : vector<16xi32>
        %and3A = arith.constant 1023 : i32
        %and3A_438 = vector.broadcast %and3A : i32 to vector<16xi32>
        %and3A_439 = arith.andi %convert_element_type3A, %and3A_438 : vector<16xi32>
        %convert_element_type3A_440 = arith.fptosi %gather3A_432 : vector<16xf32> to vector<16xi32>
        %add3A_441 = arith.addi %and3A_439, %convert_element_type3A_440 : vector<16xi32>
        %gather3A_442 = tpu.vector_load_idx %arg13[%add3A_441] : memref<400xf32, #tpu.memory_space<vmem>>[vector<16xi32>], vector<16xf32>,
        %mul3A_443 = arith.constant 5.000000e-01 : f32
        %mul3A_444 = vector.broadcast %mul3A_443 : f32 to vector<16xf32>
        %mul3A_445 = arith.mulf %gather3A_429, %mul3A_444 : vector<16xf32>
        %add3A_446 = arith.addf %gather3A_420, %mul3A_445 : vector<16xf32>
        %sub3A = arith.constant 1.000000e+00 : f32
        %sub3A_447 = vector.broadcast %sub3A : f32 to vector<16xf32>
        %sub3A_448 = arith.subf %add3A_446, %sub3A_447 : vector<16xf32>
        %mul3A_449 = arith.mulf %sub3A_448, %gather3A_442 : vector<16xf32>
        %mul3A_450 = arith.mulf %add3A_446, %get3A_435 : vector<16xf32>
        %sub3A_451 = arith.subf %mul3A_449, %mul3A_450 : vector<16xf32>
        %exp3A = math.exp %sub3A_451 : vector<16xf32>
        %mul3A_452 = arith.constant 1.60943794 : f32
        %mul3A_453 = vector.broadcast %mul3A_452 : f32 to vector<16xf32>
        %mul3A_454 = arith.mulf %add3A_446, %mul3A_453 : vector<16xf32>
        %sub3A_455 = arith.subf %mul3A_449, %mul3A_454 : vector<16xf32>
        %exp3A_456 = math.exp %sub3A_455 : vector<16xf32>
        %mul3A_457 = arith.mulf %gather3A, %gather3A_426 : vector<16xf32>
        %abs3A = math.absf %mul3A_457 : vector<16xf32>
        %mul3A_458 = arith.constant 7.199800e+00 : f32
        %mul3A_459 = vector.broadcast %mul3A_458 : f32 to vector<16xf32>
        %mul3A_460 = arith.mulf %mul3A_459, %abs3A : vector<16xf32>
        %div3A = arith.divf %mul3A_460, %add3A_446 : vector<16xf32>
        %sub3A_461 = arith.subf %exp3A, %exp3A_456 : vector<16xf32>
        %mul3A_462 = arith.mulf %div3A, %sub3A_461 : vector<16xf32>
        %le3A = arith.constant 1.60943794 : f32
        %le3A_463 = vector.broadcast %le3A : f32 to vector<16xf32>
        %le3A_464 = arith.cmpf ole, %get3A_435, %le3A_463 : vector<16xf32>
        %jit3A_465 = arith.constant 0.000000e+00 : f32
        %broadcast_in_dim3A_466 = vector.broadcast %jit3A_465 : f32 to vector<16xf32>
        %select_n3A_467 = arith.select %le3A_464, %mul3A_462, %broadcast_in_dim3A_466 : vector<16xi1>, vector<16xf32>
        tpu.vector_store_idx %arg14[%shift_right_arithmetic3A_437], %select_n3A_467 {add = true} : memref<512xf32, #tpu.memory_space<vmem>>[vector<16xi32>], vector<16xf32>,
        %scan3A_468 = arith.constant 1 : i32
        %scan3A_469 = arith.addi %scan3A_411, %scan3A_468 : i32
        %mul3A_470 = arith.constant 16 : i32
        %mul3A_471 = arith.muli %scan3A_469, %mul3A_470 : i32
        %add3A_472 = vector.broadcast %mul3A_471 : i32 to vector<16xi32>
        %add3A_473 = arith.addi %add3A_472, %iota3A : vector<16xi32>
        %broadcast_in_dim3A_474 = arith.constant 0 : i32
        %broadcast_in_dim3A_475 = vector.broadcast %broadcast_in_dim3A_474 : i32 to vector<16xi32>
        %gather3A_476 = tpu.vector_load_idx %arg11[%add3A_473, %broadcast_in_dim3A_475] : memref<1024x16xf32, #tpu.memory_space<vmem>>[vector<16xi32>, vector<16xi32>], vector<16xf32>,
        %broadcast_in_dim3A_477 = arith.constant 1 : i32
        %broadcast_in_dim3A_478 = vector.broadcast %broadcast_in_dim3A_477 : i32 to vector<16xi32>
        %gather3A_479 = tpu.vector_load_idx %arg11[%add3A_473, %broadcast_in_dim3A_478] : memref<1024x16xf32, #tpu.memory_space<vmem>>[vector<16xi32>, vector<16xi32>], vector<16xf32>,
        %broadcast_in_dim3A_480 = arith.constant 2 : i32
        %broadcast_in_dim3A_481 = vector.broadcast %broadcast_in_dim3A_480 : i32 to vector<16xi32>
        %gather3A_482 = tpu.vector_load_idx %arg11[%add3A_473, %broadcast_in_dim3A_481] : memref<1024x16xf32, #tpu.memory_space<vmem>>[vector<16xi32>, vector<16xi32>], vector<16xf32>,
        %broadcast_in_dim3A_483 = arith.constant 0 : i32
        %broadcast_in_dim3A_484 = vector.broadcast %broadcast_in_dim3A_483 : i32 to vector<16xi32>
        %gather3A_485 = tpu.vector_load_idx %arg12[%add3A_473, %broadcast_in_dim3A_484] : memref<1024x16xf32, #tpu.memory_space<vmem>>[vector<16xi32>, vector<16xi32>], vector<16xf32>,
        %broadcast_in_dim3A_486 = arith.constant 1 : i32
        %broadcast_in_dim3A_487 = vector.broadcast %broadcast_in_dim3A_486 : i32 to vector<16xi32>
        %gather3A_488 = tpu.vector_load_idx %arg12[%add3A_473, %broadcast_in_dim3A_487] : memref<1024x16xf32, #tpu.memory_space<vmem>>[vector<16xi32>, vector<16xi32>], vector<16xf32>,
        %broadcast_in_dim3A_489 = arith.constant 3 : i32
        %broadcast_in_dim3A_490 = vector.broadcast %broadcast_in_dim3A_489 : i32 to vector<16xi32>
        %gather3A_491 = tpu.vector_load_idx %arg12[%add3A_473, %broadcast_in_dim3A_490] : memref<1024x16xf32, #tpu.memory_space<vmem>>[vector<16xi32>, vector<16xi32>], vector<16xf32>,
        %mul3A_492 = arith.constant 16 : i32
        %mul3A_493 = arith.muli %scan3A_469, %mul3A_492 : i32
        %get3A_494 = arith.index_cast %mul3A_493 : i32 to index
        %get3A_495 = tpu.vector_load %arg10[%get3A_494] {strides = array<i32>} : memref<1024xf32, #tpu.memory_space<vmem>>, vector<16xf32>,
        %convert_element_type3A_496 = arith.fptosi %gather3A_482 : vector<16xf32> to vector<16xi32>
        %shift_right_arithmetic3A_497 = arith.constant 10 : i32
        %shift_right_arithmetic3A_498 = vector.broadcast %shift_right_arithmetic3A_497 : i32 to vector<16xi32>
        %shift_right_arithmetic3A_499 = arith.shrsi %convert_element_type3A_496, %shift_right_arithmetic3A_498 : vector<16xi32>
        %and3A_500 = arith.constant 1023 : i32
        %and3A_501 = vector.broadcast %and3A_500 : i32 to vector<16xi32>
        %and3A_502 = arith.andi %convert_element_type3A_496, %and3A_501 : vector<16xi32>
        %convert_element_type3A_503 = arith.fptosi %gather3A_491 : vector<16xf32> to vector<16xi32>
        %add3A_504 = arith.addi %and3A_502, %convert_element_type3A_503 : vector<16xi32>
        %gather3A_505 = tpu.vector_load_idx %arg13[%add3A_504] : memref<400xf32, #tpu.memory_space<vmem>>[vector<16xi32>], vector<16xf32>,
        %mul3A_506 = arith.constant 5.000000e-01 : f32
        %mul3A_507 = vector.broadcast %mul3A_506 : f32 to vector<16xf32>
        %mul3A_508 = arith.mulf %gather3A_488, %mul3A_507 : vector<16xf32>
        %add3A_509 = arith.addf %gather3A_479, %mul3A_508 : vector<16xf32>
        %sub3A_510 = arith.constant 1.000000e+00 : f32
        %sub3A_511 = vector.broadcast %sub3A_510 : f32 to vector<16xf32>
        %sub3A_512 = arith.subf %add3A_509, %sub3A_511 : vector<16xf32>
        %mul3A_513 = arith.mulf %sub3A_512, %gather3A_505 : vector<16xf32>
        %mul3A_514 = arith.mulf %add3A_509, %get3A_495 : vector<16xf32>
        %sub3A_515 = arith.subf %mul3A_513, %mul3A_514 : vector<16xf32>
        %exp3A_516 = math.exp %sub3A_515 : vector<16xf32>
        %mul3A_517 = arith.constant 1.60943794 : f32
        %mul3A_518 = vector.broadcast %mul3A_517 : f32 to vector<16xf32>
        %mul3A_519 = arith.mulf %add3A_509, %mul3A_518 : vector<16xf32>
        %sub3A_520 = arith.subf %mul3A_513, %mul3A_519 : vector<16xf32>
        %exp3A_521 = math.exp %sub3A_520 : vector<16xf32>
        %mul3A_522 = arith.mulf %gather3A_476, %gather3A_485 : vector<16xf32>
        %abs3A_523 = math.absf %mul3A_522 : vector<16xf32>
        %mul3A_524 = arith.constant 7.199800e+00 : f32
        %mul3A_525 = vector.broadcast %mul3A_524 : f32 to vector<16xf32>
        %mul3A_526 = arith.mulf %mul3A_525, %abs3A_523 : vector<16xf32>
        %div3A_527 = arith.divf %mul3A_526, %add3A_509 : vector<16xf32>
        %sub3A_528 = arith.subf %exp3A_516, %exp3A_521 : vector<16xf32>
        %mul3A_529 = arith.mulf %div3A_527, %sub3A_528 : vector<16xf32>
        %le3A_530 = arith.constant 1.60943794 : f32
        %le3A_531 = vector.broadcast %le3A_530 : f32 to vector<16xf32>
        %le3A_532 = arith.cmpf ole, %get3A_495, %le3A_531 : vector<16xf32>
        %jit3A_533 = arith.constant 0.000000e+00 : f32
        %broadcast_in_dim3A_534 = vector.broadcast %jit3A_533 : f32 to vector<16xf32>
        %select_n3A_535 = arith.select %le3A_532, %mul3A_529, %broadcast_in_dim3A_534 : vector<16xi1>, vector<16xf32>
        tpu.vector_store_idx %arg14[%shift_right_arithmetic3A_499], %select_n3A_535 {add = true} : memref<512xf32, #tpu.memory_space<vmem>>[vector<16xi32>], vector<16xf32>,
      }
      %scan3A_410 = arith.constant 8 : i32
    }
    %while3A_75 = arith.constant 1 : i32
    scf.for %while3A_86 = %while3A_73 to %while3A_69 step %while3A_75  : i32 {
      %mul3A_87 = arith.constant 32 : i32
      %mul3A_88 = arith.muli %while3A_86, %mul3A_87 : i32
      %add3A_89 = arith.addi %add3A, %mul3A_88 : i32
      %mul3A_90 = arith.constant 1024 : i32
      %mul3A_91 = arith.muli %add3A_89, %mul3A_90 : i32
      %dma_start3A_92 = tpu.memref_slice %arg3[%mul3A_91] : memref<6400000xi32, #tpu.memory_space<hbm>> -> memref<1024xi32, #tpu.memory_space<hbm>>
      %dma_start3A_93 = tpu.memref_slice %arg3[%mul3A_91] : memref<6400000xi32, #tpu.memory_space<hbm>> -> memref<1024xi32, #tpu.memory_space<hbm>>
      tpu.enqueue_dma source(%dma_start3A_93 : memref<1024xi32, #tpu.memory_space<hbm>>) target(%arg8 : memref<1024xi32, #tpu.memory_space<vmem>>) target_semaphore(%arg15 : memref<!tpu.dma_semaphore, #tpu.memory_space<semaphore_mem>>)
      %mul3A_94 = arith.constant 1024 : i32
      %mul3A_95 = arith.muli %add3A_89, %mul3A_94 : i32
      %dma_start3A_96 = tpu.memref_slice %arg4[%mul3A_95] : memref<6400000xi32, #tpu.memory_space<hbm>> -> memref<1024xi32, #tpu.memory_space<hbm>>
      %dma_start3A_97 = tpu.memref_slice %arg4[%mul3A_95] : memref<6400000xi32, #tpu.memory_space<hbm>> -> memref<1024xi32, #tpu.memory_space<hbm>>
      tpu.enqueue_dma source(%dma_start3A_97 : memref<1024xi32, #tpu.memory_space<hbm>>) target(%arg9 : memref<1024xi32, #tpu.memory_space<vmem>>) target_semaphore(%arg15 : memref<!tpu.dma_semaphore, #tpu.memory_space<semaphore_mem>>)
      %mul3A_98 = arith.constant 1024 : i32
      %mul3A_99 = arith.muli %add3A_89, %mul3A_98 : i32
      %dma_start3A_100 = tpu.memref_slice %arg5[%mul3A_99] : memref<6400000xf32, #tpu.memory_space<hbm>> -> memref<1024xf32, #tpu.memory_space<hbm>>
      %dma_start3A_101 = tpu.memref_slice %arg5[%mul3A_99] : memref<6400000xf32, #tpu.memory_space<hbm>> -> memref<1024xf32, #tpu.memory_space<hbm>>
      tpu.enqueue_dma source(%dma_start3A_101 : memref<1024xf32, #tpu.memory_space<hbm>>) target(%arg10 : memref<1024xf32, #tpu.memory_space<vmem>>) target_semaphore(%arg15 : memref<!tpu.dma_semaphore, #tpu.memory_space<semaphore_mem>>)
      %dma_wait3A_102 = tpu.memref_slice %arg3[%mul3A_91] : memref<6400000xi32, #tpu.memory_space<hbm>> -> memref<1024xi32, #tpu.memory_space<hbm>>
      %dma_wait3A_103 = tpu.memref_slice %arg3[%mul3A_91] : memref<6400000xi32, #tpu.memory_space<hbm>> -> memref<1024xi32, #tpu.memory_space<hbm>>
      tpu.wait_dma2 semaphore(%arg15 : memref<!tpu.dma_semaphore, #tpu.memory_space<semaphore_mem>>) src(%dma_wait3A_103 : memref<1024xi32, #tpu.memory_space<hbm>>) dst(%arg8 : memref<1024xi32, #tpu.memory_space<vmem>>)
      %dma_wait3A_104 = tpu.memref_slice %arg4[%mul3A_95] : memref<6400000xi32, #tpu.memory_space<hbm>> -> memref<1024xi32, #tpu.memory_space<hbm>>
      %dma_wait3A_105 = tpu.memref_slice %arg4[%mul3A_95] : memref<6400000xi32, #tpu.memory_space<hbm>> -> memref<1024xi32, #tpu.memory_space<hbm>>
      tpu.wait_dma2 semaphore(%arg15 : memref<!tpu.dma_semaphore, #tpu.memory_space<semaphore_mem>>) src(%dma_wait3A_105 : memref<1024xi32, #tpu.memory_space<hbm>>) dst(%arg9 : memref<1024xi32, #tpu.memory_space<vmem>>)
      %dma_start3A_106 = arith.constant 0 : i32
      %dma_start3A_107 = arith.constant 0 : i32
      %dma_start3A_108 = tpu.memref_slice %arg11[%dma_start3A_106, %dma_start3A_107] : memref<1024x16xf32, #tpu.memory_space<vmem>> -> memref<128x16xf32, #tpu.memory_space<vmem>>
      %dma_start3A_109 = arith.constant 0 : i32
      %dma_start3A_110 = tpu.memref_slice %arg8[%dma_start3A_109] : memref<1024xi32, #tpu.memory_space<vmem>> -> memref<128xi32, #tpu.memory_space<vmem>>
      %dma_start3A_111 = arith.constant 0 : i32
      %dma_start3A_112 = arith.constant 0 : i32
      %dma_start3A_113 = tpu.memref_slice %arg2[%dma_start3A_111, %dma_start3A_112] : memref<100000x16xf32, #tpu.memory_space<hbm>> -> memref<100000x16xf32, #tpu.memory_space<hbm>>
      tpu.enqueue_indirect_dma source(%dma_start3A_113 : memref<100000x16xf32, #tpu.memory_space<hbm>>) target(%dma_start3A_108 : memref<128x16xf32, #tpu.memory_space<vmem>>) offsets(%dma_start3A_110 : memref<128xi32, #tpu.memory_space<vmem>>) semaphore(%arg15 : memref<!tpu.dma_semaphore, #tpu.memory_space<semaphore_mem>>)
      %dma_start3A_114 = arith.constant 0 : i32
      %dma_start3A_115 = arith.constant 0 : i32
      %dma_start3A_116 = tpu.memref_slice %arg12[%dma_start3A_114, %dma_start3A_115] : memref<1024x16xf32, #tpu.memory_space<vmem>> -> memref<128x16xf32, #tpu.memory_space<vmem>>
      %dma_start3A_117 = arith.constant 0 : i32
      %dma_start3A_118 = tpu.memref_slice %arg9[%dma_start3A_117] : memref<1024xi32, #tpu.memory_space<vmem>> -> memref<128xi32, #tpu.memory_space<vmem>>
      %dma_start3A_119 = arith.constant 0 : i32
      %dma_start3A_120 = arith.constant 0 : i32
      %dma_start3A_121 = tpu.memref_slice %arg2[%dma_start3A_119, %dma_start3A_120] : memref<100000x16xf32, #tpu.memory_space<hbm>> -> memref<100000x16xf32, #tpu.memory_space<hbm>>
      tpu.enqueue_indirect_dma source(%dma_start3A_121 : memref<100000x16xf32, #tpu.memory_space<hbm>>) target(%dma_start3A_116 : memref<128x16xf32, #tpu.memory_space<vmem>>) offsets(%dma_start3A_118 : memref<128xi32, #tpu.memory_space<vmem>>) semaphore(%arg15 : memref<!tpu.dma_semaphore, #tpu.memory_space<semaphore_mem>>)
      %dma_start3A_122 = arith.constant 128 : i32
      %dma_start3A_123 = arith.constant 0 : i32
      %dma_start3A_124 = tpu.memref_slice %arg11[%dma_start3A_122, %dma_start3A_123] : memref<1024x16xf32, #tpu.memory_space<vmem>> -> memref<128x16xf32, #tpu.memory_space<vmem>>
      %dma_start3A_125 = arith.constant 128 : i32
      %dma_start3A_126 = tpu.memref_slice %arg8[%dma_start3A_125] : memref<1024xi32, #tpu.memory_space<vmem>> -> memref<128xi32, #tpu.memory_space<vmem>>
      %dma_start3A_127 = arith.constant 0 : i32
      %dma_start3A_128 = arith.constant 0 : i32
      %dma_start3A_129 = tpu.memref_slice %arg2[%dma_start3A_127, %dma_start3A_128] : memref<100000x16xf32, #tpu.memory_space<hbm>> -> memref<100000x16xf32, #tpu.memory_space<hbm>>
      tpu.enqueue_indirect_dma source(%dma_start3A_129 : memref<100000x16xf32, #tpu.memory_space<hbm>>) target(%dma_start3A_124 : memref<128x16xf32, #tpu.memory_space<vmem>>) offsets(%dma_start3A_126 : memref<128xi32, #tpu.memory_space<vmem>>) semaphore(%arg15 : memref<!tpu.dma_semaphore, #tpu.memory_space<semaphore_mem>>)
      %dma_start3A_130 = arith.constant 128 : i32
      %dma_start3A_131 = arith.constant 0 : i32
      %dma_start3A_132 = tpu.memref_slice %arg12[%dma_start3A_130, %dma_start3A_131] : memref<1024x16xf32, #tpu.memory_space<vmem>> -> memref<128x16xf32, #tpu.memory_space<vmem>>
      %dma_start3A_133 = arith.constant 128 : i32
      %dma_start3A_134 = tpu.memref_slice %arg9[%dma_start3A_133] : memref<1024xi32, #tpu.memory_space<vmem>> -> memref<128xi32, #tpu.memory_space<vmem>>
      %dma_start3A_135 = arith.constant 0 : i32
      %dma_start3A_136 = arith.constant 0 : i32
      %dma_start3A_137 = tpu.memref_slice %arg2[%dma_start3A_135, %dma_start3A_136] : memref<100000x16xf32, #tpu.memory_space<hbm>> -> memref<100000x16xf32, #tpu.memory_space<hbm>>
      tpu.enqueue_indirect_dma source(%dma_start3A_137 : memref<100000x16xf32, #tpu.memory_space<hbm>>) target(%dma_start3A_132 : memref<128x16xf32, #tpu.memory_space<vmem>>) offsets(%dma_start3A_134 : memref<128xi32, #tpu.memory_space<vmem>>) semaphore(%arg15 : memref<!tpu.dma_semaphore, #tpu.memory_space<semaphore_mem>>)
      %dma_start3A_138 = arith.constant 256 : i32
      %dma_start3A_139 = arith.constant 0 : i32
      %dma_start3A_140 = tpu.memref_slice %arg11[%dma_start3A_138, %dma_start3A_139] : memref<1024x16xf32, #tpu.memory_space<vmem>> -> memref<128x16xf32, #tpu.memory_space<vmem>>
      %dma_start3A_141 = arith.constant 256 : i32
      %dma_start3A_142 = tpu.memref_slice %arg8[%dma_start3A_141] : memref<1024xi32, #tpu.memory_space<vmem>> -> memref<128xi32, #tpu.memory_space<vmem>>
      %dma_start3A_143 = arith.constant 0 : i32
      %dma_start3A_144 = arith.constant 0 : i32
      %dma_start3A_145 = tpu.memref_slice %arg2[%dma_start3A_143, %dma_start3A_144] : memref<100000x16xf32, #tpu.memory_space<hbm>> -> memref<100000x16xf32, #tpu.memory_space<hbm>>
      tpu.enqueue_indirect_dma source(%dma_start3A_145 : memref<100000x16xf32, #tpu.memory_space<hbm>>) target(%dma_start3A_140 : memref<128x16xf32, #tpu.memory_space<vmem>>) offsets(%dma_start3A_142 : memref<128xi32, #tpu.memory_space<vmem>>) semaphore(%arg15 : memref<!tpu.dma_semaphore, #tpu.memory_space<semaphore_mem>>)
      %dma_start3A_146 = arith.constant 256 : i32
      %dma_start3A_147 = arith.constant 0 : i32
      %dma_start3A_148 = tpu.memref_slice %arg12[%dma_start3A_146, %dma_start3A_147] : memref<1024x16xf32, #tpu.memory_space<vmem>> -> memref<128x16xf32, #tpu.memory_space<vmem>>
      %dma_start3A_149 = arith.constant 256 : i32
      %dma_start3A_150 = tpu.memref_slice %arg9[%dma_start3A_149] : memref<1024xi32, #tpu.memory_space<vmem>> -> memref<128xi32, #tpu.memory_space<vmem>>
      %dma_start3A_151 = arith.constant 0 : i32
      %dma_start3A_152 = arith.constant 0 : i32
      %dma_start3A_153 = tpu.memref_slice %arg2[%dma_start3A_151, %dma_start3A_152] : memref<100000x16xf32, #tpu.memory_space<hbm>> -> memref<100000x16xf32, #tpu.memory_space<hbm>>
      tpu.enqueue_indirect_dma source(%dma_start3A_153 : memref<100000x16xf32, #tpu.memory_space<hbm>>) target(%dma_start3A_148 : memref<128x16xf32, #tpu.memory_space<vmem>>) offsets(%dma_start3A_150 : memref<128xi32, #tpu.memory_space<vmem>>) semaphore(%arg15 : memref<!tpu.dma_semaphore, #tpu.memory_space<semaphore_mem>>)
      %dma_start3A_154 = arith.constant 384 : i32
      %dma_start3A_155 = arith.constant 0 : i32
      %dma_start3A_156 = tpu.memref_slice %arg11[%dma_start3A_154, %dma_start3A_155] : memref<1024x16xf32, #tpu.memory_space<vmem>> -> memref<128x16xf32, #tpu.memory_space<vmem>>
      %dma_start3A_157 = arith.constant 384 : i32
      %dma_start3A_158 = tpu.memref_slice %arg8[%dma_start3A_157] : memref<1024xi32, #tpu.memory_space<vmem>> -> memref<128xi32, #tpu.memory_space<vmem>>
      %dma_start3A_159 = arith.constant 0 : i32
      %dma_start3A_160 = arith.constant 0 : i32
      %dma_start3A_161 = tpu.memref_slice %arg2[%dma_start3A_159, %dma_start3A_160] : memref<100000x16xf32, #tpu.memory_space<hbm>> -> memref<100000x16xf32, #tpu.memory_space<hbm>>
      tpu.enqueue_indirect_dma source(%dma_start3A_161 : memref<100000x16xf32, #tpu.memory_space<hbm>>) target(%dma_start3A_156 : memref<128x16xf32, #tpu.memory_space<vmem>>) offsets(%dma_start3A_158 : memref<128xi32, #tpu.memory_space<vmem>>) semaphore(%arg15 : memref<!tpu.dma_semaphore, #tpu.memory_space<semaphore_mem>>)
      %dma_start3A_162 = arith.constant 384 : i32
      %dma_start3A_163 = arith.constant 0 : i32
      %dma_start3A_164 = tpu.memref_slice %arg12[%dma_start3A_162, %dma_start3A_163] : memref<1024x16xf32, #tpu.memory_space<vmem>> -> memref<128x16xf32, #tpu.memory_space<vmem>>
      %dma_start3A_165 = arith.constant 384 : i32
      %dma_start3A_166 = tpu.memref_slice %arg9[%dma_start3A_165] : memref<1024xi32, #tpu.memory_space<vmem>> -> memref<128xi32, #tpu.memory_space<vmem>>
      %dma_start3A_167 = arith.constant 0 : i32
      %dma_start3A_168 = arith.constant 0 : i32
      %dma_start3A_169 = tpu.memref_slice %arg2[%dma_start3A_167, %dma_start3A_168] : memref<100000x16xf32, #tpu.memory_space<hbm>> -> memref<100000x16xf32, #tpu.memory_space<hbm>>
      tpu.enqueue_indirect_dma source(%dma_start3A_169 : memref<100000x16xf32, #tpu.memory_space<hbm>>) target(%dma_start3A_164 : memref<128x16xf32, #tpu.memory_space<vmem>>) offsets(%dma_start3A_166 : memref<128xi32, #tpu.memory_space<vmem>>) semaphore(%arg15 : memref<!tpu.dma_semaphore, #tpu.memory_space<semaphore_mem>>)
      %dma_start3A_170 = arith.constant 512 : i32
      %dma_start3A_171 = arith.constant 0 : i32
      %dma_start3A_172 = tpu.memref_slice %arg11[%dma_start3A_170, %dma_start3A_171] : memref<1024x16xf32, #tpu.memory_space<vmem>> -> memref<128x16xf32, #tpu.memory_space<vmem>>
      %dma_start3A_173 = arith.constant 512 : i32
      %dma_start3A_174 = tpu.memref_slice %arg8[%dma_start3A_173] : memref<1024xi32, #tpu.memory_space<vmem>> -> memref<128xi32, #tpu.memory_space<vmem>>
      %dma_start3A_175 = arith.constant 0 : i32
      %dma_start3A_176 = arith.constant 0 : i32
      %dma_start3A_177 = tpu.memref_slice %arg2[%dma_start3A_175, %dma_start3A_176] : memref<100000x16xf32, #tpu.memory_space<hbm>> -> memref<100000x16xf32, #tpu.memory_space<hbm>>
      tpu.enqueue_indirect_dma source(%dma_start3A_177 : memref<100000x16xf32, #tpu.memory_space<hbm>>) target(%dma_start3A_172 : memref<128x16xf32, #tpu.memory_space<vmem>>) offsets(%dma_start3A_174 : memref<128xi32, #tpu.memory_space<vmem>>) semaphore(%arg15 : memref<!tpu.dma_semaphore, #tpu.memory_space<semaphore_mem>>)
      %dma_start3A_178 = arith.constant 512 : i32
      %dma_start3A_179 = arith.constant 0 : i32
      %dma_start3A_180 = tpu.memref_slice %arg12[%dma_start3A_178, %dma_start3A_179] : memref<1024x16xf32, #tpu.memory_space<vmem>> -> memref<128x16xf32, #tpu.memory_space<vmem>>
      %dma_start3A_181 = arith.constant 512 : i32
      %dma_start3A_182 = tpu.memref_slice %arg9[%dma_start3A_181] : memref<1024xi32, #tpu.memory_space<vmem>> -> memref<128xi32, #tpu.memory_space<vmem>>
      %dma_start3A_183 = arith.constant 0 : i32
      %dma_start3A_184 = arith.constant 0 : i32
      %dma_start3A_185 = tpu.memref_slice %arg2[%dma_start3A_183, %dma_start3A_184] : memref<100000x16xf32, #tpu.memory_space<hbm>> -> memref<100000x16xf32, #tpu.memory_space<hbm>>
      tpu.enqueue_indirect_dma source(%dma_start3A_185 : memref<100000x16xf32, #tpu.memory_space<hbm>>) target(%dma_start3A_180 : memref<128x16xf32, #tpu.memory_space<vmem>>) offsets(%dma_start3A_182 : memref<128xi32, #tpu.memory_space<vmem>>) semaphore(%arg15 : memref<!tpu.dma_semaphore, #tpu.memory_space<semaphore_mem>>)
      %dma_start3A_186 = arith.constant 640 : i32
      %dma_start3A_187 = arith.constant 0 : i32
      %dma_start3A_188 = tpu.memref_slice %arg11[%dma_start3A_186, %dma_start3A_187] : memref<1024x16xf32, #tpu.memory_space<vmem>> -> memref<128x16xf32, #tpu.memory_space<vmem>>
      %dma_start3A_189 = arith.constant 640 : i32
      %dma_start3A_190 = tpu.memref_slice %arg8[%dma_start3A_189] : memref<1024xi32, #tpu.memory_space<vmem>> -> memref<128xi32, #tpu.memory_space<vmem>>
      %dma_start3A_191 = arith.constant 0 : i32
      %dma_start3A_192 = arith.constant 0 : i32
      %dma_start3A_193 = tpu.memref_slice %arg2[%dma_start3A_191, %dma_start3A_192] : memref<100000x16xf32, #tpu.memory_space<hbm>> -> memref<100000x16xf32, #tpu.memory_space<hbm>>
      tpu.enqueue_indirect_dma source(%dma_start3A_193 : memref<100000x16xf32, #tpu.memory_space<hbm>>) target(%dma_start3A_188 : memref<128x16xf32, #tpu.memory_space<vmem>>) offsets(%dma_start3A_190 : memref<128xi32, #tpu.memory_space<vmem>>) semaphore(%arg15 : memref<!tpu.dma_semaphore, #tpu.memory_space<semaphore_mem>>)
      %dma_start3A_194 = arith.constant 640 : i32
      %dma_start3A_195 = arith.constant 0 : i32
      %dma_start3A_196 = tpu.memref_slice %arg12[%dma_start3A_194, %dma_start3A_195] : memref<1024x16xf32, #tpu.memory_space<vmem>> -> memref<128x16xf32, #tpu.memory_space<vmem>>
      %dma_start3A_197 = arith.constant 640 : i32
      %dma_start3A_198 = tpu.memref_slice %arg9[%dma_start3A_197] : memref<1024xi32, #tpu.memory_space<vmem>> -> memref<128xi32, #tpu.memory_space<vmem>>
      %dma_start3A_199 = arith.constant 0 : i32
      %dma_start3A_200 = arith.constant 0 : i32
      %dma_start3A_201 = tpu.memref_slice %arg2[%dma_start3A_199, %dma_start3A_200] : memref<100000x16xf32, #tpu.memory_space<hbm>> -> memref<100000x16xf32, #tpu.memory_space<hbm>>
      tpu.enqueue_indirect_dma source(%dma_start3A_201 : memref<100000x16xf32, #tpu.memory_space<hbm>>) target(%dma_start3A_196 : memref<128x16xf32, #tpu.memory_space<vmem>>) offsets(%dma_start3A_198 : memref<128xi32, #tpu.memory_space<vmem>>) semaphore(%arg15 : memref<!tpu.dma_semaphore, #tpu.memory_space<semaphore_mem>>)
      %dma_start3A_202 = arith.constant 768 : i32
      %dma_start3A_203 = arith.constant 0 : i32
      %dma_start3A_204 = tpu.memref_slice %arg11[%dma_start3A_202, %dma_start3A_203] : memref<1024x16xf32, #tpu.memory_space<vmem>> -> memref<128x16xf32, #tpu.memory_space<vmem>>
      %dma_start3A_205 = arith.constant 768 : i32
      %dma_start3A_206 = tpu.memref_slice %arg8[%dma_start3A_205] : memref<1024xi32, #tpu.memory_space<vmem>> -> memref<128xi32, #tpu.memory_space<vmem>>
      %dma_start3A_207 = arith.constant 0 : i32
      %dma_start3A_208 = arith.constant 0 : i32
      %dma_start3A_209 = tpu.memref_slice %arg2[%dma_start3A_207, %dma_start3A_208] : memref<100000x16xf32, #tpu.memory_space<hbm>> -> memref<100000x16xf32, #tpu.memory_space<hbm>>
      tpu.enqueue_indirect_dma source(%dma_start3A_209 : memref<100000x16xf32, #tpu.memory_space<hbm>>) target(%dma_start3A_204 : memref<128x16xf32, #tpu.memory_space<vmem>>) offsets(%dma_start3A_206 : memref<128xi32, #tpu.memory_space<vmem>>) semaphore(%arg15 : memref<!tpu.dma_semaphore, #tpu.memory_space<semaphore_mem>>)
      %dma_start3A_210 = arith.constant 768 : i32
      %dma_start3A_211 = arith.constant 0 : i32
      %dma_start3A_212 = tpu.memref_slice %arg12[%dma_start3A_210, %dma_start3A_211] : memref<1024x16xf32, #tpu.memory_space<vmem>> -> memref<128x16xf32, #tpu.memory_space<vmem>>
      %dma_start3A_213 = arith.constant 768 : i32
      %dma_start3A_214 = tpu.memref_slice %arg9[%dma_start3A_213] : memref<1024xi32, #tpu.memory_space<vmem>> -> memref<128xi32, #tpu.memory_space<vmem>>
      %dma_start3A_215 = arith.constant 0 : i32
      %dma_start3A_216 = arith.constant 0 : i32
      %dma_start3A_217 = tpu.memref_slice %arg2[%dma_start3A_215, %dma_start3A_216] : memref<100000x16xf32, #tpu.memory_space<hbm>> -> memref<100000x16xf32, #tpu.memory_space<hbm>>
      tpu.enqueue_indirect_dma source(%dma_start3A_217 : memref<100000x16xf32, #tpu.memory_space<hbm>>) target(%dma_start3A_212 : memref<128x16xf32, #tpu.memory_space<vmem>>) offsets(%dma_start3A_214 : memref<128xi32, #tpu.memory_space<vmem>>) semaphore(%arg15 : memref<!tpu.dma_semaphore, #tpu.memory_space<semaphore_mem>>)
      %dma_start3A_218 = arith.constant 896 : i32
      %dma_start3A_219 = arith.constant 0 : i32
      %dma_start3A_220 = tpu.memref_slice %arg11[%dma_start3A_218, %dma_start3A_219] : memref<1024x16xf32, #tpu.memory_space<vmem>> -> memref<128x16xf32, #tpu.memory_space<vmem>>
      %dma_start3A_221 = arith.constant 896 : i32
      %dma_start3A_222 = tpu.memref_slice %arg8[%dma_start3A_221] : memref<1024xi32, #tpu.memory_space<vmem>> -> memref<128xi32, #tpu.memory_space<vmem>>
      %dma_start3A_223 = arith.constant 0 : i32
      %dma_start3A_224 = arith.constant 0 : i32
      %dma_start3A_225 = tpu.memref_slice %arg2[%dma_start3A_223, %dma_start3A_224] : memref<100000x16xf32, #tpu.memory_space<hbm>> -> memref<100000x16xf32, #tpu.memory_space<hbm>>
      tpu.enqueue_indirect_dma source(%dma_start3A_225 : memref<100000x16xf32, #tpu.memory_space<hbm>>) target(%dma_start3A_220 : memref<128x16xf32, #tpu.memory_space<vmem>>) offsets(%dma_start3A_222 : memref<128xi32, #tpu.memory_space<vmem>>) semaphore(%arg15 : memref<!tpu.dma_semaphore, #tpu.memory_space<semaphore_mem>>)
      %dma_start3A_226 = arith.constant 896 : i32
      %dma_start3A_227 = arith.constant 0 : i32
      %dma_start3A_228 = tpu.memref_slice %arg12[%dma_start3A_226, %dma_start3A_227] : memref<1024x16xf32, #tpu.memory_space<vmem>> -> memref<128x16xf32, #tpu.memory_space<vmem>>
      %dma_start3A_229 = arith.constant 896 : i32
      %dma_start3A_230 = tpu.memref_slice %arg9[%dma_start3A_229] : memref<1024xi32, #tpu.memory_space<vmem>> -> memref<128xi32, #tpu.memory_space<vmem>>
      %dma_start3A_231 = arith.constant 0 : i32
      %dma_start3A_232 = arith.constant 0 : i32
      %dma_start3A_233 = tpu.memref_slice %arg2[%dma_start3A_231, %dma_start3A_232] : memref<100000x16xf32, #tpu.memory_space<hbm>> -> memref<100000x16xf32, #tpu.memory_space<hbm>>
      tpu.enqueue_indirect_dma source(%dma_start3A_233 : memref<100000x16xf32, #tpu.memory_space<hbm>>) target(%dma_start3A_228 : memref<128x16xf32, #tpu.memory_space<vmem>>) offsets(%dma_start3A_230 : memref<128xi32, #tpu.memory_space<vmem>>) semaphore(%arg15 : memref<!tpu.dma_semaphore, #tpu.memory_space<semaphore_mem>>)
      %dma_wait3A_234 = tpu.memref_slice %arg5[%mul3A_99] : memref<6400000xf32, #tpu.memory_space<hbm>> -> memref<1024xf32, #tpu.memory_space<hbm>>
      %dma_wait3A_235 = tpu.memref_slice %arg5[%mul3A_99] : memref<6400000xf32, #tpu.memory_space<hbm>> -> memref<1024xf32, #tpu.memory_space<hbm>>
      tpu.wait_dma2 semaphore(%arg15 : memref<!tpu.dma_semaphore, #tpu.memory_space<semaphore_mem>>) src(%dma_wait3A_235 : memref<1024xf32, #tpu.memory_space<hbm>>) dst(%arg10 : memref<1024xf32, #tpu.memory_space<vmem>>)
      %dma_wait3A_236 = arith.constant 0 : i32
      %dma_wait3A_237 = arith.constant 0 : i32
      %dma_wait3A_238 = tpu.memref_slice %arg11[%dma_wait3A_236, %dma_wait3A_237] : memref<1024x16xf32, #tpu.memory_space<vmem>> -> memref<128x16xf32, #tpu.memory_space<vmem>>
      %dma_wait3A_239 = arith.constant 0 : i32
      %dma_wait3A_240 = tpu.memref_slice %arg8[%dma_wait3A_239] : memref<1024xi32, #tpu.memory_space<vmem>> -> memref<128xi32, #tpu.memory_space<vmem>>
      %dma_wait3A_241 = arith.constant 0 : i32
      %dma_wait3A_242 = arith.constant 0 : i32
      %dma_wait3A_243 = tpu.memref_slice %arg2[%dma_wait3A_241, %dma_wait3A_242] : memref<100000x16xf32, #tpu.memory_space<hbm>> -> memref<100000x16xf32, #tpu.memory_space<hbm>>
      tpu.wait_indirect_dma semaphore(%arg15 : memref<!tpu.dma_semaphore, #tpu.memory_space<semaphore_mem>>) src(%dma_wait3A_243 : memref<100000x16xf32, #tpu.memory_space<hbm>>) dst(%dma_wait3A_238 : memref<128x16xf32, #tpu.memory_space<vmem>>)
      %dma_wait3A_244 = arith.constant 0 : i32
      %dma_wait3A_245 = arith.constant 0 : i32
      %dma_wait3A_246 = tpu.memref_slice %arg12[%dma_wait3A_244, %dma_wait3A_245] : memref<1024x16xf32, #tpu.memory_space<vmem>> -> memref<128x16xf32, #tpu.memory_space<vmem>>
      %dma_wait3A_247 = arith.constant 0 : i32
      %dma_wait3A_248 = tpu.memref_slice %arg9[%dma_wait3A_247] : memref<1024xi32, #tpu.memory_space<vmem>> -> memref<128xi32, #tpu.memory_space<vmem>>
      %dma_wait3A_249 = arith.constant 0 : i32
      %dma_wait3A_250 = arith.constant 0 : i32
      %dma_wait3A_251 = tpu.memref_slice %arg2[%dma_wait3A_249, %dma_wait3A_250] : memref<100000x16xf32, #tpu.memory_space<hbm>> -> memref<100000x16xf32, #tpu.memory_space<hbm>>
      tpu.wait_indirect_dma semaphore(%arg15 : memref<!tpu.dma_semaphore, #tpu.memory_space<semaphore_mem>>) src(%dma_wait3A_251 : memref<100000x16xf32, #tpu.memory_space<hbm>>) dst(%dma_wait3A_246 : memref<128x16xf32, #tpu.memory_space<vmem>>)
      %scan3A = arith.constant 0 : i32
      %scan3A_252 = arith.constant 0 : i32
      %scan3A_253 = arith.constant 8 : i32
      %scan3A_254 = arith.addi %scan3A_252, %scan3A_253 : i32
      %scan3A_255 = arith.constant 2 : i32
      scf.for %scan3A_411 = %scan3A_252 to %scan3A_254 step %scan3A_255  : i32 {
        %mul3A_412 = arith.constant 16 : i32
        %mul3A_413 = arith.muli %scan3A_411, %mul3A_412 : i32
        %add3A_414 = vector.broadcast %mul3A_413 : i32 to vector<16xi32>
        %add3A_415 = arith.addi %add3A_414, %iota3A : vector<16xi32>
        %broadcast_in_dim3A_416 = arith.constant 0 : i32
        %broadcast_in_dim3A_417 = vector.broadcast %broadcast_in_dim3A_416 : i32 to vector<16xi32>
        %gather3A = tpu.vector_load_idx %arg11[%add3A_415, %broadcast_in_dim3A_417] : memref<1024x16xf32, #tpu.memory_space<vmem>>[vector<16xi32>, vector<16xi32>], vector<16xf32>,
        %broadcast_in_dim3A_418 = arith.constant 1 : i32
        %broadcast_in_dim3A_419 = vector.broadcast %broadcast_in_dim3A_418 : i32 to vector<16xi32>
        %gather3A_420 = tpu.vector_load_idx %arg11[%add3A_415, %broadcast_in_dim3A_419] : memref<1024x16xf32, #tpu.memory_space<vmem>>[vector<16xi32>, vector<16xi32>], vector<16xf32>,
        %broadcast_in_dim3A_421 = arith.constant 2 : i32
        %broadcast_in_dim3A_422 = vector.broadcast %broadcast_in_dim3A_421 : i32 to vector<16xi32>
        %gather3A_423 = tpu.vector_load_idx %arg11[%add3A_415, %broadcast_in_dim3A_422] : memref<1024x16xf32, #tpu.memory_space<vmem>>[vector<16xi32>, vector<16xi32>], vector<16xf32>,
        %broadcast_in_dim3A_424 = arith.constant 0 : i32
        %broadcast_in_dim3A_425 = vector.broadcast %broadcast_in_dim3A_424 : i32 to vector<16xi32>
        %gather3A_426 = tpu.vector_load_idx %arg12[%add3A_415, %broadcast_in_dim3A_425] : memref<1024x16xf32, #tpu.memory_space<vmem>>[vector<16xi32>, vector<16xi32>], vector<16xf32>,
        %broadcast_in_dim3A_427 = arith.constant 1 : i32
        %broadcast_in_dim3A_428 = vector.broadcast %broadcast_in_dim3A_427 : i32 to vector<16xi32>
        %gather3A_429 = tpu.vector_load_idx %arg12[%add3A_415, %broadcast_in_dim3A_428] : memref<1024x16xf32, #tpu.memory_space<vmem>>[vector<16xi32>, vector<16xi32>], vector<16xf32>,
        %broadcast_in_dim3A_430 = arith.constant 3 : i32
        %broadcast_in_dim3A_431 = vector.broadcast %broadcast_in_dim3A_430 : i32 to vector<16xi32>
        %gather3A_432 = tpu.vector_load_idx %arg12[%add3A_415, %broadcast_in_dim3A_431] : memref<1024x16xf32, #tpu.memory_space<vmem>>[vector<16xi32>, vector<16xi32>], vector<16xf32>,
        %mul3A_433 = arith.constant 16 : i32
        %mul3A_434 = arith.muli %scan3A_411, %mul3A_433 : i32
        %get3A = arith.index_cast %mul3A_434 : i32 to index
        %get3A_435 = tpu.vector_load %arg10[%get3A] {strides = array<i32>} : memref<1024xf32, #tpu.memory_space<vmem>>, vector<16xf32>,
        %convert_element_type3A = arith.fptosi %gather3A_423 : vector<16xf32> to vector<16xi32>
        %shift_right_arithmetic3A = arith.constant 10 : i32
        %shift_right_arithmetic3A_436 = vector.broadcast %shift_right_arithmetic3A : i32 to vector<16xi32>
        %shift_right_arithmetic3A_437 = arith.shrsi %convert_element_type3A, %shift_right_arithmetic3A_436 : vector<16xi32>
        %and3A = arith.constant 1023 : i32
        %and3A_438 = vector.broadcast %and3A : i32 to vector<16xi32>
        %and3A_439 = arith.andi %convert_element_type3A, %and3A_438 : vector<16xi32>
        %convert_element_type3A_440 = arith.fptosi %gather3A_432 : vector<16xf32> to vector<16xi32>
        %add3A_441 = arith.addi %and3A_439, %convert_element_type3A_440 : vector<16xi32>
        %gather3A_442 = tpu.vector_load_idx %arg13[%add3A_441] : memref<400xf32, #tpu.memory_space<vmem>>[vector<16xi32>], vector<16xf32>,
        %mul3A_443 = arith.constant 5.000000e-01 : f32
        %mul3A_444 = vector.broadcast %mul3A_443 : f32 to vector<16xf32>
        %mul3A_445 = arith.mulf %gather3A_429, %mul3A_444 : vector<16xf32>
        %add3A_446 = arith.addf %gather3A_420, %mul3A_445 : vector<16xf32>
        %sub3A = arith.constant 1.000000e+00 : f32
        %sub3A_447 = vector.broadcast %sub3A : f32 to vector<16xf32>
        %sub3A_448 = arith.subf %add3A_446, %sub3A_447 : vector<16xf32>
        %mul3A_449 = arith.mulf %sub3A_448, %gather3A_442 : vector<16xf32>
        %mul3A_450 = arith.mulf %add3A_446, %get3A_435 : vector<16xf32>
        %sub3A_451 = arith.subf %mul3A_449, %mul3A_450 : vector<16xf32>
        %exp3A = math.exp %sub3A_451 : vector<16xf32>
        %mul3A_452 = arith.constant 1.60943794 : f32
        %mul3A_453 = vector.broadcast %mul3A_452 : f32 to vector<16xf32>
        %mul3A_454 = arith.mulf %add3A_446, %mul3A_453 : vector<16xf32>
        %sub3A_455 = arith.subf %mul3A_449, %mul3A_454 : vector<16xf32>
        %exp3A_456 = math.exp %sub3A_455 : vector<16xf32>
        %mul3A_457 = arith.mulf %gather3A, %gather3A_426 : vector<16xf32>
        %abs3A = math.absf %mul3A_457 : vector<16xf32>
        %mul3A_458 = arith.constant 7.199800e+00 : f32
        %mul3A_459 = vector.broadcast %mul3A_458 : f32 to vector<16xf32>
        %mul3A_460 = arith.mulf %mul3A_459, %abs3A : vector<16xf32>
        %div3A = arith.divf %mul3A_460, %add3A_446 : vector<16xf32>
        %sub3A_461 = arith.subf %exp3A, %exp3A_456 : vector<16xf32>
        %mul3A_462 = arith.mulf %div3A, %sub3A_461 : vector<16xf32>
        %le3A = arith.constant 1.60943794 : f32
        %le3A_463 = vector.broadcast %le3A : f32 to vector<16xf32>
        %le3A_464 = arith.cmpf ole, %get3A_435, %le3A_463 : vector<16xf32>
        %jit3A_465 = arith.constant 0.000000e+00 : f32
        %broadcast_in_dim3A_466 = vector.broadcast %jit3A_465 : f32 to vector<16xf32>
        %select_n3A_467 = arith.select %le3A_464, %mul3A_462, %broadcast_in_dim3A_466 : vector<16xi1>, vector<16xf32>
        tpu.vector_store_idx %arg14[%shift_right_arithmetic3A_437], %select_n3A_467 {add = true} : memref<512xf32, #tpu.memory_space<vmem>>[vector<16xi32>], vector<16xf32>,
        %scan3A_468 = arith.constant 1 : i32
        %scan3A_469 = arith.addi %scan3A_411, %scan3A_468 : i32
        %mul3A_470 = arith.constant 16 : i32
        %mul3A_471 = arith.muli %scan3A_469, %mul3A_470 : i32
        %add3A_472 = vector.broadcast %mul3A_471 : i32 to vector<16xi32>
        %add3A_473 = arith.addi %add3A_472, %iota3A : vector<16xi32>
        %broadcast_in_dim3A_474 = arith.constant 0 : i32
        %broadcast_in_dim3A_475 = vector.broadcast %broadcast_in_dim3A_474 : i32 to vector<16xi32>
        %gather3A_476 = tpu.vector_load_idx %arg11[%add3A_473, %broadcast_in_dim3A_475] : memref<1024x16xf32, #tpu.memory_space<vmem>>[vector<16xi32>, vector<16xi32>], vector<16xf32>,
        %broadcast_in_dim3A_477 = arith.constant 1 : i32
        %broadcast_in_dim3A_478 = vector.broadcast %broadcast_in_dim3A_477 : i32 to vector<16xi32>
        %gather3A_479 = tpu.vector_load_idx %arg11[%add3A_473, %broadcast_in_dim3A_478] : memref<1024x16xf32, #tpu.memory_space<vmem>>[vector<16xi32>, vector<16xi32>], vector<16xf32>,
        %broadcast_in_dim3A_480 = arith.constant 2 : i32
        %broadcast_in_dim3A_481 = vector.broadcast %broadcast_in_dim3A_480 : i32 to vector<16xi32>
        %gather3A_482 = tpu.vector_load_idx %arg11[%add3A_473, %broadcast_in_dim3A_481] : memref<1024x16xf32, #tpu.memory_space<vmem>>[vector<16xi32>, vector<16xi32>], vector<16xf32>,
        %broadcast_in_dim3A_483 = arith.constant 0 : i32
        %broadcast_in_dim3A_484 = vector.broadcast %broadcast_in_dim3A_483 : i32 to vector<16xi32>
        %gather3A_485 = tpu.vector_load_idx %arg12[%add3A_473, %broadcast_in_dim3A_484] : memref<1024x16xf32, #tpu.memory_space<vmem>>[vector<16xi32>, vector<16xi32>], vector<16xf32>,
        %broadcast_in_dim3A_486 = arith.constant 1 : i32
        %broadcast_in_dim3A_487 = vector.broadcast %broadcast_in_dim3A_486 : i32 to vector<16xi32>
        %gather3A_488 = tpu.vector_load_idx %arg12[%add3A_473, %broadcast_in_dim3A_487] : memref<1024x16xf32, #tpu.memory_space<vmem>>[vector<16xi32>, vector<16xi32>], vector<16xf32>,
        %broadcast_in_dim3A_489 = arith.constant 3 : i32
        %broadcast_in_dim3A_490 = vector.broadcast %broadcast_in_dim3A_489 : i32 to vector<16xi32>
        %gather3A_491 = tpu.vector_load_idx %arg12[%add3A_473, %broadcast_in_dim3A_490] : memref<1024x16xf32, #tpu.memory_space<vmem>>[vector<16xi32>, vector<16xi32>], vector<16xf32>,
        %mul3A_492 = arith.constant 16 : i32
        %mul3A_493 = arith.muli %scan3A_469, %mul3A_492 : i32
        %get3A_494 = arith.index_cast %mul3A_493 : i32 to index
        %get3A_495 = tpu.vector_load %arg10[%get3A_494] {strides = array<i32>} : memref<1024xf32, #tpu.memory_space<vmem>>, vector<16xf32>,
        %convert_element_type3A_496 = arith.fptosi %gather3A_482 : vector<16xf32> to vector<16xi32>
        %shift_right_arithmetic3A_497 = arith.constant 10 : i32
        %shift_right_arithmetic3A_498 = vector.broadcast %shift_right_arithmetic3A_497 : i32 to vector<16xi32>
        %shift_right_arithmetic3A_499 = arith.shrsi %convert_element_type3A_496, %shift_right_arithmetic3A_498 : vector<16xi32>
        %and3A_500 = arith.constant 1023 : i32
        %and3A_501 = vector.broadcast %and3A_500 : i32 to vector<16xi32>
        %and3A_502 = arith.andi %convert_element_type3A_496, %and3A_501 : vector<16xi32>
        %convert_element_type3A_503 = arith.fptosi %gather3A_491 : vector<16xf32> to vector<16xi32>
        %add3A_504 = arith.addi %and3A_502, %convert_element_type3A_503 : vector<16xi32>
        %gather3A_505 = tpu.vector_load_idx %arg13[%add3A_504] : memref<400xf32, #tpu.memory_space<vmem>>[vector<16xi32>], vector<16xf32>,
        %mul3A_506 = arith.constant 5.000000e-01 : f32
        %mul3A_507 = vector.broadcast %mul3A_506 : f32 to vector<16xf32>
        %mul3A_508 = arith.mulf %gather3A_488, %mul3A_507 : vector<16xf32>
        %add3A_509 = arith.addf %gather3A_479, %mul3A_508 : vector<16xf32>
        %sub3A_510 = arith.constant 1.000000e+00 : f32
        %sub3A_511 = vector.broadcast %sub3A_510 : f32 to vector<16xf32>
        %sub3A_512 = arith.subf %add3A_509, %sub3A_511 : vector<16xf32>
        %mul3A_513 = arith.mulf %sub3A_512, %gather3A_505 : vector<16xf32>
        %mul3A_514 = arith.mulf %add3A_509, %get3A_495 : vector<16xf32>
        %sub3A_515 = arith.subf %mul3A_513, %mul3A_514 : vector<16xf32>
        %exp3A_516 = math.exp %sub3A_515 : vector<16xf32>
        %mul3A_517 = arith.constant 1.60943794 : f32
        %mul3A_518 = vector.broadcast %mul3A_517 : f32 to vector<16xf32>
        %mul3A_519 = arith.mulf %add3A_509, %mul3A_518 : vector<16xf32>
        %sub3A_520 = arith.subf %mul3A_513, %mul3A_519 : vector<16xf32>
        %exp3A_521 = math.exp %sub3A_520 : vector<16xf32>
        %mul3A_522 = arith.mulf %gather3A_476, %gather3A_485 : vector<16xf32>
        %abs3A_523 = math.absf %mul3A_522 : vector<16xf32>
        %mul3A_524 = arith.constant 7.199800e+00 : f32
        %mul3A_525 = vector.broadcast %mul3A_524 : f32 to vector<16xf32>
        %mul3A_526 = arith.mulf %mul3A_525, %abs3A_523 : vector<16xf32>
        %div3A_527 = arith.divf %mul3A_526, %add3A_509 : vector<16xf32>
        %sub3A_528 = arith.subf %exp3A_516, %exp3A_521 : vector<16xf32>
        %mul3A_529 = arith.mulf %div3A_527, %sub3A_528 : vector<16xf32>
        %le3A_530 = arith.constant 1.60943794 : f32
        %le3A_531 = vector.broadcast %le3A_530 : f32 to vector<16xf32>
        %le3A_532 = arith.cmpf ole, %get3A_495, %le3A_531 : vector<16xf32>
        %jit3A_533 = arith.constant 0.000000e+00 : f32
        %broadcast_in_dim3A_534 = vector.broadcast %jit3A_533 : f32 to vector<16xf32>
        %select_n3A_535 = arith.select %le3A_532, %mul3A_529, %broadcast_in_dim3A_534 : vector<16xi1>, vector<16xf32>
        tpu.vector_store_idx %arg14[%shift_right_arithmetic3A_499], %select_n3A_535 {add = true} : memref<512xf32, #tpu.memory_space<vmem>>[vector<16xi32>], vector<16xf32>,
      }
      %scan3A_256 = arith.constant 8 : i32
      %dma_wait3A_257 = arith.constant 128 : i32
      %dma_wait3A_258 = arith.constant 0 : i32
      %dma_wait3A_259 = tpu.memref_slice %arg11[%dma_wait3A_257, %dma_wait3A_258] : memref<1024x16xf32, #tpu.memory_space<vmem>> -> memref<128x16xf32, #tpu.memory_space<vmem>>
      %dma_wait3A_260 = arith.constant 128 : i32
      %dma_wait3A_261 = tpu.memref_slice %arg8[%dma_wait3A_260] : memref<1024xi32, #tpu.memory_space<vmem>> -> memref<128xi32, #tpu.memory_space<vmem>>
      %dma_wait3A_262 = arith.constant 0 : i32
      %dma_wait3A_263 = arith.constant 0 : i32
      %dma_wait3A_264 = tpu.memref_slice %arg2[%dma_wait3A_262, %dma_wait3A_263] : memref<100000x16xf32, #tpu.memory_space<hbm>> -> memref<100000x16xf32, #tpu.memory_space<hbm>>
      tpu.wait_indirect_dma semaphore(%arg15 : memref<!tpu.dma_semaphore, #tpu.memory_space<semaphore_mem>>) src(%dma_wait3A_264 : memref<100000x16xf32, #tpu.memory_space<hbm>>) dst(%dma_wait3A_259 : memref<128x16xf32, #tpu.memory_space<vmem>>)
      %dma_wait3A_265 = arith.constant 128 : i32
      %dma_wait3A_266 = arith.constant 0 : i32
      %dma_wait3A_267 = tpu.memref_slice %arg12[%dma_wait3A_265, %dma_wait3A_266] : memref<1024x16xf32, #tpu.memory_space<vmem>> -> memref<128x16xf32, #tpu.memory_space<vmem>>
      %dma_wait3A_268 = arith.constant 128 : i32
      %dma_wait3A_269 = tpu.memref_slice %arg9[%dma_wait3A_268] : memref<1024xi32, #tpu.memory_space<vmem>> -> memref<128xi32, #tpu.memory_space<vmem>>
      %dma_wait3A_270 = arith.constant 0 : i32
      %dma_wait3A_271 = arith.constant 0 : i32
      %dma_wait3A_272 = tpu.memref_slice %arg2[%dma_wait3A_270, %dma_wait3A_271] : memref<100000x16xf32, #tpu.memory_space<hbm>> -> memref<100000x16xf32, #tpu.memory_space<hbm>>
      tpu.wait_indirect_dma semaphore(%arg15 : memref<!tpu.dma_semaphore, #tpu.memory_space<semaphore_mem>>) src(%dma_wait3A_272 : memref<100000x16xf32, #tpu.memory_space<hbm>>) dst(%dma_wait3A_267 : memref<128x16xf32, #tpu.memory_space<vmem>>)
      %scan3A_273 = arith.constant 0 : i32
      %scan3A_274 = arith.constant 8 : i32
      %scan3A_275 = arith.constant 8 : i32
      %scan3A_276 = arith.addi %scan3A_274, %scan3A_275 : i32
      %scan3A_277 = arith.constant 2 : i32
      scf.for %scan3A_411 = %scan3A_274 to %scan3A_276 step %scan3A_277  : i32 {
        %mul3A_412 = arith.constant 16 : i32
        %mul3A_413 = arith.muli %scan3A_411, %mul3A_412 : i32
        %add3A_414 = vector.broadcast %mul3A_413 : i32 to vector<16xi32>
        %add3A_415 = arith.addi %add3A_414, %iota3A : vector<16xi32>
        %broadcast_in_dim3A_416 = arith.constant 0 : i32
        %broadcast_in_dim3A_417 = vector.broadcast %broadcast_in_dim3A_416 : i32 to vector<16xi32>
        %gather3A = tpu.vector_load_idx %arg11[%add3A_415, %broadcast_in_dim3A_417] : memref<1024x16xf32, #tpu.memory_space<vmem>>[vector<16xi32>, vector<16xi32>], vector<16xf32>,
        %broadcast_in_dim3A_418 = arith.constant 1 : i32
        %broadcast_in_dim3A_419 = vector.broadcast %broadcast_in_dim3A_418 : i32 to vector<16xi32>
        %gather3A_420 = tpu.vector_load_idx %arg11[%add3A_415, %broadcast_in_dim3A_419] : memref<1024x16xf32, #tpu.memory_space<vmem>>[vector<16xi32>, vector<16xi32>], vector<16xf32>,
        %broadcast_in_dim3A_421 = arith.constant 2 : i32
        %broadcast_in_dim3A_422 = vector.broadcast %broadcast_in_dim3A_421 : i32 to vector<16xi32>
        %gather3A_423 = tpu.vector_load_idx %arg11[%add3A_415, %broadcast_in_dim3A_422] : memref<1024x16xf32, #tpu.memory_space<vmem>>[vector<16xi32>, vector<16xi32>], vector<16xf32>,
        %broadcast_in_dim3A_424 = arith.constant 0 : i32
        %broadcast_in_dim3A_425 = vector.broadcast %broadcast_in_dim3A_424 : i32 to vector<16xi32>
        %gather3A_426 = tpu.vector_load_idx %arg12[%add3A_415, %broadcast_in_dim3A_425] : memref<1024x16xf32, #tpu.memory_space<vmem>>[vector<16xi32>, vector<16xi32>], vector<16xf32>,
        %broadcast_in_dim3A_427 = arith.constant 1 : i32
        %broadcast_in_dim3A_428 = vector.broadcast %broadcast_in_dim3A_427 : i32 to vector<16xi32>
        %gather3A_429 = tpu.vector_load_idx %arg12[%add3A_415, %broadcast_in_dim3A_428] : memref<1024x16xf32, #tpu.memory_space<vmem>>[vector<16xi32>, vector<16xi32>], vector<16xf32>,
        %broadcast_in_dim3A_430 = arith.constant 3 : i32
        %broadcast_in_dim3A_431 = vector.broadcast %broadcast_in_dim3A_430 : i32 to vector<16xi32>
        %gather3A_432 = tpu.vector_load_idx %arg12[%add3A_415, %broadcast_in_dim3A_431] : memref<1024x16xf32, #tpu.memory_space<vmem>>[vector<16xi32>, vector<16xi32>], vector<16xf32>,
        %mul3A_433 = arith.constant 16 : i32
        %mul3A_434 = arith.muli %scan3A_411, %mul3A_433 : i32
        %get3A = arith.index_cast %mul3A_434 : i32 to index
        %get3A_435 = tpu.vector_load %arg10[%get3A] {strides = array<i32>} : memref<1024xf32, #tpu.memory_space<vmem>>, vector<16xf32>,
        %convert_element_type3A = arith.fptosi %gather3A_423 : vector<16xf32> to vector<16xi32>
        %shift_right_arithmetic3A = arith.constant 10 : i32
        %shift_right_arithmetic3A_436 = vector.broadcast %shift_right_arithmetic3A : i32 to vector<16xi32>
        %shift_right_arithmetic3A_437 = arith.shrsi %convert_element_type3A, %shift_right_arithmetic3A_436 : vector<16xi32>
        %and3A = arith.constant 1023 : i32
        %and3A_438 = vector.broadcast %and3A : i32 to vector<16xi32>
        %and3A_439 = arith.andi %convert_element_type3A, %and3A_438 : vector<16xi32>
        %convert_element_type3A_440 = arith.fptosi %gather3A_432 : vector<16xf32> to vector<16xi32>
        %add3A_441 = arith.addi %and3A_439, %convert_element_type3A_440 : vector<16xi32>
        %gather3A_442 = tpu.vector_load_idx %arg13[%add3A_441] : memref<400xf32, #tpu.memory_space<vmem>>[vector<16xi32>], vector<16xf32>,
        %mul3A_443 = arith.constant 5.000000e-01 : f32
        %mul3A_444 = vector.broadcast %mul3A_443 : f32 to vector<16xf32>
        %mul3A_445 = arith.mulf %gather3A_429, %mul3A_444 : vector<16xf32>
        %add3A_446 = arith.addf %gather3A_420, %mul3A_445 : vector<16xf32>
        %sub3A = arith.constant 1.000000e+00 : f32
        %sub3A_447 = vector.broadcast %sub3A : f32 to vector<16xf32>
        %sub3A_448 = arith.subf %add3A_446, %sub3A_447 : vector<16xf32>
        %mul3A_449 = arith.mulf %sub3A_448, %gather3A_442 : vector<16xf32>
        %mul3A_450 = arith.mulf %add3A_446, %get3A_435 : vector<16xf32>
        %sub3A_451 = arith.subf %mul3A_449, %mul3A_450 : vector<16xf32>
        %exp3A = math.exp %sub3A_451 : vector<16xf32>
        %mul3A_452 = arith.constant 1.60943794 : f32
        %mul3A_453 = vector.broadcast %mul3A_452 : f32 to vector<16xf32>
        %mul3A_454 = arith.mulf %add3A_446, %mul3A_453 : vector<16xf32>
        %sub3A_455 = arith.subf %mul3A_449, %mul3A_454 : vector<16xf32>
        %exp3A_456 = math.exp %sub3A_455 : vector<16xf32>
        %mul3A_457 = arith.mulf %gather3A, %gather3A_426 : vector<16xf32>
        %abs3A = math.absf %mul3A_457 : vector<16xf32>
        %mul3A_458 = arith.constant 7.199800e+00 : f32
        %mul3A_459 = vector.broadcast %mul3A_458 : f32 to vector<16xf32>
        %mul3A_460 = arith.mulf %mul3A_459, %abs3A : vector<16xf32>
        %div3A = arith.divf %mul3A_460, %add3A_446 : vector<16xf32>
        %sub3A_461 = arith.subf %exp3A, %exp3A_456 : vector<16xf32>
        %mul3A_462 = arith.mulf %div3A, %sub3A_461 : vector<16xf32>
        %le3A = arith.constant 1.60943794 : f32
        %le3A_463 = vector.broadcast %le3A : f32 to vector<16xf32>
        %le3A_464 = arith.cmpf ole, %get3A_435, %le3A_463 : vector<16xf32>
        %jit3A_465 = arith.constant 0.000000e+00 : f32
        %broadcast_in_dim3A_466 = vector.broadcast %jit3A_465 : f32 to vector<16xf32>
        %select_n3A_467 = arith.select %le3A_464, %mul3A_462, %broadcast_in_dim3A_466 : vector<16xi1>, vector<16xf32>
        tpu.vector_store_idx %arg14[%shift_right_arithmetic3A_437], %select_n3A_467 {add = true} : memref<512xf32, #tpu.memory_space<vmem>>[vector<16xi32>], vector<16xf32>,
        %scan3A_468 = arith.constant 1 : i32
        %scan3A_469 = arith.addi %scan3A_411, %scan3A_468 : i32
        %mul3A_470 = arith.constant 16 : i32
        %mul3A_471 = arith.muli %scan3A_469, %mul3A_470 : i32
        %add3A_472 = vector.broadcast %mul3A_471 : i32 to vector<16xi32>
        %add3A_473 = arith.addi %add3A_472, %iota3A : vector<16xi32>
        %broadcast_in_dim3A_474 = arith.constant 0 : i32
        %broadcast_in_dim3A_475 = vector.broadcast %broadcast_in_dim3A_474 : i32 to vector<16xi32>
        %gather3A_476 = tpu.vector_load_idx %arg11[%add3A_473, %broadcast_in_dim3A_475] : memref<1024x16xf32, #tpu.memory_space<vmem>>[vector<16xi32>, vector<16xi32>], vector<16xf32>,
        %broadcast_in_dim3A_477 = arith.constant 1 : i32
        %broadcast_in_dim3A_478 = vector.broadcast %broadcast_in_dim3A_477 : i32 to vector<16xi32>
        %gather3A_479 = tpu.vector_load_idx %arg11[%add3A_473, %broadcast_in_dim3A_478] : memref<1024x16xf32, #tpu.memory_space<vmem>>[vector<16xi32>, vector<16xi32>], vector<16xf32>,
        %broadcast_in_dim3A_480 = arith.constant 2 : i32
        %broadcast_in_dim3A_481 = vector.broadcast %broadcast_in_dim3A_480 : i32 to vector<16xi32>
        %gather3A_482 = tpu.vector_load_idx %arg11[%add3A_473, %broadcast_in_dim3A_481] : memref<1024x16xf32, #tpu.memory_space<vmem>>[vector<16xi32>, vector<16xi32>], vector<16xf32>,
        %broadcast_in_dim3A_483 = arith.constant 0 : i32
        %broadcast_in_dim3A_484 = vector.broadcast %broadcast_in_dim3A_483 : i32 to vector<16xi32>
        %gather3A_485 = tpu.vector_load_idx %arg12[%add3A_473, %broadcast_in_dim3A_484] : memref<1024x16xf32, #tpu.memory_space<vmem>>[vector<16xi32>, vector<16xi32>], vector<16xf32>,
        %broadcast_in_dim3A_486 = arith.constant 1 : i32
        %broadcast_in_dim3A_487 = vector.broadcast %broadcast_in_dim3A_486 : i32 to vector<16xi32>
        %gather3A_488 = tpu.vector_load_idx %arg12[%add3A_473, %broadcast_in_dim3A_487] : memref<1024x16xf32, #tpu.memory_space<vmem>>[vector<16xi32>, vector<16xi32>], vector<16xf32>,
        %broadcast_in_dim3A_489 = arith.constant 3 : i32
        %broadcast_in_dim3A_490 = vector.broadcast %broadcast_in_dim3A_489 : i32 to vector<16xi32>
        %gather3A_491 = tpu.vector_load_idx %arg12[%add3A_473, %broadcast_in_dim3A_490] : memref<1024x16xf32, #tpu.memory_space<vmem>>[vector<16xi32>, vector<16xi32>], vector<16xf32>,
        %mul3A_492 = arith.constant 16 : i32
        %mul3A_493 = arith.muli %scan3A_469, %mul3A_492 : i32
        %get3A_494 = arith.index_cast %mul3A_493 : i32 to index
        %get3A_495 = tpu.vector_load %arg10[%get3A_494] {strides = array<i32>} : memref<1024xf32, #tpu.memory_space<vmem>>, vector<16xf32>,
        %convert_element_type3A_496 = arith.fptosi %gather3A_482 : vector<16xf32> to vector<16xi32>
        %shift_right_arithmetic3A_497 = arith.constant 10 : i32
        %shift_right_arithmetic3A_498 = vector.broadcast %shift_right_arithmetic3A_497 : i32 to vector<16xi32>
        %shift_right_arithmetic3A_499 = arith.shrsi %convert_element_type3A_496, %shift_right_arithmetic3A_498 : vector<16xi32>
        %and3A_500 = arith.constant 1023 : i32
        %and3A_501 = vector.broadcast %and3A_500 : i32 to vector<16xi32>
        %and3A_502 = arith.andi %convert_element_type3A_496, %and3A_501 : vector<16xi32>
        %convert_element_type3A_503 = arith.fptosi %gather3A_491 : vector<16xf32> to vector<16xi32>
        %add3A_504 = arith.addi %and3A_502, %convert_element_type3A_503 : vector<16xi32>
        %gather3A_505 = tpu.vector_load_idx %arg13[%add3A_504] : memref<400xf32, #tpu.memory_space<vmem>>[vector<16xi32>], vector<16xf32>,
        %mul3A_506 = arith.constant 5.000000e-01 : f32
        %mul3A_507 = vector.broadcast %mul3A_506 : f32 to vector<16xf32>
        %mul3A_508 = arith.mulf %gather3A_488, %mul3A_507 : vector<16xf32>
        %add3A_509 = arith.addf %gather3A_479, %mul3A_508 : vector<16xf32>
        %sub3A_510 = arith.constant 1.000000e+00 : f32
        %sub3A_511 = vector.broadcast %sub3A_510 : f32 to vector<16xf32>
        %sub3A_512 = arith.subf %add3A_509, %sub3A_511 : vector<16xf32>
        %mul3A_513 = arith.mulf %sub3A_512, %gather3A_505 : vector<16xf32>
        %mul3A_514 = arith.mulf %add3A_509, %get3A_495 : vector<16xf32>
        %sub3A_515 = arith.subf %mul3A_513, %mul3A_514 : vector<16xf32>
        %exp3A_516 = math.exp %sub3A_515 : vector<16xf32>
        %mul3A_517 = arith.constant 1.60943794 : f32
        %mul3A_518 = vector.broadcast %mul3A_517 : f32 to vector<16xf32>
        %mul3A_519 = arith.mulf %add3A_509, %mul3A_518 : vector<16xf32>
        %sub3A_520 = arith.subf %mul3A_513, %mul3A_519 : vector<16xf32>
        %exp3A_521 = math.exp %sub3A_520 : vector<16xf32>
        %mul3A_522 = arith.mulf %gather3A_476, %gather3A_485 : vector<16xf32>
        %abs3A_523 = math.absf %mul3A_522 : vector<16xf32>
        %mul3A_524 = arith.constant 7.199800e+00 : f32
        %mul3A_525 = vector.broadcast %mul3A_524 : f32 to vector<16xf32>
        %mul3A_526 = arith.mulf %mul3A_525, %abs3A_523 : vector<16xf32>
        %div3A_527 = arith.divf %mul3A_526, %add3A_509 : vector<16xf32>
        %sub3A_528 = arith.subf %exp3A_516, %exp3A_521 : vector<16xf32>
        %mul3A_529 = arith.mulf %div3A_527, %sub3A_528 : vector<16xf32>
        %le3A_530 = arith.constant 1.60943794 : f32
        %le3A_531 = vector.broadcast %le3A_530 : f32 to vector<16xf32>
        %le3A_532 = arith.cmpf ole, %get3A_495, %le3A_531 : vector<16xf32>
        %jit3A_533 = arith.constant 0.000000e+00 : f32
        %broadcast_in_dim3A_534 = vector.broadcast %jit3A_533 : f32 to vector<16xf32>
        %select_n3A_535 = arith.select %le3A_532, %mul3A_529, %broadcast_in_dim3A_534 : vector<16xi1>, vector<16xf32>
        tpu.vector_store_idx %arg14[%shift_right_arithmetic3A_499], %select_n3A_535 {add = true} : memref<512xf32, #tpu.memory_space<vmem>>[vector<16xi32>], vector<16xf32>,
      }
      %scan3A_278 = arith.constant 8 : i32
      %dma_wait3A_279 = arith.constant 256 : i32
      %dma_wait3A_280 = arith.constant 0 : i32
      %dma_wait3A_281 = tpu.memref_slice %arg11[%dma_wait3A_279, %dma_wait3A_280] : memref<1024x16xf32, #tpu.memory_space<vmem>> -> memref<128x16xf32, #tpu.memory_space<vmem>>
      %dma_wait3A_282 = arith.constant 256 : i32
      %dma_wait3A_283 = tpu.memref_slice %arg8[%dma_wait3A_282] : memref<1024xi32, #tpu.memory_space<vmem>> -> memref<128xi32, #tpu.memory_space<vmem>>
      %dma_wait3A_284 = arith.constant 0 : i32
      %dma_wait3A_285 = arith.constant 0 : i32
      %dma_wait3A_286 = tpu.memref_slice %arg2[%dma_wait3A_284, %dma_wait3A_285] : memref<100000x16xf32, #tpu.memory_space<hbm>> -> memref<100000x16xf32, #tpu.memory_space<hbm>>
      tpu.wait_indirect_dma semaphore(%arg15 : memref<!tpu.dma_semaphore, #tpu.memory_space<semaphore_mem>>) src(%dma_wait3A_286 : memref<100000x16xf32, #tpu.memory_space<hbm>>) dst(%dma_wait3A_281 : memref<128x16xf32, #tpu.memory_space<vmem>>)
      %dma_wait3A_287 = arith.constant 256 : i32
      %dma_wait3A_288 = arith.constant 0 : i32
      %dma_wait3A_289 = tpu.memref_slice %arg12[%dma_wait3A_287, %dma_wait3A_288] : memref<1024x16xf32, #tpu.memory_space<vmem>> -> memref<128x16xf32, #tpu.memory_space<vmem>>
      %dma_wait3A_290 = arith.constant 256 : i32
      %dma_wait3A_291 = tpu.memref_slice %arg9[%dma_wait3A_290] : memref<1024xi32, #tpu.memory_space<vmem>> -> memref<128xi32, #tpu.memory_space<vmem>>
      %dma_wait3A_292 = arith.constant 0 : i32
      %dma_wait3A_293 = arith.constant 0 : i32
      %dma_wait3A_294 = tpu.memref_slice %arg2[%dma_wait3A_292, %dma_wait3A_293] : memref<100000x16xf32, #tpu.memory_space<hbm>> -> memref<100000x16xf32, #tpu.memory_space<hbm>>
      tpu.wait_indirect_dma semaphore(%arg15 : memref<!tpu.dma_semaphore, #tpu.memory_space<semaphore_mem>>) src(%dma_wait3A_294 : memref<100000x16xf32, #tpu.memory_space<hbm>>) dst(%dma_wait3A_289 : memref<128x16xf32, #tpu.memory_space<vmem>>)
      %scan3A_295 = arith.constant 0 : i32
      %scan3A_296 = arith.constant 16 : i32
      %scan3A_297 = arith.constant 8 : i32
      %scan3A_298 = arith.addi %scan3A_296, %scan3A_297 : i32
      %scan3A_299 = arith.constant 2 : i32
      scf.for %scan3A_411 = %scan3A_296 to %scan3A_298 step %scan3A_299  : i32 {
        %mul3A_412 = arith.constant 16 : i32
        %mul3A_413 = arith.muli %scan3A_411, %mul3A_412 : i32
        %add3A_414 = vector.broadcast %mul3A_413 : i32 to vector<16xi32>
        %add3A_415 = arith.addi %add3A_414, %iota3A : vector<16xi32>
        %broadcast_in_dim3A_416 = arith.constant 0 : i32
        %broadcast_in_dim3A_417 = vector.broadcast %broadcast_in_dim3A_416 : i32 to vector<16xi32>
        %gather3A = tpu.vector_load_idx %arg11[%add3A_415, %broadcast_in_dim3A_417] : memref<1024x16xf32, #tpu.memory_space<vmem>>[vector<16xi32>, vector<16xi32>], vector<16xf32>,
        %broadcast_in_dim3A_418 = arith.constant 1 : i32
        %broadcast_in_dim3A_419 = vector.broadcast %broadcast_in_dim3A_418 : i32 to vector<16xi32>
        %gather3A_420 = tpu.vector_load_idx %arg11[%add3A_415, %broadcast_in_dim3A_419] : memref<1024x16xf32, #tpu.memory_space<vmem>>[vector<16xi32>, vector<16xi32>], vector<16xf32>,
        %broadcast_in_dim3A_421 = arith.constant 2 : i32
        %broadcast_in_dim3A_422 = vector.broadcast %broadcast_in_dim3A_421 : i32 to vector<16xi32>
        %gather3A_423 = tpu.vector_load_idx %arg11[%add3A_415, %broadcast_in_dim3A_422] : memref<1024x16xf32, #tpu.memory_space<vmem>>[vector<16xi32>, vector<16xi32>], vector<16xf32>,
        %broadcast_in_dim3A_424 = arith.constant 0 : i32
        %broadcast_in_dim3A_425 = vector.broadcast %broadcast_in_dim3A_424 : i32 to vector<16xi32>
        %gather3A_426 = tpu.vector_load_idx %arg12[%add3A_415, %broadcast_in_dim3A_425] : memref<1024x16xf32, #tpu.memory_space<vmem>>[vector<16xi32>, vector<16xi32>], vector<16xf32>,
        %broadcast_in_dim3A_427 = arith.constant 1 : i32
        %broadcast_in_dim3A_428 = vector.broadcast %broadcast_in_dim3A_427 : i32 to vector<16xi32>
        %gather3A_429 = tpu.vector_load_idx %arg12[%add3A_415, %broadcast_in_dim3A_428] : memref<1024x16xf32, #tpu.memory_space<vmem>>[vector<16xi32>, vector<16xi32>], vector<16xf32>,
        %broadcast_in_dim3A_430 = arith.constant 3 : i32
        %broadcast_in_dim3A_431 = vector.broadcast %broadcast_in_dim3A_430 : i32 to vector<16xi32>
        %gather3A_432 = tpu.vector_load_idx %arg12[%add3A_415, %broadcast_in_dim3A_431] : memref<1024x16xf32, #tpu.memory_space<vmem>>[vector<16xi32>, vector<16xi32>], vector<16xf32>,
        %mul3A_433 = arith.constant 16 : i32
        %mul3A_434 = arith.muli %scan3A_411, %mul3A_433 : i32
        %get3A = arith.index_cast %mul3A_434 : i32 to index
        %get3A_435 = tpu.vector_load %arg10[%get3A] {strides = array<i32>} : memref<1024xf32, #tpu.memory_space<vmem>>, vector<16xf32>,
        %convert_element_type3A = arith.fptosi %gather3A_423 : vector<16xf32> to vector<16xi32>
        %shift_right_arithmetic3A = arith.constant 10 : i32
        %shift_right_arithmetic3A_436 = vector.broadcast %shift_right_arithmetic3A : i32 to vector<16xi32>
        %shift_right_arithmetic3A_437 = arith.shrsi %convert_element_type3A, %shift_right_arithmetic3A_436 : vector<16xi32>
        %and3A = arith.constant 1023 : i32
        %and3A_438 = vector.broadcast %and3A : i32 to vector<16xi32>
        %and3A_439 = arith.andi %convert_element_type3A, %and3A_438 : vector<16xi32>
        %convert_element_type3A_440 = arith.fptosi %gather3A_432 : vector<16xf32> to vector<16xi32>
        %add3A_441 = arith.addi %and3A_439, %convert_element_type3A_440 : vector<16xi32>
        %gather3A_442 = tpu.vector_load_idx %arg13[%add3A_441] : memref<400xf32, #tpu.memory_space<vmem>>[vector<16xi32>], vector<16xf32>,
        %mul3A_443 = arith.constant 5.000000e-01 : f32
        %mul3A_444 = vector.broadcast %mul3A_443 : f32 to vector<16xf32>
        %mul3A_445 = arith.mulf %gather3A_429, %mul3A_444 : vector<16xf32>
        %add3A_446 = arith.addf %gather3A_420, %mul3A_445 : vector<16xf32>
        %sub3A = arith.constant 1.000000e+00 : f32
        %sub3A_447 = vector.broadcast %sub3A : f32 to vector<16xf32>
        %sub3A_448 = arith.subf %add3A_446, %sub3A_447 : vector<16xf32>
        %mul3A_449 = arith.mulf %sub3A_448, %gather3A_442 : vector<16xf32>
        %mul3A_450 = arith.mulf %add3A_446, %get3A_435 : vector<16xf32>
        %sub3A_451 = arith.subf %mul3A_449, %mul3A_450 : vector<16xf32>
        %exp3A = math.exp %sub3A_451 : vector<16xf32>
        %mul3A_452 = arith.constant 1.60943794 : f32
        %mul3A_453 = vector.broadcast %mul3A_452 : f32 to vector<16xf32>
        %mul3A_454 = arith.mulf %add3A_446, %mul3A_453 : vector<16xf32>
        %sub3A_455 = arith.subf %mul3A_449, %mul3A_454 : vector<16xf32>
        %exp3A_456 = math.exp %sub3A_455 : vector<16xf32>
        %mul3A_457 = arith.mulf %gather3A, %gather3A_426 : vector<16xf32>
        %abs3A = math.absf %mul3A_457 : vector<16xf32>
        %mul3A_458 = arith.constant 7.199800e+00 : f32
        %mul3A_459 = vector.broadcast %mul3A_458 : f32 to vector<16xf32>
        %mul3A_460 = arith.mulf %mul3A_459, %abs3A : vector<16xf32>
        %div3A = arith.divf %mul3A_460, %add3A_446 : vector<16xf32>
        %sub3A_461 = arith.subf %exp3A, %exp3A_456 : vector<16xf32>
        %mul3A_462 = arith.mulf %div3A, %sub3A_461 : vector<16xf32>
        %le3A = arith.constant 1.60943794 : f32
        %le3A_463 = vector.broadcast %le3A : f32 to vector<16xf32>
        %le3A_464 = arith.cmpf ole, %get3A_435, %le3A_463 : vector<16xf32>
        %jit3A_465 = arith.constant 0.000000e+00 : f32
        %broadcast_in_dim3A_466 = vector.broadcast %jit3A_465 : f32 to vector<16xf32>
        %select_n3A_467 = arith.select %le3A_464, %mul3A_462, %broadcast_in_dim3A_466 : vector<16xi1>, vector<16xf32>
        tpu.vector_store_idx %arg14[%shift_right_arithmetic3A_437], %select_n3A_467 {add = true} : memref<512xf32, #tpu.memory_space<vmem>>[vector<16xi32>], vector<16xf32>,
        %scan3A_468 = arith.constant 1 : i32
        %scan3A_469 = arith.addi %scan3A_411, %scan3A_468 : i32
        %mul3A_470 = arith.constant 16 : i32
        %mul3A_471 = arith.muli %scan3A_469, %mul3A_470 : i32
        %add3A_472 = vector.broadcast %mul3A_471 : i32 to vector<16xi32>
        %add3A_473 = arith.addi %add3A_472, %iota3A : vector<16xi32>
        %broadcast_in_dim3A_474 = arith.constant 0 : i32
        %broadcast_in_dim3A_475 = vector.broadcast %broadcast_in_dim3A_474 : i32 to vector<16xi32>
        %gather3A_476 = tpu.vector_load_idx %arg11[%add3A_473, %broadcast_in_dim3A_475] : memref<1024x16xf32, #tpu.memory_space<vmem>>[vector<16xi32>, vector<16xi32>], vector<16xf32>,
        %broadcast_in_dim3A_477 = arith.constant 1 : i32
        %broadcast_in_dim3A_478 = vector.broadcast %broadcast_in_dim3A_477 : i32 to vector<16xi32>
        %gather3A_479 = tpu.vector_load_idx %arg11[%add3A_473, %broadcast_in_dim3A_478] : memref<1024x16xf32, #tpu.memory_space<vmem>>[vector<16xi32>, vector<16xi32>], vector<16xf32>,
        %broadcast_in_dim3A_480 = arith.constant 2 : i32
        %broadcast_in_dim3A_481 = vector.broadcast %broadcast_in_dim3A_480 : i32 to vector<16xi32>
        %gather3A_482 = tpu.vector_load_idx %arg11[%add3A_473, %broadcast_in_dim3A_481] : memref<1024x16xf32, #tpu.memory_space<vmem>>[vector<16xi32>, vector<16xi32>], vector<16xf32>,
        %broadcast_in_dim3A_483 = arith.constant 0 : i32
        %broadcast_in_dim3A_484 = vector.broadcast %broadcast_in_dim3A_483 : i32 to vector<16xi32>
        %gather3A_485 = tpu.vector_load_idx %arg12[%add3A_473, %broadcast_in_dim3A_484] : memref<1024x16xf32, #tpu.memory_space<vmem>>[vector<16xi32>, vector<16xi32>], vector<16xf32>,
        %broadcast_in_dim3A_486 = arith.constant 1 : i32
        %broadcast_in_dim3A_487 = vector.broadcast %broadcast_in_dim3A_486 : i32 to vector<16xi32>
        %gather3A_488 = tpu.vector_load_idx %arg12[%add3A_473, %broadcast_in_dim3A_487] : memref<1024x16xf32, #tpu.memory_space<vmem>>[vector<16xi32>, vector<16xi32>], vector<16xf32>,
        %broadcast_in_dim3A_489 = arith.constant 3 : i32
        %broadcast_in_dim3A_490 = vector.broadcast %broadcast_in_dim3A_489 : i32 to vector<16xi32>
        %gather3A_491 = tpu.vector_load_idx %arg12[%add3A_473, %broadcast_in_dim3A_490] : memref<1024x16xf32, #tpu.memory_space<vmem>>[vector<16xi32>, vector<16xi32>], vector<16xf32>,
        %mul3A_492 = arith.constant 16 : i32
        %mul3A_493 = arith.muli %scan3A_469, %mul3A_492 : i32
        %get3A_494 = arith.index_cast %mul3A_493 : i32 to index
        %get3A_495 = tpu.vector_load %arg10[%get3A_494] {strides = array<i32>} : memref<1024xf32, #tpu.memory_space<vmem>>, vector<16xf32>,
        %convert_element_type3A_496 = arith.fptosi %gather3A_482 : vector<16xf32> to vector<16xi32>
        %shift_right_arithmetic3A_497 = arith.constant 10 : i32
        %shift_right_arithmetic3A_498 = vector.broadcast %shift_right_arithmetic3A_497 : i32 to vector<16xi32>
        %shift_right_arithmetic3A_499 = arith.shrsi %convert_element_type3A_496, %shift_right_arithmetic3A_498 : vector<16xi32>
        %and3A_500 = arith.constant 1023 : i32
        %and3A_501 = vector.broadcast %and3A_500 : i32 to vector<16xi32>
        %and3A_502 = arith.andi %convert_element_type3A_496, %and3A_501 : vector<16xi32>
        %convert_element_type3A_503 = arith.fptosi %gather3A_491 : vector<16xf32> to vector<16xi32>
        %add3A_504 = arith.addi %and3A_502, %convert_element_type3A_503 : vector<16xi32>
        %gather3A_505 = tpu.vector_load_idx %arg13[%add3A_504] : memref<400xf32, #tpu.memory_space<vmem>>[vector<16xi32>], vector<16xf32>,
        %mul3A_506 = arith.constant 5.000000e-01 : f32
        %mul3A_507 = vector.broadcast %mul3A_506 : f32 to vector<16xf32>
        %mul3A_508 = arith.mulf %gather3A_488, %mul3A_507 : vector<16xf32>
        %add3A_509 = arith.addf %gather3A_479, %mul3A_508 : vector<16xf32>
        %sub3A_510 = arith.constant 1.000000e+00 : f32
        %sub3A_511 = vector.broadcast %sub3A_510 : f32 to vector<16xf32>
        %sub3A_512 = arith.subf %add3A_509, %sub3A_511 : vector<16xf32>
        %mul3A_513 = arith.mulf %sub3A_512, %gather3A_505 : vector<16xf32>
        %mul3A_514 = arith.mulf %add3A_509, %get3A_495 : vector<16xf32>
        %sub3A_515 = arith.subf %mul3A_513, %mul3A_514 : vector<16xf32>
        %exp3A_516 = math.exp %sub3A_515 : vector<16xf32>
        %mul3A_517 = arith.constant 1.60943794 : f32
        %mul3A_518 = vector.broadcast %mul3A_517 : f32 to vector<16xf32>
        %mul3A_519 = arith.mulf %add3A_509, %mul3A_518 : vector<16xf32>
        %sub3A_520 = arith.subf %mul3A_513, %mul3A_519 : vector<16xf32>
        %exp3A_521 = math.exp %sub3A_520 : vector<16xf32>
        %mul3A_522 = arith.mulf %gather3A_476, %gather3A_485 : vector<16xf32>
        %abs3A_523 = math.absf %mul3A_522 : vector<16xf32>
        %mul3A_524 = arith.constant 7.199800e+00 : f32
        %mul3A_525 = vector.broadcast %mul3A_524 : f32 to vector<16xf32>
        %mul3A_526 = arith.mulf %mul3A_525, %abs3A_523 : vector<16xf32>
        %div3A_527 = arith.divf %mul3A_526, %add3A_509 : vector<16xf32>
        %sub3A_528 = arith.subf %exp3A_516, %exp3A_521 : vector<16xf32>
        %mul3A_529 = arith.mulf %div3A_527, %sub3A_528 : vector<16xf32>
        %le3A_530 = arith.constant 1.60943794 : f32
        %le3A_531 = vector.broadcast %le3A_530 : f32 to vector<16xf32>
        %le3A_532 = arith.cmpf ole, %get3A_495, %le3A_531 : vector<16xf32>
        %jit3A_533 = arith.constant 0.000000e+00 : f32
        %broadcast_in_dim3A_534 = vector.broadcast %jit3A_533 : f32 to vector<16xf32>
        %select_n3A_535 = arith.select %le3A_532, %mul3A_529, %broadcast_in_dim3A_534 : vector<16xi1>, vector<16xf32>
        tpu.vector_store_idx %arg14[%shift_right_arithmetic3A_499], %select_n3A_535 {add = true} : memref<512xf32, #tpu.memory_space<vmem>>[vector<16xi32>], vector<16xf32>,
      }
      %scan3A_300 = arith.constant 8 : i32
      %dma_wait3A_301 = arith.constant 384 : i32
      %dma_wait3A_302 = arith.constant 0 : i32
      %dma_wait3A_303 = tpu.memref_slice %arg11[%dma_wait3A_301, %dma_wait3A_302] : memref<1024x16xf32, #tpu.memory_space<vmem>> -> memref<128x16xf32, #tpu.memory_space<vmem>>
      %dma_wait3A_304 = arith.constant 384 : i32
      %dma_wait3A_305 = tpu.memref_slice %arg8[%dma_wait3A_304] : memref<1024xi32, #tpu.memory_space<vmem>> -> memref<128xi32, #tpu.memory_space<vmem>>
      %dma_wait3A_306 = arith.constant 0 : i32
      %dma_wait3A_307 = arith.constant 0 : i32
      %dma_wait3A_308 = tpu.memref_slice %arg2[%dma_wait3A_306, %dma_wait3A_307] : memref<100000x16xf32, #tpu.memory_space<hbm>> -> memref<100000x16xf32, #tpu.memory_space<hbm>>
      tpu.wait_indirect_dma semaphore(%arg15 : memref<!tpu.dma_semaphore, #tpu.memory_space<semaphore_mem>>) src(%dma_wait3A_308 : memref<100000x16xf32, #tpu.memory_space<hbm>>) dst(%dma_wait3A_303 : memref<128x16xf32, #tpu.memory_space<vmem>>)
      %dma_wait3A_309 = arith.constant 384 : i32
      %dma_wait3A_310 = arith.constant 0 : i32
      %dma_wait3A_311 = tpu.memref_slice %arg12[%dma_wait3A_309, %dma_wait3A_310] : memref<1024x16xf32, #tpu.memory_space<vmem>> -> memref<128x16xf32, #tpu.memory_space<vmem>>
      %dma_wait3A_312 = arith.constant 384 : i32
      %dma_wait3A_313 = tpu.memref_slice %arg9[%dma_wait3A_312] : memref<1024xi32, #tpu.memory_space<vmem>> -> memref<128xi32, #tpu.memory_space<vmem>>
      %dma_wait3A_314 = arith.constant 0 : i32
      %dma_wait3A_315 = arith.constant 0 : i32
      %dma_wait3A_316 = tpu.memref_slice %arg2[%dma_wait3A_314, %dma_wait3A_315] : memref<100000x16xf32, #tpu.memory_space<hbm>> -> memref<100000x16xf32, #tpu.memory_space<hbm>>
      tpu.wait_indirect_dma semaphore(%arg15 : memref<!tpu.dma_semaphore, #tpu.memory_space<semaphore_mem>>) src(%dma_wait3A_316 : memref<100000x16xf32, #tpu.memory_space<hbm>>) dst(%dma_wait3A_311 : memref<128x16xf32, #tpu.memory_space<vmem>>)
      %scan3A_317 = arith.constant 0 : i32
      %scan3A_318 = arith.constant 24 : i32
      %scan3A_319 = arith.constant 8 : i32
      %scan3A_320 = arith.addi %scan3A_318, %scan3A_319 : i32
      %scan3A_321 = arith.constant 2 : i32
      scf.for %scan3A_411 = %scan3A_318 to %scan3A_320 step %scan3A_321  : i32 {
        %mul3A_412 = arith.constant 16 : i32
        %mul3A_413 = arith.muli %scan3A_411, %mul3A_412 : i32
        %add3A_414 = vector.broadcast %mul3A_413 : i32 to vector<16xi32>
        %add3A_415 = arith.addi %add3A_414, %iota3A : vector<16xi32>
        %broadcast_in_dim3A_416 = arith.constant 0 : i32
        %broadcast_in_dim3A_417 = vector.broadcast %broadcast_in_dim3A_416 : i32 to vector<16xi32>
        %gather3A = tpu.vector_load_idx %arg11[%add3A_415, %broadcast_in_dim3A_417] : memref<1024x16xf32, #tpu.memory_space<vmem>>[vector<16xi32>, vector<16xi32>], vector<16xf32>,
        %broadcast_in_dim3A_418 = arith.constant 1 : i32
        %broadcast_in_dim3A_419 = vector.broadcast %broadcast_in_dim3A_418 : i32 to vector<16xi32>
        %gather3A_420 = tpu.vector_load_idx %arg11[%add3A_415, %broadcast_in_dim3A_419] : memref<1024x16xf32, #tpu.memory_space<vmem>>[vector<16xi32>, vector<16xi32>], vector<16xf32>,
        %broadcast_in_dim3A_421 = arith.constant 2 : i32
        %broadcast_in_dim3A_422 = vector.broadcast %broadcast_in_dim3A_421 : i32 to vector<16xi32>
        %gather3A_423 = tpu.vector_load_idx %arg11[%add3A_415, %broadcast_in_dim3A_422] : memref<1024x16xf32, #tpu.memory_space<vmem>>[vector<16xi32>, vector<16xi32>], vector<16xf32>,
        %broadcast_in_dim3A_424 = arith.constant 0 : i32
        %broadcast_in_dim3A_425 = vector.broadcast %broadcast_in_dim3A_424 : i32 to vector<16xi32>
        %gather3A_426 = tpu.vector_load_idx %arg12[%add3A_415, %broadcast_in_dim3A_425] : memref<1024x16xf32, #tpu.memory_space<vmem>>[vector<16xi32>, vector<16xi32>], vector<16xf32>,
        %broadcast_in_dim3A_427 = arith.constant 1 : i32
        %broadcast_in_dim3A_428 = vector.broadcast %broadcast_in_dim3A_427 : i32 to vector<16xi32>
        %gather3A_429 = tpu.vector_load_idx %arg12[%add3A_415, %broadcast_in_dim3A_428] : memref<1024x16xf32, #tpu.memory_space<vmem>>[vector<16xi32>, vector<16xi32>], vector<16xf32>,
        %broadcast_in_dim3A_430 = arith.constant 3 : i32
        %broadcast_in_dim3A_431 = vector.broadcast %broadcast_in_dim3A_430 : i32 to vector<16xi32>
        %gather3A_432 = tpu.vector_load_idx %arg12[%add3A_415, %broadcast_in_dim3A_431] : memref<1024x16xf32, #tpu.memory_space<vmem>>[vector<16xi32>, vector<16xi32>], vector<16xf32>,
        %mul3A_433 = arith.constant 16 : i32
        %mul3A_434 = arith.muli %scan3A_411, %mul3A_433 : i32
        %get3A = arith.index_cast %mul3A_434 : i32 to index
        %get3A_435 = tpu.vector_load %arg10[%get3A] {strides = array<i32>} : memref<1024xf32, #tpu.memory_space<vmem>>, vector<16xf32>,
        %convert_element_type3A = arith.fptosi %gather3A_423 : vector<16xf32> to vector<16xi32>
        %shift_right_arithmetic3A = arith.constant 10 : i32
        %shift_right_arithmetic3A_436 = vector.broadcast %shift_right_arithmetic3A : i32 to vector<16xi32>
        %shift_right_arithmetic3A_437 = arith.shrsi %convert_element_type3A, %shift_right_arithmetic3A_436 : vector<16xi32>
        %and3A = arith.constant 1023 : i32
        %and3A_438 = vector.broadcast %and3A : i32 to vector<16xi32>
        %and3A_439 = arith.andi %convert_element_type3A, %and3A_438 : vector<16xi32>
        %convert_element_type3A_440 = arith.fptosi %gather3A_432 : vector<16xf32> to vector<16xi32>
        %add3A_441 = arith.addi %and3A_439, %convert_element_type3A_440 : vector<16xi32>
        %gather3A_442 = tpu.vector_load_idx %arg13[%add3A_441] : memref<400xf32, #tpu.memory_space<vmem>>[vector<16xi32>], vector<16xf32>,
        %mul3A_443 = arith.constant 5.000000e-01 : f32
        %mul3A_444 = vector.broadcast %mul3A_443 : f32 to vector<16xf32>
        %mul3A_445 = arith.mulf %gather3A_429, %mul3A_444 : vector<16xf32>
        %add3A_446 = arith.addf %gather3A_420, %mul3A_445 : vector<16xf32>
        %sub3A = arith.constant 1.000000e+00 : f32
        %sub3A_447 = vector.broadcast %sub3A : f32 to vector<16xf32>
        %sub3A_448 = arith.subf %add3A_446, %sub3A_447 : vector<16xf32>
        %mul3A_449 = arith.mulf %sub3A_448, %gather3A_442 : vector<16xf32>
        %mul3A_450 = arith.mulf %add3A_446, %get3A_435 : vector<16xf32>
        %sub3A_451 = arith.subf %mul3A_449, %mul3A_450 : vector<16xf32>
        %exp3A = math.exp %sub3A_451 : vector<16xf32>
        %mul3A_452 = arith.constant 1.60943794 : f32
        %mul3A_453 = vector.broadcast %mul3A_452 : f32 to vector<16xf32>
        %mul3A_454 = arith.mulf %add3A_446, %mul3A_453 : vector<16xf32>
        %sub3A_455 = arith.subf %mul3A_449, %mul3A_454 : vector<16xf32>
        %exp3A_456 = math.exp %sub3A_455 : vector<16xf32>
        %mul3A_457 = arith.mulf %gather3A, %gather3A_426 : vector<16xf32>
        %abs3A = math.absf %mul3A_457 : vector<16xf32>
        %mul3A_458 = arith.constant 7.199800e+00 : f32
        %mul3A_459 = vector.broadcast %mul3A_458 : f32 to vector<16xf32>
        %mul3A_460 = arith.mulf %mul3A_459, %abs3A : vector<16xf32>
        %div3A = arith.divf %mul3A_460, %add3A_446 : vector<16xf32>
        %sub3A_461 = arith.subf %exp3A, %exp3A_456 : vector<16xf32>
        %mul3A_462 = arith.mulf %div3A, %sub3A_461 : vector<16xf32>
        %le3A = arith.constant 1.60943794 : f32
        %le3A_463 = vector.broadcast %le3A : f32 to vector<16xf32>
        %le3A_464 = arith.cmpf ole, %get3A_435, %le3A_463 : vector<16xf32>
        %jit3A_465 = arith.constant 0.000000e+00 : f32
        %broadcast_in_dim3A_466 = vector.broadcast %jit3A_465 : f32 to vector<16xf32>
        %select_n3A_467 = arith.select %le3A_464, %mul3A_462, %broadcast_in_dim3A_466 : vector<16xi1>, vector<16xf32>
        tpu.vector_store_idx %arg14[%shift_right_arithmetic3A_437], %select_n3A_467 {add = true} : memref<512xf32, #tpu.memory_space<vmem>>[vector<16xi32>], vector<16xf32>,
        %scan3A_468 = arith.constant 1 : i32
        %scan3A_469 = arith.addi %scan3A_411, %scan3A_468 : i32
        %mul3A_470 = arith.constant 16 : i32
        %mul3A_471 = arith.muli %scan3A_469, %mul3A_470 : i32
        %add3A_472 = vector.broadcast %mul3A_471 : i32 to vector<16xi32>
        %add3A_473 = arith.addi %add3A_472, %iota3A : vector<16xi32>
        %broadcast_in_dim3A_474 = arith.constant 0 : i32
        %broadcast_in_dim3A_475 = vector.broadcast %broadcast_in_dim3A_474 : i32 to vector<16xi32>
        %gather3A_476 = tpu.vector_load_idx %arg11[%add3A_473, %broadcast_in_dim3A_475] : memref<1024x16xf32, #tpu.memory_space<vmem>>[vector<16xi32>, vector<16xi32>], vector<16xf32>,
        %broadcast_in_dim3A_477 = arith.constant 1 : i32
        %broadcast_in_dim3A_478 = vector.broadcast %broadcast_in_dim3A_477 : i32 to vector<16xi32>
        %gather3A_479 = tpu.vector_load_idx %arg11[%add3A_473, %broadcast_in_dim3A_478] : memref<1024x16xf32, #tpu.memory_space<vmem>>[vector<16xi32>, vector<16xi32>], vector<16xf32>,
        %broadcast_in_dim3A_480 = arith.constant 2 : i32
        %broadcast_in_dim3A_481 = vector.broadcast %broadcast_in_dim3A_480 : i32 to vector<16xi32>
        %gather3A_482 = tpu.vector_load_idx %arg11[%add3A_473, %broadcast_in_dim3A_481] : memref<1024x16xf32, #tpu.memory_space<vmem>>[vector<16xi32>, vector<16xi32>], vector<16xf32>,
        %broadcast_in_dim3A_483 = arith.constant 0 : i32
        %broadcast_in_dim3A_484 = vector.broadcast %broadcast_in_dim3A_483 : i32 to vector<16xi32>
        %gather3A_485 = tpu.vector_load_idx %arg12[%add3A_473, %broadcast_in_dim3A_484] : memref<1024x16xf32, #tpu.memory_space<vmem>>[vector<16xi32>, vector<16xi32>], vector<16xf32>,
        %broadcast_in_dim3A_486 = arith.constant 1 : i32
        %broadcast_in_dim3A_487 = vector.broadcast %broadcast_in_dim3A_486 : i32 to vector<16xi32>
        %gather3A_488 = tpu.vector_load_idx %arg12[%add3A_473, %broadcast_in_dim3A_487] : memref<1024x16xf32, #tpu.memory_space<vmem>>[vector<16xi32>, vector<16xi32>], vector<16xf32>,
        %broadcast_in_dim3A_489 = arith.constant 3 : i32
        %broadcast_in_dim3A_490 = vector.broadcast %broadcast_in_dim3A_489 : i32 to vector<16xi32>
        %gather3A_491 = tpu.vector_load_idx %arg12[%add3A_473, %broadcast_in_dim3A_490] : memref<1024x16xf32, #tpu.memory_space<vmem>>[vector<16xi32>, vector<16xi32>], vector<16xf32>,
        %mul3A_492 = arith.constant 16 : i32
        %mul3A_493 = arith.muli %scan3A_469, %mul3A_492 : i32
        %get3A_494 = arith.index_cast %mul3A_493 : i32 to index
        %get3A_495 = tpu.vector_load %arg10[%get3A_494] {strides = array<i32>} : memref<1024xf32, #tpu.memory_space<vmem>>, vector<16xf32>,
        %convert_element_type3A_496 = arith.fptosi %gather3A_482 : vector<16xf32> to vector<16xi32>
        %shift_right_arithmetic3A_497 = arith.constant 10 : i32
        %shift_right_arithmetic3A_498 = vector.broadcast %shift_right_arithmetic3A_497 : i32 to vector<16xi32>
        %shift_right_arithmetic3A_499 = arith.shrsi %convert_element_type3A_496, %shift_right_arithmetic3A_498 : vector<16xi32>
        %and3A_500 = arith.constant 1023 : i32
        %and3A_501 = vector.broadcast %and3A_500 : i32 to vector<16xi32>
        %and3A_502 = arith.andi %convert_element_type3A_496, %and3A_501 : vector<16xi32>
        %convert_element_type3A_503 = arith.fptosi %gather3A_491 : vector<16xf32> to vector<16xi32>
        %add3A_504 = arith.addi %and3A_502, %convert_element_type3A_503 : vector<16xi32>
        %gather3A_505 = tpu.vector_load_idx %arg13[%add3A_504] : memref<400xf32, #tpu.memory_space<vmem>>[vector<16xi32>], vector<16xf32>,
        %mul3A_506 = arith.constant 5.000000e-01 : f32
        %mul3A_507 = vector.broadcast %mul3A_506 : f32 to vector<16xf32>
        %mul3A_508 = arith.mulf %gather3A_488, %mul3A_507 : vector<16xf32>
        %add3A_509 = arith.addf %gather3A_479, %mul3A_508 : vector<16xf32>
        %sub3A_510 = arith.constant 1.000000e+00 : f32
        %sub3A_511 = vector.broadcast %sub3A_510 : f32 to vector<16xf32>
        %sub3A_512 = arith.subf %add3A_509, %sub3A_511 : vector<16xf32>
        %mul3A_513 = arith.mulf %sub3A_512, %gather3A_505 : vector<16xf32>
        %mul3A_514 = arith.mulf %add3A_509, %get3A_495 : vector<16xf32>
        %sub3A_515 = arith.subf %mul3A_513, %mul3A_514 : vector<16xf32>
        %exp3A_516 = math.exp %sub3A_515 : vector<16xf32>
        %mul3A_517 = arith.constant 1.60943794 : f32
        %mul3A_518 = vector.broadcast %mul3A_517 : f32 to vector<16xf32>
        %mul3A_519 = arith.mulf %add3A_509, %mul3A_518 : vector<16xf32>
        %sub3A_520 = arith.subf %mul3A_513, %mul3A_519 : vector<16xf32>
        %exp3A_521 = math.exp %sub3A_520 : vector<16xf32>
        %mul3A_522 = arith.mulf %gather3A_476, %gather3A_485 : vector<16xf32>
        %abs3A_523 = math.absf %mul3A_522 : vector<16xf32>
        %mul3A_524 = arith.constant 7.199800e+00 : f32
        %mul3A_525 = vector.broadcast %mul3A_524 : f32 to vector<16xf32>
        %mul3A_526 = arith.mulf %mul3A_525, %abs3A_523 : vector<16xf32>
        %div3A_527 = arith.divf %mul3A_526, %add3A_509 : vector<16xf32>
        %sub3A_528 = arith.subf %exp3A_516, %exp3A_521 : vector<16xf32>
        %mul3A_529 = arith.mulf %div3A_527, %sub3A_528 : vector<16xf32>
        %le3A_530 = arith.constant 1.60943794 : f32
        %le3A_531 = vector.broadcast %le3A_530 : f32 to vector<16xf32>
        %le3A_532 = arith.cmpf ole, %get3A_495, %le3A_531 : vector<16xf32>
        %jit3A_533 = arith.constant 0.000000e+00 : f32
        %broadcast_in_dim3A_534 = vector.broadcast %jit3A_533 : f32 to vector<16xf32>
        %select_n3A_535 = arith.select %le3A_532, %mul3A_529, %broadcast_in_dim3A_534 : vector<16xi1>, vector<16xf32>
        tpu.vector_store_idx %arg14[%shift_right_arithmetic3A_499], %select_n3A_535 {add = true} : memref<512xf32, #tpu.memory_space<vmem>>[vector<16xi32>], vector<16xf32>,
      }
      %scan3A_322 = arith.constant 8 : i32
      %dma_wait3A_323 = arith.constant 512 : i32
      %dma_wait3A_324 = arith.constant 0 : i32
      %dma_wait3A_325 = tpu.memref_slice %arg11[%dma_wait3A_323, %dma_wait3A_324] : memref<1024x16xf32, #tpu.memory_space<vmem>> -> memref<128x16xf32, #tpu.memory_space<vmem>>
      %dma_wait3A_326 = arith.constant 512 : i32
      %dma_wait3A_327 = tpu.memref_slice %arg8[%dma_wait3A_326] : memref<1024xi32, #tpu.memory_space<vmem>> -> memref<128xi32, #tpu.memory_space<vmem>>
      %dma_wait3A_328 = arith.constant 0 : i32
      %dma_wait3A_329 = arith.constant 0 : i32
      %dma_wait3A_330 = tpu.memref_slice %arg2[%dma_wait3A_328, %dma_wait3A_329] : memref<100000x16xf32, #tpu.memory_space<hbm>> -> memref<100000x16xf32, #tpu.memory_space<hbm>>
      tpu.wait_indirect_dma semaphore(%arg15 : memref<!tpu.dma_semaphore, #tpu.memory_space<semaphore_mem>>) src(%dma_wait3A_330 : memref<100000x16xf32, #tpu.memory_space<hbm>>) dst(%dma_wait3A_325 : memref<128x16xf32, #tpu.memory_space<vmem>>)
      %dma_wait3A_331 = arith.constant 512 : i32
      %dma_wait3A_332 = arith.constant 0 : i32
      %dma_wait3A_333 = tpu.memref_slice %arg12[%dma_wait3A_331, %dma_wait3A_332] : memref<1024x16xf32, #tpu.memory_space<vmem>> -> memref<128x16xf32, #tpu.memory_space<vmem>>
      %dma_wait3A_334 = arith.constant 512 : i32
      %dma_wait3A_335 = tpu.memref_slice %arg9[%dma_wait3A_334] : memref<1024xi32, #tpu.memory_space<vmem>> -> memref<128xi32, #tpu.memory_space<vmem>>
      %dma_wait3A_336 = arith.constant 0 : i32
      %dma_wait3A_337 = arith.constant 0 : i32
      %dma_wait3A_338 = tpu.memref_slice %arg2[%dma_wait3A_336, %dma_wait3A_337] : memref<100000x16xf32, #tpu.memory_space<hbm>> -> memref<100000x16xf32, #tpu.memory_space<hbm>>
      tpu.wait_indirect_dma semaphore(%arg15 : memref<!tpu.dma_semaphore, #tpu.memory_space<semaphore_mem>>) src(%dma_wait3A_338 : memref<100000x16xf32, #tpu.memory_space<hbm>>) dst(%dma_wait3A_333 : memref<128x16xf32, #tpu.memory_space<vmem>>)
      %scan3A_339 = arith.constant 0 : i32
      %scan3A_340 = arith.constant 32 : i32
      %scan3A_341 = arith.constant 8 : i32
      %scan3A_342 = arith.addi %scan3A_340, %scan3A_341 : i32
      %scan3A_343 = arith.constant 2 : i32
      scf.for %scan3A_411 = %scan3A_340 to %scan3A_342 step %scan3A_343  : i32 {
        %mul3A_412 = arith.constant 16 : i32
        %mul3A_413 = arith.muli %scan3A_411, %mul3A_412 : i32
        %add3A_414 = vector.broadcast %mul3A_413 : i32 to vector<16xi32>
        %add3A_415 = arith.addi %add3A_414, %iota3A : vector<16xi32>
        %broadcast_in_dim3A_416 = arith.constant 0 : i32
        %broadcast_in_dim3A_417 = vector.broadcast %broadcast_in_dim3A_416 : i32 to vector<16xi32>
        %gather3A = tpu.vector_load_idx %arg11[%add3A_415, %broadcast_in_dim3A_417] : memref<1024x16xf32, #tpu.memory_space<vmem>>[vector<16xi32>, vector<16xi32>], vector<16xf32>,
        %broadcast_in_dim3A_418 = arith.constant 1 : i32
        %broadcast_in_dim3A_419 = vector.broadcast %broadcast_in_dim3A_418 : i32 to vector<16xi32>
        %gather3A_420 = tpu.vector_load_idx %arg11[%add3A_415, %broadcast_in_dim3A_419] : memref<1024x16xf32, #tpu.memory_space<vmem>>[vector<16xi32>, vector<16xi32>], vector<16xf32>,
        %broadcast_in_dim3A_421 = arith.constant 2 : i32
        %broadcast_in_dim3A_422 = vector.broadcast %broadcast_in_dim3A_421 : i32 to vector<16xi32>
        %gather3A_423 = tpu.vector_load_idx %arg11[%add3A_415, %broadcast_in_dim3A_422] : memref<1024x16xf32, #tpu.memory_space<vmem>>[vector<16xi32>, vector<16xi32>], vector<16xf32>,
        %broadcast_in_dim3A_424 = arith.constant 0 : i32
        %broadcast_in_dim3A_425 = vector.broadcast %broadcast_in_dim3A_424 : i32 to vector<16xi32>
        %gather3A_426 = tpu.vector_load_idx %arg12[%add3A_415, %broadcast_in_dim3A_425] : memref<1024x16xf32, #tpu.memory_space<vmem>>[vector<16xi32>, vector<16xi32>], vector<16xf32>,
        %broadcast_in_dim3A_427 = arith.constant 1 : i32
        %broadcast_in_dim3A_428 = vector.broadcast %broadcast_in_dim3A_427 : i32 to vector<16xi32>
        %gather3A_429 = tpu.vector_load_idx %arg12[%add3A_415, %broadcast_in_dim3A_428] : memref<1024x16xf32, #tpu.memory_space<vmem>>[vector<16xi32>, vector<16xi32>], vector<16xf32>,
        %broadcast_in_dim3A_430 = arith.constant 3 : i32
        %broadcast_in_dim3A_431 = vector.broadcast %broadcast_in_dim3A_430 : i32 to vector<16xi32>
        %gather3A_432 = tpu.vector_load_idx %arg12[%add3A_415, %broadcast_in_dim3A_431] : memref<1024x16xf32, #tpu.memory_space<vmem>>[vector<16xi32>, vector<16xi32>], vector<16xf32>,
        %mul3A_433 = arith.constant 16 : i32
        %mul3A_434 = arith.muli %scan3A_411, %mul3A_433 : i32
        %get3A = arith.index_cast %mul3A_434 : i32 to index
        %get3A_435 = tpu.vector_load %arg10[%get3A] {strides = array<i32>} : memref<1024xf32, #tpu.memory_space<vmem>>, vector<16xf32>,
        %convert_element_type3A = arith.fptosi %gather3A_423 : vector<16xf32> to vector<16xi32>
        %shift_right_arithmetic3A = arith.constant 10 : i32
        %shift_right_arithmetic3A_436 = vector.broadcast %shift_right_arithmetic3A : i32 to vector<16xi32>
        %shift_right_arithmetic3A_437 = arith.shrsi %convert_element_type3A, %shift_right_arithmetic3A_436 : vector<16xi32>
        %and3A = arith.constant 1023 : i32
        %and3A_438 = vector.broadcast %and3A : i32 to vector<16xi32>
        %and3A_439 = arith.andi %convert_element_type3A, %and3A_438 : vector<16xi32>
        %convert_element_type3A_440 = arith.fptosi %gather3A_432 : vector<16xf32> to vector<16xi32>
        %add3A_441 = arith.addi %and3A_439, %convert_element_type3A_440 : vector<16xi32>
        %gather3A_442 = tpu.vector_load_idx %arg13[%add3A_441] : memref<400xf32, #tpu.memory_space<vmem>>[vector<16xi32>], vector<16xf32>,
        %mul3A_443 = arith.constant 5.000000e-01 : f32
        %mul3A_444 = vector.broadcast %mul3A_443 : f32 to vector<16xf32>
        %mul3A_445 = arith.mulf %gather3A_429, %mul3A_444 : vector<16xf32>
        %add3A_446 = arith.addf %gather3A_420, %mul3A_445 : vector<16xf32>
        %sub3A = arith.constant 1.000000e+00 : f32
        %sub3A_447 = vector.broadcast %sub3A : f32 to vector<16xf32>
        %sub3A_448 = arith.subf %add3A_446, %sub3A_447 : vector<16xf32>
        %mul3A_449 = arith.mulf %sub3A_448, %gather3A_442 : vector<16xf32>
        %mul3A_450 = arith.mulf %add3A_446, %get3A_435 : vector<16xf32>
        %sub3A_451 = arith.subf %mul3A_449, %mul3A_450 : vector<16xf32>
        %exp3A = math.exp %sub3A_451 : vector<16xf32>
        %mul3A_452 = arith.constant 1.60943794 : f32
        %mul3A_453 = vector.broadcast %mul3A_452 : f32 to vector<16xf32>
        %mul3A_454 = arith.mulf %add3A_446, %mul3A_453 : vector<16xf32>
        %sub3A_455 = arith.subf %mul3A_449, %mul3A_454 : vector<16xf32>
        %exp3A_456 = math.exp %sub3A_455 : vector<16xf32>
        %mul3A_457 = arith.mulf %gather3A, %gather3A_426 : vector<16xf32>
        %abs3A = math.absf %mul3A_457 : vector<16xf32>
        %mul3A_458 = arith.constant 7.199800e+00 : f32
        %mul3A_459 = vector.broadcast %mul3A_458 : f32 to vector<16xf32>
        %mul3A_460 = arith.mulf %mul3A_459, %abs3A : vector<16xf32>
        %div3A = arith.divf %mul3A_460, %add3A_446 : vector<16xf32>
        %sub3A_461 = arith.subf %exp3A, %exp3A_456 : vector<16xf32>
        %mul3A_462 = arith.mulf %div3A, %sub3A_461 : vector<16xf32>
        %le3A = arith.constant 1.60943794 : f32
        %le3A_463 = vector.broadcast %le3A : f32 to vector<16xf32>
        %le3A_464 = arith.cmpf ole, %get3A_435, %le3A_463 : vector<16xf32>
        %jit3A_465 = arith.constant 0.000000e+00 : f32
        %broadcast_in_dim3A_466 = vector.broadcast %jit3A_465 : f32 to vector<16xf32>
        %select_n3A_467 = arith.select %le3A_464, %mul3A_462, %broadcast_in_dim3A_466 : vector<16xi1>, vector<16xf32>
        tpu.vector_store_idx %arg14[%shift_right_arithmetic3A_437], %select_n3A_467 {add = true} : memref<512xf32, #tpu.memory_space<vmem>>[vector<16xi32>], vector<16xf32>,
        %scan3A_468 = arith.constant 1 : i32
        %scan3A_469 = arith.addi %scan3A_411, %scan3A_468 : i32
        %mul3A_470 = arith.constant 16 : i32
        %mul3A_471 = arith.muli %scan3A_469, %mul3A_470 : i32
        %add3A_472 = vector.broadcast %mul3A_471 : i32 to vector<16xi32>
        %add3A_473 = arith.addi %add3A_472, %iota3A : vector<16xi32>
        %broadcast_in_dim3A_474 = arith.constant 0 : i32
        %broadcast_in_dim3A_475 = vector.broadcast %broadcast_in_dim3A_474 : i32 to vector<16xi32>
        %gather3A_476 = tpu.vector_load_idx %arg11[%add3A_473, %broadcast_in_dim3A_475] : memref<1024x16xf32, #tpu.memory_space<vmem>>[vector<16xi32>, vector<16xi32>], vector<16xf32>,
        %broadcast_in_dim3A_477 = arith.constant 1 : i32
        %broadcast_in_dim3A_478 = vector.broadcast %broadcast_in_dim3A_477 : i32 to vector<16xi32>
        %gather3A_479 = tpu.vector_load_idx %arg11[%add3A_473, %broadcast_in_dim3A_478] : memref<1024x16xf32, #tpu.memory_space<vmem>>[vector<16xi32>, vector<16xi32>], vector<16xf32>,
        %broadcast_in_dim3A_480 = arith.constant 2 : i32
        %broadcast_in_dim3A_481 = vector.broadcast %broadcast_in_dim3A_480 : i32 to vector<16xi32>
        %gather3A_482 = tpu.vector_load_idx %arg11[%add3A_473, %broadcast_in_dim3A_481] : memref<1024x16xf32, #tpu.memory_space<vmem>>[vector<16xi32>, vector<16xi32>], vector<16xf32>,
        %broadcast_in_dim3A_483 = arith.constant 0 : i32
        %broadcast_in_dim3A_484 = vector.broadcast %broadcast_in_dim3A_483 : i32 to vector<16xi32>
        %gather3A_485 = tpu.vector_load_idx %arg12[%add3A_473, %broadcast_in_dim3A_484] : memref<1024x16xf32, #tpu.memory_space<vmem>>[vector<16xi32>, vector<16xi32>], vector<16xf32>,
        %broadcast_in_dim3A_486 = arith.constant 1 : i32
        %broadcast_in_dim3A_487 = vector.broadcast %broadcast_in_dim3A_486 : i32 to vector<16xi32>
        %gather3A_488 = tpu.vector_load_idx %arg12[%add3A_473, %broadcast_in_dim3A_487] : memref<1024x16xf32, #tpu.memory_space<vmem>>[vector<16xi32>, vector<16xi32>], vector<16xf32>,
        %broadcast_in_dim3A_489 = arith.constant 3 : i32
        %broadcast_in_dim3A_490 = vector.broadcast %broadcast_in_dim3A_489 : i32 to vector<16xi32>
        %gather3A_491 = tpu.vector_load_idx %arg12[%add3A_473, %broadcast_in_dim3A_490] : memref<1024x16xf32, #tpu.memory_space<vmem>>[vector<16xi32>, vector<16xi32>], vector<16xf32>,
        %mul3A_492 = arith.constant 16 : i32
        %mul3A_493 = arith.muli %scan3A_469, %mul3A_492 : i32
        %get3A_494 = arith.index_cast %mul3A_493 : i32 to index
        %get3A_495 = tpu.vector_load %arg10[%get3A_494] {strides = array<i32>} : memref<1024xf32, #tpu.memory_space<vmem>>, vector<16xf32>,
        %convert_element_type3A_496 = arith.fptosi %gather3A_482 : vector<16xf32> to vector<16xi32>
        %shift_right_arithmetic3A_497 = arith.constant 10 : i32
        %shift_right_arithmetic3A_498 = vector.broadcast %shift_right_arithmetic3A_497 : i32 to vector<16xi32>
        %shift_right_arithmetic3A_499 = arith.shrsi %convert_element_type3A_496, %shift_right_arithmetic3A_498 : vector<16xi32>
        %and3A_500 = arith.constant 1023 : i32
        %and3A_501 = vector.broadcast %and3A_500 : i32 to vector<16xi32>
        %and3A_502 = arith.andi %convert_element_type3A_496, %and3A_501 : vector<16xi32>
        %convert_element_type3A_503 = arith.fptosi %gather3A_491 : vector<16xf32> to vector<16xi32>
        %add3A_504 = arith.addi %and3A_502, %convert_element_type3A_503 : vector<16xi32>
        %gather3A_505 = tpu.vector_load_idx %arg13[%add3A_504] : memref<400xf32, #tpu.memory_space<vmem>>[vector<16xi32>], vector<16xf32>,
        %mul3A_506 = arith.constant 5.000000e-01 : f32
        %mul3A_507 = vector.broadcast %mul3A_506 : f32 to vector<16xf32>
        %mul3A_508 = arith.mulf %gather3A_488, %mul3A_507 : vector<16xf32>
        %add3A_509 = arith.addf %gather3A_479, %mul3A_508 : vector<16xf32>
        %sub3A_510 = arith.constant 1.000000e+00 : f32
        %sub3A_511 = vector.broadcast %sub3A_510 : f32 to vector<16xf32>
        %sub3A_512 = arith.subf %add3A_509, %sub3A_511 : vector<16xf32>
        %mul3A_513 = arith.mulf %sub3A_512, %gather3A_505 : vector<16xf32>
        %mul3A_514 = arith.mulf %add3A_509, %get3A_495 : vector<16xf32>
        %sub3A_515 = arith.subf %mul3A_513, %mul3A_514 : vector<16xf32>
        %exp3A_516 = math.exp %sub3A_515 : vector<16xf32>
        %mul3A_517 = arith.constant 1.60943794 : f32
        %mul3A_518 = vector.broadcast %mul3A_517 : f32 to vector<16xf32>
        %mul3A_519 = arith.mulf %add3A_509, %mul3A_518 : vector<16xf32>
        %sub3A_520 = arith.subf %mul3A_513, %mul3A_519 : vector<16xf32>
        %exp3A_521 = math.exp %sub3A_520 : vector<16xf32>
        %mul3A_522 = arith.mulf %gather3A_476, %gather3A_485 : vector<16xf32>
        %abs3A_523 = math.absf %mul3A_522 : vector<16xf32>
        %mul3A_524 = arith.constant 7.199800e+00 : f32
        %mul3A_525 = vector.broadcast %mul3A_524 : f32 to vector<16xf32>
        %mul3A_526 = arith.mulf %mul3A_525, %abs3A_523 : vector<16xf32>
        %div3A_527 = arith.divf %mul3A_526, %add3A_509 : vector<16xf32>
        %sub3A_528 = arith.subf %exp3A_516, %exp3A_521 : vector<16xf32>
        %mul3A_529 = arith.mulf %div3A_527, %sub3A_528 : vector<16xf32>
        %le3A_530 = arith.constant 1.60943794 : f32
        %le3A_531 = vector.broadcast %le3A_530 : f32 to vector<16xf32>
        %le3A_532 = arith.cmpf ole, %get3A_495, %le3A_531 : vector<16xf32>
        %jit3A_533 = arith.constant 0.000000e+00 : f32
        %broadcast_in_dim3A_534 = vector.broadcast %jit3A_533 : f32 to vector<16xf32>
        %select_n3A_535 = arith.select %le3A_532, %mul3A_529, %broadcast_in_dim3A_534 : vector<16xi1>, vector<16xf32>
        tpu.vector_store_idx %arg14[%shift_right_arithmetic3A_499], %select_n3A_535 {add = true} : memref<512xf32, #tpu.memory_space<vmem>>[vector<16xi32>], vector<16xf32>,
      }
      %scan3A_344 = arith.constant 8 : i32
      %dma_wait3A_345 = arith.constant 640 : i32
      %dma_wait3A_346 = arith.constant 0 : i32
      %dma_wait3A_347 = tpu.memref_slice %arg11[%dma_wait3A_345, %dma_wait3A_346] : memref<1024x16xf32, #tpu.memory_space<vmem>> -> memref<128x16xf32, #tpu.memory_space<vmem>>
      %dma_wait3A_348 = arith.constant 640 : i32
      %dma_wait3A_349 = tpu.memref_slice %arg8[%dma_wait3A_348] : memref<1024xi32, #tpu.memory_space<vmem>> -> memref<128xi32, #tpu.memory_space<vmem>>
      %dma_wait3A_350 = arith.constant 0 : i32
      %dma_wait3A_351 = arith.constant 0 : i32
      %dma_wait3A_352 = tpu.memref_slice %arg2[%dma_wait3A_350, %dma_wait3A_351] : memref<100000x16xf32, #tpu.memory_space<hbm>> -> memref<100000x16xf32, #tpu.memory_space<hbm>>
      tpu.wait_indirect_dma semaphore(%arg15 : memref<!tpu.dma_semaphore, #tpu.memory_space<semaphore_mem>>) src(%dma_wait3A_352 : memref<100000x16xf32, #tpu.memory_space<hbm>>) dst(%dma_wait3A_347 : memref<128x16xf32, #tpu.memory_space<vmem>>)
      %dma_wait3A_353 = arith.constant 640 : i32
      %dma_wait3A_354 = arith.constant 0 : i32
      %dma_wait3A_355 = tpu.memref_slice %arg12[%dma_wait3A_353, %dma_wait3A_354] : memref<1024x16xf32, #tpu.memory_space<vmem>> -> memref<128x16xf32, #tpu.memory_space<vmem>>
      %dma_wait3A_356 = arith.constant 640 : i32
      %dma_wait3A_357 = tpu.memref_slice %arg9[%dma_wait3A_356] : memref<1024xi32, #tpu.memory_space<vmem>> -> memref<128xi32, #tpu.memory_space<vmem>>
      %dma_wait3A_358 = arith.constant 0 : i32
      %dma_wait3A_359 = arith.constant 0 : i32
      %dma_wait3A_360 = tpu.memref_slice %arg2[%dma_wait3A_358, %dma_wait3A_359] : memref<100000x16xf32, #tpu.memory_space<hbm>> -> memref<100000x16xf32, #tpu.memory_space<hbm>>
      tpu.wait_indirect_dma semaphore(%arg15 : memref<!tpu.dma_semaphore, #tpu.memory_space<semaphore_mem>>) src(%dma_wait3A_360 : memref<100000x16xf32, #tpu.memory_space<hbm>>) dst(%dma_wait3A_355 : memref<128x16xf32, #tpu.memory_space<vmem>>)
      %scan3A_361 = arith.constant 0 : i32
      %scan3A_362 = arith.constant 40 : i32
      %scan3A_363 = arith.constant 8 : i32
      %scan3A_364 = arith.addi %scan3A_362, %scan3A_363 : i32
      %scan3A_365 = arith.constant 2 : i32
      scf.for %scan3A_411 = %scan3A_362 to %scan3A_364 step %scan3A_365  : i32 {
        %mul3A_412 = arith.constant 16 : i32
        %mul3A_413 = arith.muli %scan3A_411, %mul3A_412 : i32
        %add3A_414 = vector.broadcast %mul3A_413 : i32 to vector<16xi32>
        %add3A_415 = arith.addi %add3A_414, %iota3A : vector<16xi32>
        %broadcast_in_dim3A_416 = arith.constant 0 : i32
        %broadcast_in_dim3A_417 = vector.broadcast %broadcast_in_dim3A_416 : i32 to vector<16xi32>
        %gather3A = tpu.vector_load_idx %arg11[%add3A_415, %broadcast_in_dim3A_417] : memref<1024x16xf32, #tpu.memory_space<vmem>>[vector<16xi32>, vector<16xi32>], vector<16xf32>,
        %broadcast_in_dim3A_418 = arith.constant 1 : i32
        %broadcast_in_dim3A_419 = vector.broadcast %broadcast_in_dim3A_418 : i32 to vector<16xi32>
        %gather3A_420 = tpu.vector_load_idx %arg11[%add3A_415, %broadcast_in_dim3A_419] : memref<1024x16xf32, #tpu.memory_space<vmem>>[vector<16xi32>, vector<16xi32>], vector<16xf32>,
        %broadcast_in_dim3A_421 = arith.constant 2 : i32
        %broadcast_in_dim3A_422 = vector.broadcast %broadcast_in_dim3A_421 : i32 to vector<16xi32>
        %gather3A_423 = tpu.vector_load_idx %arg11[%add3A_415, %broadcast_in_dim3A_422] : memref<1024x16xf32, #tpu.memory_space<vmem>>[vector<16xi32>, vector<16xi32>], vector<16xf32>,
        %broadcast_in_dim3A_424 = arith.constant 0 : i32
        %broadcast_in_dim3A_425 = vector.broadcast %broadcast_in_dim3A_424 : i32 to vector<16xi32>
        %gather3A_426 = tpu.vector_load_idx %arg12[%add3A_415, %broadcast_in_dim3A_425] : memref<1024x16xf32, #tpu.memory_space<vmem>>[vector<16xi32>, vector<16xi32>], vector<16xf32>,
        %broadcast_in_dim3A_427 = arith.constant 1 : i32
        %broadcast_in_dim3A_428 = vector.broadcast %broadcast_in_dim3A_427 : i32 to vector<16xi32>
        %gather3A_429 = tpu.vector_load_idx %arg12[%add3A_415, %broadcast_in_dim3A_428] : memref<1024x16xf32, #tpu.memory_space<vmem>>[vector<16xi32>, vector<16xi32>], vector<16xf32>,
        %broadcast_in_dim3A_430 = arith.constant 3 : i32
        %broadcast_in_dim3A_431 = vector.broadcast %broadcast_in_dim3A_430 : i32 to vector<16xi32>
        %gather3A_432 = tpu.vector_load_idx %arg12[%add3A_415, %broadcast_in_dim3A_431] : memref<1024x16xf32, #tpu.memory_space<vmem>>[vector<16xi32>, vector<16xi32>], vector<16xf32>,
        %mul3A_433 = arith.constant 16 : i32
        %mul3A_434 = arith.muli %scan3A_411, %mul3A_433 : i32
        %get3A = arith.index_cast %mul3A_434 : i32 to index
        %get3A_435 = tpu.vector_load %arg10[%get3A] {strides = array<i32>} : memref<1024xf32, #tpu.memory_space<vmem>>, vector<16xf32>,
        %convert_element_type3A = arith.fptosi %gather3A_423 : vector<16xf32> to vector<16xi32>
        %shift_right_arithmetic3A = arith.constant 10 : i32
        %shift_right_arithmetic3A_436 = vector.broadcast %shift_right_arithmetic3A : i32 to vector<16xi32>
        %shift_right_arithmetic3A_437 = arith.shrsi %convert_element_type3A, %shift_right_arithmetic3A_436 : vector<16xi32>
        %and3A = arith.constant 1023 : i32
        %and3A_438 = vector.broadcast %and3A : i32 to vector<16xi32>
        %and3A_439 = arith.andi %convert_element_type3A, %and3A_438 : vector<16xi32>
        %convert_element_type3A_440 = arith.fptosi %gather3A_432 : vector<16xf32> to vector<16xi32>
        %add3A_441 = arith.addi %and3A_439, %convert_element_type3A_440 : vector<16xi32>
        %gather3A_442 = tpu.vector_load_idx %arg13[%add3A_441] : memref<400xf32, #tpu.memory_space<vmem>>[vector<16xi32>], vector<16xf32>,
        %mul3A_443 = arith.constant 5.000000e-01 : f32
        %mul3A_444 = vector.broadcast %mul3A_443 : f32 to vector<16xf32>
        %mul3A_445 = arith.mulf %gather3A_429, %mul3A_444 : vector<16xf32>
        %add3A_446 = arith.addf %gather3A_420, %mul3A_445 : vector<16xf32>
        %sub3A = arith.constant 1.000000e+00 : f32
        %sub3A_447 = vector.broadcast %sub3A : f32 to vector<16xf32>
        %sub3A_448 = arith.subf %add3A_446, %sub3A_447 : vector<16xf32>
        %mul3A_449 = arith.mulf %sub3A_448, %gather3A_442 : vector<16xf32>
        %mul3A_450 = arith.mulf %add3A_446, %get3A_435 : vector<16xf32>
        %sub3A_451 = arith.subf %mul3A_449, %mul3A_450 : vector<16xf32>
        %exp3A = math.exp %sub3A_451 : vector<16xf32>
        %mul3A_452 = arith.constant 1.60943794 : f32
        %mul3A_453 = vector.broadcast %mul3A_452 : f32 to vector<16xf32>
        %mul3A_454 = arith.mulf %add3A_446, %mul3A_453 : vector<16xf32>
        %sub3A_455 = arith.subf %mul3A_449, %mul3A_454 : vector<16xf32>
        %exp3A_456 = math.exp %sub3A_455 : vector<16xf32>
        %mul3A_457 = arith.mulf %gather3A, %gather3A_426 : vector<16xf32>
        %abs3A = math.absf %mul3A_457 : vector<16xf32>
        %mul3A_458 = arith.constant 7.199800e+00 : f32
        %mul3A_459 = vector.broadcast %mul3A_458 : f32 to vector<16xf32>
        %mul3A_460 = arith.mulf %mul3A_459, %abs3A : vector<16xf32>
        %div3A = arith.divf %mul3A_460, %add3A_446 : vector<16xf32>
        %sub3A_461 = arith.subf %exp3A, %exp3A_456 : vector<16xf32>
        %mul3A_462 = arith.mulf %div3A, %sub3A_461 : vector<16xf32>
        %le3A = arith.constant 1.60943794 : f32
        %le3A_463 = vector.broadcast %le3A : f32 to vector<16xf32>
        %le3A_464 = arith.cmpf ole, %get3A_435, %le3A_463 : vector<16xf32>
        %jit3A_465 = arith.constant 0.000000e+00 : f32
        %broadcast_in_dim3A_466 = vector.broadcast %jit3A_465 : f32 to vector<16xf32>
        %select_n3A_467 = arith.select %le3A_464, %mul3A_462, %broadcast_in_dim3A_466 : vector<16xi1>, vector<16xf32>
        tpu.vector_store_idx %arg14[%shift_right_arithmetic3A_437], %select_n3A_467 {add = true} : memref<512xf32, #tpu.memory_space<vmem>>[vector<16xi32>], vector<16xf32>,
        %scan3A_468 = arith.constant 1 : i32
        %scan3A_469 = arith.addi %scan3A_411, %scan3A_468 : i32
        %mul3A_470 = arith.constant 16 : i32
        %mul3A_471 = arith.muli %scan3A_469, %mul3A_470 : i32
        %add3A_472 = vector.broadcast %mul3A_471 : i32 to vector<16xi32>
        %add3A_473 = arith.addi %add3A_472, %iota3A : vector<16xi32>
        %broadcast_in_dim3A_474 = arith.constant 0 : i32
        %broadcast_in_dim3A_475 = vector.broadcast %broadcast_in_dim3A_474 : i32 to vector<16xi32>
        %gather3A_476 = tpu.vector_load_idx %arg11[%add3A_473, %broadcast_in_dim3A_475] : memref<1024x16xf32, #tpu.memory_space<vmem>>[vector<16xi32>, vector<16xi32>], vector<16xf32>,
        %broadcast_in_dim3A_477 = arith.constant 1 : i32
        %broadcast_in_dim3A_478 = vector.broadcast %broadcast_in_dim3A_477 : i32 to vector<16xi32>
        %gather3A_479 = tpu.vector_load_idx %arg11[%add3A_473, %broadcast_in_dim3A_478] : memref<1024x16xf32, #tpu.memory_space<vmem>>[vector<16xi32>, vector<16xi32>], vector<16xf32>,
        %broadcast_in_dim3A_480 = arith.constant 2 : i32
        %broadcast_in_dim3A_481 = vector.broadcast %broadcast_in_dim3A_480 : i32 to vector<16xi32>
        %gather3A_482 = tpu.vector_load_idx %arg11[%add3A_473, %broadcast_in_dim3A_481] : memref<1024x16xf32, #tpu.memory_space<vmem>>[vector<16xi32>, vector<16xi32>], vector<16xf32>,
        %broadcast_in_dim3A_483 = arith.constant 0 : i32
        %broadcast_in_dim3A_484 = vector.broadcast %broadcast_in_dim3A_483 : i32 to vector<16xi32>
        %gather3A_485 = tpu.vector_load_idx %arg12[%add3A_473, %broadcast_in_dim3A_484] : memref<1024x16xf32, #tpu.memory_space<vmem>>[vector<16xi32>, vector<16xi32>], vector<16xf32>,
        %broadcast_in_dim3A_486 = arith.constant 1 : i32
        %broadcast_in_dim3A_487 = vector.broadcast %broadcast_in_dim3A_486 : i32 to vector<16xi32>
        %gather3A_488 = tpu.vector_load_idx %arg12[%add3A_473, %broadcast_in_dim3A_487] : memref<1024x16xf32, #tpu.memory_space<vmem>>[vector<16xi32>, vector<16xi32>], vector<16xf32>,
        %broadcast_in_dim3A_489 = arith.constant 3 : i32
        %broadcast_in_dim3A_490 = vector.broadcast %broadcast_in_dim3A_489 : i32 to vector<16xi32>
        %gather3A_491 = tpu.vector_load_idx %arg12[%add3A_473, %broadcast_in_dim3A_490] : memref<1024x16xf32, #tpu.memory_space<vmem>>[vector<16xi32>, vector<16xi32>], vector<16xf32>,
        %mul3A_492 = arith.constant 16 : i32
        %mul3A_493 = arith.muli %scan3A_469, %mul3A_492 : i32
        %get3A_494 = arith.index_cast %mul3A_493 : i32 to index
        %get3A_495 = tpu.vector_load %arg10[%get3A_494] {strides = array<i32>} : memref<1024xf32, #tpu.memory_space<vmem>>, vector<16xf32>,
        %convert_element_type3A_496 = arith.fptosi %gather3A_482 : vector<16xf32> to vector<16xi32>
        %shift_right_arithmetic3A_497 = arith.constant 10 : i32
        %shift_right_arithmetic3A_498 = vector.broadcast %shift_right_arithmetic3A_497 : i32 to vector<16xi32>
        %shift_right_arithmetic3A_499 = arith.shrsi %convert_element_type3A_496, %shift_right_arithmetic3A_498 : vector<16xi32>
        %and3A_500 = arith.constant 1023 : i32
        %and3A_501 = vector.broadcast %and3A_500 : i32 to vector<16xi32>
        %and3A_502 = arith.andi %convert_element_type3A_496, %and3A_501 : vector<16xi32>
        %convert_element_type3A_503 = arith.fptosi %gather3A_491 : vector<16xf32> to vector<16xi32>
        %add3A_504 = arith.addi %and3A_502, %convert_element_type3A_503 : vector<16xi32>
        %gather3A_505 = tpu.vector_load_idx %arg13[%add3A_504] : memref<400xf32, #tpu.memory_space<vmem>>[vector<16xi32>], vector<16xf32>,
        %mul3A_506 = arith.constant 5.000000e-01 : f32
        %mul3A_507 = vector.broadcast %mul3A_506 : f32 to vector<16xf32>
        %mul3A_508 = arith.mulf %gather3A_488, %mul3A_507 : vector<16xf32>
        %add3A_509 = arith.addf %gather3A_479, %mul3A_508 : vector<16xf32>
        %sub3A_510 = arith.constant 1.000000e+00 : f32
        %sub3A_511 = vector.broadcast %sub3A_510 : f32 to vector<16xf32>
        %sub3A_512 = arith.subf %add3A_509, %sub3A_511 : vector<16xf32>
        %mul3A_513 = arith.mulf %sub3A_512, %gather3A_505 : vector<16xf32>
        %mul3A_514 = arith.mulf %add3A_509, %get3A_495 : vector<16xf32>
        %sub3A_515 = arith.subf %mul3A_513, %mul3A_514 : vector<16xf32>
        %exp3A_516 = math.exp %sub3A_515 : vector<16xf32>
        %mul3A_517 = arith.constant 1.60943794 : f32
        %mul3A_518 = vector.broadcast %mul3A_517 : f32 to vector<16xf32>
        %mul3A_519 = arith.mulf %add3A_509, %mul3A_518 : vector<16xf32>
        %sub3A_520 = arith.subf %mul3A_513, %mul3A_519 : vector<16xf32>
        %exp3A_521 = math.exp %sub3A_520 : vector<16xf32>
        %mul3A_522 = arith.mulf %gather3A_476, %gather3A_485 : vector<16xf32>
        %abs3A_523 = math.absf %mul3A_522 : vector<16xf32>
        %mul3A_524 = arith.constant 7.199800e+00 : f32
        %mul3A_525 = vector.broadcast %mul3A_524 : f32 to vector<16xf32>
        %mul3A_526 = arith.mulf %mul3A_525, %abs3A_523 : vector<16xf32>
        %div3A_527 = arith.divf %mul3A_526, %add3A_509 : vector<16xf32>
        %sub3A_528 = arith.subf %exp3A_516, %exp3A_521 : vector<16xf32>
        %mul3A_529 = arith.mulf %div3A_527, %sub3A_528 : vector<16xf32>
        %le3A_530 = arith.constant 1.60943794 : f32
        %le3A_531 = vector.broadcast %le3A_530 : f32 to vector<16xf32>
        %le3A_532 = arith.cmpf ole, %get3A_495, %le3A_531 : vector<16xf32>
        %jit3A_533 = arith.constant 0.000000e+00 : f32
        %broadcast_in_dim3A_534 = vector.broadcast %jit3A_533 : f32 to vector<16xf32>
        %select_n3A_535 = arith.select %le3A_532, %mul3A_529, %broadcast_in_dim3A_534 : vector<16xi1>, vector<16xf32>
        tpu.vector_store_idx %arg14[%shift_right_arithmetic3A_499], %select_n3A_535 {add = true} : memref<512xf32, #tpu.memory_space<vmem>>[vector<16xi32>], vector<16xf32>,
      }
      %scan3A_366 = arith.constant 8 : i32
      %dma_wait3A_367 = arith.constant 768 : i32
      %dma_wait3A_368 = arith.constant 0 : i32
      %dma_wait3A_369 = tpu.memref_slice %arg11[%dma_wait3A_367, %dma_wait3A_368] : memref<1024x16xf32, #tpu.memory_space<vmem>> -> memref<128x16xf32, #tpu.memory_space<vmem>>
      %dma_wait3A_370 = arith.constant 768 : i32
      %dma_wait3A_371 = tpu.memref_slice %arg8[%dma_wait3A_370] : memref<1024xi32, #tpu.memory_space<vmem>> -> memref<128xi32, #tpu.memory_space<vmem>>
      %dma_wait3A_372 = arith.constant 0 : i32
      %dma_wait3A_373 = arith.constant 0 : i32
      %dma_wait3A_374 = tpu.memref_slice %arg2[%dma_wait3A_372, %dma_wait3A_373] : memref<100000x16xf32, #tpu.memory_space<hbm>> -> memref<100000x16xf32, #tpu.memory_space<hbm>>
      tpu.wait_indirect_dma semaphore(%arg15 : memref<!tpu.dma_semaphore, #tpu.memory_space<semaphore_mem>>) src(%dma_wait3A_374 : memref<100000x16xf32, #tpu.memory_space<hbm>>) dst(%dma_wait3A_369 : memref<128x16xf32, #tpu.memory_space<vmem>>)
      %dma_wait3A_375 = arith.constant 768 : i32
      %dma_wait3A_376 = arith.constant 0 : i32
      %dma_wait3A_377 = tpu.memref_slice %arg12[%dma_wait3A_375, %dma_wait3A_376] : memref<1024x16xf32, #tpu.memory_space<vmem>> -> memref<128x16xf32, #tpu.memory_space<vmem>>
      %dma_wait3A_378 = arith.constant 768 : i32
      %dma_wait3A_379 = tpu.memref_slice %arg9[%dma_wait3A_378] : memref<1024xi32, #tpu.memory_space<vmem>> -> memref<128xi32, #tpu.memory_space<vmem>>
      %dma_wait3A_380 = arith.constant 0 : i32
      %dma_wait3A_381 = arith.constant 0 : i32
      %dma_wait3A_382 = tpu.memref_slice %arg2[%dma_wait3A_380, %dma_wait3A_381] : memref<100000x16xf32, #tpu.memory_space<hbm>> -> memref<100000x16xf32, #tpu.memory_space<hbm>>
      tpu.wait_indirect_dma semaphore(%arg15 : memref<!tpu.dma_semaphore, #tpu.memory_space<semaphore_mem>>) src(%dma_wait3A_382 : memref<100000x16xf32, #tpu.memory_space<hbm>>) dst(%dma_wait3A_377 : memref<128x16xf32, #tpu.memory_space<vmem>>)
      %scan3A_383 = arith.constant 0 : i32
      %scan3A_384 = arith.constant 48 : i32
      %scan3A_385 = arith.constant 8 : i32
      %scan3A_386 = arith.addi %scan3A_384, %scan3A_385 : i32
      %scan3A_387 = arith.constant 2 : i32
      scf.for %scan3A_411 = %scan3A_384 to %scan3A_386 step %scan3A_387  : i32 {
        %mul3A_412 = arith.constant 16 : i32
        %mul3A_413 = arith.muli %scan3A_411, %mul3A_412 : i32
        %add3A_414 = vector.broadcast %mul3A_413 : i32 to vector<16xi32>
        %add3A_415 = arith.addi %add3A_414, %iota3A : vector<16xi32>
        %broadcast_in_dim3A_416 = arith.constant 0 : i32
        %broadcast_in_dim3A_417 = vector.broadcast %broadcast_in_dim3A_416 : i32 to vector<16xi32>
        %gather3A = tpu.vector_load_idx %arg11[%add3A_415, %broadcast_in_dim3A_417] : memref<1024x16xf32, #tpu.memory_space<vmem>>[vector<16xi32>, vector<16xi32>], vector<16xf32>,
        %broadcast_in_dim3A_418 = arith.constant 1 : i32
        %broadcast_in_dim3A_419 = vector.broadcast %broadcast_in_dim3A_418 : i32 to vector<16xi32>
        %gather3A_420 = tpu.vector_load_idx %arg11[%add3A_415, %broadcast_in_dim3A_419] : memref<1024x16xf32, #tpu.memory_space<vmem>>[vector<16xi32>, vector<16xi32>], vector<16xf32>,
        %broadcast_in_dim3A_421 = arith.constant 2 : i32
        %broadcast_in_dim3A_422 = vector.broadcast %broadcast_in_dim3A_421 : i32 to vector<16xi32>
        %gather3A_423 = tpu.vector_load_idx %arg11[%add3A_415, %broadcast_in_dim3A_422] : memref<1024x16xf32, #tpu.memory_space<vmem>>[vector<16xi32>, vector<16xi32>], vector<16xf32>,
        %broadcast_in_dim3A_424 = arith.constant 0 : i32
        %broadcast_in_dim3A_425 = vector.broadcast %broadcast_in_dim3A_424 : i32 to vector<16xi32>
        %gather3A_426 = tpu.vector_load_idx %arg12[%add3A_415, %broadcast_in_dim3A_425] : memref<1024x16xf32, #tpu.memory_space<vmem>>[vector<16xi32>, vector<16xi32>], vector<16xf32>,
        %broadcast_in_dim3A_427 = arith.constant 1 : i32
        %broadcast_in_dim3A_428 = vector.broadcast %broadcast_in_dim3A_427 : i32 to vector<16xi32>
        %gather3A_429 = tpu.vector_load_idx %arg12[%add3A_415, %broadcast_in_dim3A_428] : memref<1024x16xf32, #tpu.memory_space<vmem>>[vector<16xi32>, vector<16xi32>], vector<16xf32>,
        %broadcast_in_dim3A_430 = arith.constant 3 : i32
        %broadcast_in_dim3A_431 = vector.broadcast %broadcast_in_dim3A_430 : i32 to vector<16xi32>
        %gather3A_432 = tpu.vector_load_idx %arg12[%add3A_415, %broadcast_in_dim3A_431] : memref<1024x16xf32, #tpu.memory_space<vmem>>[vector<16xi32>, vector<16xi32>], vector<16xf32>,
        %mul3A_433 = arith.constant 16 : i32
        %mul3A_434 = arith.muli %scan3A_411, %mul3A_433 : i32
        %get3A = arith.index_cast %mul3A_434 : i32 to index
        %get3A_435 = tpu.vector_load %arg10[%get3A] {strides = array<i32>} : memref<1024xf32, #tpu.memory_space<vmem>>, vector<16xf32>,
        %convert_element_type3A = arith.fptosi %gather3A_423 : vector<16xf32> to vector<16xi32>
        %shift_right_arithmetic3A = arith.constant 10 : i32
        %shift_right_arithmetic3A_436 = vector.broadcast %shift_right_arithmetic3A : i32 to vector<16xi32>
        %shift_right_arithmetic3A_437 = arith.shrsi %convert_element_type3A, %shift_right_arithmetic3A_436 : vector<16xi32>
        %and3A = arith.constant 1023 : i32
        %and3A_438 = vector.broadcast %and3A : i32 to vector<16xi32>
        %and3A_439 = arith.andi %convert_element_type3A, %and3A_438 : vector<16xi32>
        %convert_element_type3A_440 = arith.fptosi %gather3A_432 : vector<16xf32> to vector<16xi32>
        %add3A_441 = arith.addi %and3A_439, %convert_element_type3A_440 : vector<16xi32>
        %gather3A_442 = tpu.vector_load_idx %arg13[%add3A_441] : memref<400xf32, #tpu.memory_space<vmem>>[vector<16xi32>], vector<16xf32>,
        %mul3A_443 = arith.constant 5.000000e-01 : f32
        %mul3A_444 = vector.broadcast %mul3A_443 : f32 to vector<16xf32>
        %mul3A_445 = arith.mulf %gather3A_429, %mul3A_444 : vector<16xf32>
        %add3A_446 = arith.addf %gather3A_420, %mul3A_445 : vector<16xf32>
        %sub3A = arith.constant 1.000000e+00 : f32
        %sub3A_447 = vector.broadcast %sub3A : f32 to vector<16xf32>
        %sub3A_448 = arith.subf %add3A_446, %sub3A_447 : vector<16xf32>
        %mul3A_449 = arith.mulf %sub3A_448, %gather3A_442 : vector<16xf32>
        %mul3A_450 = arith.mulf %add3A_446, %get3A_435 : vector<16xf32>
        %sub3A_451 = arith.subf %mul3A_449, %mul3A_450 : vector<16xf32>
        %exp3A = math.exp %sub3A_451 : vector<16xf32>
        %mul3A_452 = arith.constant 1.60943794 : f32
        %mul3A_453 = vector.broadcast %mul3A_452 : f32 to vector<16xf32>
        %mul3A_454 = arith.mulf %add3A_446, %mul3A_453 : vector<16xf32>
        %sub3A_455 = arith.subf %mul3A_449, %mul3A_454 : vector<16xf32>
        %exp3A_456 = math.exp %sub3A_455 : vector<16xf32>
        %mul3A_457 = arith.mulf %gather3A, %gather3A_426 : vector<16xf32>
        %abs3A = math.absf %mul3A_457 : vector<16xf32>
        %mul3A_458 = arith.constant 7.199800e+00 : f32
        %mul3A_459 = vector.broadcast %mul3A_458 : f32 to vector<16xf32>
        %mul3A_460 = arith.mulf %mul3A_459, %abs3A : vector<16xf32>
        %div3A = arith.divf %mul3A_460, %add3A_446 : vector<16xf32>
        %sub3A_461 = arith.subf %exp3A, %exp3A_456 : vector<16xf32>
        %mul3A_462 = arith.mulf %div3A, %sub3A_461 : vector<16xf32>
        %le3A = arith.constant 1.60943794 : f32
        %le3A_463 = vector.broadcast %le3A : f32 to vector<16xf32>
        %le3A_464 = arith.cmpf ole, %get3A_435, %le3A_463 : vector<16xf32>
        %jit3A_465 = arith.constant 0.000000e+00 : f32
        %broadcast_in_dim3A_466 = vector.broadcast %jit3A_465 : f32 to vector<16xf32>
        %select_n3A_467 = arith.select %le3A_464, %mul3A_462, %broadcast_in_dim3A_466 : vector<16xi1>, vector<16xf32>
        tpu.vector_store_idx %arg14[%shift_right_arithmetic3A_437], %select_n3A_467 {add = true} : memref<512xf32, #tpu.memory_space<vmem>>[vector<16xi32>], vector<16xf32>,
        %scan3A_468 = arith.constant 1 : i32
        %scan3A_469 = arith.addi %scan3A_411, %scan3A_468 : i32
        %mul3A_470 = arith.constant 16 : i32
        %mul3A_471 = arith.muli %scan3A_469, %mul3A_470 : i32
        %add3A_472 = vector.broadcast %mul3A_471 : i32 to vector<16xi32>
        %add3A_473 = arith.addi %add3A_472, %iota3A : vector<16xi32>
        %broadcast_in_dim3A_474 = arith.constant 0 : i32
        %broadcast_in_dim3A_475 = vector.broadcast %broadcast_in_dim3A_474 : i32 to vector<16xi32>
        %gather3A_476 = tpu.vector_load_idx %arg11[%add3A_473, %broadcast_in_dim3A_475] : memref<1024x16xf32, #tpu.memory_space<vmem>>[vector<16xi32>, vector<16xi32>], vector<16xf32>,
        %broadcast_in_dim3A_477 = arith.constant 1 : i32
        %broadcast_in_dim3A_478 = vector.broadcast %broadcast_in_dim3A_477 : i32 to vector<16xi32>
        %gather3A_479 = tpu.vector_load_idx %arg11[%add3A_473, %broadcast_in_dim3A_478] : memref<1024x16xf32, #tpu.memory_space<vmem>>[vector<16xi32>, vector<16xi32>], vector<16xf32>,
        %broadcast_in_dim3A_480 = arith.constant 2 : i32
        %broadcast_in_dim3A_481 = vector.broadcast %broadcast_in_dim3A_480 : i32 to vector<16xi32>
        %gather3A_482 = tpu.vector_load_idx %arg11[%add3A_473, %broadcast_in_dim3A_481] : memref<1024x16xf32, #tpu.memory_space<vmem>>[vector<16xi32>, vector<16xi32>], vector<16xf32>,
        %broadcast_in_dim3A_483 = arith.constant 0 : i32
        %broadcast_in_dim3A_484 = vector.broadcast %broadcast_in_dim3A_483 : i32 to vector<16xi32>
        %gather3A_485 = tpu.vector_load_idx %arg12[%add3A_473, %broadcast_in_dim3A_484] : memref<1024x16xf32, #tpu.memory_space<vmem>>[vector<16xi32>, vector<16xi32>], vector<16xf32>,
        %broadcast_in_dim3A_486 = arith.constant 1 : i32
        %broadcast_in_dim3A_487 = vector.broadcast %broadcast_in_dim3A_486 : i32 to vector<16xi32>
        %gather3A_488 = tpu.vector_load_idx %arg12[%add3A_473, %broadcast_in_dim3A_487] : memref<1024x16xf32, #tpu.memory_space<vmem>>[vector<16xi32>, vector<16xi32>], vector<16xf32>,
        %broadcast_in_dim3A_489 = arith.constant 3 : i32
        %broadcast_in_dim3A_490 = vector.broadcast %broadcast_in_dim3A_489 : i32 to vector<16xi32>
        %gather3A_491 = tpu.vector_load_idx %arg12[%add3A_473, %broadcast_in_dim3A_490] : memref<1024x16xf32, #tpu.memory_space<vmem>>[vector<16xi32>, vector<16xi32>], vector<16xf32>,
        %mul3A_492 = arith.constant 16 : i32
        %mul3A_493 = arith.muli %scan3A_469, %mul3A_492 : i32
        %get3A_494 = arith.index_cast %mul3A_493 : i32 to index
        %get3A_495 = tpu.vector_load %arg10[%get3A_494] {strides = array<i32>} : memref<1024xf32, #tpu.memory_space<vmem>>, vector<16xf32>,
        %convert_element_type3A_496 = arith.fptosi %gather3A_482 : vector<16xf32> to vector<16xi32>
        %shift_right_arithmetic3A_497 = arith.constant 10 : i32
        %shift_right_arithmetic3A_498 = vector.broadcast %shift_right_arithmetic3A_497 : i32 to vector<16xi32>
        %shift_right_arithmetic3A_499 = arith.shrsi %convert_element_type3A_496, %shift_right_arithmetic3A_498 : vector<16xi32>
        %and3A_500 = arith.constant 1023 : i32
        %and3A_501 = vector.broadcast %and3A_500 : i32 to vector<16xi32>
        %and3A_502 = arith.andi %convert_element_type3A_496, %and3A_501 : vector<16xi32>
        %convert_element_type3A_503 = arith.fptosi %gather3A_491 : vector<16xf32> to vector<16xi32>
        %add3A_504 = arith.addi %and3A_502, %convert_element_type3A_503 : vector<16xi32>
        %gather3A_505 = tpu.vector_load_idx %arg13[%add3A_504] : memref<400xf32, #tpu.memory_space<vmem>>[vector<16xi32>], vector<16xf32>,
        %mul3A_506 = arith.constant 5.000000e-01 : f32
        %mul3A_507 = vector.broadcast %mul3A_506 : f32 to vector<16xf32>
        %mul3A_508 = arith.mulf %gather3A_488, %mul3A_507 : vector<16xf32>
        %add3A_509 = arith.addf %gather3A_479, %mul3A_508 : vector<16xf32>
        %sub3A_510 = arith.constant 1.000000e+00 : f32
        %sub3A_511 = vector.broadcast %sub3A_510 : f32 to vector<16xf32>
        %sub3A_512 = arith.subf %add3A_509, %sub3A_511 : vector<16xf32>
        %mul3A_513 = arith.mulf %sub3A_512, %gather3A_505 : vector<16xf32>
        %mul3A_514 = arith.mulf %add3A_509, %get3A_495 : vector<16xf32>
        %sub3A_515 = arith.subf %mul3A_513, %mul3A_514 : vector<16xf32>
        %exp3A_516 = math.exp %sub3A_515 : vector<16xf32>
        %mul3A_517 = arith.constant 1.60943794 : f32
        %mul3A_518 = vector.broadcast %mul3A_517 : f32 to vector<16xf32>
        %mul3A_519 = arith.mulf %add3A_509, %mul3A_518 : vector<16xf32>
        %sub3A_520 = arith.subf %mul3A_513, %mul3A_519 : vector<16xf32>
        %exp3A_521 = math.exp %sub3A_520 : vector<16xf32>
        %mul3A_522 = arith.mulf %gather3A_476, %gather3A_485 : vector<16xf32>
        %abs3A_523 = math.absf %mul3A_522 : vector<16xf32>
        %mul3A_524 = arith.constant 7.199800e+00 : f32
        %mul3A_525 = vector.broadcast %mul3A_524 : f32 to vector<16xf32>
        %mul3A_526 = arith.mulf %mul3A_525, %abs3A_523 : vector<16xf32>
        %div3A_527 = arith.divf %mul3A_526, %add3A_509 : vector<16xf32>
        %sub3A_528 = arith.subf %exp3A_516, %exp3A_521 : vector<16xf32>
        %mul3A_529 = arith.mulf %div3A_527, %sub3A_528 : vector<16xf32>
        %le3A_530 = arith.constant 1.60943794 : f32
        %le3A_531 = vector.broadcast %le3A_530 : f32 to vector<16xf32>
        %le3A_532 = arith.cmpf ole, %get3A_495, %le3A_531 : vector<16xf32>
        %jit3A_533 = arith.constant 0.000000e+00 : f32
        %broadcast_in_dim3A_534 = vector.broadcast %jit3A_533 : f32 to vector<16xf32>
        %select_n3A_535 = arith.select %le3A_532, %mul3A_529, %broadcast_in_dim3A_534 : vector<16xi1>, vector<16xf32>
        tpu.vector_store_idx %arg14[%shift_right_arithmetic3A_499], %select_n3A_535 {add = true} : memref<512xf32, #tpu.memory_space<vmem>>[vector<16xi32>], vector<16xf32>,
      }
      %scan3A_388 = arith.constant 8 : i32
      %dma_wait3A_389 = arith.constant 896 : i32
      %dma_wait3A_390 = arith.constant 0 : i32
      %dma_wait3A_391 = tpu.memref_slice %arg11[%dma_wait3A_389, %dma_wait3A_390] : memref<1024x16xf32, #tpu.memory_space<vmem>> -> memref<128x16xf32, #tpu.memory_space<vmem>>
      %dma_wait3A_392 = arith.constant 896 : i32
      %dma_wait3A_393 = tpu.memref_slice %arg8[%dma_wait3A_392] : memref<1024xi32, #tpu.memory_space<vmem>> -> memref<128xi32, #tpu.memory_space<vmem>>
      %dma_wait3A_394 = arith.constant 0 : i32
      %dma_wait3A_395 = arith.constant 0 : i32
      %dma_wait3A_396 = tpu.memref_slice %arg2[%dma_wait3A_394, %dma_wait3A_395] : memref<100000x16xf32, #tpu.memory_space<hbm>> -> memref<100000x16xf32, #tpu.memory_space<hbm>>
      tpu.wait_indirect_dma semaphore(%arg15 : memref<!tpu.dma_semaphore, #tpu.memory_space<semaphore_mem>>) src(%dma_wait3A_396 : memref<100000x16xf32, #tpu.memory_space<hbm>>) dst(%dma_wait3A_391 : memref<128x16xf32, #tpu.memory_space<vmem>>)
      %dma_wait3A_397 = arith.constant 896 : i32
      %dma_wait3A_398 = arith.constant 0 : i32
      %dma_wait3A_399 = tpu.memref_slice %arg12[%dma_wait3A_397, %dma_wait3A_398] : memref<1024x16xf32, #tpu.memory_space<vmem>> -> memref<128x16xf32, #tpu.memory_space<vmem>>
      %dma_wait3A_400 = arith.constant 896 : i32
      %dma_wait3A_401 = tpu.memref_slice %arg9[%dma_wait3A_400] : memref<1024xi32, #tpu.memory_space<vmem>> -> memref<128xi32, #tpu.memory_space<vmem>>
      %dma_wait3A_402 = arith.constant 0 : i32
      %dma_wait3A_403 = arith.constant 0 : i32
      %dma_wait3A_404 = tpu.memref_slice %arg2[%dma_wait3A_402, %dma_wait3A_403] : memref<100000x16xf32, #tpu.memory_space<hbm>> -> memref<100000x16xf32, #tpu.memory_space<hbm>>
      tpu.wait_indirect_dma semaphore(%arg15 : memref<!tpu.dma_semaphore, #tpu.memory_space<semaphore_mem>>) src(%dma_wait3A_404 : memref<100000x16xf32, #tpu.memory_space<hbm>>) dst(%dma_wait3A_399 : memref<128x16xf32, #tpu.memory_space<vmem>>)
      %scan3A_405 = arith.constant 0 : i32
      %scan3A_406 = arith.constant 56 : i32
      %scan3A_407 = arith.constant 8 : i32
      %scan3A_408 = arith.addi %scan3A_406, %scan3A_407 : i32
      %scan3A_409 = arith.constant 2 : i32
      scf.for %scan3A_411 = %scan3A_406 to %scan3A_408 step %scan3A_409  : i32 {
        %mul3A_412 = arith.constant 16 : i32
        %mul3A_413 = arith.muli %scan3A_411, %mul3A_412 : i32
        %add3A_414 = vector.broadcast %mul3A_413 : i32 to vector<16xi32>
        %add3A_415 = arith.addi %add3A_414, %iota3A : vector<16xi32>
        %broadcast_in_dim3A_416 = arith.constant 0 : i32
        %broadcast_in_dim3A_417 = vector.broadcast %broadcast_in_dim3A_416 : i32 to vector<16xi32>
        %gather3A = tpu.vector_load_idx %arg11[%add3A_415, %broadcast_in_dim3A_417] : memref<1024x16xf32, #tpu.memory_space<vmem>>[vector<16xi32>, vector<16xi32>], vector<16xf32>,
        %broadcast_in_dim3A_418 = arith.constant 1 : i32
        %broadcast_in_dim3A_419 = vector.broadcast %broadcast_in_dim3A_418 : i32 to vector<16xi32>
        %gather3A_420 = tpu.vector_load_idx %arg11[%add3A_415, %broadcast_in_dim3A_419] : memref<1024x16xf32, #tpu.memory_space<vmem>>[vector<16xi32>, vector<16xi32>], vector<16xf32>,
        %broadcast_in_dim3A_421 = arith.constant 2 : i32
        %broadcast_in_dim3A_422 = vector.broadcast %broadcast_in_dim3A_421 : i32 to vector<16xi32>
        %gather3A_423 = tpu.vector_load_idx %arg11[%add3A_415, %broadcast_in_dim3A_422] : memref<1024x16xf32, #tpu.memory_space<vmem>>[vector<16xi32>, vector<16xi32>], vector<16xf32>,
        %broadcast_in_dim3A_424 = arith.constant 0 : i32
        %broadcast_in_dim3A_425 = vector.broadcast %broadcast_in_dim3A_424 : i32 to vector<16xi32>
        %gather3A_426 = tpu.vector_load_idx %arg12[%add3A_415, %broadcast_in_dim3A_425] : memref<1024x16xf32, #tpu.memory_space<vmem>>[vector<16xi32>, vector<16xi32>], vector<16xf32>,
        %broadcast_in_dim3A_427 = arith.constant 1 : i32
        %broadcast_in_dim3A_428 = vector.broadcast %broadcast_in_dim3A_427 : i32 to vector<16xi32>
        %gather3A_429 = tpu.vector_load_idx %arg12[%add3A_415, %broadcast_in_dim3A_428] : memref<1024x16xf32, #tpu.memory_space<vmem>>[vector<16xi32>, vector<16xi32>], vector<16xf32>,
        %broadcast_in_dim3A_430 = arith.constant 3 : i32
        %broadcast_in_dim3A_431 = vector.broadcast %broadcast_in_dim3A_430 : i32 to vector<16xi32>
        %gather3A_432 = tpu.vector_load_idx %arg12[%add3A_415, %broadcast_in_dim3A_431] : memref<1024x16xf32, #tpu.memory_space<vmem>>[vector<16xi32>, vector<16xi32>], vector<16xf32>,
        %mul3A_433 = arith.constant 16 : i32
        %mul3A_434 = arith.muli %scan3A_411, %mul3A_433 : i32
        %get3A = arith.index_cast %mul3A_434 : i32 to index
        %get3A_435 = tpu.vector_load %arg10[%get3A] {strides = array<i32>} : memref<1024xf32, #tpu.memory_space<vmem>>, vector<16xf32>,
        %convert_element_type3A = arith.fptosi %gather3A_423 : vector<16xf32> to vector<16xi32>
        %shift_right_arithmetic3A = arith.constant 10 : i32
        %shift_right_arithmetic3A_436 = vector.broadcast %shift_right_arithmetic3A : i32 to vector<16xi32>
        %shift_right_arithmetic3A_437 = arith.shrsi %convert_element_type3A, %shift_right_arithmetic3A_436 : vector<16xi32>
        %and3A = arith.constant 1023 : i32
        %and3A_438 = vector.broadcast %and3A : i32 to vector<16xi32>
        %and3A_439 = arith.andi %convert_element_type3A, %and3A_438 : vector<16xi32>
        %convert_element_type3A_440 = arith.fptosi %gather3A_432 : vector<16xf32> to vector<16xi32>
        %add3A_441 = arith.addi %and3A_439, %convert_element_type3A_440 : vector<16xi32>
        %gather3A_442 = tpu.vector_load_idx %arg13[%add3A_441] : memref<400xf32, #tpu.memory_space<vmem>>[vector<16xi32>], vector<16xf32>,
        %mul3A_443 = arith.constant 5.000000e-01 : f32
        %mul3A_444 = vector.broadcast %mul3A_443 : f32 to vector<16xf32>
        %mul3A_445 = arith.mulf %gather3A_429, %mul3A_444 : vector<16xf32>
        %add3A_446 = arith.addf %gather3A_420, %mul3A_445 : vector<16xf32>
        %sub3A = arith.constant 1.000000e+00 : f32
        %sub3A_447 = vector.broadcast %sub3A : f32 to vector<16xf32>
        %sub3A_448 = arith.subf %add3A_446, %sub3A_447 : vector<16xf32>
        %mul3A_449 = arith.mulf %sub3A_448, %gather3A_442 : vector<16xf32>
        %mul3A_450 = arith.mulf %add3A_446, %get3A_435 : vector<16xf32>
        %sub3A_451 = arith.subf %mul3A_449, %mul3A_450 : vector<16xf32>
        %exp3A = math.exp %sub3A_451 : vector<16xf32>
        %mul3A_452 = arith.constant 1.60943794 : f32
        %mul3A_453 = vector.broadcast %mul3A_452 : f32 to vector<16xf32>
        %mul3A_454 = arith.mulf %add3A_446, %mul3A_453 : vector<16xf32>
        %sub3A_455 = arith.subf %mul3A_449, %mul3A_454 : vector<16xf32>
        %exp3A_456 = math.exp %sub3A_455 : vector<16xf32>
        %mul3A_457 = arith.mulf %gather3A, %gather3A_426 : vector<16xf32>
        %abs3A = math.absf %mul3A_457 : vector<16xf32>
        %mul3A_458 = arith.constant 7.199800e+00 : f32
        %mul3A_459 = vector.broadcast %mul3A_458 : f32 to vector<16xf32>
        %mul3A_460 = arith.mulf %mul3A_459, %abs3A : vector<16xf32>
        %div3A = arith.divf %mul3A_460, %add3A_446 : vector<16xf32>
        %sub3A_461 = arith.subf %exp3A, %exp3A_456 : vector<16xf32>
        %mul3A_462 = arith.mulf %div3A, %sub3A_461 : vector<16xf32>
        %le3A = arith.constant 1.60943794 : f32
        %le3A_463 = vector.broadcast %le3A : f32 to vector<16xf32>
        %le3A_464 = arith.cmpf ole, %get3A_435, %le3A_463 : vector<16xf32>
        %jit3A_465 = arith.constant 0.000000e+00 : f32
        %broadcast_in_dim3A_466 = vector.broadcast %jit3A_465 : f32 to vector<16xf32>
        %select_n3A_467 = arith.select %le3A_464, %mul3A_462, %broadcast_in_dim3A_466 : vector<16xi1>, vector<16xf32>
        tpu.vector_store_idx %arg14[%shift_right_arithmetic3A_437], %select_n3A_467 {add = true} : memref<512xf32, #tpu.memory_space<vmem>>[vector<16xi32>], vector<16xf32>,
        %scan3A_468 = arith.constant 1 : i32
        %scan3A_469 = arith.addi %scan3A_411, %scan3A_468 : i32
        %mul3A_470 = arith.constant 16 : i32
        %mul3A_471 = arith.muli %scan3A_469, %mul3A_470 : i32
        %add3A_472 = vector.broadcast %mul3A_471 : i32 to vector<16xi32>
        %add3A_473 = arith.addi %add3A_472, %iota3A : vector<16xi32>
        %broadcast_in_dim3A_474 = arith.constant 0 : i32
        %broadcast_in_dim3A_475 = vector.broadcast %broadcast_in_dim3A_474 : i32 to vector<16xi32>
        %gather3A_476 = tpu.vector_load_idx %arg11[%add3A_473, %broadcast_in_dim3A_475] : memref<1024x16xf32, #tpu.memory_space<vmem>>[vector<16xi32>, vector<16xi32>], vector<16xf32>,
        %broadcast_in_dim3A_477 = arith.constant 1 : i32
        %broadcast_in_dim3A_478 = vector.broadcast %broadcast_in_dim3A_477 : i32 to vector<16xi32>
        %gather3A_479 = tpu.vector_load_idx %arg11[%add3A_473, %broadcast_in_dim3A_478] : memref<1024x16xf32, #tpu.memory_space<vmem>>[vector<16xi32>, vector<16xi32>], vector<16xf32>,
        %broadcast_in_dim3A_480 = arith.constant 2 : i32
        %broadcast_in_dim3A_481 = vector.broadcast %broadcast_in_dim3A_480 : i32 to vector<16xi32>
        %gather3A_482 = tpu.vector_load_idx %arg11[%add3A_473, %broadcast_in_dim3A_481] : memref<1024x16xf32, #tpu.memory_space<vmem>>[vector<16xi32>, vector<16xi32>], vector<16xf32>,
        %broadcast_in_dim3A_483 = arith.constant 0 : i32
        %broadcast_in_dim3A_484 = vector.broadcast %broadcast_in_dim3A_483 : i32 to vector<16xi32>
        %gather3A_485 = tpu.vector_load_idx %arg12[%add3A_473, %broadcast_in_dim3A_484] : memref<1024x16xf32, #tpu.memory_space<vmem>>[vector<16xi32>, vector<16xi32>], vector<16xf32>,
        %broadcast_in_dim3A_486 = arith.constant 1 : i32
        %broadcast_in_dim3A_487 = vector.broadcast %broadcast_in_dim3A_486 : i32 to vector<16xi32>
        %gather3A_488 = tpu.vector_load_idx %arg12[%add3A_473, %broadcast_in_dim3A_487] : memref<1024x16xf32, #tpu.memory_space<vmem>>[vector<16xi32>, vector<16xi32>], vector<16xf32>,
        %broadcast_in_dim3A_489 = arith.constant 3 : i32
        %broadcast_in_dim3A_490 = vector.broadcast %broadcast_in_dim3A_489 : i32 to vector<16xi32>
        %gather3A_491 = tpu.vector_load_idx %arg12[%add3A_473, %broadcast_in_dim3A_490] : memref<1024x16xf32, #tpu.memory_space<vmem>>[vector<16xi32>, vector<16xi32>], vector<16xf32>,
        %mul3A_492 = arith.constant 16 : i32
        %mul3A_493 = arith.muli %scan3A_469, %mul3A_492 : i32
        %get3A_494 = arith.index_cast %mul3A_493 : i32 to index
        %get3A_495 = tpu.vector_load %arg10[%get3A_494] {strides = array<i32>} : memref<1024xf32, #tpu.memory_space<vmem>>, vector<16xf32>,
        %convert_element_type3A_496 = arith.fptosi %gather3A_482 : vector<16xf32> to vector<16xi32>
        %shift_right_arithmetic3A_497 = arith.constant 10 : i32
        %shift_right_arithmetic3A_498 = vector.broadcast %shift_right_arithmetic3A_497 : i32 to vector<16xi32>
        %shift_right_arithmetic3A_499 = arith.shrsi %convert_element_type3A_496, %shift_right_arithmetic3A_498 : vector<16xi32>
        %and3A_500 = arith.constant 1023 : i32
        %and3A_501 = vector.broadcast %and3A_500 : i32 to vector<16xi32>
        %and3A_502 = arith.andi %convert_element_type3A_496, %and3A_501 : vector<16xi32>
        %convert_element_type3A_503 = arith.fptosi %gather3A_491 : vector<16xf32> to vector<16xi32>
        %add3A_504 = arith.addi %and3A_502, %convert_element_type3A_503 : vector<16xi32>
        %gather3A_505 = tpu.vector_load_idx %arg13[%add3A_504] : memref<400xf32, #tpu.memory_space<vmem>>[vector<16xi32>], vector<16xf32>,
        %mul3A_506 = arith.constant 5.000000e-01 : f32
        %mul3A_507 = vector.broadcast %mul3A_506 : f32 to vector<16xf32>
        %mul3A_508 = arith.mulf %gather3A_488, %mul3A_507 : vector<16xf32>
        %add3A_509 = arith.addf %gather3A_479, %mul3A_508 : vector<16xf32>
        %sub3A_510 = arith.constant 1.000000e+00 : f32
        %sub3A_511 = vector.broadcast %sub3A_510 : f32 to vector<16xf32>
        %sub3A_512 = arith.subf %add3A_509, %sub3A_511 : vector<16xf32>
        %mul3A_513 = arith.mulf %sub3A_512, %gather3A_505 : vector<16xf32>
        %mul3A_514 = arith.mulf %add3A_509, %get3A_495 : vector<16xf32>
        %sub3A_515 = arith.subf %mul3A_513, %mul3A_514 : vector<16xf32>
        %exp3A_516 = math.exp %sub3A_515 : vector<16xf32>
        %mul3A_517 = arith.constant 1.60943794 : f32
        %mul3A_518 = vector.broadcast %mul3A_517 : f32 to vector<16xf32>
        %mul3A_519 = arith.mulf %add3A_509, %mul3A_518 : vector<16xf32>
        %sub3A_520 = arith.subf %mul3A_513, %mul3A_519 : vector<16xf32>
        %exp3A_521 = math.exp %sub3A_520 : vector<16xf32>
        %mul3A_522 = arith.mulf %gather3A_476, %gather3A_485 : vector<16xf32>
        %abs3A_523 = math.absf %mul3A_522 : vector<16xf32>
        %mul3A_524 = arith.constant 7.199800e+00 : f32
        %mul3A_525 = vector.broadcast %mul3A_524 : f32 to vector<16xf32>
        %mul3A_526 = arith.mulf %mul3A_525, %abs3A_523 : vector<16xf32>
        %div3A_527 = arith.divf %mul3A_526, %add3A_509 : vector<16xf32>
        %sub3A_528 = arith.subf %exp3A_516, %exp3A_521 : vector<16xf32>
        %mul3A_529 = arith.mulf %div3A_527, %sub3A_528 : vector<16xf32>
        %le3A_530 = arith.constant 1.60943794 : f32
        %le3A_531 = vector.broadcast %le3A_530 : f32 to vector<16xf32>
        %le3A_532 = arith.cmpf ole, %get3A_495, %le3A_531 : vector<16xf32>
        %jit3A_533 = arith.constant 0.000000e+00 : f32
        %broadcast_in_dim3A_534 = vector.broadcast %jit3A_533 : f32 to vector<16xf32>
        %select_n3A_535 = arith.select %le3A_532, %mul3A_529, %broadcast_in_dim3A_534 : vector<16xi1>, vector<16xf32>
        tpu.vector_store_idx %arg14[%shift_right_arithmetic3A_499], %select_n3A_535 {add = true} : memref<512xf32, #tpu.memory_space<vmem>>[vector<16xi32>], vector<16xf32>,
      }
      %scan3A_410 = arith.constant 8 : i32
    }
    %dma_start3A = arith.constant 0 : i32
    %dma_start3A_76 = tpu.memref_slice %arg7[%add3A, %dma_start3A] : memref<32x512xf32, #tpu.memory_space<hbm>> -> memref<1x512xf32, #tpu.memory_space<hbm>>
    %dma_start3A_77 = tpu.memref_squeeze %dma_start3A_76 : memref<1x512xf32, #tpu.memory_space<hbm>> -> memref<512xf32, #tpu.memory_space<hbm>>
    %dma_start3A_78 = arith.constant 0 : i32
    %dma_start3A_79 = tpu.memref_slice %arg7[%add3A, %dma_start3A_78] : memref<32x512xf32, #tpu.memory_space<hbm>> -> memref<1x512xf32, #tpu.memory_space<hbm>>
    %dma_start3A_80 = tpu.memref_squeeze %dma_start3A_79 : memref<1x512xf32, #tpu.memory_space<hbm>> -> memref<512xf32, #tpu.memory_space<hbm>>
    tpu.enqueue_dma source(%arg14 : memref<512xf32, #tpu.memory_space<vmem>>) target(%dma_start3A_80 : memref<512xf32, #tpu.memory_space<hbm>>) target_semaphore(%arg15 : memref<!tpu.dma_semaphore, #tpu.memory_space<semaphore_mem>>)
    %dma_wait3A = arith.constant 0 : i32
    %dma_wait3A_81 = tpu.memref_slice %arg7[%add3A, %dma_wait3A] : memref<32x512xf32, #tpu.memory_space<hbm>> -> memref<1x512xf32, #tpu.memory_space<hbm>>
    %dma_wait3A_82 = tpu.memref_squeeze %dma_wait3A_81 : memref<1x512xf32, #tpu.memory_space<hbm>> -> memref<512xf32, #tpu.memory_space<hbm>>
    %dma_wait3A_83 = arith.constant 0 : i32
    %dma_wait3A_84 = tpu.memref_slice %arg7[%add3A, %dma_wait3A_83] : memref<32x512xf32, #tpu.memory_space<hbm>> -> memref<1x512xf32, #tpu.memory_space<hbm>>
    %dma_wait3A_85 = tpu.memref_squeeze %dma_wait3A_84 : memref<1x512xf32, #tpu.memory_space<hbm>> -> memref<512xf32, #tpu.memory_space<hbm>>
    tpu.wait_dma2 semaphore(%arg15 : memref<!tpu.dma_semaphore, #tpu.memory_space<semaphore_mem>>) src(%arg14 : memref<512xf32, #tpu.memory_space<vmem>>) dst(%dma_wait3A_85 : memref<512xf32, #tpu.memory_space<hbm>>)
    return
  }
}

module attributes {stable_mosaic.version = 14 : i64} {
  func.func @_lnd_body(%arg0: i32, %arg1: memref<10240xf32, #tpu.memory_space<vmem>>, %arg2: memref<10240xf32, #tpu.memory_space<vmem>>, %arg3: memref<10240xf32, #tpu.memory_space<vmem>>, %arg4: memref<10240xf32, #tpu.memory_space<vmem>>) attributes {dimension_semantics = [#tpu.dimension_semantics<arbitrary>], iteration_bounds = array<i64: 625>, scalar_prefetch = 0 : i64, scratch_operands = 0 : i64, tpu.core_type = #tpu.core_type<tc>, window_params = [{transform_indices = @transform_0, window_bounds = array<i64: 10240>}, {transform_indices = @transform_1, window_bounds = array<i64: 10240>}, {transform_indices = @transform_2, window_bounds = array<i64: 10240>}, {transform_indices = @transform_3, window_bounds = array<i64: 10240>}]} {
    %get3A = arith.constant 0 : index
    %get3A_0 = vector.load %arg1[%get3A] : memref<10240xf32, #tpu.memory_space<vmem>>, vector<10240xf32>
    %get3A_1 = arith.constant 0 : index
    %get3A_2 = vector.load %arg2[%get3A_1] : memref<10240xf32, #tpu.memory_space<vmem>>, vector<10240xf32>
    %get3A_3 = arith.constant 0 : index
    %get3A_4 = vector.load %arg3[%get3A_3] : memref<10240xf32, #tpu.memory_space<vmem>>, vector<10240xf32>
    %mul3A = arith.mulf %get3A_0, %get3A_0 : vector<10240xf32>
    %mul3A_5 = arith.mulf %get3A_2, %get3A_2 : vector<10240xf32>
    %add3A = arith.addf %mul3A, %mul3A_5 : vector<10240xf32>
    %mul3A_6 = arith.mulf %get3A_4, %get3A_4 : vector<10240xf32>
    %add3A_7 = arith.addf %add3A, %mul3A_6 : vector<10240xf32>
    %log3A = math.log %add3A_7 : vector<10240xf32>
    %mul3A_8 = arith.constant 5.000000e-01 : f32
    %mul3A_9 = vector.broadcast %mul3A_8 : f32 to vector<10240xf32>
    %mul3A_10 = arith.mulf %mul3A_9, %log3A : vector<10240xf32>
    %swap3A = arith.constant 0 : index
    %swap3A_11 = vector.load %arg4[%swap3A] : memref<10240xf32, #tpu.memory_space<vmem>>, vector<10240xf32>
    tpu.vector_store %arg4[%swap3A], %mul3A_10 {strides = array<i32>} : memref<10240xf32, #tpu.memory_space<vmem>>, vector<10240xf32>,
    return
  }
  func.func @transform_0(%arg0: i32) -> i32 {
    %c0_i32 = arith.constant 0 : i32
    return %arg0 : i32
  }
  func.func @transform_1(%arg0: i32) -> i32 {
    %c0_i32 = arith.constant 0 : i32
    return %arg0 : i32
  }
  func.func @transform_2(%arg0: i32) -> i32 {
    %c0_i32 = arith.constant 0 : i32
    return %arg0 : i32
  }
  func.func @transform_3(%arg0: i32) -> i32 {
    %c0_i32 = arith.constant 0 : i32
    return %arg0 : i32
  }
}

</mosaic_0001>

<sc_bundles>
// kernel: kernel.4.cloned.1.call-start
scs
__scs_entry_jumppad:
0x0: {  	(pc) =	sbr.rel $0x88, $3  }
0x1: {  	(tag) =	ssettag $0x0;
	lr =	simm.s32 $0x1  }
0x2: {  	[smem:$0x3F98] =	sst lr;
	_ =	strace $0xD0000000  }
0x3: {  	_ = 	snop  }
0x4: {  	_ = 	snop  }
0x5: {  	_ = 	snop  }
0x6: {  	_ = 	snop  }
0x7: {  	_ = 	snop  }
__scs_overlays_trampoline_lowered:
0x8: {  	[smem:$0x3FA7] =	sst s0  }
0x9: {  	[smem:$0x3FA8] =	sst s1  }
0xa: {  	[smem:$0x3FA9] =	sst s2  }
0xb: {  	[smem:$0x3FAA] =	sst s3  }
0xc: {  	[smem:$0x3FAB] =	sst s4  }
0xd: {  	[smem:$0x3FAC] =	sst s5  }
0xe: {  	[smem:$0x3FAD] =	sst s6  }
0xf: {  	[smem:$0x3FAE] =	sst s7  }
0x10: {  	[smem:$0x3FAF] =	sst s8  }
0x11: {  	[smem:$0x3FB0] =	sst s9;
	s0 =	simm.s32 @!p0 $0x0  }
0x12: {  	s1 =	sld [smem:$0x3F96];
	s0 =	simm.s32 @p0 $0x1  }
0x13: {  	[smem:$0x3FB1] =	sst s0;
	s0 =	simm.s32 @!p1 $0x0  }
0x14: {  	s2 =	sld [smem:$0x3F95];
	s0 =	simm.s32 @p1 $0x1  }
0x15: {  	[smem:$0x3FB2] =	sst s0;
	s0 =	simm.s32 @!p2 $0x0  }
0x16: {  	s3 =	sld [smem:$0x3FDB];
	s0 =	simm.s32 @p2 $0x1  }
0x17: {  	s4 =	simm.s32 $0x1BF5;
	[smem:$0x3FB4] =	sst s0  }
0x18: {  	s0 =	sld [smem:$0x3F97];
	_ =	swait.ge [sflag:s4], $0x0  }
0x19: {  	s7 =	sld [smem:$0x3F98]  }
0x1a: {  	s8 =	sadd.s32 $0xFFFFE003, lr  }
0x1b: {  	s9 =	sadd.s32 $0xFFFFFEF7, lr;
	s5 =	simm.s32 $0xFFFFFFFF;
	p2 =	slt.u32 s8, $0xFFFFF086  }
0x1c: {  	p1 =	slt.u32 s9, $0xF7A;
	s5 =	simm.s32 @!p2 $0x0  }
0x1d: {  	s5 =	simm.s32 @p1 $0x1;
	p0 =	seq.s32 s7, s2  }
0x1e: {  	s7 =	smul.u32 @!p0 $0xF7A, s2;
	p2 =	seq.s32 @!p0 s5, $0x0  }
0x1f: {  	s9 =	smul.u32 $0xF7A, s1;
	s8 =	simm.s32 @!p0 $0x1BF5;
	p2 =	por !p2, p0  }
0x20: {  	[sflag:s8] =	ssyncset.s32 @!p0 $0xFFFFF086;
	s6 =	sadd.s32 @!p0 s3, s7;
	s7 =	simm.s32 @!p0 $0x108  }
0x21: {  	s3 =	sadd.s32 s3, s9;
	s6 =	sadd.s32 @!p0 $0x88, s6;
	s7 =	simm.s32 @p2 $0x1082  }
0x22: {  	[simem:s7], [sflag:s8] =	dma.local @!p0 [hbm:s6], $0xF7A  }
0x23: {  	s9 =	sor.u32 $0xD0000000, s2;
	s6 =	simm.s32 $0x108;
	_ =	swait.ge @!p0 [sflag:s8], $0x0  }
0x24: {  	s3 =	sadd.s32 $0x88, s3;
	s6 =	simm.s32 @!p1 $0x1082;
	[sflag:s4] =	ssyncset.s32 $0xFFFFF086  }
0x25: {  	[simem:s6], [sflag:s4] =	dma.local [hbm:s3], $0xF7A  }
0x26: {  	[smem:$0x3F98] =	sst s1;
	(tag) =	ssettag s2;
	_ =	strace s9  }
0x27: {  	s1 =	sld [smem:$0x3FA8]  }
0x28: {  	s2 =	sld [smem:$0x3FA9]  }
0x29: {  	s4 =	sld [smem:$0x3FAB]  }
0x2a: {  	p0 =	seq.s32 s5, $0x0;
	s5 =	sld [smem:$0x3FAC]  }
0x2b: {  	s6 =	sld [smem:$0x3FAD]  }
0x2c: {  	s7 =	sld [smem:$0x3FAE]  }
0x2d: {  	s3 =	simm.s32 $0x108;
	s8 =	sld [smem:$0x3FAF]  }
0x2e: {  	s3 =	simm.s32 @!p0 $0x1082;
	s9 =	sld [smem:$0x3FB0]  }
0x2f: {  	lr =	sadd.s32 s0, s3;
	s0 =	sld [smem:$0x3FA7]  }
0x30: {  	s3 =	sld [smem:$0x3FAA]  }
0x31: {  	[smem:$0x3FB3] =	sst s10  }
0x32: {  	s10 =	sld [smem:$0x3FB1];
	_ =	sdelay $0x3  }
0x33: {  	p0 =	seq.s32 s10, $0x1;
	s10 =	sld [smem:$0x3FB3];
	_ =	sdelay $0x3  }
0x34: {  	[smem:$0x3FB3] =	sst s10  }
0x35: {  	s10 =	sld [smem:$0x3FB2];
	_ =	sdelay $0x3  }
0x36: {  	p1 =	seq.s32 s10, $0x1;
	s10 =	sld [smem:$0x3FB3];
	_ =	sdelay $0x3  }
0x37: {  	[smem:$0x3FB3] =	sst s10  }
0x38: {  	s10 =	sld [smem:$0x3FB4]  }
0x39: {  	_ = 	snop;
	(pc) =	sbr.ind lr, $3  }
0x3a: {  	_ = 	snop  }
0x3b: {  	_ = 	snop  }
0x3c: {  	p2 =	seq.s32 s10, $0x1;
	s10 =	sld [smem:$0x3FB3]  }
0x3d: {  	_ =	shalt  }
0x3e: {  	_ =	shalt  }
0x3f: {  	_ =	shalt  }
0x40: {  	_ =	shalt  }
0x41: {  	_ =	shalt  }
0x42: {  	_ =	shalt  }
0x43: {  	_ =	shalt  }
0x44: {  	_ =	shalt  }
0x45: {  	_ =	shalt  }
0x46: {  	_ =	shalt  }
0x47: {  	_ =	shalt  }
0x48: {  	_ =	shalt  }
0x49: {  	_ =	shalt  }
0x4a: {  	_ =	shalt  }
0x4b: {  	_ =	shalt  }
0x4c: {  	_ =	shalt  }
0x4d: {  	_ =	shalt  }
0x4e: {  	_ =	shalt  }
0x4f: {  	_ =	shalt  }
0x50: {  	_ =	shalt  }
0x51: {  	_ =	shalt  }
0x52: {  	_ =	shalt  }
0x53: {  	_ =	shalt  }
0x54: {  	_ =	shalt  }
0x55: {  	_ =	shalt  }
0x56: {  	_ =	shalt  }
0x57: {  	_ =	shalt  }
0x58: {  	_ =	shalt  }
0x59: {  	_ =	shalt  }
0x5a: {  	_ =	shalt  }
0x5b: {  	_ =	shalt  }
0x5c: {  	_ =	shalt  }
0x5d: {  	_ =	shalt  }
0x5e: {  	_ =	shalt  }
0x5f: {  	_ =	shalt  }
0x60: {  	_ =	shalt  }
0x61: {  	_ =	shalt  }
0x62: {  	_ =	shalt  }
0x63: {  	_ =	shalt  }
0x64: {  	_ =	shalt  }
0x65: {  	_ =	shalt  }
0x66: {  	_ =	shalt  }
0x67: {  	_ =	shalt  }
0x68: {  	_ =	shalt  }
0x69: {  	_ =	shalt  }
0x6a: {  	_ =	shalt  }
0x6b: {  	_ =	shalt  }
0x6c: {  	_ =	shalt  }
0x6d: {  	_ =	shalt  }
0x6e: {  	_ =	shalt  }
0x6f: {  	_ =	shalt  }
0x70: {  	_ =	shalt  }
0x71: {  	_ =	shalt  }
0x72: {  	_ =	shalt  }
0x73: {  	_ =	shalt  }
0x74: {  	_ =	shalt  }
0x75: {  	_ =	shalt  }
0x76: {  	_ =	shalt  }
0x77: {  	_ =	shalt  }
0x78: {  	_ =	shalt  }
0x79: {  	_ =	shalt  }
0x7a: {  	_ =	shalt  }
0x7b: {  	_ =	shalt  }
0x7c: {  	_ =	shalt  }
0x7d: {  	_ =	shalt  }
0x7e: {  	_ =	shalt  }
0x7f: {  	_ =	shalt  }
0x80: {  	_ =	shalt  }
0x81: {  	_ =	shalt  }
0x82: {  	_ =	shalt  }
0x83: {  	_ =	shalt  }
0x84: {  	_ =	shalt  }
0x85: {  	_ =	shalt  }
0x86: {  	_ =	shalt  }
0x87: {  	_ =	shalt  }
.Lfunc_end0:
.L_simem_size_0:
called_computation_lowered:
.L_overlay_start_0:
0x88: {  	s2 =	sld [smem:$0x3FD9]  }
0x89: {  	s3 =	sld [smem:$0x3FFE];
	_ =	sdelay $0x1  }
0x8a: {  	s1 =	srdreg.scid  }
0x8b: {  	s0 =	sand.u32 $0x1, s1  }
0x8c: {  	s17 =	sshll.u32 s0, $0xA;
	s2 =	sadd.s32 s3, s2  }
0x8d: {  	s2 =	sadd.s32 s2, s17  }
0x8e: {  	[smem:$0x3FBF] =	sst s2  }
0x8f: {  	_ = 	snop  }
0x90: {  	s2 =	sld [smem:$0x3FC4]  }
0x91: {  	s18 =	sld [smem:$0x3FC3]  }
0x92: {  	s4 =	sld [smem:$0x3FD0];
	(tm) =	ssettm $0x1  }
0x93: {  	s5 =	sld [smem:$0x3FFB];
	_ =	sdelay $0x3  }
0x94: {  	_ =	strace s5  }
0x95: {  	s5 =	sld [smem:$0x3FFC];
	_ =	sdelay $0x3  }
0x96: {  	_ =	strace s5  }
0x97: {  	s5 =	sld [smem:$0x3FFD];
	_ =	sdelay $0x3  }
0x98: {  	_ =	strace s5  }
0x99: {  	_ =	strace $0x8FFFFFFF  }
0x9a: {  	s19 =	sld [smem:$0x3FDB];
	_ =	sdelay $0x1  }
0x9b: {  	s6 =	simm.s32 $_scs_section_size  }
0x9c: {  	s7 =	simm.s32 $_size__tile_overlayer_lowered;
	s8 =	simm.s32 $_tile_overlayer_lowered  }
0x9d: {  	s22 =	simm.s32 $0x1BFF;
	s21 =	sshll.u32 s8, $0x1;
	s5 =	sadd.s32 s6, s19  }
0x9e: {  	s9 =	simm.s32 $0x0;
	s20 =	sshll.u32 s7, $0x1;
	s7 =	sadd.s32 s21, s5  }
0x9f: {  	[timem:s9], [sflag:s22] =	dma.local [hbm:s7], s20  }
0xa0: {  	_ =	swait.ge [sflag:s22], s20  }
0xa1: {  	s6 =	ssub.s32 $0x0, s20;
	[sflag:s22] =	ssyncset.done $0x0  }
0xa2: {  	[sflag:s22] =	ssyncadd.s32 s6;
	_ =	sdelay $0x1  }
0xa3: {  	s23 =	simm.s32 $0x1B8B  }
0xa4: {  	_ =	swait.ge [sflag:s23], $0x1  }
0xa5: {  	[sflag:s23] =	ssyncset.done $0x0  }
0xa6: {  	s25 =	simm.s32 $0x1B8E;
	s24 =	sld [smem:$0x3FFE];
	[sflag:s23] =	ssyncadd.s32 $0xFFFFFFFF  }
0xa7: {  	s26 =	simm.s32 $execute0_lowered;
	[smem:$0x3FD2] =	sst s25  }
0xa8: {  	s7 =	sshll.u32 s26, $0x1;
	_ =	strace $0x80000046;
	[dreg:$0x1] =	wrdreg $0xFFFFFFFF  }
0xa9: {  	s28 =	simm.s32 $_size_execute0_lowered;
	s5 =	sadd.s32 s5, s7;
	[dreg:$0x0] =	wrdreg $0x0  }
0xaa: {  	s7 =	sshll.u32 s28, $0x1;
	[dreg:$0x2] =	wrdreg s5  }
0xab: {  	[dreg:$0x3] =	wrdreg s7  }
0xac: {  	[dreg:$0x4] =	wrdreg $0xC0  }
0xad: {  	_ =	task [dreg:s9], $0x5FFFF  }
0xae: {  	[dreg:$0x1] =	wrdreg $0xFFFFFFFF  }
0xaf: {  	[dreg:$0x0] =	wrdreg $0x60  }
0xb0: {  	[dreg:$0x2] =	wrdreg s24  }
0xb1: {  	[dreg:$0x3] =	wrdreg s2  }
0xb2: {  	[dreg:$0x4] =	wrdreg s18  }
0xb3: {  	[dreg:$0x5] =	wrdreg s4  }
0xb4: {  	[dreg:$0x6] =	wrdreg $0x9  }
0xb5: {  	_ =	task.clear_ibuf [dreg:s9], $0x7FFFF;
	_ =	strace $0x90000046  }
0xb6: {  	s29 =	simm.s32 $0x9;
	_ =	strace $0x80000048  }
0xb7: {  	_ =	swait.ge [sflag:s29], $0x1  }
0xb8: {  	[sflag:s29] =	ssyncadd.s32 $0xFFFFFFFF  }
0xb9: {  	_ =	strace $0x90000048  }
0xba: {  	_ =	sfence  }
0xbb: {  	s30 =	sld [smem:$0x0];
	_ =	sdelay $0x2  }
0xbc: {  	s31 =	sshll.u32 s1, $0xD;
	s1 =	sshrl.u32 s1, $0x2  }
0xbd: {  	s3 =	sand.u32 $0x4000, s31;
	s1 =	sadd.s32 s1, s30  }
0xbe: {  	s0 =	sor.u32 s3, s0;
	s1 =	sshll.u32 s1, $0x11  }
0xbf: {  	s0 =	sor.u32 s1, s0  }
0xc0: {  	s0 =	sadd.s32 $0x8F2B, s0  }
0xc1: {  	[sflag:s0] =	ssyncadd.remote.s32 $0x1  }
0xc2: {  	_ =	sfence.sel $0xFFFF  }
0xc3: {  	[dreg:$0x0] =	wrdreg $0xFFFFFFFF;
	(pc) =	sbr.abs _section_cstart, $3  }
0xc4: {  	[dreg:$0x1] =	wrdreg $0xFFFFFFFF  }
0xc5: {  	_ =	task.clear_ibuf [dreg:s9], $0x2FFFF;
	_ =	strace $0x9FFFFFFF  }
0xc6: {  	(tm) =	ssettm $0x7FFFFFFF  }
0xc7: {  	_ =	shalt  }
tec
execute0_lowered:
.L_overlay_start_1:
0x0: {  	(tag) =	ssettag $0x1  }
0x1: {  	s0 =	rddreg [dreg:$0x0]  }
0x2: {  	s5 =	simm.s32 $0x0;
	s1 =	srdreg.scid;
	s8 =	stileid.u32  }
0x3: {  	s12 =	simm.s32 $0x8C00;
	s13 =	simm.s32 $0x1;
	s14 =	simm.s32 $0x400  }
0x4: {  	s16 =	simm.s32 $0x80;
	s17 =	simm.s32 $0xC00;
	s18 =	simm.s32 $0x4C00  }
0x5: {  	s10 =	simm.s32 $0x280;
	s11 =	simm.s32 $0x3400;
	s15 =	simm.s32 $0x300  }
0x6: {  	s19 =	simm.s32 $0x3C00;
	s20 =	simm.s32 $0x700;
	s21 =	simm.s32 $0x7C00  }
0x7: {  	s22 =	simm.s32 $0x380;
	s23 =	simm.s32 $0x4400;
	s24 =	simm.s32 $0x780  }
0x8: {  	s25 =	simm.s32 $0x8400;
	s26 =	simm.s32 $0x8D90;
	s28 =	simm.s32 $0x0  }
0x9: {  	[smem:$0x7FF] =	sst s5;
	s1 =	sand.u32 $0x1, s1;
	s2 =	sshll.u32 s8, $0x1  }
0xa: {  	s6 =	sadd.s32 $0x600, s0;
	s7 =	sadd.s32 $0x27B600, s0;
	p0 =	slt.u32 s8, $0x5  }
0xb: {  	s8 =	simm.s32 $0xC4;
	_ =	strace $0x80000047;
	s2 =	sor.u32 s1, s2  }
0xc: {  	s1 =	ssub.s32 $0x2, s1;
	s8 =	simm.s32 @!p0 $0xC3;
	s3 =	sshll.u32 s2, $0x6  }
0xd: {  	s4 =	sshrl.u32 s1, $0x1;
	s9 =	sshll.u32 s2, $0xA;
	s0 =	sadd.s32 s3, s0  }
0xe: {  	s2 =	simm.s32 $0x7400;
	s1 =	ssub.s32 s1, s4;
	s0 =	sadd.s32 $0x31400, s0  }
0xf: {  	v1 =	vlaneseq.u32;
	s3 =	simm.s32 $0x600;
	s31 =	smax.u32 s1, $0x1;
	[dreg:$0x5] =	wrdreg s0  }
0x10: {  	v0 =	vimm.f32 $0.0e+00;
	v1 =	vmul.u32 $0x10, v1;
	s4 =	simm.s32 $0x6C00;
	s1 =	simm.s32 $0x680;
	[dreg:$0x6] =	wrdreg s31  }
.LBB2_1:
0x11: {  	[dreg:$0x7] =	wrdreg s28  }
0x12: {  	s0 =	rddreg [dreg:$0x3]  }
0x13: {  	[tilespmem:s12], [sflag:$0x1] =	stream.linear.gather [hbm4b:s0+s5], $0x190, $0x38;
	[tilespmem:$0x8F90] =	vst v63  }
0x14: {  	_ =	swait.ge [sflag:s13], $0x190  }
0x15: {  	[sflag:s13] =	ssyncset.done $0x0  }
0x16: {  	[sflag:s13] =	ssyncadd.s32 $0xFFFFFE70  }
0x17: {  	[tilespmem:$0x8D90] =	vst v0  }
0x18: {  	[tilespmem:$0x8DA0] =	vst v0  }
0x19: {  	[tilespmem:$0x8DB0] =	vst v0  }
0x1a: {  	[tilespmem:$0x8DC0] =	vst v0  }
0x1b: {  	[tilespmem:$0x8DD0] =	vst v0  }
0x1c: {  	[tilespmem:$0x8DE0] =	vst v0  }
0x1d: {  	[tilespmem:$0x8DF0] =	vst v0  }
0x1e: {  	[tilespmem:$0x8E00] =	vst v0  }
0x1f: {  	[tilespmem:$0x8E10] =	vst v0  }
0x20: {  	[tilespmem:$0x8E20] =	vst v0  }
0x21: {  	[tilespmem:$0x8E30] =	vst v0  }
0x22: {  	[tilespmem:$0x8E40] =	vst v0  }
0x23: {  	[tilespmem:$0x8E50] =	vst v0  }
0x24: {  	[tilespmem:$0x8E60] =	vst v0  }
0x25: {  	[tilespmem:$0x8E70] =	vst v0  }
0x26: {  	[tilespmem:$0x8E80] =	vst v0  }
0x27: {  	[tilespmem:$0x8E90] =	vst v0  }
0x28: {  	[tilespmem:$0x8EA0] =	vst v0  }
0x29: {  	[tilespmem:$0x8EB0] =	vst v0  }
0x2a: {  	[tilespmem:$0x8EC0] =	vst v0  }
0x2b: {  	[tilespmem:$0x8ED0] =	vst v0  }
0x2c: {  	[tilespmem:$0x8EE0] =	vst v0  }
0x2d: {  	[tilespmem:$0x8EF0] =	vst v0  }
0x2e: {  	[tilespmem:$0x8F00] =	vst v0  }
0x2f: {  	[tilespmem:$0x8F10] =	vst v0  }
0x30: {  	[tilespmem:$0x8F20] =	vst v0  }
0x31: {  	[tilespmem:$0x8F30] =	vst v0  }
0x32: {  	[tilespmem:$0x8F40] =	vst v0  }
0x33: {  	[tilespmem:$0x8F50] =	vst v0  }
0x34: {  	[tilespmem:$0x8F60] =	vst v0  }
0x35: {  	[tilespmem:$0x8F70] =	vst v0  }
0x36: {  	s28 =	simm.s32 $0x0;
	[tilespmem:$0x8F80] =	vst v0  }
.LBB2_2:
0x37: {  	s29 =	sshll.u32 s28, $0xF  }
0x38: {  	s29 =	sor.u32 s9, s29  }
0x39: {  	s0 =	rddreg [dreg:$0x1];
	s29 =	sshrl.u32 s29, $0x3  }
0x3a: {  	s30 =	sadd.s32 s0, s29;
	s0 =	rddreg [dreg:$0x2]  }
0x3b: {  	[tilespmem:s5], [sflag:$0x1] =	stream.linear.gather [hbm4b:s30+s5], $0x400, $0x38;
	[tilespmem:$0x8F90] =	vst v63  }
0x3c: {  	s30 =	sadd.s32 s0, s29  }
0x3d: {  	[tilespmem:s14], [sflag:$0x1] =	stream.linear.gather [hbm4b:s30+s5], $0x400, $0x38;
	[tilespmem:$0x8F90] =	vst v63  }
0x3e: {  	s29 =	sadd.s32 s7, s29;
	s0 =	simm.s32 $0x800  }
0x3f: {  	[tilespmem:s0], [sflag:$0x1] =	stream.linear.gather [hbm4b:s29+s5], $0x400, $0x38;
	[tilespmem:$0x8F90] =	vst v63  }
0x40: {  	_ =	swait.ge [sflag:s13], $0x400  }
0x41: {  	[sflag:s13] =	ssyncset.done $0x0  }
0x42: {  	[sflag:s13] =	ssyncadd.s32 $0xFFFFFC00  }
0x43: {  	_ =	swait.ge [sflag:s13], $0x400  }
0x44: {  	[sflag:s13] =	ssyncset.done $0x0  }
0x45: {  	[sflag:s13] =	ssyncadd.s32 $0xFFFFFC00  }
0x46: {  	[tilespmem:s17], [sflag:$0x1] =	stream.indirect.gather [hbm4b:s6+s16], $0x10, s5, s16, $0xb8;
	[tilespmem:$0x8F90] =	vst v63  }
0x47: {  	_ = 	snop  }
0x48: {  	[tilespmem:s18], [sflag:$0x1] =	stream.indirect.gather [hbm4b:s6+s16], $0x10, s14, s16, $0xb8;
	[tilespmem:$0x8F90] =	vst v63  }
0x49: {  	s0 =	simm.s32 $0x1400  }
0x4a: {  	[tilespmem:s0], [sflag:$0x1] =	stream.indirect.gather [hbm4b:s6+s16], $0x10, s16, s16, $0xb8;
	[tilespmem:$0x8F90] =	vst v63  }
0x4b: {  	s29 =	simm.s32 $0x5400;
	s0 =	simm.s32 $0x480  }
0x4c: {  	[tilespmem:s29], [sflag:$0x1] =	stream.indirect.gather [hbm4b:s6+s16], $0x10, s0, s16, $0xb8;
	[tilespmem:$0x8F90] =	vst v63  }
0x4d: {  	s0 =	simm.s32 $0x100;
	s29 =	simm.s32 $0x1C00  }
0x4e: {  	[tilespmem:s29], [sflag:$0x1] =	stream.indirect.gather [hbm4b:s6+s16], $0x10, s0, s16, $0xb8;
	[tilespmem:$0x8F90] =	vst v63  }
0x4f: {  	s0 =	simm.s32 $0x500;
	s29 =	simm.s32 $0x5C00  }
0x50: {  	[tilespmem:s29], [sflag:$0x1] =	stream.indirect.gather [hbm4b:s6+s16], $0x10, s0, s16, $0xb8;
	[tilespmem:$0x8F90] =	vst v63  }
0x51: {  	s0 =	simm.s32 $0x180;
	s29 =	simm.s32 $0x2400  }
0x52: {  	[tilespmem:s29], [sflag:$0x1] =	stream.indirect.gather [hbm4b:s6+s16], $0x10, s0, s16, $0xb8;
	[tilespmem:$0x8F90] =	vst v63  }
0x53: {  	s0 =	simm.s32 $0x580;
	s29 =	simm.s32 $0x6400  }
0x54: {  	[tilespmem:s29], [sflag:$0x1] =	stream.indirect.gather [hbm4b:s6+s16], $0x10, s0, s16, $0xb8;
	[tilespmem:$0x8F90] =	vst v63  }
0x55: {  	s0 =	simm.s32 $0x200;
	s29 =	simm.s32 $0x2C00  }
0x56: {  	[tilespmem:s29], [sflag:$0x1] =	stream.indirect.gather [hbm4b:s6+s16], $0x10, s0, s16, $0xb8;
	[tilespmem:$0x8F90] =	vst v63  }
0x57: {  	_ = 	snop  }
0x58: {  	[tilespmem:s4], [sflag:$0x1] =	stream.indirect.gather [hbm4b:s6+s16], $0x10, s3, s16, $0xb8;
	[tilespmem:$0x8F90] =	vst v63  }
0x59: {  	_ = 	snop  }
0x5a: {  	[tilespmem:s11], [sflag:$0x1] =	stream.indirect.gather [hbm4b:s6+s16], $0x10, s10, s16, $0xb8;
	[tilespmem:$0x8F90] =	vst v63  }
0x5b: {  	_ = 	snop  }
0x5c: {  	[tilespmem:s2], [sflag:$0x1] =	stream.indirect.gather [hbm4b:s6+s16], $0x10, s1, s16, $0xb8;
	[tilespmem:$0x8F90] =	vst v63  }
0x5d: {  	_ = 	snop  }
0x5e: {  	[tilespmem:s19], [sflag:$0x1] =	stream.indirect.gather [hbm4b:s6+s16], $0x10, s15, s16, $0xb8;
	[tilespmem:$0x8F90] =	vst v63  }
0x5f: {  	_ = 	snop  }
0x60: {  	[tilespmem:s21], [sflag:$0x1] =	stream.indirect.gather [hbm4b:s6+s16], $0x10, s20, s16, $0xb8;
	[tilespmem:$0x8F90] =	vst v63  }
0x61: {  	_ = 	snop  }
0x62: {  	[tilespmem:s23], [sflag:$0x1] =	stream.indirect.gather [hbm4b:s6+s16], $0x10, s22, s16, $0xb8;
	[tilespmem:$0x8F90] =	vst v63  }
0x63: {  	_ = 	snop  }
0x64: {  	[tilespmem:s25], [sflag:$0x1] =	stream.indirect.gather [hbm4b:s6+s16], $0x10, s24, s16, $0xb8;
	[tilespmem:$0x8F90] =	vst v63  }
0x65: {  	s29 =	simm.s32 $0x0;
	_ =	swait.ge [sflag:s13], $0x400  }
0x66: {  	v2 =	vmov s29;
	[sflag:s13] =	ssyncset.done $0x0  }
0x67: {  	v2 =	vshll.u32 v2, $0x4;
	[sflag:s13] =	ssyncadd.s32 $0xFFFFFC00  }
0x68: {  	v2 =	vor.u32 v1, v2;
	_ =	swait.ge [sflag:s13], $0x800  }
0x69: {  	v3 =	vor.u32 $0x2, v2;
	[sflag:s13] =	ssyncset.done $0x0  }
0x6a: {  	v4 =	vor.u32 $0x3, v2;
	[sflag:s13] =	ssyncadd.s32 $0xFFFFF800  }
0x6b: {  	_ =	swait.ge [sflag:s13], $0x800  }
0x6c: {  	[sflag:s13] =	ssyncset.done $0x0  }
0x6d: {  	[sflag:s13] =	ssyncadd.s32 $0xFFFFF800  }
0x6e: {  	v3 =	vld.idx.msk [tilespmem:v3+s17+$0x0], $0xffff  }
0x6f: {  	v4 =	vld.idx.msk [tilespmem:v4+s18+$0x0], $0xffff;
	_ =	sdelay $0x1  }
0x70: {  	v5 =	vor.u32 $0x1, v2;
	_ =	sdelay $0x1  }
0x71: {  	v3 =	vtrunc.f32 v3  }
0x72: {  	v4 =	vtrunc.f32 v4;
	v3 =	vcvt.f32.s32 v3  }
0x73: {  	v4 =	vcvt.f32.s32 v4  }
0x74: {  	v7 =	vld.idx.msk [tilespmem:v5+s18+$0x0], $0xffff;
	v6 =	vand.u32 $0x3FF, v3  }
0x75: {  	v4 =	vadd.s32 v4, v6  }
0x76: {  	v5 =	vld.idx.msk [tilespmem:v5+s17+$0x0], $0xffff;
	_ =	sdelay $0x1  }
0x77: {  	s29 =	simm.s32 $0x810  }
0x78: {  	v6 =	vmul.f32 $5.000000000e-01, v7;
	v7 =	vld [tilespmem:s29+$0xFFFFFFF0]  }
0x79: {  	v4 =	vld.idx.msk [tilespmem:v4+s12+$0x0], $0xffff  }
0x7a: {  	v5 =	vadd.f32 v6, v5;
	_ =	sdelay $0x1  }
0x7b: {  	v6 =	vadd.f32 $-1.000000000e+00, v5;
	_ =	sdelay $0x1  }
0x7c: {  	v4 =	vmul.f32 v4, v6;
	v6 =	vmul.f32 v7, v5  }
0x7d: {  	v8 =	vmul.f32 $1.609437940e+00, v5  }
0x7e: {  	v6 =	vsub.f32 v4, v6  }
0x7f: {  	v4 =	vsub.f32 v4, v8  }
0x80: {  	v6 =	vmul.f32 $1.442695020e+00, v6  }
0x81: {  	(erf) = vrcp.f32 v5;
	v4 =	vmul.f32 $1.442695020e+00, v4  }
0x82: {  	v5 =	vld.idx.msk [tilespmem:v2+s18+$0x0], $0xffff;
	(erf) = vpow2.f32 v6  }
0x83: {  	v2 =	vld.idx.msk [tilespmem:v2+s17+$0x0], $0xffff;
	(erf) = vpow2.f32 v4;
	_ =	sdelay $0x4  }
0x84: {  	v2 =	vmul.f32 v5, v2;
	_ =	sdelay $0x1  }
0x85: {  	s30 =	simm.s32 $0x10;
	v2 =	vand.u32 $0x7FFFFFFF, v2;
	v4 =	vpop (erf)  }
0x86: {  	v5 =	vmov s30;
	v2 =	vmul.f32 $7.199800010e+00, v2;
	v6 =	vpop (erf)  }
0x87: {  	v3 =	vshra.s32 v3, $0xA;
	v5 =	vshll.u32 v5, $0x4;
	v8 =	vpop (erf)  }
0x88: {  	v5 =	vor.u32 v1, v5;
	v2 =	vmul.f32 v4, v2;
	v4 =	vsub.f32 v6, v8  }
0x89: {  	v6 =	vor.u32 $0x2, v5  }
0x8a: {  	v2 =	vmul.f32 v4, v2;
	v4 =	vor.u32 $0x3, v5  }
0x8b: {  	vm0 =	vle.f32 v7, $1.609437940e+00  }
0x8c: {  	v2 =	vnsel vm0, $0x0, v2  }
0x8d: {  	[tilespmem:v3+s26+$0x0] =	vst.idx.add.f32.msk $0xffff, v2  }
0x8e: {  	v2 =	vld.idx.msk [tilespmem:v6+s17+$0x0], $0xffff  }
0x8f: {  	v3 =	vld.idx.msk [tilespmem:v4+s18+$0x0], $0xffff;
	_ =	sdelay $0x1  }
0x90: {  	v4 =	vor.u32 $0x1, v5;
	_ =	sdelay $0x1  }
0x91: {  	v2 =	vtrunc.f32 v2  }
0x92: {  	v6 =	vcvt.f32.s32 v2;
	v2 =	vtrunc.f32 v3  }
0x93: {  	v2 =	vcvt.f32.s32 v2  }
0x94: {  	v7 =	vld.idx.msk [tilespmem:v4+s18+$0x0], $0xffff;
	v3 =	vand.u32 $0x3FF, v6  }
0x95: {  	v2 =	vadd.s32 v2, v3  }
0x96: {  	v3 =	vld.idx.msk [tilespmem:v4+s17+$0x0], $0xffff;
	_ =	sdelay $0x2  }
0x97: {  	v4 =	vmul.f32 $5.000000000e-01, v7;
	v7 =	vld [tilespmem:s29+$0x0]  }
0x98: {  	v2 =	vld.idx.msk [tilespmem:v2+s12+$0x0], $0xffff  }
0x99: {  	v3 =	vadd.f32 v4, v3;
	_ =	sdelay $0x1  }
0x9a: {  	v4 =	vadd.f32 $-1.000000000e+00, v3;
	_ =	sdelay $0x1  }
0x9b: {  	v2 =	vmul.f32 v2, v4;
	v4 =	vmul.f32 v7, v3  }
0x9c: {  	v8 =	vmul.f32 $1.609437940e+00, v3  }
0x9d: {  	v4 =	vsub.f32 v2, v4  }
0x9e: {  	v2 =	vsub.f32 v2, v8  }
0x9f: {  	v4 =	vmul.f32 $1.442695020e+00, v4  }
0xa0: {  	(erf) = vrcp.f32 v3;
	v3 =	vld.idx.msk [tilespmem:v5+s18+$0x0], $0xffff;
	v2 =	vmul.f32 $1.442695020e+00, v2  }
0xa1: {  	(erf) = vpow2.f32 v4;
	v4 =	vld.idx.msk [tilespmem:v5+s17+$0x0], $0xffff  }
0xa2: {  	(erf) = vpow2.f32 v2;
	_ =	sdelay $0x3  }
0xa3: {  	v2 =	vmul.f32 v3, v4;
	_ =	sdelay $0x1  }
0xa4: {  	v2 =	vand.u32 $0x7FFFFFFF, v2  }
0xa5: {  	s30 =	simm.s32 $0x20;
	v3 =	vpop (erf);
	v2 =	vmul.f32 $7.199800010e+00, v2  }
0xa6: {  	v4 =	vmov s30;
	v5 =	vpop (erf)  }
0xa7: {  	v4 =	vshll.u32 v4, $0x4;
	v8 =	vpop (erf);
	v9 =	vmul.f32 v3, v2  }
0xa8: {  	v2 =	vor.u32 v1, v4;
	v4 =	vshra.s32 v6, $0xA;
	v8 =	vsub.f32 v5, v8  }
0xa9: {  	vm0 =	vle.f32 v7, $1.609437940e+00;
	v6 =	vor.u32 $0x2, v2  }
0xaa: {  	s31 =	simm.s32 $0x2;
	s30 =	simm.s32 $0x30;
	v3 =	vor.u32 $0x1, v2;
	v5 =	vor.u32 $0x3, v2;
	v7 =	vmul.f32 v8, v9  }
.LBB2_3:
0xab: {  	s31 =	sadd.s32 $0x2, s31;
	s29 =	sadd.s32 $0x20, s29  }
0xac: {  	p0 =	slt.u32 s31, $0x6;
	v7 =	vnsel vm0, $0x0, v7  }
0xad: {  	[tilespmem:v4+s26+$0x0] =	vst.idx.add.f32.msk $0xffff, v7  }
0xae: {  	v4 =	vld.idx.msk [tilespmem:v6+s17+$0x0], $0xffff  }
0xaf: {  	v5 =	vld.idx.msk [tilespmem:v5+s18+$0x0], $0xffff;
	_ =	sdelay $0x4  }
0xb0: {  	v4 =	vtrunc.f32 v4  }
0xb1: {  	v4 =	vcvt.f32.s32 v4;
	v5 =	vtrunc.f32 v5  }
0xb2: {  	v5 =	vcvt.f32.s32 v5  }
0xb3: {  	v7 =	vand.u32 $0x3FF, v4;
	v6 =	vld.idx.msk [tilespmem:v3+s18+$0x0], $0xffff  }
0xb4: {  	v5 =	vadd.s32 v5, v7  }
0xb5: {  	v3 =	vld.idx.msk [tilespmem:v3+s17+$0x0], $0xffff;
	_ =	sdelay $0x3  }
0xb6: {  	v6 =	vmul.f32 $5.000000000e-01, v6;
	v5 =	vld.idx.msk [tilespmem:v5+s12+$0x0], $0xffff  }
0xb7: {  	v7 =	vld [tilespmem:s29+$0xFFFFFFF0]  }
0xb8: {  	v3 =	vadd.f32 v6, v3;
	_ =	sdelay $0x1  }
0xb9: {  	v6 =	vadd.f32 $-1.000000000e+00, v3;
	(erf) = vrcp.f32 v3  }
0xba: {  	v8 =	vmul.f32 $1.609437940e+00, v3  }
0xbb: {  	v5 =	vmul.f32 v5, v6;
	v3 =	vmul.f32 v7, v3;
	_ =	sdelay $0x1  }
0xbc: {  	v3 =	vsub.f32 v5, v3;
	v5 =	vsub.f32 v5, v8;
	_ =	sdelay $0x1  }
0xbd: {  	v6 =	vld.idx.msk [tilespmem:v2+s18+$0x0], $0xffff;
	v8 =	vmul.f32 $1.442695020e+00, v3;
	v5 =	vmul.f32 $1.442695020e+00, v5  }
0xbe: {  	v2 =	vld.idx.msk [tilespmem:v2+s17+$0x0], $0xffff  }
0xbf: {  	(erf) = vpow2.f32 v8  }
0xc0: {  	(erf) = vpow2.f32 v5;
	v3 =	vpop (erf);
	_ =	sdelay $0x3  }
0xc1: {  	v2 =	vmul.f32 v6, v2;
	_ =	sdelay $0x1  }
0xc2: {  	v2 =	vand.u32 $0x7FFFFFFF, v2  }
0xc3: {  	v2 =	vmul.f32 $7.199800010e+00, v2  }
0xc4: {  	v8 =	vmov s30;
	v6 =	vpop (erf)  }
0xc5: {  	v4 =	vshra.s32 v4, $0xA;
	v2 =	vmul.f32 v3, v2;
	v3 =	vshll.u32 v8, $0x4;
	v5 =	vpop (erf)  }
0xc6: {  	v3 =	vor.u32 v1, v3;
	v5 =	vsub.f32 v6, v5  }
0xc7: {  	v6 =	vor.u32 $0x2, v3  }
0xc8: {  	vm0 =	vle.f32 v7, $1.609437940e+00;
	v2 =	vmul.f32 v5, v2;
	v5 =	vor.u32 $0x3, v3;
	_ =	sdelay $0x1  }
0xc9: {  	v2 =	vnsel vm0, $0x0, v2  }
0xca: {  	[tilespmem:v4+s26+$0x0] =	vst.idx.add.f32.msk $0xffff, v2  }
0xcb: {  	v2 =	vld.idx.msk [tilespmem:v6+s17+$0x0], $0xffff  }
0xcc: {  	v4 =	vld.idx.msk [tilespmem:v5+s18+$0x0], $0xffff;
	_ =	sdelay $0x2  }
0xcd: {  	v5 =	vor.u32 $0x1, v3;
	_ =	sdelay $0x1  }
0xce: {  	v2 =	vtrunc.f32 v2  }
0xcf: {  	v2 =	vcvt.f32.s32 v2;
	v4 =	vtrunc.f32 v4  }
0xd0: {  	v4 =	vcvt.f32.s32 v4  }
0xd1: {  	v7 =	vand.u32 $0x3FF, v2;
	v6 =	vld.idx.msk [tilespmem:v5+s18+$0x0], $0xffff  }
0xd2: {  	v4 =	vadd.s32 v4, v7  }
0xd3: {  	v5 =	vld.idx.msk [tilespmem:v5+s17+$0x0], $0xffff;
	_ =	sdelay $0x3  }
0xd4: {  	v6 =	vmul.f32 $5.000000000e-01, v6;
	v4 =	vld.idx.msk [tilespmem:v4+s12+$0x0], $0xffff  }
0xd5: {  	v7 =	vld [tilespmem:s29+$0x0]  }
0xd6: {  	v5 =	vadd.f32 v6, v5;
	_ =	sdelay $0x1  }
0xd7: {  	v6 =	vadd.f32 $-1.000000000e+00, v5;
	(erf) = vrcp.f32 v5  }
0xd8: {  	v8 =	vmul.f32 $1.609437940e+00, v5  }
0xd9: {  	v4 =	vmul.f32 v4, v6;
	v5 =	vmul.f32 v7, v5;
	_ =	sdelay $0x1  }
0xda: {  	v5 =	vsub.f32 v4, v5;
	v4 =	vsub.f32 v4, v8  }
0xdb: {  	v6 =	vld.idx.msk [tilespmem:v3+s18+$0x0], $0xffff  }
0xdc: {  	v3 =	vld.idx.msk [tilespmem:v3+s17+$0x0], $0xffff;
	v8 =	vmul.f32 $1.442695020e+00, v5;
	v4 =	vmul.f32 $1.442695020e+00, v4;
	_ =	sdelay $0x1  }
0xdd: {  	(erf) = vpow2.f32 v8  }
0xde: {  	(erf) = vpow2.f32 v4;
	v5 =	vpop (erf);
	_ =	sdelay $0x2  }
0xdf: {  	v3 =	vmul.f32 v6, v3;
	_ =	sdelay $0x1  }
0xe0: {  	v3 =	vand.u32 $0x7FFFFFFF, v3  }
0xe1: {  	s30 =	sadd.s32 $0x20, s30;
	v9 =	vmul.f32 $7.199800010e+00, v3  }
0xe2: {  	s0 =	sadd.s32 $0xFFFFFFF0, s30  }
.Ltmp0:
0xe3: {  	v4 =	vshra.s32 v2, $0xA;
	v6 =	vmov s0;
	v8 =	vmul.f32 v5, v9;
	v3 =	vpop (erf);
	(pc) =	sbr.rel @p0 .LBB2_3-.Ltmp0, $4  }
0xe4: {  	v2 =	vshll.u32 v6, $0x4;
	v5 =	vpop (erf)  }
0xe5: {  	vm0 =	vle.f32 v7, $1.609437940e+00;
	v2 =	vor.u32 v1, v2;
	v9 =	vsub.f32 v3, v5  }
0xe6: {  	v6 =	vor.u32 $0x2, v2;
	v3 =	vor.u32 $0x1, v2;
	v5 =	vor.u32 $0x3, v2  }
0xe7: {  	v7 =	vmul.f32 v9, v8  }
0xe8: {  	_ =	sdelay $0x2  }
0xe9: {  	v7 =	vnsel vm0, $0x0, v7  }
0xea: {  	[tilespmem:v4+s26+$0x0] =	vst.idx.add.f32.msk $0xffff, v7  }
0xeb: {  	v4 =	vld.idx.msk [tilespmem:v6+s17+$0x0], $0xffff  }
0xec: {  	v5 =	vld.idx.msk [tilespmem:v5+s18+$0x0], $0xffff;
	_ =	sdelay $0x3  }
0xed: {  	v4 =	vtrunc.f32 v4  }
0xee: {  	v5 =	vtrunc.f32 v5;
	v4 =	vcvt.f32.s32 v4  }
0xef: {  	v5 =	vcvt.f32.s32 v5  }
0xf0: {  	v7 =	vld.idx.msk [tilespmem:v3+s18+$0x0], $0xffff;
	v6 =	vand.u32 $0x3FF, v4  }
0xf1: {  	v5 =	vadd.s32 v5, v6  }
0xf2: {  	v3 =	vld.idx.msk [tilespmem:v3+s17+$0x0], $0xffff;
	_ =	sdelay $0x1  }
0xf3: {  	s0 =	sadd.s32 $0x20, s29  }
0xf4: {  	v6 =	vmul.f32 $5.000000000e-01, v7;
	v7 =	vld [tilespmem:s0+$0xFFFFFFF0]  }
0xf5: {  	v5 =	vld.idx.msk [tilespmem:v5+s12+$0x0], $0xffff  }
0xf6: {  	v3 =	vadd.f32 v6, v3;
	_ =	sdelay $0x1  }
0xf7: {  	v6 =	vadd.f32 $-1.000000000e+00, v3;
	_ =	sdelay $0x1  }
0xf8: {  	v5 =	vmul.f32 v5, v6;
	v6 =	vmul.f32 v7, v3  }
0xf9: {  	v8 =	vmul.f32 $1.609437940e+00, v3  }
0xfa: {  	v6 =	vsub.f32 v5, v6  }
0xfb: {  	v5 =	vsub.f32 v5, v8  }
0xfc: {  	v6 =	vmul.f32 $1.442695020e+00, v6  }
0xfd: {  	(erf) = vrcp.f32 v3;
	v3 =	vmul.f32 $1.442695020e+00, v5  }
0xfe: {  	v5 =	vld.idx.msk [tilespmem:v2+s18+$0x0], $0xffff;
	(erf) = vpow2.f32 v6  }
0xff: {  	v2 =	vld.idx.msk [tilespmem:v2+s17+$0x0], $0xffff;
	(erf) = vpow2.f32 v3;
	_ =	sdelay $0x4  }
0x100: {  	v2 =	vmul.f32 v5, v2;
	_ =	sdelay $0x1  }
0x101: {  	v3 =	vpop (erf);
	v2 =	vand.u32 $0x7FFFFFFF, v2  }
0x102: {  	v5 =	vmov s30;
	v2 =	vmul.f32 $7.199800010e+00, v2;
	v6 =	vpop (erf)  }
0x103: {  	v4 =	vshra.s32 v4, $0xA;
	v5 =	vshll.u32 v5, $0x4;
	v8 =	vpop (erf)  }
0x104: {  	v5 =	vor.u32 v1, v5;
	v2 =	vmul.f32 v3, v2;
	v3 =	vsub.f32 v6, v8  }
0x105: {  	v6 =	vor.u32 $0x2, v5  }
0x106: {  	v2 =	vmul.f32 v3, v2;
	v3 =	vor.u32 $0x3, v5  }
0x107: {  	vm0 =	vle.f32 v7, $1.609437940e+00  }
0x108: {  	v2 =	vnsel vm0, $0x0, v2  }
0x109: {  	[tilespmem:v4+s26+$0x0] =	vst.idx.add.f32.msk $0xffff, v2  }
0x10a: {  	v2 =	vld.idx.msk [tilespmem:v6+s17+$0x0], $0xffff  }
0x10b: {  	v3 =	vld.idx.msk [tilespmem:v3+s18+$0x0], $0xffff;
	_ =	sdelay $0x1  }
0x10c: {  	v4 =	vor.u32 $0x1, v5;
	_ =	sdelay $0x1  }
0x10d: {  	v2 =	vtrunc.f32 v2  }
0x10e: {  	v2 =	vcvt.f32.s32 v2;
	v3 =	vtrunc.f32 v3  }
0x10f: {  	v3 =	vcvt.f32.s32 v3  }
0x110: {  	v7 =	vld.idx.msk [tilespmem:v4+s18+$0x0], $0xffff;
	v6 =	vand.u32 $0x3FF, v2  }
0x111: {  	v3 =	vadd.s32 v3, v6  }
0x112: {  	v4 =	vld.idx.msk [tilespmem:v4+s17+$0x0], $0xffff;
	_ =	sdelay $0x2  }
0x113: {  	v6 =	vmul.f32 $5.000000000e-01, v7;
	v7 =	vld [tilespmem:s0+$0x0]  }
0x114: {  	v3 =	vld.idx.msk [tilespmem:v3+s12+$0x0], $0xffff  }
0x115: {  	v4 =	vadd.f32 v6, v4;
	_ =	sdelay $0x1  }
0x116: {  	v6 =	vadd.f32 $-1.000000000e+00, v4;
	_ =	sdelay $0x1  }
0x117: {  	v3 =	vmul.f32 v3, v6;
	v6 =	vmul.f32 v7, v4  }
0x118: {  	v8 =	vmul.f32 $1.609437940e+00, v4  }
0x119: {  	v6 =	vsub.f32 v3, v6  }
0x11a: {  	v3 =	vsub.f32 v3, v8  }
0x11b: {  	v6 =	vmul.f32 $1.442695020e+00, v6  }
0x11c: {  	(erf) = vrcp.f32 v4;
	v3 =	vmul.f32 $1.442695020e+00, v3  }
0x11d: {  	v4 =	vld.idx.msk [tilespmem:v5+s18+$0x0], $0xffff;
	(erf) = vpow2.f32 v6  }
0x11e: {  	v5 =	vld.idx.msk [tilespmem:v5+s17+$0x0], $0xffff;
	(erf) = vpow2.f32 v3;
	_ =	sdelay $0x4  }
0x11f: {  	v3 =	vmul.f32 v4, v5;
	_ =	sdelay $0x1  }
0x120: {  	v4 =	vpop (erf);
	v3 =	vand.u32 $0x7FFFFFFF, v3  }
0x121: {  	v3 =	vmul.f32 $7.199800010e+00, v3;
	v5 =	vpop (erf)  }
0x122: {  	v6 =	vpop (erf)  }
0x123: {  	v2 =	vshra.s32 v2, $0xA;
	v3 =	vmul.f32 v4, v3;
	v4 =	vsub.f32 v5, v6;
	_ =	sdelay $0x1  }
0x124: {  	v3 =	vmul.f32 v4, v3  }
0x125: {  	s0 =	simm.s32 $0x80;
	vm0 =	vle.f32 v7, $1.609437940e+00  }
0x126: {  	v4 =	vmov s0;
	v3 =	vnsel vm0, $0x0, v3  }
0x127: {  	[tilespmem:v2+s26+$0x0] =	vst.idx.add.f32.msk $0xffff, v3;
	v2 =	vshll.u32 v4, $0x4  }
0x128: {  	_ =	swait.ge [sflag:s13], $0x800;
	v2 =	vor.u32 v1, v2  }
0x129: {  	[sflag:s13] =	ssyncset.done $0x0;
	v3 =	vor.u32 $0x2, v2  }
0x12a: {  	v4 =	vor.u32 $0x3, v2;
	[sflag:s13] =	ssyncadd.s32 $0xFFFFF800  }
0x12b: {  	_ =	swait.ge [sflag:s13], $0x800  }
0x12c: {  	[sflag:s13] =	ssyncset.done $0x0  }
0x12d: {  	[sflag:s13] =	ssyncadd.s32 $0xFFFFF800  }
0x12e: {  	v3 =	vld.idx.msk [tilespmem:v3+s17+$0x0], $0xffff  }
0x12f: {  	v4 =	vld.idx.msk [tilespmem:v4+s18+$0x0], $0xffff;
	_ =	sdelay $0x1  }
0x130: {  	v5 =	vor.u32 $0x1, v2;
	_ =	sdelay $0x1  }
0x131: {  	v3 =	vtrunc.f32 v3  }
0x132: {  	v4 =	vtrunc.f32 v4;
	v3 =	vcvt.f32.s32 v3  }
0x133: {  	v4 =	vcvt.f32.s32 v4  }
0x134: {  	v7 =	vld.idx.msk [tilespmem:v5+s18+$0x0], $0xffff;
	v6 =	vand.u32 $0x3FF, v3  }
0x135: {  	v4 =	vadd.s32 v4, v6  }
0x136: {  	v5 =	vld.idx.msk [tilespmem:v5+s17+$0x0], $0xffff;
	_ =	sdelay $0x1  }
0x137: {  	s29 =	simm.s32 $0x890  }
0x138: {  	v6 =	vmul.f32 $5.000000000e-01, v7;
	v7 =	vld [tilespmem:s29+$0xFFFFFFF0]  }
0x139: {  	v4 =	vld.idx.msk [tilespmem:v4+s12+$0x0], $0xffff  }
0x13a: {  	v5 =	vadd.f32 v6, v5;
	_ =	sdelay $0x1  }
0x13b: {  	v6 =	vadd.f32 $-1.000000000e+00, v5;
	_ =	sdelay $0x1  }
0x13c: {  	v4 =	vmul.f32 v4, v6;
	v6 =	vmul.f32 v7, v5  }
0x13d: {  	v8 =	vmul.f32 $1.609437940e+00, v5  }
0x13e: {  	v6 =	vsub.f32 v4, v6  }
0x13f: {  	v4 =	vsub.f32 v4, v8  }
0x140: {  	v6 =	vmul.f32 $1.442695020e+00, v6  }
0x141: {  	(erf) = vrcp.f32 v5;
	v4 =	vmul.f32 $1.442695020e+00, v4  }
0x142: {  	v5 =	vld.idx.msk [tilespmem:v2+s18+$0x0], $0xffff;
	(erf) = vpow2.f32 v6  }
0x143: {  	v2 =	vld.idx.msk [tilespmem:v2+s17+$0x0], $0xffff;
	(erf) = vpow2.f32 v4;
	_ =	sdelay $0x4  }
0x144: {  	v2 =	vmul.f32 v5, v2;
	_ =	sdelay $0x1  }
0x145: {  	s0 =	simm.s32 $0x90;
	v2 =	vand.u32 $0x7FFFFFFF, v2;
	v4 =	vpop (erf)  }
0x146: {  	v5 =	vmov s0;
	v2 =	vmul.f32 $7.199800010e+00, v2;
	v6 =	vpop (erf)  }
0x147: {  	v3 =	vshra.s32 v3, $0xA;
	v5 =	vshll.u32 v5, $0x4;
	v8 =	vpop (erf)  }
0x148: {  	v5 =	vor.u32 v1, v5;
	v2 =	vmul.f32 v4, v2;
	v4 =	vsub.f32 v6, v8  }
0x149: {  	v6 =	vor.u32 $0x2, v5  }
0x14a: {  	v2 =	vmul.f32 v4, v2;
	v4 =	vor.u32 $0x3, v5  }
0x14b: {  	vm0 =	vle.f32 v7, $1.609437940e+00  }
0x14c: {  	v2 =	vnsel vm0, $0x0, v2  }
0x14d: {  	[tilespmem:v3+s26+$0x0] =	vst.idx.add.f32.msk $0xffff, v2  }
0x14e: {  	v2 =	vld.idx.msk [tilespmem:v6+s17+$0x0], $0xffff  }
0x14f: {  	v3 =	vld.idx.msk [tilespmem:v4+s18+$0x0], $0xffff;
	_ =	sdelay $0x1  }
0x150: {  	v4 =	vor.u32 $0x1, v5;
	_ =	sdelay $0x1  }
0x151: {  	v2 =	vtrunc.f32 v2  }
0x152: {  	v6 =	vcvt.f32.s32 v2;
	v2 =	vtrunc.f32 v3  }
0x153: {  	v2 =	vcvt.f32.s32 v2  }
0x154: {  	v7 =	vld.idx.msk [tilespmem:v4+s18+$0x0], $0xffff;
	v3 =	vand.u32 $0x3FF, v6  }
0x155: {  	v2 =	vadd.s32 v2, v3  }
0x156: {  	v3 =	vld.idx.msk [tilespmem:v4+s17+$0x0], $0xffff;
	_ =	sdelay $0x2  }
0x157: {  	v4 =	vmul.f32 $5.000000000e-01, v7;
	v7 =	vld [tilespmem:s29+$0x0]  }
0x158: {  	v2 =	vld.idx.msk [tilespmem:v2+s12+$0x0], $0xffff  }
0x159: {  	v3 =	vadd.f32 v4, v3;
	_ =	sdelay $0x1  }
0x15a: {  	v4 =	vadd.f32 $-1.000000000e+00, v3;
	_ =	sdelay $0x1  }
0x15b: {  	v2 =	vmul.f32 v2, v4;
	v4 =	vmul.f32 v7, v3  }
0x15c: {  	v8 =	vmul.f32 $1.609437940e+00, v3  }
0x15d: {  	v4 =	vsub.f32 v2, v4  }
0x15e: {  	v2 =	vsub.f32 v2, v8  }
0x15f: {  	v4 =	vmul.f32 $1.442695020e+00, v4  }
0x160: {  	(erf) = vrcp.f32 v3;
	v3 =	vld.idx.msk [tilespmem:v5+s18+$0x0], $0xffff;
	v2 =	vmul.f32 $1.442695020e+00, v2  }
0x161: {  	(erf) = vpow2.f32 v4;
	v4 =	vld.idx.msk [tilespmem:v5+s17+$0x0], $0xffff  }
0x162: {  	(erf) = vpow2.f32 v2;
	_ =	sdelay $0x3  }
0x163: {  	v2 =	vmul.f32 v3, v4;
	_ =	sdelay $0x1  }
0x164: {  	v2 =	vand.u32 $0x7FFFFFFF, v2  }
0x165: {  	s0 =	simm.s32 $0xA0;
	v3 =	vpop (erf);
	v2 =	vmul.f32 $7.199800010e+00, v2  }
0x166: {  	v4 =	vmov s0;
	v5 =	vpop (erf)  }
0x167: {  	v4 =	vshll.u32 v4, $0x4;
	v8 =	vpop (erf);
	v9 =	vmul.f32 v3, v2  }
0x168: {  	v2 =	vor.u32 v1, v4;
	v4 =	vshra.s32 v6, $0xA;
	v8 =	vsub.f32 v5, v8  }
0x169: {  	vm0 =	vle.f32 v7, $1.609437940e+00;
	v6 =	vor.u32 $0x2, v2  }
0x16a: {  	s31 =	simm.s32 $0xA;
	s30 =	simm.s32 $0xB0;
	v3 =	vor.u32 $0x1, v2;
	v5 =	vor.u32 $0x3, v2;
	v7 =	vmul.f32 v8, v9  }
.LBB2_5:
0x16b: {  	s31 =	sadd.s32 $0x2, s31;
	s29 =	sadd.s32 $0x20, s29  }
0x16c: {  	p0 =	slt.u32 s31, $0xE;
	v7 =	vnsel vm0, $0x0, v7  }
0x16d: {  	[tilespmem:v4+s26+$0x0] =	vst.idx.add.f32.msk $0xffff, v7  }
0x16e: {  	v4 =	vld.idx.msk [tilespmem:v6+s17+$0x0], $0xffff  }
0x16f: {  	v5 =	vld.idx.msk [tilespmem:v5+s18+$0x0], $0xffff;
	_ =	sdelay $0x4  }
0x170: {  	v4 =	vtrunc.f32 v4  }
0x171: {  	v4 =	vcvt.f32.s32 v4;
	v5 =	vtrunc.f32 v5  }
0x172: {  	v5 =	vcvt.f32.s32 v5  }
0x173: {  	v7 =	vand.u32 $0x3FF, v4;
	v6 =	vld.idx.msk [tilespmem:v3+s18+$0x0], $0xffff  }
0x174: {  	v5 =	vadd.s32 v5, v7  }
0x175: {  	v3 =	vld.idx.msk [tilespmem:v3+s17+$0x0], $0xffff;
	_ =	sdelay $0x3  }
0x176: {  	v6 =	vmul.f32 $5.000000000e-01, v6;
	v5 =	vld.idx.msk [tilespmem:v5+s12+$0x0], $0xffff  }
0x177: {  	v7 =	vld [tilespmem:s29+$0xFFFFFFF0]  }
0x178: {  	v3 =	vadd.f32 v6, v3;
	_ =	sdelay $0x1  }
0x179: {  	v6 =	vadd.f32 $-1.000000000e+00, v3;
	(erf) = vrcp.f32 v3  }
0x17a: {  	v8 =	vmul.f32 $1.609437940e+00, v3  }
0x17b: {  	v5 =	vmul.f32 v5, v6;
	v3 =	vmul.f32 v7, v3;
	_ =	sdelay $0x1  }
0x17c: {  	v3 =	vsub.f32 v5, v3;
	v5 =	vsub.f32 v5, v8;
	_ =	sdelay $0x1  }
0x17d: {  	v6 =	vld.idx.msk [tilespmem:v2+s18+$0x0], $0xffff;
	v8 =	vmul.f32 $1.442695020e+00, v3;
	v5 =	vmul.f32 $1.442695020e+00, v5  }
0x17e: {  	v2 =	vld.idx.msk [tilespmem:v2+s17+$0x0], $0xffff  }
0x17f: {  	(erf) = vpow2.f32 v8  }
0x180: {  	(erf) = vpow2.f32 v5;
	v3 =	vpop (erf);
	_ =	sdelay $0x3  }
0x181: {  	v2 =	vmul.f32 v6, v2;
	_ =	sdelay $0x1  }
0x182: {  	v2 =	vand.u32 $0x7FFFFFFF, v2  }
0x183: {  	v2 =	vmul.f32 $7.199800010e+00, v2  }
0x184: {  	v8 =	vmov s30;
	v6 =	vpop (erf)  }
0x185: {  	v4 =	vshra.s32 v4, $0xA;
	v2 =	vmul.f32 v3, v2;
	v3 =	vshll.u32 v8, $0x4;
	v5 =	vpop (erf)  }
0x186: {  	v3 =	vor.u32 v1, v3;
	v5 =	vsub.f32 v6, v5  }
0x187: {  	v6 =	vor.u32 $0x2, v3  }
0x188: {  	vm0 =	vle.f32 v7, $1.609437940e+00;
	v2 =	vmul.f32 v5, v2;
	v5 =	vor.u32 $0x3, v3;
	_ =	sdelay $0x1  }
0x189: {  	v2 =	vnsel vm0, $0x0, v2  }
0x18a: {  	[tilespmem:v4+s26+$0x0] =	vst.idx.add.f32.msk $0xffff, v2  }
0x18b: {  	v2 =	vld.idx.msk [tilespmem:v6+s17+$0x0], $0xffff  }
0x18c: {  	v4 =	vld.idx.msk [tilespmem:v5+s18+$0x0], $0xffff;
	_ =	sdelay $0x2  }
0x18d: {  	v5 =	vor.u32 $0x1, v3;
	_ =	sdelay $0x1  }
0x18e: {  	v2 =	vtrunc.f32 v2  }
0x18f: {  	v2 =	vcvt.f32.s32 v2;
	v4 =	vtrunc.f32 v4  }
0x190: {  	v4 =	vcvt.f32.s32 v4  }
0x191: {  	v7 =	vand.u32 $0x3FF, v2;
	v6 =	vld.idx.msk [tilespmem:v5+s18+$0x0], $0xffff  }
0x192: {  	v4 =	vadd.s32 v4, v7  }
0x193: {  	v5 =	vld.idx.msk [tilespmem:v5+s17+$0x0], $0xffff;
	_ =	sdelay $0x3  }
0x194: {  	v6 =	vmul.f32 $5.000000000e-01, v6;
	v4 =	vld.idx.msk [tilespmem:v4+s12+$0x0], $0xffff  }
0x195: {  	v7 =	vld [tilespmem:s29+$0x0]  }
0x196: {  	v5 =	vadd.f32 v6, v5;
	_ =	sdelay $0x1  }
0x197: {  	v6 =	vadd.f32 $-1.000000000e+00, v5;
	(erf) = vrcp.f32 v5  }
0x198: {  	v8 =	vmul.f32 $1.609437940e+00, v5  }
0x199: {  	v4 =	vmul.f32 v4, v6;
	v5 =	vmul.f32 v7, v5;
	_ =	sdelay $0x1  }
0x19a: {  	v5 =	vsub.f32 v4, v5;
	v4 =	vsub.f32 v4, v8  }
0x19b: {  	v6 =	vld.idx.msk [tilespmem:v3+s18+$0x0], $0xffff  }
0x19c: {  	v3 =	vld.idx.msk [tilespmem:v3+s17+$0x0], $0xffff;
	v8 =	vmul.f32 $1.442695020e+00, v5;
	v4 =	vmul.f32 $1.442695020e+00, v4;
	_ =	sdelay $0x1  }
0x19d: {  	(erf) = vpow2.f32 v8  }
0x19e: {  	(erf) = vpow2.f32 v4;
	v5 =	vpop (erf);
	_ =	sdelay $0x2  }
0x19f: {  	v3 =	vmul.f32 v6, v3;
	_ =	sdelay $0x1  }
0x1a0: {  	v3 =	vand.u32 $0x7FFFFFFF, v3  }
0x1a1: {  	s30 =	sadd.s32 $0x20, s30;
	v9 =	vmul.f32 $7.199800010e+00, v3  }
0x1a2: {  	s0 =	sadd.s32 $0xFFFFFFF0, s30  }
.Ltmp1:
0x1a3: {  	v4 =	vshra.s32 v2, $0xA;
	v6 =	vmov s0;
	v8 =	vmul.f32 v5, v9;
	v3 =	vpop (erf);
	(pc) =	sbr.rel @p0 .LBB2_5-.Ltmp1, $4  }
0x1a4: {  	v2 =	vshll.u32 v6, $0x4;
	v5 =	vpop (erf)  }
0x1a5: {  	vm0 =	vle.f32 v7, $1.609437940e+00;
	v2 =	vor.u32 v1, v2;
	v9 =	vsub.f32 v3, v5  }
0x1a6: {  	v6 =	vor.u32 $0x2, v2;
	v3 =	vor.u32 $0x1, v2;
	v5 =	vor.u32 $0x3, v2  }
0x1a7: {  	v7 =	vmul.f32 v9, v8  }
0x1a8: {  	_ =	sdelay $0x2  }
0x1a9: {  	v7 =	vnsel vm0, $0x0, v7  }
0x1aa: {  	[tilespmem:v4+s26+$0x0] =	vst.idx.add.f32.msk $0xffff, v7  }
0x1ab: {  	v4 =	vld.idx.msk [tilespmem:v6+s17+$0x0], $0xffff  }
0x1ac: {  	v5 =	vld.idx.msk [tilespmem:v5+s18+$0x0], $0xffff;
	_ =	sdelay $0x3  }
0x1ad: {  	v4 =	vtrunc.f32 v4  }
0x1ae: {  	v5 =	vtrunc.f32 v5;
	v4 =	vcvt.f32.s32 v4  }
0x1af: {  	v5 =	vcvt.f32.s32 v5  }
0x1b0: {  	v7 =	vld.idx.msk [tilespmem:v3+s18+$0x0], $0xffff;
	v6 =	vand.u32 $0x3FF, v4  }
0x1b1: {  	v5 =	vadd.s32 v5, v6  }
0x1b2: {  	v3 =	vld.idx.msk [tilespmem:v3+s17+$0x0], $0xffff;
	_ =	sdelay $0x1  }
0x1b3: {  	s0 =	sadd.s32 $0x20, s29  }
0x1b4: {  	v6 =	vmul.f32 $5.000000000e-01, v7;
	v7 =	vld [tilespmem:s0+$0xFFFFFFF0]  }
0x1b5: {  	v5 =	vld.idx.msk [tilespmem:v5+s12+$0x0], $0xffff  }
0x1b6: {  	v3 =	vadd.f32 v6, v3;
	_ =	sdelay $0x1  }
0x1b7: {  	v6 =	vadd.f32 $-1.000000000e+00, v3;
	_ =	sdelay $0x1  }
0x1b8: {  	v5 =	vmul.f32 v5, v6;
	v6 =	vmul.f32 v7, v3  }
0x1b9: {  	v8 =	vmul.f32 $1.609437940e+00, v3  }
0x1ba: {  	v6 =	vsub.f32 v5, v6  }
0x1bb: {  	v5 =	vsub.f32 v5, v8  }
0x1bc: {  	v6 =	vmul.f32 $1.442695020e+00, v6  }
0x1bd: {  	(erf) = vrcp.f32 v3;
	v3 =	vmul.f32 $1.442695020e+00, v5  }
0x1be: {  	v5 =	vld.idx.msk [tilespmem:v2+s18+$0x0], $0xffff;
	(erf) = vpow2.f32 v6  }
0x1bf: {  	v2 =	vld.idx.msk [tilespmem:v2+s17+$0x0], $0xffff;
	(erf) = vpow2.f32 v3;
	_ =	sdelay $0x4  }
0x1c0: {  	v2 =	vmul.f32 v5, v2;
	_ =	sdelay $0x1  }
0x1c1: {  	v3 =	vpop (erf);
	v2 =	vand.u32 $0x7FFFFFFF, v2  }
0x1c2: {  	v5 =	vmov s30;
	v2 =	vmul.f32 $7.199800010e+00, v2;
	v6 =	vpop (erf)  }
0x1c3: {  	v4 =	vshra.s32 v4, $0xA;
	v5 =	vshll.u32 v5, $0x4;
	v8 =	vpop (erf)  }
0x1c4: {  	v5 =	vor.u32 v1, v5;
	v2 =	vmul.f32 v3, v2;
	v3 =	vsub.f32 v6, v8  }
0x1c5: {  	v6 =	vor.u32 $0x2, v5  }
0x1c6: {  	v2 =	vmul.f32 v3, v2;
	v3 =	vor.u32 $0x3, v5  }
0x1c7: {  	vm0 =	vle.f32 v7, $1.609437940e+00  }
0x1c8: {  	v2 =	vnsel vm0, $0x0, v2  }
0x1c9: {  	[tilespmem:v4+s26+$0x0] =	vst.idx.add.f32.msk $0xffff, v2  }
0x1ca: {  	v2 =	vld.idx.msk [tilespmem:v6+s17+$0x0], $0xffff  }
0x1cb: {  	v3 =	vld.idx.msk [tilespmem:v3+s18+$0x0], $0xffff;
	_ =	sdelay $0x1  }
0x1cc: {  	v4 =	vor.u32 $0x1, v5;
	_ =	sdelay $0x1  }
0x1cd: {  	v2 =	vtrunc.f32 v2  }
0x1ce: {  	v2 =	vcvt.f32.s32 v2;
	v3 =	vtrunc.f32 v3  }
0x1cf: {  	v3 =	vcvt.f32.s32 v3  }
0x1d0: {  	v7 =	vld.idx.msk [tilespmem:v4+s18+$0x0], $0xffff;
	v6 =	vand.u32 $0x3FF, v2  }
0x1d1: {  	v3 =	vadd.s32 v3, v6  }
0x1d2: {  	v4 =	vld.idx.msk [tilespmem:v4+s17+$0x0], $0xffff;
	_ =	sdelay $0x2  }
0x1d3: {  	v6 =	vmul.f32 $5.000000000e-01, v7;
	v7 =	vld [tilespmem:s0+$0x0]  }
0x1d4: {  	v3 =	vld.idx.msk [tilespmem:v3+s12+$0x0], $0xffff  }
0x1d5: {  	v4 =	vadd.f32 v6, v4;
	_ =	sdelay $0x1  }
0x1d6: {  	v6 =	vadd.f32 $-1.000000000e+00, v4;
	_ =	sdelay $0x1  }
0x1d7: {  	v3 =	vmul.f32 v3, v6;
	v6 =	vmul.f32 v7, v4  }
0x1d8: {  	v8 =	vmul.f32 $1.609437940e+00, v4  }
0x1d9: {  	v6 =	vsub.f32 v3, v6  }
0x1da: {  	v3 =	vsub.f32 v3, v8  }
0x1db: {  	v6 =	vmul.f32 $1.442695020e+00, v6  }
0x1dc: {  	(erf) = vrcp.f32 v4;
	v3 =	vmul.f32 $1.442695020e+00, v3  }
0x1dd: {  	v4 =	vld.idx.msk [tilespmem:v5+s18+$0x0], $0xffff;
	(erf) = vpow2.f32 v6  }
0x1de: {  	v5 =	vld.idx.msk [tilespmem:v5+s17+$0x0], $0xffff;
	(erf) = vpow2.f32 v3;
	_ =	sdelay $0x4  }
0x1df: {  	v3 =	vmul.f32 v4, v5;
	_ =	sdelay $0x1  }
0x1e0: {  	v4 =	vpop (erf);
	v3 =	vand.u32 $0x7FFFFFFF, v3  }
0x1e1: {  	v3 =	vmul.f32 $7.199800010e+00, v3;
	v5 =	vpop (erf)  }
0x1e2: {  	v6 =	vpop (erf)  }
0x1e3: {  	v2 =	vshra.s32 v2, $0xA;
	v3 =	vmul.f32 v4, v3;
	v4 =	vsub.f32 v5, v6;
	_ =	sdelay $0x1  }
0x1e4: {  	v3 =	vmul.f32 v4, v3  }
0x1e5: {  	s0 =	simm.s32 $0x100;
	vm0 =	vle.f32 v7, $1.609437940e+00  }
0x1e6: {  	v4 =	vmov s0;
	v3 =	vnsel vm0, $0x0, v3  }
0x1e7: {  	[tilespmem:v2+s26+$0x0] =	vst.idx.add.f32.msk $0xffff, v3;
	v2 =	vshll.u32 v4, $0x4  }
0x1e8: {  	_ =	swait.ge [sflag:s13], $0x800;
	v2 =	vor.u32 v1, v2  }
0x1e9: {  	[sflag:s13] =	ssyncset.done $0x0;
	v3 =	vor.u32 $0x2, v2  }
0x1ea: {  	v4 =	vor.u32 $0x3, v2;
	[sflag:s13] =	ssyncadd.s32 $0xFFFFF800  }
0x1eb: {  	_ =	swait.ge [sflag:s13], $0x800  }
0x1ec: {  	[sflag:s13] =	ssyncset.done $0x0  }
0x1ed: {  	[sflag:s13] =	ssyncadd.s32 $0xFFFFF800  }
0x1ee: {  	v3 =	vld.idx.msk [tilespmem:v3+s17+$0x0], $0xffff  }
0x1ef: {  	v4 =	vld.idx.msk [tilespmem:v4+s18+$0x0], $0xffff;
	_ =	sdelay $0x1  }
0x1f0: {  	v5 =	vor.u32 $0x1, v2;
	_ =	sdelay $0x1  }
0x1f1: {  	v3 =	vtrunc.f32 v3  }
0x1f2: {  	v4 =	vtrunc.f32 v4;
	v3 =	vcvt.f32.s32 v3  }
0x1f3: {  	v4 =	vcvt.f32.s32 v4  }
0x1f4: {  	v7 =	vld.idx.msk [tilespmem:v5+s18+$0x0], $0xffff;
	v6 =	vand.u32 $0x3FF, v3  }
0x1f5: {  	v4 =	vadd.s32 v4, v6  }
0x1f6: {  	v5 =	vld.idx.msk [tilespmem:v5+s17+$0x0], $0xffff;
	_ =	sdelay $0x1  }
0x1f7: {  	s29 =	simm.s32 $0x910  }
0x1f8: {  	v6 =	vmul.f32 $5.000000000e-01, v7;
	v7 =	vld [tilespmem:s29+$0xFFFFFFF0]  }
0x1f9: {  	v4 =	vld.idx.msk [tilespmem:v4+s12+$0x0], $0xffff  }
0x1fa: {  	v5 =	vadd.f32 v6, v5;
	_ =	sdelay $0x1  }
0x1fb: {  	v6 =	vadd.f32 $-1.000000000e+00, v5;
	_ =	sdelay $0x1  }
0x1fc: {  	v4 =	vmul.f32 v4, v6;
	v6 =	vmul.f32 v7, v5  }
0x1fd: {  	v8 =	vmul.f32 $1.609437940e+00, v5  }
0x1fe: {  	v6 =	vsub.f32 v4, v6  }
0x1ff: {  	v4 =	vsub.f32 v4, v8  }
0x200: {  	v6 =	vmul.f32 $1.442695020e+00, v6  }
0x201: {  	(erf) = vrcp.f32 v5;
	v4 =	vmul.f32 $1.442695020e+00, v4  }
0x202: {  	v5 =	vld.idx.msk [tilespmem:v2+s18+$0x0], $0xffff;
	(erf) = vpow2.f32 v6  }
0x203: {  	v2 =	vld.idx.msk [tilespmem:v2+s17+$0x0], $0xffff;
	(erf) = vpow2.f32 v4;
	_ =	sdelay $0x4  }
0x204: {  	v2 =	vmul.f32 v5, v2;
	_ =	sdelay $0x1  }
0x205: {  	s0 =	simm.s32 $0x110;
	v2 =	vand.u32 $0x7FFFFFFF, v2;
	v4 =	vpop (erf)  }
0x206: {  	v5 =	vmov s0;
	v2 =	vmul.f32 $7.199800010e+00, v2;
	v6 =	vpop (erf)  }
0x207: {  	v3 =	vshra.s32 v3, $0xA;
	v5 =	vshll.u32 v5, $0x4;
	v8 =	vpop (erf)  }
0x208: {  	v5 =	vor.u32 v1, v5;
	v2 =	vmul.f32 v4, v2;
	v4 =	vsub.f32 v6, v8  }
0x209: {  	v6 =	vor.u32 $0x2, v5  }
0x20a: {  	v2 =	vmul.f32 v4, v2;
	v4 =	vor.u32 $0x3, v5  }
0x20b: {  	vm0 =	vle.f32 v7, $1.609437940e+00  }
0x20c: {  	v2 =	vnsel vm0, $0x0, v2  }
0x20d: {  	[tilespmem:v3+s26+$0x0] =	vst.idx.add.f32.msk $0xffff, v2  }
0x20e: {  	v2 =	vld.idx.msk [tilespmem:v6+s17+$0x0], $0xffff  }
0x20f: {  	v3 =	vld.idx.msk [tilespmem:v4+s18+$0x0], $0xffff;
	_ =	sdelay $0x1  }
0x210: {  	v4 =	vor.u32 $0x1, v5;
	_ =	sdelay $0x1  }
0x211: {  	v2 =	vtrunc.f32 v2  }
0x212: {  	v6 =	vcvt.f32.s32 v2;
	v2 =	vtrunc.f32 v3  }
0x213: {  	v2 =	vcvt.f32.s32 v2  }
0x214: {  	v7 =	vld.idx.msk [tilespmem:v4+s18+$0x0], $0xffff;
	v3 =	vand.u32 $0x3FF, v6  }
0x215: {  	v2 =	vadd.s32 v2, v3  }
0x216: {  	v3 =	vld.idx.msk [tilespmem:v4+s17+$0x0], $0xffff;
	_ =	sdelay $0x2  }
0x217: {  	v4 =	vmul.f32 $5.000000000e-01, v7;
	v7 =	vld [tilespmem:s29+$0x0]  }
0x218: {  	v2 =	vld.idx.msk [tilespmem:v2+s12+$0x0], $0xffff  }
0x219: {  	v3 =	vadd.f32 v4, v3;
	_ =	sdelay $0x1  }
0x21a: {  	v4 =	vadd.f32 $-1.000000000e+00, v3;
	_ =	sdelay $0x1  }
0x21b: {  	v2 =	vmul.f32 v2, v4;
	v4 =	vmul.f32 v7, v3  }
0x21c: {  	v8 =	vmul.f32 $1.609437940e+00, v3  }
0x21d: {  	v4 =	vsub.f32 v2, v4  }
0x21e: {  	v2 =	vsub.f32 v2, v8  }
0x21f: {  	v4 =	vmul.f32 $1.442695020e+00, v4  }
0x220: {  	(erf) = vrcp.f32 v3;
	v3 =	vld.idx.msk [tilespmem:v5+s18+$0x0], $0xffff;
	v2 =	vmul.f32 $1.442695020e+00, v2  }
0x221: {  	(erf) = vpow2.f32 v4;
	v4 =	vld.idx.msk [tilespmem:v5+s17+$0x0], $0xffff  }
0x222: {  	(erf) = vpow2.f32 v2;
	_ =	sdelay $0x3  }
0x223: {  	v2 =	vmul.f32 v3, v4;
	_ =	sdelay $0x1  }
0x224: {  	v2 =	vand.u32 $0x7FFFFFFF, v2  }
0x225: {  	s0 =	simm.s32 $0x120;
	v3 =	vpop (erf);
	v2 =	vmul.f32 $7.199800010e+00, v2  }
0x226: {  	v4 =	vmov s0;
	v5 =	vpop (erf)  }
0x227: {  	v4 =	vshll.u32 v4, $0x4;
	v8 =	vpop (erf);
	v9 =	vmul.f32 v3, v2  }
0x228: {  	v2 =	vor.u32 v1, v4;
	v4 =	vshra.s32 v6, $0xA;
	v8 =	vsub.f32 v5, v8  }
0x229: {  	vm0 =	vle.f32 v7, $1.609437940e+00;
	v6 =	vor.u32 $0x2, v2  }
0x22a: {  	s31 =	simm.s32 $0x12;
	s30 =	simm.s32 $0x130;
	v3 =	vor.u32 $0x1, v2;
	v5 =	vor.u32 $0x3, v2;
	v7 =	vmul.f32 v8, v9  }
.LBB2_7:
0x22b: {  	s31 =	sadd.s32 $0x2, s31;
	s29 =	sadd.s32 $0x20, s29  }
0x22c: {  	p0 =	slt.u32 s31, $0x16;
	v7 =	vnsel vm0, $0x0, v7  }
0x22d: {  	[tilespmem:v4+s26+$0x0] =	vst.idx.add.f32.msk $0xffff, v7  }
0x22e: {  	v4 =	vld.idx.msk [tilespmem:v6+s17+$0x0], $0xffff  }
0x22f: {  	v5 =	vld.idx.msk [tilespmem:v5+s18+$0x0], $0xffff;
	_ =	sdelay $0x4  }
0x230: {  	v4 =	vtrunc.f32 v4  }
0x231: {  	v4 =	vcvt.f32.s32 v4;
	v5 =	vtrunc.f32 v5  }
0x232: {  	v5 =	vcvt.f32.s32 v5  }
0x233: {  	v7 =	vand.u32 $0x3FF, v4;
	v6 =	vld.idx.msk [tilespmem:v3+s18+$0x0], $0xffff  }
0x234: {  	v5 =	vadd.s32 v5, v7  }
0x235: {  	v3 =	vld.idx.msk [tilespmem:v3+s17+$0x0], $0xffff;
	_ =	sdelay $0x3  }
0x236: {  	v6 =	vmul.f32 $5.000000000e-01, v6;
	v5 =	vld.idx.msk [tilespmem:v5+s12+$0x0], $0xffff  }
0x237: {  	v7 =	vld [tilespmem:s29+$0xFFFFFFF0]  }
0x238: {  	v3 =	vadd.f32 v6, v3;
	_ =	sdelay $0x1  }
0x239: {  	v6 =	vadd.f32 $-1.000000000e+00, v3;
	(erf) = vrcp.f32 v3  }
0x23a: {  	v8 =	vmul.f32 $1.609437940e+00, v3  }
0x23b: {  	v5 =	vmul.f32 v5, v6;
	v3 =	vmul.f32 v7, v3;
	_ =	sdelay $0x1  }
0x23c: {  	v3 =	vsub.f32 v5, v3;
	v5 =	vsub.f32 v5, v8;
	_ =	sdelay $0x1  }
0x23d: {  	v6 =	vld.idx.msk [tilespmem:v2+s18+$0x0], $0xffff;
	v8 =	vmul.f32 $1.442695020e+00, v3;
	v5 =	vmul.f32 $1.442695020e+00, v5  }
0x23e: {  	v2 =	vld.idx.msk [tilespmem:v2+s17+$0x0], $0xffff  }
0x23f: {  	(erf) = vpow2.f32 v8  }
0x240: {  	(erf) = vpow2.f32 v5;
	v3 =	vpop (erf);
	_ =	sdelay $0x3  }
0x241: {  	v2 =	vmul.f32 v6, v2;
	_ =	sdelay $0x1  }
0x242: {  	v2 =	vand.u32 $0x7FFFFFFF, v2  }
0x243: {  	v2 =	vmul.f32 $7.199800010e+00, v2  }
0x244: {  	v8 =	vmov s30;
	v6 =	vpop (erf)  }
0x245: {  	v4 =	vshra.s32 v4, $0xA;
	v2 =	vmul.f32 v3, v2;
	v3 =	vshll.u32 v8, $0x4;
	v5 =	vpop (erf)  }
0x246: {  	v3 =	vor.u32 v1, v3;
	v5 =	vsub.f32 v6, v5  }
0x247: {  	v6 =	vor.u32 $0x2, v3  }
0x248: {  	vm0 =	vle.f32 v7, $1.609437940e+00;
	v2 =	vmul.f32 v5, v2;
	v5 =	vor.u32 $0x3, v3;
	_ =	sdelay $0x1  }
0x249: {  	v2 =	vnsel vm0, $0x0, v2  }
0x24a: {  	[tilespmem:v4+s26+$0x0] =	vst.idx.add.f32.msk $0xffff, v2  }
0x24b: {  	v2 =	vld.idx.msk [tilespmem:v6+s17+$0x0], $0xffff  }
0x24c: {  	v4 =	vld.idx.msk [tilespmem:v5+s18+$0x0], $0xffff;
	_ =	sdelay $0x2  }
0x24d: {  	v5 =	vor.u32 $0x1, v3;
	_ =	sdelay $0x1  }
0x24e: {  	v2 =	vtrunc.f32 v2  }
0x24f: {  	v2 =	vcvt.f32.s32 v2;
	v4 =	vtrunc.f32 v4  }
0x250: {  	v4 =	vcvt.f32.s32 v4  }
0x251: {  	v7 =	vand.u32 $0x3FF, v2;
	v6 =	vld.idx.msk [tilespmem:v5+s18+$0x0], $0xffff  }
0x252: {  	v4 =	vadd.s32 v4, v7  }
0x253: {  	v5 =	vld.idx.msk [tilespmem:v5+s17+$0x0], $0xffff;
	_ =	sdelay $0x3  }
0x254: {  	v6 =	vmul.f32 $5.000000000e-01, v6;
	v4 =	vld.idx.msk [tilespmem:v4+s12+$0x0], $0xffff  }
0x255: {  	v7 =	vld [tilespmem:s29+$0x0]  }
0x256: {  	v5 =	vadd.f32 v6, v5;
	_ =	sdelay $0x1  }
0x257: {  	v6 =	vadd.f32 $-1.000000000e+00, v5;
	(erf) = vrcp.f32 v5  }
0x258: {  	v8 =	vmul.f32 $1.609437940e+00, v5  }
0x259: {  	v4 =	vmul.f32 v4, v6;
	v5 =	vmul.f32 v7, v5;
	_ =	sdelay $0x1  }
0x25a: {  	v5 =	vsub.f32 v4, v5;
	v4 =	vsub.f32 v4, v8  }
0x25b: {  	v6 =	vld.idx.msk [tilespmem:v3+s18+$0x0], $0xffff  }
0x25c: {  	v3 =	vld.idx.msk [tilespmem:v3+s17+$0x0], $0xffff;
	v8 =	vmul.f32 $1.442695020e+00, v5;
	v4 =	vmul.f32 $1.442695020e+00, v4;
	_ =	sdelay $0x1  }
0x25d: {  	(erf) = vpow2.f32 v8  }
0x25e: {  	(erf) = vpow2.f32 v4;
	v5 =	vpop (erf);
	_ =	sdelay $0x2  }
0x25f: {  	v3 =	vmul.f32 v6, v3;
	_ =	sdelay $0x1  }
0x260: {  	v3 =	vand.u32 $0x7FFFFFFF, v3  }
0x261: {  	s30 =	sadd.s32 $0x20, s30;
	v9 =	vmul.f32 $7.199800010e+00, v3  }
0x262: {  	s0 =	sadd.s32 $0xFFFFFFF0, s30  }
.Ltmp2:
0x263: {  	v4 =	vshra.s32 v2, $0xA;
	v6 =	vmov s0;
	v8 =	vmul.f32 v5, v9;
	v3 =	vpop (erf);
	(pc) =	sbr.rel @p0 .LBB2_7-.Ltmp2, $4  }
0x264: {  	v2 =	vshll.u32 v6, $0x4;
	v5 =	vpop (erf)  }
0x265: {  	vm0 =	vle.f32 v7, $1.609437940e+00;
	v2 =	vor.u32 v1, v2;
	v9 =	vsub.f32 v3, v5  }
0x266: {  	v6 =	vor.u32 $0x2, v2;
	v3 =	vor.u32 $0x1, v2;
	v5 =	vor.u32 $0x3, v2  }
0x267: {  	v7 =	vmul.f32 v9, v8  }
0x268: {  	_ =	sdelay $0x2  }
0x269: {  	v7 =	vnsel vm0, $0x0, v7  }
0x26a: {  	[tilespmem:v4+s26+$0x0] =	vst.idx.add.f32.msk $0xffff, v7  }
0x26b: {  	v4 =	vld.idx.msk [tilespmem:v6+s17+$0x0], $0xffff  }
0x26c: {  	v5 =	vld.idx.msk [tilespmem:v5+s18+$0x0], $0xffff;
	_ =	sdelay $0x3  }
0x26d: {  	v4 =	vtrunc.f32 v4  }
0x26e: {  	v5 =	vtrunc.f32 v5;
	v4 =	vcvt.f32.s32 v4  }
0x26f: {  	v5 =	vcvt.f32.s32 v5  }
0x270: {  	v7 =	vld.idx.msk [tilespmem:v3+s18+$0x0], $0xffff;
	v6 =	vand.u32 $0x3FF, v4  }
0x271: {  	v5 =	vadd.s32 v5, v6  }
0x272: {  	v3 =	vld.idx.msk [tilespmem:v3+s17+$0x0], $0xffff;
	_ =	sdelay $0x1  }
0x273: {  	s0 =	sadd.s32 $0x20, s29  }
0x274: {  	v6 =	vmul.f32 $5.000000000e-01, v7;
	v7 =	vld [tilespmem:s0+$0xFFFFFFF0]  }
0x275: {  	v5 =	vld.idx.msk [tilespmem:v5+s12+$0x0], $0xffff  }
0x276: {  	v3 =	vadd.f32 v6, v3;
	_ =	sdelay $0x1  }
0x277: {  	v6 =	vadd.f32 $-1.000000000e+00, v3;
	_ =	sdelay $0x1  }
0x278: {  	v5 =	vmul.f32 v5, v6;
	v6 =	vmul.f32 v7, v3  }
0x279: {  	v8 =	vmul.f32 $1.609437940e+00, v3  }
0x27a: {  	v6 =	vsub.f32 v5, v6  }
0x27b: {  	v5 =	vsub.f32 v5, v8  }
0x27c: {  	v6 =	vmul.f32 $1.442695020e+00, v6  }
0x27d: {  	(erf) = vrcp.f32 v3;
	v3 =	vmul.f32 $1.442695020e+00, v5  }
0x27e: {  	v5 =	vld.idx.msk [tilespmem:v2+s18+$0x0], $0xffff;
	(erf) = vpow2.f32 v6  }
0x27f: {  	v2 =	vld.idx.msk [tilespmem:v2+s17+$0x0], $0xffff;
	(erf) = vpow2.f32 v3;
	_ =	sdelay $0x4  }
0x280: {  	v2 =	vmul.f32 v5, v2;
	_ =	sdelay $0x1  }
0x281: {  	v3 =	vpop (erf);
	v2 =	vand.u32 $0x7FFFFFFF, v2  }
0x282: {  	v5 =	vmov s30;
	v2 =	vmul.f32 $7.199800010e+00, v2;
	v6 =	vpop (erf)  }
0x283: {  	v4 =	vshra.s32 v4, $0xA;
	v5 =	vshll.u32 v5, $0x4;
	v8 =	vpop (erf)  }
0x284: {  	v5 =	vor.u32 v1, v5;
	v2 =	vmul.f32 v3, v2;
	v3 =	vsub.f32 v6, v8  }
0x285: {  	v6 =	vor.u32 $0x2, v5  }
0x286: {  	v2 =	vmul.f32 v3, v2;
	v3 =	vor.u32 $0x3, v5  }
0x287: {  	vm0 =	vle.f32 v7, $1.609437940e+00  }
0x288: {  	v2 =	vnsel vm0, $0x0, v2  }
0x289: {  	[tilespmem:v4+s26+$0x0] =	vst.idx.add.f32.msk $0xffff, v2  }
0x28a: {  	v2 =	vld.idx.msk [tilespmem:v6+s17+$0x0], $0xffff  }
0x28b: {  	v3 =	vld.idx.msk [tilespmem:v3+s18+$0x0], $0xffff;
	_ =	sdelay $0x1  }
0x28c: {  	v4 =	vor.u32 $0x1, v5;
	_ =	sdelay $0x1  }
0x28d: {  	v2 =	vtrunc.f32 v2  }
0x28e: {  	v2 =	vcvt.f32.s32 v2;
	v3 =	vtrunc.f32 v3  }
0x28f: {  	v3 =	vcvt.f32.s32 v3  }
0x290: {  	v7 =	vld.idx.msk [tilespmem:v4+s18+$0x0], $0xffff;
	v6 =	vand.u32 $0x3FF, v2  }
0x291: {  	v3 =	vadd.s32 v3, v6  }
0x292: {  	v4 =	vld.idx.msk [tilespmem:v4+s17+$0x0], $0xffff;
	_ =	sdelay $0x2  }
0x293: {  	v6 =	vmul.f32 $5.000000000e-01, v7;
	v7 =	vld [tilespmem:s0+$0x0]  }
0x294: {  	v3 =	vld.idx.msk [tilespmem:v3+s12+$0x0], $0xffff  }
0x295: {  	v4 =	vadd.f32 v6, v4;
	_ =	sdelay $0x1  }
0x296: {  	v6 =	vadd.f32 $-1.000000000e+00, v4;
	_ =	sdelay $0x1  }
0x297: {  	v3 =	vmul.f32 v3, v6;
	v6 =	vmul.f32 v7, v4  }
0x298: {  	v8 =	vmul.f32 $1.609437940e+00, v4  }
0x299: {  	v6 =	vsub.f32 v3, v6  }
0x29a: {  	v3 =	vsub.f32 v3, v8  }
0x29b: {  	v6 =	vmul.f32 $1.442695020e+00, v6  }
0x29c: {  	(erf) = vrcp.f32 v4;
	v3 =	vmul.f32 $1.442695020e+00, v3  }
0x29d: {  	v4 =	vld.idx.msk [tilespmem:v5+s18+$0x0], $0xffff;
	(erf) = vpow2.f32 v6  }
0x29e: {  	v5 =	vld.idx.msk [tilespmem:v5+s17+$0x0], $0xffff;
	(erf) = vpow2.f32 v3;
	_ =	sdelay $0x4  }
0x29f: {  	v3 =	vmul.f32 v4, v5;
	_ =	sdelay $0x1  }
0x2a0: {  	v4 =	vpop (erf);
	v3 =	vand.u32 $0x7FFFFFFF, v3  }
0x2a1: {  	v3 =	vmul.f32 $7.199800010e+00, v3;
	v5 =	vpop (erf)  }
0x2a2: {  	v6 =	vpop (erf)  }
0x2a3: {  	v2 =	vshra.s32 v2, $0xA;
	v3 =	vmul.f32 v4, v3;
	v4 =	vsub.f32 v5, v6;
	_ =	sdelay $0x1  }
0x2a4: {  	v3 =	vmul.f32 v4, v3  }
0x2a5: {  	s0 =	simm.s32 $0x180;
	vm0 =	vle.f32 v7, $1.609437940e+00  }
0x2a6: {  	v4 =	vmov s0;
	v3 =	vnsel vm0, $0x0, v3  }
0x2a7: {  	[tilespmem:v2+s26+$0x0] =	vst.idx.add.f32.msk $0xffff, v3;
	v2 =	vshll.u32 v4, $0x4  }
0x2a8: {  	_ =	swait.ge [sflag:s13], $0x800;
	v2 =	vor.u32 v1, v2  }
0x2a9: {  	[sflag:s13] =	ssyncset.done $0x0;
	v3 =	vor.u32 $0x2, v2  }
0x2aa: {  	v4 =	vor.u32 $0x3, v2;
	[sflag:s13] =	ssyncadd.s32 $0xFFFFF800  }
0x2ab: {  	_ =	swait.ge [sflag:s13], $0x800  }
0x2ac: {  	[sflag:s13] =	ssyncset.done $0x0  }
0x2ad: {  	[sflag:s13] =	ssyncadd.s32 $0xFFFFF800  }
0x2ae: {  	v3 =	vld.idx.msk [tilespmem:v3+s17+$0x0], $0xffff  }
0x2af: {  	v4 =	vld.idx.msk [tilespmem:v4+s18+$0x0], $0xffff;
	_ =	sdelay $0x1  }
0x2b0: {  	v5 =	vor.u32 $0x1, v2;
	_ =	sdelay $0x1  }
0x2b1: {  	v3 =	vtrunc.f32 v3  }
0x2b2: {  	v4 =	vtrunc.f32 v4;
	v3 =	vcvt.f32.s32 v3  }
0x2b3: {  	v4 =	vcvt.f32.s32 v4  }
0x2b4: {  	v7 =	vld.idx.msk [tilespmem:v5+s18+$0x0], $0xffff;
	v6 =	vand.u32 $0x3FF, v3  }
0x2b5: {  	v4 =	vadd.s32 v4, v6  }
0x2b6: {  	v5 =	vld.idx.msk [tilespmem:v5+s17+$0x0], $0xffff;
	_ =	sdelay $0x1  }
0x2b7: {  	s29 =	simm.s32 $0x990  }
0x2b8: {  	v6 =	vmul.f32 $5.000000000e-01, v7;
	v7 =	vld [tilespmem:s29+$0xFFFFFFF0]  }
0x2b9: {  	v4 =	vld.idx.msk [tilespmem:v4+s12+$0x0], $0xffff  }
0x2ba: {  	v5 =	vadd.f32 v6, v5;
	_ =	sdelay $0x1  }
0x2bb: {  	v6 =	vadd.f32 $-1.000000000e+00, v5;
	_ =	sdelay $0x1  }
0x2bc: {  	v4 =	vmul.f32 v4, v6;
	v6 =	vmul.f32 v7, v5  }
0x2bd: {  	v8 =	vmul.f32 $1.609437940e+00, v5  }
0x2be: {  	v6 =	vsub.f32 v4, v6  }
0x2bf: {  	v4 =	vsub.f32 v4, v8  }
0x2c0: {  	v6 =	vmul.f32 $1.442695020e+00, v6  }
0x2c1: {  	(erf) = vrcp.f32 v5;
	v4 =	vmul.f32 $1.442695020e+00, v4  }
0x2c2: {  	v5 =	vld.idx.msk [tilespmem:v2+s18+$0x0], $0xffff;
	(erf) = vpow2.f32 v6  }
0x2c3: {  	v2 =	vld.idx.msk [tilespmem:v2+s17+$0x0], $0xffff;
	(erf) = vpow2.f32 v4;
	_ =	sdelay $0x4  }
0x2c4: {  	v2 =	vmul.f32 v5, v2;
	_ =	sdelay $0x1  }
0x2c5: {  	s0 =	simm.s32 $0x190;
	v2 =	vand.u32 $0x7FFFFFFF, v2;
	v4 =	vpop (erf)  }
0x2c6: {  	v5 =	vmov s0;
	v2 =	vmul.f32 $7.199800010e+00, v2;
	v6 =	vpop (erf)  }
0x2c7: {  	v3 =	vshra.s32 v3, $0xA;
	v5 =	vshll.u32 v5, $0x4;
	v8 =	vpop (erf)  }
0x2c8: {  	v5 =	vor.u32 v1, v5;
	v2 =	vmul.f32 v4, v2;
	v4 =	vsub.f32 v6, v8  }
0x2c9: {  	v6 =	vor.u32 $0x2, v5  }
0x2ca: {  	v2 =	vmul.f32 v4, v2;
	v4 =	vor.u32 $0x3, v5  }
0x2cb: {  	vm0 =	vle.f32 v7, $1.609437940e+00  }
0x2cc: {  	v2 =	vnsel vm0, $0x0, v2  }
0x2cd: {  	[tilespmem:v3+s26+$0x0] =	vst.idx.add.f32.msk $0xffff, v2  }
0x2ce: {  	v2 =	vld.idx.msk [tilespmem:v6+s17+$0x0], $0xffff  }
0x2cf: {  	v3 =	vld.idx.msk [tilespmem:v4+s18+$0x0], $0xffff;
	_ =	sdelay $0x1  }
0x2d0: {  	v4 =	vor.u32 $0x1, v5;
	_ =	sdelay $0x1  }
0x2d1: {  	v2 =	vtrunc.f32 v2  }
0x2d2: {  	v6 =	vcvt.f32.s32 v2;
	v2 =	vtrunc.f32 v3  }
0x2d3: {  	v2 =	vcvt.f32.s32 v2  }
0x2d4: {  	v7 =	vld.idx.msk [tilespmem:v4+s18+$0x0], $0xffff;
	v3 =	vand.u32 $0x3FF, v6  }
0x2d5: {  	v2 =	vadd.s32 v2, v3  }
0x2d6: {  	v3 =	vld.idx.msk [tilespmem:v4+s17+$0x0], $0xffff;
	_ =	sdelay $0x2  }
0x2d7: {  	v4 =	vmul.f32 $5.000000000e-01, v7;
	v7 =	vld [tilespmem:s29+$0x0]  }
0x2d8: {  	v2 =	vld.idx.msk [tilespmem:v2+s12+$0x0], $0xffff  }
0x2d9: {  	v3 =	vadd.f32 v4, v3;
	_ =	sdelay $0x1  }
0x2da: {  	v4 =	vadd.f32 $-1.000000000e+00, v3;
	_ =	sdelay $0x1  }
0x2db: {  	v2 =	vmul.f32 v2, v4;
	v4 =	vmul.f32 v7, v3  }
0x2dc: {  	v8 =	vmul.f32 $1.609437940e+00, v3  }
0x2dd: {  	v4 =	vsub.f32 v2, v4  }
0x2de: {  	v2 =	vsub.f32 v2, v8  }
0x2df: {  	v4 =	vmul.f32 $1.442695020e+00, v4  }
0x2e0: {  	(erf) = vrcp.f32 v3;
	v3 =	vld.idx.msk [tilespmem:v5+s18+$0x0], $0xffff;
	v2 =	vmul.f32 $1.442695020e+00, v2  }
0x2e1: {  	(erf) = vpow2.f32 v4;
	v4 =	vld.idx.msk [tilespmem:v5+s17+$0x0], $0xffff  }
0x2e2: {  	(erf) = vpow2.f32 v2;
	_ =	sdelay $0x3  }
0x2e3: {  	v2 =	vmul.f32 v3, v4;
	_ =	sdelay $0x1  }
0x2e4: {  	v2 =	vand.u32 $0x7FFFFFFF, v2  }
0x2e5: {  	s0 =	simm.s32 $0x1A0;
	v3 =	vpop (erf);
	v2 =	vmul.f32 $7.199800010e+00, v2  }
0x2e6: {  	v4 =	vmov s0;
	v5 =	vpop (erf)  }
0x2e7: {  	v4 =	vshll.u32 v4, $0x4;
	v8 =	vpop (erf);
	v9 =	vmul.f32 v3, v2  }
0x2e8: {  	v2 =	vor.u32 v1, v4;
	v4 =	vshra.s32 v6, $0xA;
	v8 =	vsub.f32 v5, v8  }
0x2e9: {  	vm0 =	vle.f32 v7, $1.609437940e+00;
	v6 =	vor.u32 $0x2, v2  }
0x2ea: {  	s31 =	simm.s32 $0x1A;
	s30 =	simm.s32 $0x1B0;
	v3 =	vor.u32 $0x1, v2;
	v5 =	vor.u32 $0x3, v2;
	v7 =	vmul.f32 v8, v9  }
.LBB2_9:
0x2eb: {  	s31 =	sadd.s32 $0x2, s31;
	s29 =	sadd.s32 $0x20, s29  }
0x2ec: {  	p0 =	slt.u32 s31, $0x1E;
	v7 =	vnsel vm0, $0x0, v7  }
0x2ed: {  	[tilespmem:v4+s26+$0x0] =	vst.idx.add.f32.msk $0xffff, v7  }
0x2ee: {  	v4 =	vld.idx.msk [tilespmem:v6+s17+$0x0], $0xffff  }
0x2ef: {  	v5 =	vld.idx.msk [tilespmem:v5+s18+$0x0], $0xffff;
	_ =	sdelay $0x4  }
0x2f0: {  	v4 =	vtrunc.f32 v4  }
0x2f1: {  	v4 =	vcvt.f32.s32 v4;
	v5 =	vtrunc.f32 v5  }
0x2f2: {  	v5 =	vcvt.f32.s32 v5  }
0x2f3: {  	v7 =	vand.u32 $0x3FF, v4;
	v6 =	vld.idx.msk [tilespmem:v3+s18+$0x0], $0xffff  }
0x2f4: {  	v5 =	vadd.s32 v5, v7  }
0x2f5: {  	v3 =	vld.idx.msk [tilespmem:v3+s17+$0x0], $0xffff;
	_ =	sdelay $0x3  }
0x2f6: {  	v6 =	vmul.f32 $5.000000000e-01, v6;
	v5 =	vld.idx.msk [tilespmem:v5+s12+$0x0], $0xffff  }
0x2f7: {  	v7 =	vld [tilespmem:s29+$0xFFFFFFF0]  }
0x2f8: {  	v3 =	vadd.f32 v6, v3;
	_ =	sdelay $0x1  }
0x2f9: {  	v6 =	vadd.f32 $-1.000000000e+00, v3;
	(erf) = vrcp.f32 v3  }
0x2fa: {  	v8 =	vmul.f32 $1.609437940e+00, v3  }
0x2fb: {  	v5 =	vmul.f32 v5, v6;
	v3 =	vmul.f32 v7, v3;
	_ =	sdelay $0x1  }
0x2fc: {  	v3 =	vsub.f32 v5, v3;
	v5 =	vsub.f32 v5, v8;
	_ =	sdelay $0x1  }
0x2fd: {  	v6 =	vld.idx.msk [tilespmem:v2+s18+$0x0], $0xffff;
	v8 =	vmul.f32 $1.442695020e+00, v3;
	v5 =	vmul.f32 $1.442695020e+00, v5  }
0x2fe: {  	v2 =	vld.idx.msk [tilespmem:v2+s17+$0x0], $0xffff  }
0x2ff: {  	(erf) = vpow2.f32 v8  }
0x300: {  	(erf) = vpow2.f32 v5;
	v3 =	vpop (erf);
	_ =	sdelay $0x3  }
0x301: {  	v2 =	vmul.f32 v6, v2;
	_ =	sdelay $0x1  }
0x302: {  	v2 =	vand.u32 $0x7FFFFFFF, v2  }
0x303: {  	v2 =	vmul.f32 $7.199800010e+00, v2  }
0x304: {  	v8 =	vmov s30;
	v6 =	vpop (erf)  }
0x305: {  	v4 =	vshra.s32 v4, $0xA;
	v2 =	vmul.f32 v3, v2;
	v3 =	vshll.u32 v8, $0x4;
	v5 =	vpop (erf)  }
0x306: {  	v3 =	vor.u32 v1, v3;
	v5 =	vsub.f32 v6, v5  }
0x307: {  	v6 =	vor.u32 $0x2, v3  }
0x308: {  	vm0 =	vle.f32 v7, $1.609437940e+00;
	v2 =	vmul.f32 v5, v2;
	v5 =	vor.u32 $0x3, v3;
	_ =	sdelay $0x1  }
0x309: {  	v2 =	vnsel vm0, $0x0, v2  }
0x30a: {  	[tilespmem:v4+s26+$0x0] =	vst.idx.add.f32.msk $0xffff, v2  }
0x30b: {  	v2 =	vld.idx.msk [tilespmem:v6+s17+$0x0], $0xffff  }
0x30c: {  	v4 =	vld.idx.msk [tilespmem:v5+s18+$0x0], $0xffff;
	_ =	sdelay $0x2  }
0x30d: {  	v5 =	vor.u32 $0x1, v3;
	_ =	sdelay $0x1  }
0x30e: {  	v2 =	vtrunc.f32 v2  }
0x30f: {  	v2 =	vcvt.f32.s32 v2;
	v4 =	vtrunc.f32 v4  }
0x310: {  	v4 =	vcvt.f32.s32 v4  }
0x311: {  	v7 =	vand.u32 $0x3FF, v2;
	v6 =	vld.idx.msk [tilespmem:v5+s18+$0x0], $0xffff  }
0x312: {  	v4 =	vadd.s32 v4, v7  }
0x313: {  	v5 =	vld.idx.msk [tilespmem:v5+s17+$0x0], $0xffff;
	_ =	sdelay $0x3  }
0x314: {  	v6 =	vmul.f32 $5.000000000e-01, v6;
	v4 =	vld.idx.msk [tilespmem:v4+s12+$0x0], $0xffff  }
0x315: {  	v7 =	vld [tilespmem:s29+$0x0]  }
0x316: {  	v5 =	vadd.f32 v6, v5;
	_ =	sdelay $0x1  }
0x317: {  	v6 =	vadd.f32 $-1.000000000e+00, v5;
	(erf) = vrcp.f32 v5  }
0x318: {  	v8 =	vmul.f32 $1.609437940e+00, v5  }
0x319: {  	v4 =	vmul.f32 v4, v6;
	v5 =	vmul.f32 v7, v5;
	_ =	sdelay $0x1  }
0x31a: {  	v5 =	vsub.f32 v4, v5;
	v4 =	vsub.f32 v4, v8  }
0x31b: {  	v6 =	vld.idx.msk [tilespmem:v3+s18+$0x0], $0xffff  }
0x31c: {  	v3 =	vld.idx.msk [tilespmem:v3+s17+$0x0], $0xffff;
	v8 =	vmul.f32 $1.442695020e+00, v5;
	v4 =	vmul.f32 $1.442695020e+00, v4;
	_ =	sdelay $0x1  }
0x31d: {  	(erf) = vpow2.f32 v8  }
0x31e: {  	(erf) = vpow2.f32 v4;
	v5 =	vpop (erf);
	_ =	sdelay $0x2  }
0x31f: {  	v3 =	vmul.f32 v6, v3;
	_ =	sdelay $0x1  }
0x320: {  	v3 =	vand.u32 $0x7FFFFFFF, v3  }
0x321: {  	s30 =	sadd.s32 $0x20, s30;
	v9 =	vmul.f32 $7.199800010e+00, v3  }
0x322: {  	s0 =	sadd.s32 $0xFFFFFFF0, s30  }
.Ltmp3:
0x323: {  	v4 =	vshra.s32 v2, $0xA;
	v6 =	vmov s0;
	v8 =	vmul.f32 v5, v9;
	v3 =	vpop (erf);
	(pc) =	sbr.rel @p0 .LBB2_9-.Ltmp3, $4  }
0x324: {  	v2 =	vshll.u32 v6, $0x4;
	v5 =	vpop (erf)  }
0x325: {  	vm0 =	vle.f32 v7, $1.609437940e+00;
	v2 =	vor.u32 v1, v2;
	v9 =	vsub.f32 v3, v5  }
0x326: {  	v6 =	vor.u32 $0x2, v2;
	v3 =	vor.u32 $0x1, v2;
	v5 =	vor.u32 $0x3, v2  }
0x327: {  	v7 =	vmul.f32 v9, v8  }
0x328: {  	_ =	sdelay $0x2  }
0x329: {  	v7 =	vnsel vm0, $0x0, v7  }
0x32a: {  	[tilespmem:v4+s26+$0x0] =	vst.idx.add.f32.msk $0xffff, v7  }
0x32b: {  	v4 =	vld.idx.msk [tilespmem:v6+s17+$0x0], $0xffff  }
0x32c: {  	v5 =	vld.idx.msk [tilespmem:v5+s18+$0x0], $0xffff;
	_ =	sdelay $0x3  }
0x32d: {  	v4 =	vtrunc.f32 v4  }
0x32e: {  	v5 =	vtrunc.f32 v5;
	v4 =	vcvt.f32.s32 v4  }
0x32f: {  	v5 =	vcvt.f32.s32 v5  }
0x330: {  	v7 =	vld.idx.msk [tilespmem:v3+s18+$0x0], $0xffff;
	v6 =	vand.u32 $0x3FF, v4  }
0x331: {  	v5 =	vadd.s32 v5, v6  }
0x332: {  	v3 =	vld.idx.msk [tilespmem:v3+s17+$0x0], $0xffff;
	_ =	sdelay $0x1  }
0x333: {  	s0 =	sadd.s32 $0x20, s29  }
0x334: {  	v6 =	vmul.f32 $5.000000000e-01, v7;
	v7 =	vld [tilespmem:s0+$0xFFFFFFF0]  }
0x335: {  	v5 =	vld.idx.msk [tilespmem:v5+s12+$0x0], $0xffff  }
0x336: {  	v3 =	vadd.f32 v6, v3;
	_ =	sdelay $0x1  }
0x337: {  	v6 =	vadd.f32 $-1.000000000e+00, v3;
	_ =	sdelay $0x1  }
0x338: {  	v5 =	vmul.f32 v5, v6;
	v6 =	vmul.f32 v7, v3  }
0x339: {  	v8 =	vmul.f32 $1.609437940e+00, v3  }
0x33a: {  	v6 =	vsub.f32 v5, v6  }
0x33b: {  	v5 =	vsub.f32 v5, v8  }
0x33c: {  	v6 =	vmul.f32 $1.442695020e+00, v6  }
0x33d: {  	(erf) = vrcp.f32 v3;
	v3 =	vmul.f32 $1.442695020e+00, v5  }
0x33e: {  	v5 =	vld.idx.msk [tilespmem:v2+s18+$0x0], $0xffff;
	(erf) = vpow2.f32 v6  }
0x33f: {  	v2 =	vld.idx.msk [tilespmem:v2+s17+$0x0], $0xffff;
	(erf) = vpow2.f32 v3;
	_ =	sdelay $0x4  }
0x340: {  	v2 =	vmul.f32 v5, v2;
	_ =	sdelay $0x1  }
0x341: {  	v3 =	vpop (erf);
	v2 =	vand.u32 $0x7FFFFFFF, v2  }
0x342: {  	v5 =	vmov s30;
	v2 =	vmul.f32 $7.199800010e+00, v2;
	v6 =	vpop (erf)  }
0x343: {  	v4 =	vshra.s32 v4, $0xA;
	v5 =	vshll.u32 v5, $0x4;
	v8 =	vpop (erf)  }
0x344: {  	v5 =	vor.u32 v1, v5;
	v2 =	vmul.f32 v3, v2;
	v3 =	vsub.f32 v6, v8  }
0x345: {  	v6 =	vor.u32 $0x2, v5  }
0x346: {  	v2 =	vmul.f32 v3, v2;
	v3 =	vor.u32 $0x3, v5  }
0x347: {  	vm0 =	vle.f32 v7, $1.609437940e+00  }
0x348: {  	v2 =	vnsel vm0, $0x0, v2  }
0x349: {  	[tilespmem:v4+s26+$0x0] =	vst.idx.add.f32.msk $0xffff, v2  }
0x34a: {  	v2 =	vld.idx.msk [tilespmem:v6+s17+$0x0], $0xffff  }
0x34b: {  	v3 =	vld.idx.msk [tilespmem:v3+s18+$0x0], $0xffff;
	_ =	sdelay $0x1  }
0x34c: {  	v4 =	vor.u32 $0x1, v5;
	_ =	sdelay $0x1  }
0x34d: {  	v2 =	vtrunc.f32 v2  }
0x34e: {  	v2 =	vcvt.f32.s32 v2;
	v3 =	vtrunc.f32 v3  }
0x34f: {  	v3 =	vcvt.f32.s32 v3  }
0x350: {  	v7 =	vld.idx.msk [tilespmem:v4+s18+$0x0], $0xffff;
	v6 =	vand.u32 $0x3FF, v2  }
0x351: {  	v3 =	vadd.s32 v3, v6  }
0x352: {  	v4 =	vld.idx.msk [tilespmem:v4+s17+$0x0], $0xffff;
	_ =	sdelay $0x2  }
0x353: {  	v6 =	vmul.f32 $5.000000000e-01, v7;
	v7 =	vld [tilespmem:s0+$0x0]  }
0x354: {  	v3 =	vld.idx.msk [tilespmem:v3+s12+$0x0], $0xffff  }
0x355: {  	v4 =	vadd.f32 v6, v4;
	_ =	sdelay $0x1  }
0x356: {  	v6 =	vadd.f32 $-1.000000000e+00, v4;
	_ =	sdelay $0x1  }
0x357: {  	v3 =	vmul.f32 v3, v6;
	v6 =	vmul.f32 v7, v4  }
0x358: {  	v8 =	vmul.f32 $1.609437940e+00, v4  }
0x359: {  	v6 =	vsub.f32 v3, v6  }
0x35a: {  	v3 =	vsub.f32 v3, v8  }
0x35b: {  	v6 =	vmul.f32 $1.442695020e+00, v6  }
0x35c: {  	(erf) = vrcp.f32 v4;
	v3 =	vmul.f32 $1.442695020e+00, v3  }
0x35d: {  	v4 =	vld.idx.msk [tilespmem:v5+s18+$0x0], $0xffff;
	(erf) = vpow2.f32 v6  }
0x35e: {  	v5 =	vld.idx.msk [tilespmem:v5+s17+$0x0], $0xffff;
	(erf) = vpow2.f32 v3;
	_ =	sdelay $0x4  }
0x35f: {  	v3 =	vmul.f32 v4, v5;
	_ =	sdelay $0x1  }
0x360: {  	v4 =	vpop (erf);
	v3 =	vand.u32 $0x7FFFFFFF, v3  }
0x361: {  	v3 =	vmul.f32 $7.199800010e+00, v3;
	v5 =	vpop (erf)  }
0x362: {  	v6 =	vpop (erf)  }
0x363: {  	v2 =	vshra.s32 v2, $0xA;
	v3 =	vmul.f32 v4, v3;
	v4 =	vsub.f32 v5, v6;
	_ =	sdelay $0x1  }
0x364: {  	v3 =	vmul.f32 v4, v3  }
0x365: {  	s0 =	simm.s32 $0x200;
	vm0 =	vle.f32 v7, $1.609437940e+00  }
0x366: {  	v4 =	vmov s0;
	v3 =	vnsel vm0, $0x0, v3  }
0x367: {  	[tilespmem:v2+s26+$0x0] =	vst.idx.add.f32.msk $0xffff, v3;
	v2 =	vshll.u32 v4, $0x4  }
0x368: {  	_ =	swait.ge [sflag:s13], $0x800;
	v2 =	vor.u32 v1, v2  }
0x369: {  	[sflag:s13] =	ssyncset.done $0x0;
	v3 =	vor.u32 $0x2, v2  }
0x36a: {  	v4 =	vor.u32 $0x3, v2;
	[sflag:s13] =	ssyncadd.s32 $0xFFFFF800  }
0x36b: {  	_ =	swait.ge [sflag:s13], $0x800  }
0x36c: {  	[sflag:s13] =	ssyncset.done $0x0  }
0x36d: {  	[sflag:s13] =	ssyncadd.s32 $0xFFFFF800  }
0x36e: {  	v3 =	vld.idx.msk [tilespmem:v3+s17+$0x0], $0xffff  }
0x36f: {  	v4 =	vld.idx.msk [tilespmem:v4+s18+$0x0], $0xffff;
	_ =	sdelay $0x1  }
0x370: {  	v5 =	vor.u32 $0x1, v2;
	_ =	sdelay $0x1  }
0x371: {  	v3 =	vtrunc.f32 v3  }
0x372: {  	v4 =	vtrunc.f32 v4;
	v3 =	vcvt.f32.s32 v3  }
0x373: {  	v4 =	vcvt.f32.s32 v4  }
0x374: {  	v7 =	vld.idx.msk [tilespmem:v5+s18+$0x0], $0xffff;
	v6 =	vand.u32 $0x3FF, v3  }
0x375: {  	v4 =	vadd.s32 v4, v6  }
0x376: {  	v5 =	vld.idx.msk [tilespmem:v5+s17+$0x0], $0xffff;
	_ =	sdelay $0x1  }
0x377: {  	s29 =	simm.s32 $0xA10  }
0x378: {  	v6 =	vmul.f32 $5.000000000e-01, v7;
	v7 =	vld [tilespmem:s29+$0xFFFFFFF0]  }
0x379: {  	v4 =	vld.idx.msk [tilespmem:v4+s12+$0x0], $0xffff  }
0x37a: {  	v5 =	vadd.f32 v6, v5;
	_ =	sdelay $0x1  }
0x37b: {  	v6 =	vadd.f32 $-1.000000000e+00, v5;
	_ =	sdelay $0x1  }
0x37c: {  	v4 =	vmul.f32 v4, v6;
	v6 =	vmul.f32 v7, v5  }
0x37d: {  	v8 =	vmul.f32 $1.609437940e+00, v5  }
0x37e: {  	v6 =	vsub.f32 v4, v6  }
0x37f: {  	v4 =	vsub.f32 v4, v8  }
0x380: {  	v6 =	vmul.f32 $1.442695020e+00, v6  }
0x381: {  	(erf) = vrcp.f32 v5;
	v4 =	vmul.f32 $1.442695020e+00, v4  }
0x382: {  	v5 =	vld.idx.msk [tilespmem:v2+s18+$0x0], $0xffff;
	(erf) = vpow2.f32 v6  }
0x383: {  	v2 =	vld.idx.msk [tilespmem:v2+s17+$0x0], $0xffff;
	(erf) = vpow2.f32 v4;
	_ =	sdelay $0x4  }
0x384: {  	v2 =	vmul.f32 v5, v2;
	_ =	sdelay $0x1  }
0x385: {  	s0 =	simm.s32 $0x210;
	v2 =	vand.u32 $0x7FFFFFFF, v2;
	v4 =	vpop (erf)  }
0x386: {  	v5 =	vmov s0;
	v2 =	vmul.f32 $7.199800010e+00, v2;
	v6 =	vpop (erf)  }
0x387: {  	v3 =	vshra.s32 v3, $0xA;
	v5 =	vshll.u32 v5, $0x4;
	v8 =	vpop (erf)  }
0x388: {  	v5 =	vor.u32 v1, v5;
	v2 =	vmul.f32 v4, v2;
	v4 =	vsub.f32 v6, v8  }
0x389: {  	v6 =	vor.u32 $0x2, v5  }
0x38a: {  	v2 =	vmul.f32 v4, v2;
	v4 =	vor.u32 $0x3, v5  }
0x38b: {  	vm0 =	vle.f32 v7, $1.609437940e+00  }
0x38c: {  	v2 =	vnsel vm0, $0x0, v2  }
0x38d: {  	[tilespmem:v3+s26+$0x0] =	vst.idx.add.f32.msk $0xffff, v2  }
0x38e: {  	v2 =	vld.idx.msk [tilespmem:v6+s17+$0x0], $0xffff  }
0x38f: {  	v3 =	vld.idx.msk [tilespmem:v4+s18+$0x0], $0xffff;
	_ =	sdelay $0x1  }
0x390: {  	v4 =	vor.u32 $0x1, v5;
	_ =	sdelay $0x1  }
0x391: {  	v2 =	vtrunc.f32 v2  }
0x392: {  	v6 =	vcvt.f32.s32 v2;
	v2 =	vtrunc.f32 v3  }
0x393: {  	v2 =	vcvt.f32.s32 v2  }
0x394: {  	v7 =	vld.idx.msk [tilespmem:v4+s18+$0x0], $0xffff;
	v3 =	vand.u32 $0x3FF, v6  }
0x395: {  	v2 =	vadd.s32 v2, v3  }
0x396: {  	v3 =	vld.idx.msk [tilespmem:v4+s17+$0x0], $0xffff;
	_ =	sdelay $0x2  }
0x397: {  	v4 =	vmul.f32 $5.000000000e-01, v7;
	v7 =	vld [tilespmem:s29+$0x0]  }
0x398: {  	v2 =	vld.idx.msk [tilespmem:v2+s12+$0x0], $0xffff  }
0x399: {  	v3 =	vadd.f32 v4, v3;
	_ =	sdelay $0x1  }
0x39a: {  	v4 =	vadd.f32 $-1.000000000e+00, v3;
	_ =	sdelay $0x1  }
0x39b: {  	v2 =	vmul.f32 v2, v4;
	v4 =	vmul.f32 v7, v3  }
0x39c: {  	v8 =	vmul.f32 $1.609437940e+00, v3  }
0x39d: {  	v4 =	vsub.f32 v2, v4  }
0x39e: {  	v2 =	vsub.f32 v2, v8  }
0x39f: {  	v4 =	vmul.f32 $1.442695020e+00, v4  }
0x3a0: {  	(erf) = vrcp.f32 v3;
	v3 =	vld.idx.msk [tilespmem:v5+s18+$0x0], $0xffff;
	v2 =	vmul.f32 $1.442695020e+00, v2  }
0x3a1: {  	(erf) = vpow2.f32 v4;
	v4 =	vld.idx.msk [tilespmem:v5+s17+$0x0], $0xffff  }
0x3a2: {  	(erf) = vpow2.f32 v2;
	_ =	sdelay $0x3  }
0x3a3: {  	v2 =	vmul.f32 v3, v4;
	_ =	sdelay $0x1  }
0x3a4: {  	v2 =	vand.u32 $0x7FFFFFFF, v2  }
0x3a5: {  	s0 =	simm.s32 $0x220;
	v3 =	vpop (erf);
	v2 =	vmul.f32 $7.199800010e+00, v2  }
0x3a6: {  	v4 =	vmov s0;
	v5 =	vpop (erf)  }
0x3a7: {  	v4 =	vshll.u32 v4, $0x4;
	v8 =	vpop (erf);
	v9 =	vmul.f32 v3, v2  }
0x3a8: {  	v2 =	vor.u32 v1, v4;
	v4 =	vshra.s32 v6, $0xA;
	v8 =	vsub.f32 v5, v8  }
0x3a9: {  	vm0 =	vle.f32 v7, $1.609437940e+00;
	v6 =	vor.u32 $0x2, v2  }
0x3aa: {  	s31 =	simm.s32 $0x22;
	s30 =	simm.s32 $0x230;
	v3 =	vor.u32 $0x1, v2;
	v5 =	vor.u32 $0x3, v2;
	v7 =	vmul.f32 v8, v9  }
.LBB2_11:
0x3ab: {  	s31 =	sadd.s32 $0x2, s31;
	s29 =	sadd.s32 $0x20, s29  }
0x3ac: {  	p0 =	slt.u32 s31, $0x26;
	v7 =	vnsel vm0, $0x0, v7  }
0x3ad: {  	[tilespmem:v4+s26+$0x0] =	vst.idx.add.f32.msk $0xffff, v7  }
0x3ae: {  	v4 =	vld.idx.msk [tilespmem:v6+s17+$0x0], $0xffff  }
0x3af: {  	v5 =	vld.idx.msk [tilespmem:v5+s18+$0x0], $0xffff;
	_ =	sdelay $0x4  }
0x3b0: {  	v4 =	vtrunc.f32 v4  }
0x3b1: {  	v4 =	vcvt.f32.s32 v4;
	v5 =	vtrunc.f32 v5  }
0x3b2: {  	v5 =	vcvt.f32.s32 v5  }
0x3b3: {  	v7 =	vand.u32 $0x3FF, v4;
	v6 =	vld.idx.msk [tilespmem:v3+s18+$0x0], $0xffff  }
0x3b4: {  	v5 =	vadd.s32 v5, v7  }
0x3b5: {  	v3 =	vld.idx.msk [tilespmem:v3+s17+$0x0], $0xffff;
	_ =	sdelay $0x3  }
0x3b6: {  	v6 =	vmul.f32 $5.000000000e-01, v6;
	v5 =	vld.idx.msk [tilespmem:v5+s12+$0x0], $0xffff  }
0x3b7: {  	v7 =	vld [tilespmem:s29+$0xFFFFFFF0]  }
0x3b8: {  	v3 =	vadd.f32 v6, v3;
	_ =	sdelay $0x1  }
0x3b9: {  	v6 =	vadd.f32 $-1.000000000e+00, v3;
	(erf) = vrcp.f32 v3  }
0x3ba: {  	v8 =	vmul.f32 $1.609437940e+00, v3  }
0x3bb: {  	v5 =	vmul.f32 v5, v6;
	v3 =	vmul.f32 v7, v3;
	_ =	sdelay $0x1  }
0x3bc: {  	v3 =	vsub.f32 v5, v3;
	v5 =	vsub.f32 v5, v8;
	_ =	sdelay $0x1  }
0x3bd: {  	v6 =	vld.idx.msk [tilespmem:v2+s18+$0x0], $0xffff;
	v8 =	vmul.f32 $1.442695020e+00, v3;
	v5 =	vmul.f32 $1.442695020e+00, v5  }
0x3be: {  	v2 =	vld.idx.msk [tilespmem:v2+s17+$0x0], $0xffff  }
0x3bf: {  	(erf) = vpow2.f32 v8  }
0x3c0: {  	(erf) = vpow2.f32 v5;
	v3 =	vpop (erf);
	_ =	sdelay $0x3  }
0x3c1: {  	v2 =	vmul.f32 v6, v2;
	_ =	sdelay $0x1  }
0x3c2: {  	v2 =	vand.u32 $0x7FFFFFFF, v2  }
0x3c3: {  	v2 =	vmul.f32 $7.199800010e+00, v2  }
0x3c4: {  	v8 =	vmov s30;
	v6 =	vpop (erf)  }
0x3c5: {  	v4 =	vshra.s32 v4, $0xA;
	v2 =	vmul.f32 v3, v2;
	v3 =	vshll.u32 v8, $0x4;
	v5 =	vpop (erf)  }
0x3c6: {  	v3 =	vor.u32 v1, v3;
	v5 =	vsub.f32 v6, v5  }
0x3c7: {  	v6 =	vor.u32 $0x2, v3  }
0x3c8: {  	vm0 =	vle.f32 v7, $1.609437940e+00;
	v2 =	vmul.f32 v5, v2;
	v5 =	vor.u32 $0x3, v3;
	_ =	sdelay $0x1  }
0x3c9: {  	v2 =	vnsel vm0, $0x0, v2  }
0x3ca: {  	[tilespmem:v4+s26+$0x0] =	vst.idx.add.f32.msk $0xffff, v2  }
0x3cb: {  	v2 =	vld.idx.msk [tilespmem:v6+s17+$0x0], $0xffff  }
0x3cc: {  	v4 =	vld.idx.msk [tilespmem:v5+s18+$0x0], $0xffff;
	_ =	sdelay $0x2  }
0x3cd: {  	v5 =	vor.u32 $0x1, v3;
	_ =	sdelay $0x1  }
0x3ce: {  	v2 =	vtrunc.f32 v2  }
0x3cf: {  	v2 =	vcvt.f32.s32 v2;
	v4 =	vtrunc.f32 v4  }
0x3d0: {  	v4 =	vcvt.f32.s32 v4  }
0x3d1: {  	v7 =	vand.u32 $0x3FF, v2;
	v6 =	vld.idx.msk [tilespmem:v5+s18+$0x0], $0xffff  }
0x3d2: {  	v4 =	vadd.s32 v4, v7  }
0x3d3: {  	v5 =	vld.idx.msk [tilespmem:v5+s17+$0x0], $0xffff;
	_ =	sdelay $0x3  }
0x3d4: {  	v6 =	vmul.f32 $5.000000000e-01, v6;
	v4 =	vld.idx.msk [tilespmem:v4+s12+$0x0], $0xffff  }
0x3d5: {  	v7 =	vld [tilespmem:s29+$0x0]  }
0x3d6: {  	v5 =	vadd.f32 v6, v5;
	_ =	sdelay $0x1  }
0x3d7: {  	v6 =	vadd.f32 $-1.000000000e+00, v5;
	(erf) = vrcp.f32 v5  }
0x3d8: {  	v8 =	vmul.f32 $1.609437940e+00, v5  }
0x3d9: {  	v4 =	vmul.f32 v4, v6;
	v5 =	vmul.f32 v7, v5;
	_ =	sdelay $0x1  }
0x3da: {  	v5 =	vsub.f32 v4, v5;
	v4 =	vsub.f32 v4, v8  }
0x3db: {  	v6 =	vld.idx.msk [tilespmem:v3+s18+$0x0], $0xffff  }
0x3dc: {  	v3 =	vld.idx.msk [tilespmem:v3+s17+$0x0], $0xffff;
	v8 =	vmul.f32 $1.442695020e+00, v5;
	v4 =	vmul.f32 $1.442695020e+00, v4;
	_ =	sdelay $0x1  }
0x3dd: {  	(erf) = vpow2.f32 v8  }
0x3de: {  	(erf) = vpow2.f32 v4;
	v5 =	vpop (erf);
	_ =	sdelay $0x2  }
0x3df: {  	v3 =	vmul.f32 v6, v3;
	_ =	sdelay $0x1  }
0x3e0: {  	v3 =	vand.u32 $0x7FFFFFFF, v3  }
0x3e1: {  	s30 =	sadd.s32 $0x20, s30;
	v9 =	vmul.f32 $7.199800010e+00, v3  }
0x3e2: {  	s0 =	sadd.s32 $0xFFFFFFF0, s30  }
.Ltmp4:
0x3e3: {  	v4 =	vshra.s32 v2, $0xA;
	v6 =	vmov s0;
	v8 =	vmul.f32 v5, v9;
	v3 =	vpop (erf);
	(pc) =	sbr.rel @p0 .LBB2_11-.Ltmp4, $4  }
0x3e4: {  	v2 =	vshll.u32 v6, $0x4;
	v5 =	vpop (erf)  }
0x3e5: {  	vm0 =	vle.f32 v7, $1.609437940e+00;
	v2 =	vor.u32 v1, v2;
	v9 =	vsub.f32 v3, v5  }
0x3e6: {  	v6 =	vor.u32 $0x2, v2;
	v3 =	vor.u32 $0x1, v2;
	v5 =	vor.u32 $0x3, v2  }
0x3e7: {  	v7 =	vmul.f32 v9, v8  }
0x3e8: {  	_ =	sdelay $0x2  }
0x3e9: {  	v7 =	vnsel vm0, $0x0, v7  }
0x3ea: {  	[tilespmem:v4+s26+$0x0] =	vst.idx.add.f32.msk $0xffff, v7  }
0x3eb: {  	v4 =	vld.idx.msk [tilespmem:v6+s17+$0x0], $0xffff  }
0x3ec: {  	v5 =	vld.idx.msk [tilespmem:v5+s18+$0x0], $0xffff;
	_ =	sdelay $0x3  }
0x3ed: {  	v4 =	vtrunc.f32 v4  }
0x3ee: {  	v5 =	vtrunc.f32 v5;
	v4 =	vcvt.f32.s32 v4  }
0x3ef: {  	v5 =	vcvt.f32.s32 v5  }
0x3f0: {  	v7 =	vld.idx.msk [tilespmem:v3+s18+$0x0], $0xffff;
	v6 =	vand.u32 $0x3FF, v4  }
0x3f1: {  	v5 =	vadd.s32 v5, v6  }
0x3f2: {  	v3 =	vld.idx.msk [tilespmem:v3+s17+$0x0], $0xffff;
	_ =	sdelay $0x1  }
0x3f3: {  	s0 =	sadd.s32 $0x20, s29  }
0x3f4: {  	v6 =	vmul.f32 $5.000000000e-01, v7;
	v7 =	vld [tilespmem:s0+$0xFFFFFFF0]  }
0x3f5: {  	v5 =	vld.idx.msk [tilespmem:v5+s12+$0x0], $0xffff  }
0x3f6: {  	v3 =	vadd.f32 v6, v3;
	_ =	sdelay $0x1  }
0x3f7: {  	v6 =	vadd.f32 $-1.000000000e+00, v3;
	_ =	sdelay $0x1  }
0x3f8: {  	v5 =	vmul.f32 v5, v6;
	v6 =	vmul.f32 v7, v3  }
0x3f9: {  	v8 =	vmul.f32 $1.609437940e+00, v3  }
0x3fa: {  	v6 =	vsub.f32 v5, v6  }
0x3fb: {  	v5 =	vsub.f32 v5, v8  }
0x3fc: {  	v6 =	vmul.f32 $1.442695020e+00, v6  }
0x3fd: {  	(erf) = vrcp.f32 v3;
	v3 =	vmul.f32 $1.442695020e+00, v5  }
0x3fe: {  	v5 =	vld.idx.msk [tilespmem:v2+s18+$0x0], $0xffff;
	(erf) = vpow2.f32 v6  }
0x3ff: {  	v2 =	vld.idx.msk [tilespmem:v2+s17+$0x0], $0xffff;
	(erf) = vpow2.f32 v3;
	_ =	sdelay $0x4  }
0x400: {  	v2 =	vmul.f32 v5, v2;
	_ =	sdelay $0x1  }
0x401: {  	v3 =	vpop (erf);
	v2 =	vand.u32 $0x7FFFFFFF, v2  }
0x402: {  	v5 =	vmov s30;
	v2 =	vmul.f32 $7.199800010e+00, v2;
	v6 =	vpop (erf)  }
0x403: {  	v4 =	vshra.s32 v4, $0xA;
	v5 =	vshll.u32 v5, $0x4;
	v8 =	vpop (erf)  }
0x404: {  	v5 =	vor.u32 v1, v5;
	v2 =	vmul.f32 v3, v2;
	v3 =	vsub.f32 v6, v8  }
0x405: {  	v6 =	vor.u32 $0x2, v5  }
0x406: {  	v2 =	vmul.f32 v3, v2;
	v3 =	vor.u32 $0x3, v5  }
0x407: {  	vm0 =	vle.f32 v7, $1.609437940e+00  }
0x408: {  	v2 =	vnsel vm0, $0x0, v2  }
0x409: {  	[tilespmem:v4+s26+$0x0] =	vst.idx.add.f32.msk $0xffff, v2  }
0x40a: {  	v2 =	vld.idx.msk [tilespmem:v6+s17+$0x0], $0xffff  }
0x40b: {  	v3 =	vld.idx.msk [tilespmem:v3+s18+$0x0], $0xffff;
	_ =	sdelay $0x1  }
0x40c: {  	v4 =	vor.u32 $0x1, v5;
	_ =	sdelay $0x1  }
0x40d: {  	v2 =	vtrunc.f32 v2  }
0x40e: {  	v2 =	vcvt.f32.s32 v2;
	v3 =	vtrunc.f32 v3  }
0x40f: {  	v3 =	vcvt.f32.s32 v3  }
0x410: {  	v7 =	vld.idx.msk [tilespmem:v4+s18+$0x0], $0xffff;
	v6 =	vand.u32 $0x3FF, v2  }
0x411: {  	v3 =	vadd.s32 v3, v6  }
0x412: {  	v4 =	vld.idx.msk [tilespmem:v4+s17+$0x0], $0xffff;
	_ =	sdelay $0x2  }
0x413: {  	v6 =	vmul.f32 $5.000000000e-01, v7;
	v7 =	vld [tilespmem:s0+$0x0]  }
0x414: {  	v3 =	vld.idx.msk [tilespmem:v3+s12+$0x0], $0xffff  }
0x415: {  	v4 =	vadd.f32 v6, v4;
	_ =	sdelay $0x1  }
0x416: {  	v6 =	vadd.f32 $-1.000000000e+00, v4;
	_ =	sdelay $0x1  }
0x417: {  	v3 =	vmul.f32 v3, v6;
	v6 =	vmul.f32 v7, v4  }
0x418: {  	v8 =	vmul.f32 $1.609437940e+00, v4  }
0x419: {  	v6 =	vsub.f32 v3, v6  }
0x41a: {  	v3 =	vsub.f32 v3, v8  }
0x41b: {  	v6 =	vmul.f32 $1.442695020e+00, v6  }
0x41c: {  	(erf) = vrcp.f32 v4;
	v3 =	vmul.f32 $1.442695020e+00, v3  }
0x41d: {  	v4 =	vld.idx.msk [tilespmem:v5+s18+$0x0], $0xffff;
	(erf) = vpow2.f32 v6  }
0x41e: {  	v5 =	vld.idx.msk [tilespmem:v5+s17+$0x0], $0xffff;
	(erf) = vpow2.f32 v3;
	_ =	sdelay $0x4  }
0x41f: {  	v3 =	vmul.f32 v4, v5;
	_ =	sdelay $0x1  }
0x420: {  	v4 =	vpop (erf);
	v3 =	vand.u32 $0x7FFFFFFF, v3  }
0x421: {  	v3 =	vmul.f32 $7.199800010e+00, v3;
	v5 =	vpop (erf)  }
0x422: {  	v6 =	vpop (erf)  }
0x423: {  	v2 =	vshra.s32 v2, $0xA;
	v3 =	vmul.f32 v4, v3;
	v4 =	vsub.f32 v5, v6;
	_ =	sdelay $0x1  }
0x424: {  	v3 =	vmul.f32 v4, v3  }
0x425: {  	s0 =	simm.s32 $0x280;
	vm0 =	vle.f32 v7, $1.609437940e+00  }
0x426: {  	v4 =	vmov s0;
	v3 =	vnsel vm0, $0x0, v3  }
0x427: {  	[tilespmem:v2+s26+$0x0] =	vst.idx.add.f32.msk $0xffff, v3;
	v2 =	vshll.u32 v4, $0x4  }
0x428: {  	_ =	swait.ge [sflag:s13], $0x800;
	v2 =	vor.u32 v1, v2  }
0x429: {  	[sflag:s13] =	ssyncset.done $0x0;
	v3 =	vor.u32 $0x2, v2  }
0x42a: {  	v4 =	vor.u32 $0x3, v2;
	[sflag:s13] =	ssyncadd.s32 $0xFFFFF800  }
0x42b: {  	_ =	swait.ge [sflag:s13], $0x800  }
0x42c: {  	[sflag:s13] =	ssyncset.done $0x0  }
0x42d: {  	[sflag:s13] =	ssyncadd.s32 $0xFFFFF800  }
0x42e: {  	v3 =	vld.idx.msk [tilespmem:v3+s17+$0x0], $0xffff  }
0x42f: {  	v4 =	vld.idx.msk [tilespmem:v4+s18+$0x0], $0xffff;
	_ =	sdelay $0x1  }
0x430: {  	v5 =	vor.u32 $0x1, v2;
	_ =	sdelay $0x1  }
0x431: {  	v3 =	vtrunc.f32 v3  }
0x432: {  	v4 =	vtrunc.f32 v4;
	v3 =	vcvt.f32.s32 v3  }
0x433: {  	v4 =	vcvt.f32.s32 v4  }
0x434: {  	v7 =	vld.idx.msk [tilespmem:v5+s18+$0x0], $0xffff;
	v6 =	vand.u32 $0x3FF, v3  }
0x435: {  	v4 =	vadd.s32 v4, v6  }
0x436: {  	v5 =	vld.idx.msk [tilespmem:v5+s17+$0x0], $0xffff;
	_ =	sdelay $0x1  }
0x437: {  	s29 =	simm.s32 $0xA90  }
0x438: {  	v6 =	vmul.f32 $5.000000000e-01, v7;
	v7 =	vld [tilespmem:s29+$0xFFFFFFF0]  }
0x439: {  	v4 =	vld.idx.msk [tilespmem:v4+s12+$0x0], $0xffff  }
0x43a: {  	v5 =	vadd.f32 v6, v5;
	_ =	sdelay $0x1  }
0x43b: {  	v6 =	vadd.f32 $-1.000000000e+00, v5;
	_ =	sdelay $0x1  }
0x43c: {  	v4 =	vmul.f32 v4, v6;
	v6 =	vmul.f32 v7, v5  }
0x43d: {  	v8 =	vmul.f32 $1.609437940e+00, v5  }
0x43e: {  	v6 =	vsub.f32 v4, v6  }
0x43f: {  	v4 =	vsub.f32 v4, v8  }
0x440: {  	v6 =	vmul.f32 $1.442695020e+00, v6  }
0x441: {  	(erf) = vrcp.f32 v5;
	v4 =	vmul.f32 $1.442695020e+00, v4  }
0x442: {  	v5 =	vld.idx.msk [tilespmem:v2+s18+$0x0], $0xffff;
	(erf) = vpow2.f32 v6  }
0x443: {  	v2 =	vld.idx.msk [tilespmem:v2+s17+$0x0], $0xffff;
	(erf) = vpow2.f32 v4;
	_ =	sdelay $0x4  }
0x444: {  	v2 =	vmul.f32 v5, v2;
	_ =	sdelay $0x1  }
0x445: {  	s0 =	simm.s32 $0x290;
	v2 =	vand.u32 $0x7FFFFFFF, v2;
	v4 =	vpop (erf)  }
0x446: {  	v5 =	vmov s0;
	v2 =	vmul.f32 $7.199800010e+00, v2;
	v6 =	vpop (erf)  }
0x447: {  	v3 =	vshra.s32 v3, $0xA;
	v5 =	vshll.u32 v5, $0x4;
	v8 =	vpop (erf)  }
0x448: {  	v5 =	vor.u32 v1, v5;
	v2 =	vmul.f32 v4, v2;
	v4 =	vsub.f32 v6, v8  }
0x449: {  	v6 =	vor.u32 $0x2, v5  }
0x44a: {  	v2 =	vmul.f32 v4, v2;
	v4 =	vor.u32 $0x3, v5  }
0x44b: {  	vm0 =	vle.f32 v7, $1.609437940e+00  }
0x44c: {  	v2 =	vnsel vm0, $0x0, v2  }
0x44d: {  	[tilespmem:v3+s26+$0x0] =	vst.idx.add.f32.msk $0xffff, v2  }
0x44e: {  	v2 =	vld.idx.msk [tilespmem:v6+s17+$0x0], $0xffff  }
0x44f: {  	v3 =	vld.idx.msk [tilespmem:v4+s18+$0x0], $0xffff;
	_ =	sdelay $0x1  }
0x450: {  	v4 =	vor.u32 $0x1, v5;
	_ =	sdelay $0x1  }
0x451: {  	v2 =	vtrunc.f32 v2  }
0x452: {  	v6 =	vcvt.f32.s32 v2;
	v2 =	vtrunc.f32 v3  }
0x453: {  	v2 =	vcvt.f32.s32 v2  }
0x454: {  	v7 =	vld.idx.msk [tilespmem:v4+s18+$0x0], $0xffff;
	v3 =	vand.u32 $0x3FF, v6  }
0x455: {  	v2 =	vadd.s32 v2, v3  }
0x456: {  	v3 =	vld.idx.msk [tilespmem:v4+s17+$0x0], $0xffff;
	_ =	sdelay $0x2  }
0x457: {  	v4 =	vmul.f32 $5.000000000e-01, v7;
	v7 =	vld [tilespmem:s29+$0x0]  }
0x458: {  	v2 =	vld.idx.msk [tilespmem:v2+s12+$0x0], $0xffff  }
0x459: {  	v3 =	vadd.f32 v4, v3;
	_ =	sdelay $0x1  }
0x45a: {  	v4 =	vadd.f32 $-1.000000000e+00, v3;
	_ =	sdelay $0x1  }
0x45b: {  	v2 =	vmul.f32 v2, v4;
	v4 =	vmul.f32 v7, v3  }
0x45c: {  	v8 =	vmul.f32 $1.609437940e+00, v3  }
0x45d: {  	v4 =	vsub.f32 v2, v4  }
0x45e: {  	v2 =	vsub.f32 v2, v8  }
0x45f: {  	v4 =	vmul.f32 $1.442695020e+00, v4  }
0x460: {  	(erf) = vrcp.f32 v3;
	v3 =	vld.idx.msk [tilespmem:v5+s18+$0x0], $0xffff;
	v2 =	vmul.f32 $1.442695020e+00, v2  }
0x461: {  	(erf) = vpow2.f32 v4;
	v4 =	vld.idx.msk [tilespmem:v5+s17+$0x0], $0xffff  }
0x462: {  	(erf) = vpow2.f32 v2;
	_ =	sdelay $0x3  }
0x463: {  	v2 =	vmul.f32 v3, v4;
	_ =	sdelay $0x1  }
0x464: {  	v2 =	vand.u32 $0x7FFFFFFF, v2  }
0x465: {  	s0 =	simm.s32 $0x2A0;
	v3 =	vpop (erf);
	v2 =	vmul.f32 $7.199800010e+00, v2  }
0x466: {  	v4 =	vmov s0;
	v5 =	vpop (erf)  }
0x467: {  	v4 =	vshll.u32 v4, $0x4;
	v8 =	vpop (erf);
	v9 =	vmul.f32 v3, v2  }
0x468: {  	v2 =	vor.u32 v1, v4;
	v4 =	vshra.s32 v6, $0xA;
	v8 =	vsub.f32 v5, v8  }
0x469: {  	vm0 =	vle.f32 v7, $1.609437940e+00;
	v6 =	vor.u32 $0x2, v2  }
0x46a: {  	s31 =	simm.s32 $0x2A;
	s30 =	simm.s32 $0x2B0;
	v3 =	vor.u32 $0x1, v2;
	v5 =	vor.u32 $0x3, v2;
	v7 =	vmul.f32 v8, v9  }
.LBB2_13:
0x46b: {  	s31 =	sadd.s32 $0x2, s31;
	s29 =	sadd.s32 $0x20, s29  }
0x46c: {  	p0 =	slt.u32 s31, $0x2E;
	v7 =	vnsel vm0, $0x0, v7  }
0x46d: {  	[tilespmem:v4+s26+$0x0] =	vst.idx.add.f32.msk $0xffff, v7  }
0x46e: {  	v4 =	vld.idx.msk [tilespmem:v6+s17+$0x0], $0xffff  }
0x46f: {  	v5 =	vld.idx.msk [tilespmem:v5+s18+$0x0], $0xffff;
	_ =	sdelay $0x4  }
0x470: {  	v4 =	vtrunc.f32 v4  }
0x471: {  	v4 =	vcvt.f32.s32 v4;
	v5 =	vtrunc.f32 v5  }
0x472: {  	v5 =	vcvt.f32.s32 v5  }
0x473: {  	v7 =	vand.u32 $0x3FF, v4;
	v6 =	vld.idx.msk [tilespmem:v3+s18+$0x0], $0xffff  }
0x474: {  	v5 =	vadd.s32 v5, v7  }
0x475: {  	v3 =	vld.idx.msk [tilespmem:v3+s17+$0x0], $0xffff;
	_ =	sdelay $0x3  }
0x476: {  	v6 =	vmul.f32 $5.000000000e-01, v6;
	v5 =	vld.idx.msk [tilespmem:v5+s12+$0x0], $0xffff  }
0x477: {  	v7 =	vld [tilespmem:s29+$0xFFFFFFF0]  }
0x478: {  	v3 =	vadd.f32 v6, v3;
	_ =	sdelay $0x1  }
0x479: {  	v6 =	vadd.f32 $-1.000000000e+00, v3;
	(erf) = vrcp.f32 v3  }
0x47a: {  	v8 =	vmul.f32 $1.609437940e+00, v3  }
0x47b: {  	v5 =	vmul.f32 v5, v6;
	v3 =	vmul.f32 v7, v3;
	_ =	sdelay $0x1  }
0x47c: {  	v3 =	vsub.f32 v5, v3;
	v5 =	vsub.f32 v5, v8;
	_ =	sdelay $0x1  }
0x47d: {  	v6 =	vld.idx.msk [tilespmem:v2+s18+$0x0], $0xffff;
	v8 =	vmul.f32 $1.442695020e+00, v3;
	v5 =	vmul.f32 $1.442695020e+00, v5  }
0x47e: {  	v2 =	vld.idx.msk [tilespmem:v2+s17+$0x0], $0xffff  }
0x47f: {  	(erf) = vpow2.f32 v8  }
0x480: {  	(erf) = vpow2.f32 v5;
	v3 =	vpop (erf);
	_ =	sdelay $0x3  }
0x481: {  	v2 =	vmul.f32 v6, v2;
	_ =	sdelay $0x1  }
0x482: {  	v2 =	vand.u32 $0x7FFFFFFF, v2  }
0x483: {  	v2 =	vmul.f32 $7.199800010e+00, v2  }
0x484: {  	v8 =	vmov s30;
	v6 =	vpop (erf)  }
0x485: {  	v4 =	vshra.s32 v4, $0xA;
	v2 =	vmul.f32 v3, v2;
	v3 =	vshll.u32 v8, $0x4;
	v5 =	vpop (erf)  }
0x486: {  	v3 =	vor.u32 v1, v3;
	v5 =	vsub.f32 v6, v5  }
0x487: {  	v6 =	vor.u32 $0x2, v3  }
0x488: {  	vm0 =	vle.f32 v7, $1.609437940e+00;
	v2 =	vmul.f32 v5, v2;
	v5 =	vor.u32 $0x3, v3;
	_ =	sdelay $0x1  }
0x489: {  	v2 =	vnsel vm0, $0x0, v2  }
0x48a: {  	[tilespmem:v4+s26+$0x0] =	vst.idx.add.f32.msk $0xffff, v2  }
0x48b: {  	v2 =	vld.idx.msk [tilespmem:v6+s17+$0x0], $0xffff  }
0x48c: {  	v4 =	vld.idx.msk [tilespmem:v5+s18+$0x0], $0xffff;
	_ =	sdelay $0x2  }
0x48d: {  	v5 =	vor.u32 $0x1, v3;
	_ =	sdelay $0x1  }
0x48e: {  	v2 =	vtrunc.f32 v2  }
0x48f: {  	v2 =	vcvt.f32.s32 v2;
	v4 =	vtrunc.f32 v4  }
0x490: {  	v4 =	vcvt.f32.s32 v4  }
0x491: {  	v7 =	vand.u32 $0x3FF, v2;
	v6 =	vld.idx.msk [tilespmem:v5+s18+$0x0], $0xffff  }
0x492: {  	v4 =	vadd.s32 v4, v7  }
0x493: {  	v5 =	vld.idx.msk [tilespmem:v5+s17+$0x0], $0xffff;
	_ =	sdelay $0x3  }
0x494: {  	v6 =	vmul.f32 $5.000000000e-01, v6;
	v4 =	vld.idx.msk [tilespmem:v4+s12+$0x0], $0xffff  }
0x495: {  	v7 =	vld [tilespmem:s29+$0x0]  }
0x496: {  	v5 =	vadd.f32 v6, v5;
	_ =	sdelay $0x1  }
0x497: {  	v6 =	vadd.f32 $-1.000000000e+00, v5;
	(erf) = vrcp.f32 v5  }
0x498: {  	v8 =	vmul.f32 $1.609437940e+00, v5  }
0x499: {  	v4 =	vmul.f32 v4, v6;
	v5 =	vmul.f32 v7, v5;
	_ =	sdelay $0x1  }
0x49a: {  	v5 =	vsub.f32 v4, v5;
	v4 =	vsub.f32 v4, v8  }
0x49b: {  	v6 =	vld.idx.msk [tilespmem:v3+s18+$0x0], $0xffff  }
0x49c: {  	v3 =	vld.idx.msk [tilespmem:v3+s17+$0x0], $0xffff;
	v8 =	vmul.f32 $1.442695020e+00, v5;
	v4 =	vmul.f32 $1.442695020e+00, v4;
	_ =	sdelay $0x1  }
0x49d: {  	(erf) = vpow2.f32 v8  }
0x49e: {  	(erf) = vpow2.f32 v4;
	v5 =	vpop (erf);
	_ =	sdelay $0x2  }
0x49f: {  	v3 =	vmul.f32 v6, v3;
	_ =	sdelay $0x1  }
0x4a0: {  	v3 =	vand.u32 $0x7FFFFFFF, v3  }
0x4a1: {  	s30 =	sadd.s32 $0x20, s30;
	v9 =	vmul.f32 $7.199800010e+00, v3  }
0x4a2: {  	s0 =	sadd.s32 $0xFFFFFFF0, s30  }
.Ltmp5:
0x4a3: {  	v4 =	vshra.s32 v2, $0xA;
	v6 =	vmov s0;
	v8 =	vmul.f32 v5, v9;
	v3 =	vpop (erf);
	(pc) =	sbr.rel @p0 .LBB2_13-.Ltmp5, $4  }
0x4a4: {  	v2 =	vshll.u32 v6, $0x4;
	v5 =	vpop (erf)  }
0x4a5: {  	vm0 =	vle.f32 v7, $1.609437940e+00;
	v2 =	vor.u32 v1, v2;
	v9 =	vsub.f32 v3, v5  }
0x4a6: {  	v6 =	vor.u32 $0x2, v2;
	v3 =	vor.u32 $0x1, v2;
	v5 =	vor.u32 $0x3, v2  }
0x4a7: {  	v7 =	vmul.f32 v9, v8  }
0x4a8: {  	_ =	sdelay $0x2  }
0x4a9: {  	v7 =	vnsel vm0, $0x0, v7  }
0x4aa: {  	[tilespmem:v4+s26+$0x0] =	vst.idx.add.f32.msk $0xffff, v7  }
0x4ab: {  	v4 =	vld.idx.msk [tilespmem:v6+s17+$0x0], $0xffff  }
0x4ac: {  	v5 =	vld.idx.msk [tilespmem:v5+s18+$0x0], $0xffff;
	_ =	sdelay $0x3  }
0x4ad: {  	v4 =	vtrunc.f32 v4  }
0x4ae: {  	v5 =	vtrunc.f32 v5;
	v4 =	vcvt.f32.s32 v4  }
0x4af: {  	v5 =	vcvt.f32.s32 v5  }
0x4b0: {  	v7 =	vld.idx.msk [tilespmem:v3+s18+$0x0], $0xffff;
	v6 =	vand.u32 $0x3FF, v4  }
0x4b1: {  	v5 =	vadd.s32 v5, v6  }
0x4b2: {  	v3 =	vld.idx.msk [tilespmem:v3+s17+$0x0], $0xffff;
	_ =	sdelay $0x1  }
0x4b3: {  	s0 =	sadd.s32 $0x20, s29  }
0x4b4: {  	v6 =	vmul.f32 $5.000000000e-01, v7;
	v7 =	vld [tilespmem:s0+$0xFFFFFFF0]  }
0x4b5: {  	v5 =	vld.idx.msk [tilespmem:v5+s12+$0x0], $0xffff  }
0x4b6: {  	v3 =	vadd.f32 v6, v3;
	_ =	sdelay $0x1  }
0x4b7: {  	v6 =	vadd.f32 $-1.000000000e+00, v3;
	_ =	sdelay $0x1  }
0x4b8: {  	v5 =	vmul.f32 v5, v6;
	v6 =	vmul.f32 v7, v3  }
0x4b9: {  	v8 =	vmul.f32 $1.609437940e+00, v3  }
0x4ba: {  	v6 =	vsub.f32 v5, v6  }
0x4bb: {  	v5 =	vsub.f32 v5, v8  }
0x4bc: {  	v6 =	vmul.f32 $1.442695020e+00, v6  }
0x4bd: {  	(erf) = vrcp.f32 v3;
	v3 =	vmul.f32 $1.442695020e+00, v5  }
0x4be: {  	v5 =	vld.idx.msk [tilespmem:v2+s18+$0x0], $0xffff;
	(erf) = vpow2.f32 v6  }
0x4bf: {  	v2 =	vld.idx.msk [tilespmem:v2+s17+$0x0], $0xffff;
	(erf) = vpow2.f32 v3;
	_ =	sdelay $0x4  }
0x4c0: {  	v2 =	vmul.f32 v5, v2;
	_ =	sdelay $0x1  }
0x4c1: {  	v3 =	vpop (erf);
	v2 =	vand.u32 $0x7FFFFFFF, v2  }
0x4c2: {  	v5 =	vmov s30;
	v2 =	vmul.f32 $7.199800010e+00, v2;
	v6 =	vpop (erf)  }
0x4c3: {  	v4 =	vshra.s32 v4, $0xA;
	v5 =	vshll.u32 v5, $0x4;
	v8 =	vpop (erf)  }
0x4c4: {  	v5 =	vor.u32 v1, v5;
	v2 =	vmul.f32 v3, v2;
	v3 =	vsub.f32 v6, v8  }
0x4c5: {  	v6 =	vor.u32 $0x2, v5  }
0x4c6: {  	v2 =	vmul.f32 v3, v2;
	v3 =	vor.u32 $0x3, v5  }
0x4c7: {  	vm0 =	vle.f32 v7, $1.609437940e+00  }
0x4c8: {  	v2 =	vnsel vm0, $0x0, v2  }
0x4c9: {  	[tilespmem:v4+s26+$0x0] =	vst.idx.add.f32.msk $0xffff, v2  }
0x4ca: {  	v2 =	vld.idx.msk [tilespmem:v6+s17+$0x0], $0xffff  }
0x4cb: {  	v3 =	vld.idx.msk [tilespmem:v3+s18+$0x0], $0xffff;
	_ =	sdelay $0x1  }
0x4cc: {  	v4 =	vor.u32 $0x1, v5;
	_ =	sdelay $0x1  }
0x4cd: {  	v2 =	vtrunc.f32 v2  }
0x4ce: {  	v2 =	vcvt.f32.s32 v2;
	v3 =	vtrunc.f32 v3  }
0x4cf: {  	v3 =	vcvt.f32.s32 v3  }
0x4d0: {  	v7 =	vld.idx.msk [tilespmem:v4+s18+$0x0], $0xffff;
	v6 =	vand.u32 $0x3FF, v2  }
0x4d1: {  	v3 =	vadd.s32 v3, v6  }
0x4d2: {  	v4 =	vld.idx.msk [tilespmem:v4+s17+$0x0], $0xffff;
	_ =	sdelay $0x2  }
0x4d3: {  	v6 =	vmul.f32 $5.000000000e-01, v7;
	v7 =	vld [tilespmem:s0+$0x0]  }
0x4d4: {  	v3 =	vld.idx.msk [tilespmem:v3+s12+$0x0], $0xffff  }
0x4d5: {  	v4 =	vadd.f32 v6, v4;
	_ =	sdelay $0x1  }
0x4d6: {  	v6 =	vadd.f32 $-1.000000000e+00, v4;
	_ =	sdelay $0x1  }
0x4d7: {  	v3 =	vmul.f32 v3, v6;
	v6 =	vmul.f32 v7, v4  }
0x4d8: {  	v8 =	vmul.f32 $1.609437940e+00, v4  }
0x4d9: {  	v6 =	vsub.f32 v3, v6  }
0x4da: {  	v3 =	vsub.f32 v3, v8  }
0x4db: {  	v6 =	vmul.f32 $1.442695020e+00, v6  }
0x4dc: {  	(erf) = vrcp.f32 v4;
	v3 =	vmul.f32 $1.442695020e+00, v3  }
0x4dd: {  	v4 =	vld.idx.msk [tilespmem:v5+s18+$0x0], $0xffff;
	(erf) = vpow2.f32 v6  }
0x4de: {  	v5 =	vld.idx.msk [tilespmem:v5+s17+$0x0], $0xffff;
	(erf) = vpow2.f32 v3;
	_ =	sdelay $0x4  }
0x4df: {  	v3 =	vmul.f32 v4, v5;
	_ =	sdelay $0x1  }
0x4e0: {  	v4 =	vpop (erf);
	v3 =	vand.u32 $0x7FFFFFFF, v3  }
0x4e1: {  	v3 =	vmul.f32 $7.199800010e+00, v3;
	v5 =	vpop (erf)  }
0x4e2: {  	v6 =	vpop (erf)  }
0x4e3: {  	v2 =	vshra.s32 v2, $0xA;
	v3 =	vmul.f32 v4, v3;
	v4 =	vsub.f32 v5, v6;
	_ =	sdelay $0x1  }
0x4e4: {  	v3 =	vmul.f32 v4, v3  }
0x4e5: {  	s0 =	simm.s32 $0x300;
	vm0 =	vle.f32 v7, $1.609437940e+00  }
0x4e6: {  	v4 =	vmov s0;
	v3 =	vnsel vm0, $0x0, v3  }
0x4e7: {  	[tilespmem:v2+s26+$0x0] =	vst.idx.add.f32.msk $0xffff, v3;
	v2 =	vshll.u32 v4, $0x4  }
0x4e8: {  	_ =	swait.ge [sflag:s13], $0x800;
	v2 =	vor.u32 v1, v2  }
0x4e9: {  	[sflag:s13] =	ssyncset.done $0x0;
	v3 =	vor.u32 $0x2, v2  }
0x4ea: {  	v4 =	vor.u32 $0x3, v2;
	[sflag:s13] =	ssyncadd.s32 $0xFFFFF800  }
0x4eb: {  	_ =	swait.ge [sflag:s13], $0x800  }
0x4ec: {  	[sflag:s13] =	ssyncset.done $0x0  }
0x4ed: {  	[sflag:s13] =	ssyncadd.s32 $0xFFFFF800  }
0x4ee: {  	v3 =	vld.idx.msk [tilespmem:v3+s17+$0x0], $0xffff  }
0x4ef: {  	v4 =	vld.idx.msk [tilespmem:v4+s18+$0x0], $0xffff;
	_ =	sdelay $0x1  }
0x4f0: {  	v5 =	vor.u32 $0x1, v2;
	_ =	sdelay $0x1  }
0x4f1: {  	v3 =	vtrunc.f32 v3  }
0x4f2: {  	v4 =	vtrunc.f32 v4;
	v3 =	vcvt.f32.s32 v3  }
0x4f3: {  	v4 =	vcvt.f32.s32 v4  }
0x4f4: {  	v7 =	vld.idx.msk [tilespmem:v5+s18+$0x0], $0xffff;
	v6 =	vand.u32 $0x3FF, v3  }
0x4f5: {  	v4 =	vadd.s32 v4, v6  }
0x4f6: {  	v5 =	vld.idx.msk [tilespmem:v5+s17+$0x0], $0xffff;
	_ =	sdelay $0x1  }
0x4f7: {  	s29 =	simm.s32 $0xB10  }
0x4f8: {  	v6 =	vmul.f32 $5.000000000e-01, v7;
	v7 =	vld [tilespmem:s29+$0xFFFFFFF0]  }
0x4f9: {  	v4 =	vld.idx.msk [tilespmem:v4+s12+$0x0], $0xffff  }
0x4fa: {  	v5 =	vadd.f32 v6, v5;
	_ =	sdelay $0x1  }
0x4fb: {  	v6 =	vadd.f32 $-1.000000000e+00, v5;
	_ =	sdelay $0x1  }
0x4fc: {  	v4 =	vmul.f32 v4, v6;
	v6 =	vmul.f32 v7, v5  }
0x4fd: {  	v8 =	vmul.f32 $1.609437940e+00, v5  }
0x4fe: {  	v6 =	vsub.f32 v4, v6  }
0x4ff: {  	v4 =	vsub.f32 v4, v8  }
0x500: {  	v6 =	vmul.f32 $1.442695020e+00, v6  }
0x501: {  	(erf) = vrcp.f32 v5;
	v4 =	vmul.f32 $1.442695020e+00, v4  }
0x502: {  	v5 =	vld.idx.msk [tilespmem:v2+s18+$0x0], $0xffff;
	(erf) = vpow2.f32 v6  }
0x503: {  	v2 =	vld.idx.msk [tilespmem:v2+s17+$0x0], $0xffff;
	(erf) = vpow2.f32 v4;
	_ =	sdelay $0x4  }
0x504: {  	v2 =	vmul.f32 v5, v2;
	_ =	sdelay $0x1  }
0x505: {  	s0 =	simm.s32 $0x310;
	v2 =	vand.u32 $0x7FFFFFFF, v2;
	v4 =	vpop (erf)  }
0x506: {  	v5 =	vmov s0;
	v2 =	vmul.f32 $7.199800010e+00, v2;
	v6 =	vpop (erf)  }
0x507: {  	v3 =	vshra.s32 v3, $0xA;
	v5 =	vshll.u32 v5, $0x4;
	v8 =	vpop (erf)  }
0x508: {  	v5 =	vor.u32 v1, v5;
	v2 =	vmul.f32 v4, v2;
	v4 =	vsub.f32 v6, v8  }
0x509: {  	v6 =	vor.u32 $0x2, v5  }
0x50a: {  	v2 =	vmul.f32 v4, v2;
	v4 =	vor.u32 $0x3, v5  }
0x50b: {  	vm0 =	vle.f32 v7, $1.609437940e+00  }
0x50c: {  	v2 =	vnsel vm0, $0x0, v2  }
0x50d: {  	[tilespmem:v3+s26+$0x0] =	vst.idx.add.f32.msk $0xffff, v2  }
0x50e: {  	v2 =	vld.idx.msk [tilespmem:v6+s17+$0x0], $0xffff  }
0x50f: {  	v3 =	vld.idx.msk [tilespmem:v4+s18+$0x0], $0xffff;
	_ =	sdelay $0x1  }
0x510: {  	v4 =	vor.u32 $0x1, v5;
	_ =	sdelay $0x1  }
0x511: {  	v2 =	vtrunc.f32 v2  }
0x512: {  	v6 =	vcvt.f32.s32 v2;
	v2 =	vtrunc.f32 v3  }
0x513: {  	v2 =	vcvt.f32.s32 v2  }
0x514: {  	v7 =	vld.idx.msk [tilespmem:v4+s18+$0x0], $0xffff;
	v3 =	vand.u32 $0x3FF, v6  }
0x515: {  	v2 =	vadd.s32 v2, v3  }
0x516: {  	v3 =	vld.idx.msk [tilespmem:v4+s17+$0x0], $0xffff;
	_ =	sdelay $0x2  }
0x517: {  	v4 =	vmul.f32 $5.000000000e-01, v7;
	v7 =	vld [tilespmem:s29+$0x0]  }
0x518: {  	v2 =	vld.idx.msk [tilespmem:v2+s12+$0x0], $0xffff  }
0x519: {  	v3 =	vadd.f32 v4, v3;
	_ =	sdelay $0x1  }
0x51a: {  	v4 =	vadd.f32 $-1.000000000e+00, v3;
	_ =	sdelay $0x1  }
0x51b: {  	v2 =	vmul.f32 v2, v4;
	v4 =	vmul.f32 v7, v3  }
0x51c: {  	v8 =	vmul.f32 $1.609437940e+00, v3  }
0x51d: {  	v4 =	vsub.f32 v2, v4  }
0x51e: {  	v2 =	vsub.f32 v2, v8  }
0x51f: {  	v4 =	vmul.f32 $1.442695020e+00, v4  }
0x520: {  	(erf) = vrcp.f32 v3;
	v3 =	vld.idx.msk [tilespmem:v5+s18+$0x0], $0xffff;
	v2 =	vmul.f32 $1.442695020e+00, v2  }
0x521: {  	(erf) = vpow2.f32 v4;
	v4 =	vld.idx.msk [tilespmem:v5+s17+$0x0], $0xffff  }
0x522: {  	(erf) = vpow2.f32 v2;
	_ =	sdelay $0x3  }
0x523: {  	v2 =	vmul.f32 v3, v4;
	_ =	sdelay $0x1  }
0x524: {  	v2 =	vand.u32 $0x7FFFFFFF, v2  }
0x525: {  	s0 =	simm.s32 $0x320;
	v3 =	vpop (erf);
	v2 =	vmul.f32 $7.199800010e+00, v2  }
0x526: {  	v4 =	vmov s0;
	v5 =	vpop (erf)  }
0x527: {  	v4 =	vshll.u32 v4, $0x4;
	v8 =	vpop (erf);
	v9 =	vmul.f32 v3, v2  }
0x528: {  	v2 =	vor.u32 v1, v4;
	v4 =	vshra.s32 v6, $0xA;
	v8 =	vsub.f32 v5, v8  }
0x529: {  	vm0 =	vle.f32 v7, $1.609437940e+00;
	v6 =	vor.u32 $0x2, v2  }
0x52a: {  	s31 =	simm.s32 $0x32;
	s30 =	simm.s32 $0x330;
	v3 =	vor.u32 $0x1, v2;
	v5 =	vor.u32 $0x3, v2;
	v7 =	vmul.f32 v8, v9  }
.LBB2_15:
0x52b: {  	s31 =	sadd.s32 $0x2, s31;
	s29 =	sadd.s32 $0x20, s29  }
0x52c: {  	p0 =	slt.u32 s31, $0x36;
	v7 =	vnsel vm0, $0x0, v7  }
0x52d: {  	[tilespmem:v4+s26+$0x0] =	vst.idx.add.f32.msk $0xffff, v7  }
0x52e: {  	v4 =	vld.idx.msk [tilespmem:v6+s17+$0x0], $0xffff  }
0x52f: {  	v5 =	vld.idx.msk [tilespmem:v5+s18+$0x0], $0xffff;
	_ =	sdelay $0x4  }
0x530: {  	v4 =	vtrunc.f32 v4  }
0x531: {  	v4 =	vcvt.f32.s32 v4;
	v5 =	vtrunc.f32 v5  }
0x532: {  	v5 =	vcvt.f32.s32 v5  }
0x533: {  	v7 =	vand.u32 $0x3FF, v4;
	v6 =	vld.idx.msk [tilespmem:v3+s18+$0x0], $0xffff  }
0x534: {  	v5 =	vadd.s32 v5, v7  }
0x535: {  	v3 =	vld.idx.msk [tilespmem:v3+s17+$0x0], $0xffff;
	_ =	sdelay $0x3  }
0x536: {  	v6 =	vmul.f32 $5.000000000e-01, v6;
	v5 =	vld.idx.msk [tilespmem:v5+s12+$0x0], $0xffff  }
0x537: {  	v7 =	vld [tilespmem:s29+$0xFFFFFFF0]  }
0x538: {  	v3 =	vadd.f32 v6, v3;
	_ =	sdelay $0x1  }
0x539: {  	v6 =	vadd.f32 $-1.000000000e+00, v3;
	(erf) = vrcp.f32 v3  }
0x53a: {  	v8 =	vmul.f32 $1.609437940e+00, v3  }
0x53b: {  	v5 =	vmul.f32 v5, v6;
	v3 =	vmul.f32 v7, v3;
	_ =	sdelay $0x1  }
0x53c: {  	v3 =	vsub.f32 v5, v3;
	v5 =	vsub.f32 v5, v8;
	_ =	sdelay $0x1  }
0x53d: {  	v6 =	vld.idx.msk [tilespmem:v2+s18+$0x0], $0xffff;
	v8 =	vmul.f32 $1.442695020e+00, v3;
	v5 =	vmul.f32 $1.442695020e+00, v5  }
0x53e: {  	v2 =	vld.idx.msk [tilespmem:v2+s17+$0x0], $0xffff  }
0x53f: {  	(erf) = vpow2.f32 v8  }
0x540: {  	(erf) = vpow2.f32 v5;
	v3 =	vpop (erf);
	_ =	sdelay $0x3  }
0x541: {  	v2 =	vmul.f32 v6, v2;
	_ =	sdelay $0x1  }
0x542: {  	v2 =	vand.u32 $0x7FFFFFFF, v2  }
0x543: {  	v2 =	vmul.f32 $7.199800010e+00, v2  }
0x544: {  	v8 =	vmov s30;
	v6 =	vpop (erf)  }
0x545: {  	v4 =	vshra.s32 v4, $0xA;
	v2 =	vmul.f32 v3, v2;
	v3 =	vshll.u32 v8, $0x4;
	v5 =	vpop (erf)  }
0x546: {  	v3 =	vor.u32 v1, v3;
	v5 =	vsub.f32 v6, v5  }
0x547: {  	v6 =	vor.u32 $0x2, v3  }
0x548: {  	vm0 =	vle.f32 v7, $1.609437940e+00;
	v2 =	vmul.f32 v5, v2;
	v5 =	vor.u32 $0x3, v3;
	_ =	sdelay $0x1  }
0x549: {  	v2 =	vnsel vm0, $0x0, v2  }
0x54a: {  	[tilespmem:v4+s26+$0x0] =	vst.idx.add.f32.msk $0xffff, v2  }
0x54b: {  	v2 =	vld.idx.msk [tilespmem:v6+s17+$0x0], $0xffff  }
0x54c: {  	v4 =	vld.idx.msk [tilespmem:v5+s18+$0x0], $0xffff;
	_ =	sdelay $0x2  }
0x54d: {  	v5 =	vor.u32 $0x1, v3;
	_ =	sdelay $0x1  }
0x54e: {  	v2 =	vtrunc.f32 v2  }
0x54f: {  	v2 =	vcvt.f32.s32 v2;
	v4 =	vtrunc.f32 v4  }
0x550: {  	v4 =	vcvt.f32.s32 v4  }
0x551: {  	v7 =	vand.u32 $0x3FF, v2;
	v6 =	vld.idx.msk [tilespmem:v5+s18+$0x0], $0xffff  }
0x552: {  	v4 =	vadd.s32 v4, v7  }
0x553: {  	v5 =	vld.idx.msk [tilespmem:v5+s17+$0x0], $0xffff;
	_ =	sdelay $0x3  }
0x554: {  	v6 =	vmul.f32 $5.000000000e-01, v6;
	v4 =	vld.idx.msk [tilespmem:v4+s12+$0x0], $0xffff  }
0x555: {  	v7 =	vld [tilespmem:s29+$0x0]  }
0x556: {  	v5 =	vadd.f32 v6, v5;
	_ =	sdelay $0x1  }
0x557: {  	v6 =	vadd.f32 $-1.000000000e+00, v5;
	(erf) = vrcp.f32 v5  }
0x558: {  	v8 =	vmul.f32 $1.609437940e+00, v5  }
0x559: {  	v4 =	vmul.f32 v4, v6;
	v5 =	vmul.f32 v7, v5;
	_ =	sdelay $0x1  }
0x55a: {  	v5 =	vsub.f32 v4, v5;
	v4 =	vsub.f32 v4, v8  }
0x55b: {  	v6 =	vld.idx.msk [tilespmem:v3+s18+$0x0], $0xffff  }
0x55c: {  	v3 =	vld.idx.msk [tilespmem:v3+s17+$0x0], $0xffff;
	v8 =	vmul.f32 $1.442695020e+00, v5;
	v4 =	vmul.f32 $1.442695020e+00, v4;
	_ =	sdelay $0x1  }
0x55d: {  	(erf) = vpow2.f32 v8  }
0x55e: {  	(erf) = vpow2.f32 v4;
	v5 =	vpop (erf);
	_ =	sdelay $0x2  }
0x55f: {  	v3 =	vmul.f32 v6, v3;
	_ =	sdelay $0x1  }
0x560: {  	v3 =	vand.u32 $0x7FFFFFFF, v3  }
0x561: {  	s30 =	sadd.s32 $0x20, s30;
	v9 =	vmul.f32 $7.199800010e+00, v3  }
0x562: {  	s0 =	sadd.s32 $0xFFFFFFF0, s30  }
.Ltmp6:
0x563: {  	v4 =	vshra.s32 v2, $0xA;
	v6 =	vmov s0;
	v8 =	vmul.f32 v5, v9;
	v3 =	vpop (erf);
	(pc) =	sbr.rel @p0 .LBB2_15-.Ltmp6, $4  }
0x564: {  	v2 =	vshll.u32 v6, $0x4;
	v5 =	vpop (erf)  }
0x565: {  	vm0 =	vle.f32 v7, $1.609437940e+00;
	v2 =	vor.u32 v1, v2;
	v9 =	vsub.f32 v3, v5  }
0x566: {  	v6 =	vor.u32 $0x2, v2;
	v3 =	vor.u32 $0x1, v2;
	v5 =	vor.u32 $0x3, v2  }
0x567: {  	v7 =	vmul.f32 v9, v8  }
0x568: {  	_ =	sdelay $0x2  }
0x569: {  	v7 =	vnsel vm0, $0x0, v7  }
0x56a: {  	[tilespmem:v4+s26+$0x0] =	vst.idx.add.f32.msk $0xffff, v7  }
0x56b: {  	v4 =	vld.idx.msk [tilespmem:v6+s17+$0x0], $0xffff  }
0x56c: {  	v5 =	vld.idx.msk [tilespmem:v5+s18+$0x0], $0xffff;
	_ =	sdelay $0x3  }
0x56d: {  	v4 =	vtrunc.f32 v4  }
0x56e: {  	v5 =	vtrunc.f32 v5;
	v4 =	vcvt.f32.s32 v4  }
0x56f: {  	v5 =	vcvt.f32.s32 v5  }
0x570: {  	v7 =	vld.idx.msk [tilespmem:v3+s18+$0x0], $0xffff;
	v6 =	vand.u32 $0x3FF, v4  }
0x571: {  	v5 =	vadd.s32 v5, v6  }
0x572: {  	v3 =	vld.idx.msk [tilespmem:v3+s17+$0x0], $0xffff;
	_ =	sdelay $0x1  }
0x573: {  	s0 =	sadd.s32 $0x20, s29  }
0x574: {  	v6 =	vmul.f32 $5.000000000e-01, v7;
	v7 =	vld [tilespmem:s0+$0xFFFFFFF0]  }
0x575: {  	v5 =	vld.idx.msk [tilespmem:v5+s12+$0x0], $0xffff  }
0x576: {  	v3 =	vadd.f32 v6, v3;
	_ =	sdelay $0x1  }
0x577: {  	v6 =	vadd.f32 $-1.000000000e+00, v3;
	_ =	sdelay $0x1  }
0x578: {  	v5 =	vmul.f32 v5, v6;
	v6 =	vmul.f32 v7, v3  }
0x579: {  	v8 =	vmul.f32 $1.609437940e+00, v3  }
0x57a: {  	v6 =	vsub.f32 v5, v6  }
0x57b: {  	v5 =	vsub.f32 v5, v8  }
0x57c: {  	v6 =	vmul.f32 $1.442695020e+00, v6  }
0x57d: {  	(erf) = vrcp.f32 v3;
	v3 =	vmul.f32 $1.442695020e+00, v5  }
0x57e: {  	v5 =	vld.idx.msk [tilespmem:v2+s18+$0x0], $0xffff;
	(erf) = vpow2.f32 v6  }
0x57f: {  	v2 =	vld.idx.msk [tilespmem:v2+s17+$0x0], $0xffff;
	(erf) = vpow2.f32 v3;
	_ =	sdelay $0x4  }
0x580: {  	v2 =	vmul.f32 v5, v2;
	_ =	sdelay $0x1  }
0x581: {  	v3 =	vpop (erf);
	v2 =	vand.u32 $0x7FFFFFFF, v2  }
0x582: {  	v5 =	vmov s30;
	v2 =	vmul.f32 $7.199800010e+00, v2;
	v6 =	vpop (erf)  }
0x583: {  	v4 =	vshra.s32 v4, $0xA;
	v5 =	vshll.u32 v5, $0x4;
	v8 =	vpop (erf)  }
0x584: {  	v5 =	vor.u32 v1, v5;
	v2 =	vmul.f32 v3, v2;
	v3 =	vsub.f32 v6, v8  }
0x585: {  	v6 =	vor.u32 $0x2, v5  }
0x586: {  	v2 =	vmul.f32 v3, v2;
	v3 =	vor.u32 $0x3, v5  }
0x587: {  	vm0 =	vle.f32 v7, $1.609437940e+00  }
0x588: {  	v2 =	vnsel vm0, $0x0, v2  }
0x589: {  	[tilespmem:v4+s26+$0x0] =	vst.idx.add.f32.msk $0xffff, v2  }
0x58a: {  	v2 =	vld.idx.msk [tilespmem:v6+s17+$0x0], $0xffff  }
0x58b: {  	v3 =	vld.idx.msk [tilespmem:v3+s18+$0x0], $0xffff;
	_ =	sdelay $0x1  }
0x58c: {  	v4 =	vor.u32 $0x1, v5;
	_ =	sdelay $0x1  }
0x58d: {  	v2 =	vtrunc.f32 v2  }
0x58e: {  	v2 =	vcvt.f32.s32 v2;
	v3 =	vtrunc.f32 v3  }
0x58f: {  	v3 =	vcvt.f32.s32 v3  }
0x590: {  	v7 =	vld.idx.msk [tilespmem:v4+s18+$0x0], $0xffff;
	v6 =	vand.u32 $0x3FF, v2  }
0x591: {  	v3 =	vadd.s32 v3, v6  }
0x592: {  	v4 =	vld.idx.msk [tilespmem:v4+s17+$0x0], $0xffff;
	_ =	sdelay $0x2  }
0x593: {  	v6 =	vmul.f32 $5.000000000e-01, v7;
	v7 =	vld [tilespmem:s0+$0x0]  }
0x594: {  	v3 =	vld.idx.msk [tilespmem:v3+s12+$0x0], $0xffff  }
0x595: {  	v4 =	vadd.f32 v6, v4;
	_ =	sdelay $0x1  }
0x596: {  	v6 =	vadd.f32 $-1.000000000e+00, v4;
	_ =	sdelay $0x1  }
0x597: {  	v3 =	vmul.f32 v3, v6;
	v6 =	vmul.f32 v7, v4  }
0x598: {  	v8 =	vmul.f32 $1.609437940e+00, v4  }
0x599: {  	v6 =	vsub.f32 v3, v6  }
0x59a: {  	v3 =	vsub.f32 v3, v8  }
0x59b: {  	v6 =	vmul.f32 $1.442695020e+00, v6  }
0x59c: {  	(erf) = vrcp.f32 v4;
	v3 =	vmul.f32 $1.442695020e+00, v3  }
0x59d: {  	v4 =	vld.idx.msk [tilespmem:v5+s18+$0x0], $0xffff;
	(erf) = vpow2.f32 v6  }
0x59e: {  	v5 =	vld.idx.msk [tilespmem:v5+s17+$0x0], $0xffff;
	(erf) = vpow2.f32 v3;
	_ =	sdelay $0x4  }
0x59f: {  	v3 =	vmul.f32 v4, v5;
	_ =	sdelay $0x1  }
0x5a0: {  	v4 =	vpop (erf);
	v3 =	vand.u32 $0x7FFFFFFF, v3  }
0x5a1: {  	v3 =	vmul.f32 $7.199800010e+00, v3;
	v5 =	vpop (erf)  }
0x5a2: {  	v6 =	vpop (erf)  }
0x5a3: {  	v2 =	vshra.s32 v2, $0xA;
	v3 =	vmul.f32 v4, v3;
	v4 =	vsub.f32 v5, v6;
	_ =	sdelay $0x1  }
0x5a4: {  	v3 =	vmul.f32 v4, v3  }
0x5a5: {  	s0 =	simm.s32 $0x380;
	vm0 =	vle.f32 v7, $1.609437940e+00  }
0x5a6: {  	v4 =	vmov s0;
	v3 =	vnsel vm0, $0x0, v3  }
0x5a7: {  	[tilespmem:v2+s26+$0x0] =	vst.idx.add.f32.msk $0xffff, v3;
	v2 =	vshll.u32 v4, $0x4  }
0x5a8: {  	_ =	swait.ge [sflag:s13], $0x800;
	v2 =	vor.u32 v1, v2  }
0x5a9: {  	[sflag:s13] =	ssyncset.done $0x0;
	v3 =	vor.u32 $0x2, v2  }
0x5aa: {  	v4 =	vor.u32 $0x3, v2;
	[sflag:s13] =	ssyncadd.s32 $0xFFFFF800  }
0x5ab: {  	_ =	swait.ge [sflag:s13], $0x800  }
0x5ac: {  	[sflag:s13] =	ssyncset.done $0x0  }
0x5ad: {  	[sflag:s13] =	ssyncadd.s32 $0xFFFFF800  }
0x5ae: {  	v3 =	vld.idx.msk [tilespmem:v3+s17+$0x0], $0xffff  }
0x5af: {  	v4 =	vld.idx.msk [tilespmem:v4+s18+$0x0], $0xffff;
	_ =	sdelay $0x1  }
0x5b0: {  	v5 =	vor.u32 $0x1, v2;
	_ =	sdelay $0x1  }
0x5b1: {  	v3 =	vtrunc.f32 v3  }
0x5b2: {  	v4 =	vtrunc.f32 v4;
	v3 =	vcvt.f32.s32 v3  }
0x5b3: {  	v4 =	vcvt.f32.s32 v4  }
0x5b4: {  	v7 =	vld.idx.msk [tilespmem:v5+s18+$0x0], $0xffff;
	v6 =	vand.u32 $0x3FF, v3  }
0x5b5: {  	v4 =	vadd.s32 v4, v6  }
0x5b6: {  	v5 =	vld.idx.msk [tilespmem:v5+s17+$0x0], $0xffff;
	_ =	sdelay $0x1  }
0x5b7: {  	s29 =	simm.s32 $0xB90  }
0x5b8: {  	v6 =	vmul.f32 $5.000000000e-01, v7;
	v7 =	vld [tilespmem:s29+$0xFFFFFFF0]  }
0x5b9: {  	v4 =	vld.idx.msk [tilespmem:v4+s12+$0x0], $0xffff  }
0x5ba: {  	v5 =	vadd.f32 v6, v5;
	_ =	sdelay $0x1  }
0x5bb: {  	v6 =	vadd.f32 $-1.000000000e+00, v5;
	_ =	sdelay $0x1  }
0x5bc: {  	v4 =	vmul.f32 v4, v6;
	v6 =	vmul.f32 v7, v5  }
0x5bd: {  	v8 =	vmul.f32 $1.609437940e+00, v5  }
0x5be: {  	v6 =	vsub.f32 v4, v6  }
0x5bf: {  	v4 =	vsub.f32 v4, v8  }
0x5c0: {  	v6 =	vmul.f32 $1.442695020e+00, v6  }
0x5c1: {  	(erf) = vrcp.f32 v5;
	v4 =	vmul.f32 $1.442695020e+00, v4  }
0x5c2: {  	v5 =	vld.idx.msk [tilespmem:v2+s18+$0x0], $0xffff;
	(erf) = vpow2.f32 v6  }
0x5c3: {  	v2 =	vld.idx.msk [tilespmem:v2+s17+$0x0], $0xffff;
	(erf) = vpow2.f32 v4;
	_ =	sdelay $0x4  }
0x5c4: {  	v2 =	vmul.f32 v5, v2;
	_ =	sdelay $0x1  }
0x5c5: {  	s0 =	simm.s32 $0x390;
	v2 =	vand.u32 $0x7FFFFFFF, v2;
	v4 =	vpop (erf)  }
0x5c6: {  	v5 =	vmov s0;
	v2 =	vmul.f32 $7.199800010e+00, v2;
	v6 =	vpop (erf)  }
0x5c7: {  	v3 =	vshra.s32 v3, $0xA;
	v5 =	vshll.u32 v5, $0x4;
	v8 =	vpop (erf)  }
0x5c8: {  	v5 =	vor.u32 v1, v5;
	v2 =	vmul.f32 v4, v2;
	v4 =	vsub.f32 v6, v8  }
0x5c9: {  	v6 =	vor.u32 $0x2, v5  }
0x5ca: {  	v2 =	vmul.f32 v4, v2;
	v4 =	vor.u32 $0x3, v5  }
0x5cb: {  	vm0 =	vle.f32 v7, $1.609437940e+00  }
0x5cc: {  	v2 =	vnsel vm0, $0x0, v2  }
0x5cd: {  	[tilespmem:v3+s26+$0x0] =	vst.idx.add.f32.msk $0xffff, v2  }
0x5ce: {  	v2 =	vld.idx.msk [tilespmem:v6+s17+$0x0], $0xffff  }
0x5cf: {  	v3 =	vld.idx.msk [tilespmem:v4+s18+$0x0], $0xffff;
	_ =	sdelay $0x1  }
0x5d0: {  	v4 =	vor.u32 $0x1, v5;
	_ =	sdelay $0x1  }
0x5d1: {  	v2 =	vtrunc.f32 v2  }
0x5d2: {  	v6 =	vcvt.f32.s32 v2;
	v2 =	vtrunc.f32 v3  }
0x5d3: {  	v2 =	vcvt.f32.s32 v2  }
0x5d4: {  	v7 =	vld.idx.msk [tilespmem:v4+s18+$0x0], $0xffff;
	v3 =	vand.u32 $0x3FF, v6  }
0x5d5: {  	v2 =	vadd.s32 v2, v3  }
0x5d6: {  	v3 =	vld.idx.msk [tilespmem:v4+s17+$0x0], $0xffff;
	_ =	sdelay $0x2  }
0x5d7: {  	v4 =	vmul.f32 $5.000000000e-01, v7;
	v7 =	vld [tilespmem:s29+$0x0]  }
0x5d8: {  	v2 =	vld.idx.msk [tilespmem:v2+s12+$0x0], $0xffff  }
0x5d9: {  	v3 =	vadd.f32 v4, v3;
	_ =	sdelay $0x1  }
0x5da: {  	v4 =	vadd.f32 $-1.000000000e+00, v3;
	_ =	sdelay $0x1  }
0x5db: {  	v2 =	vmul.f32 v2, v4;
	v4 =	vmul.f32 v7, v3  }
0x5dc: {  	v8 =	vmul.f32 $1.609437940e+00, v3  }
0x5dd: {  	v4 =	vsub.f32 v2, v4  }
0x5de: {  	v2 =	vsub.f32 v2, v8  }
0x5df: {  	v4 =	vmul.f32 $1.442695020e+00, v4  }
0x5e0: {  	(erf) = vrcp.f32 v3;
	v3 =	vld.idx.msk [tilespmem:v5+s18+$0x0], $0xffff;
	v2 =	vmul.f32 $1.442695020e+00, v2  }
0x5e1: {  	(erf) = vpow2.f32 v4;
	v4 =	vld.idx.msk [tilespmem:v5+s17+$0x0], $0xffff  }
0x5e2: {  	(erf) = vpow2.f32 v2;
	_ =	sdelay $0x3  }
0x5e3: {  	v2 =	vmul.f32 v3, v4;
	_ =	sdelay $0x1  }
0x5e4: {  	v2 =	vand.u32 $0x7FFFFFFF, v2  }
0x5e5: {  	s0 =	simm.s32 $0x3A0;
	v3 =	vpop (erf);
	v2 =	vmul.f32 $7.199800010e+00, v2  }
0x5e6: {  	v4 =	vmov s0;
	v5 =	vpop (erf)  }
0x5e7: {  	v4 =	vshll.u32 v4, $0x4;
	v8 =	vpop (erf);
	v9 =	vmul.f32 v3, v2  }
0x5e8: {  	v2 =	vor.u32 v1, v4;
	v4 =	vshra.s32 v6, $0xA;
	v8 =	vsub.f32 v5, v8  }
0x5e9: {  	vm0 =	vle.f32 v7, $1.609437940e+00;
	v6 =	vor.u32 $0x2, v2  }
0x5ea: {  	s31 =	simm.s32 $0x3A;
	s30 =	simm.s32 $0x3B0;
	v3 =	vor.u32 $0x1, v2;
	v5 =	vor.u32 $0x3, v2;
	v7 =	vmul.f32 v8, v9  }
.LBB2_17:
0x5eb: {  	s31 =	sadd.s32 $0x2, s31;
	s29 =	sadd.s32 $0x20, s29  }
0x5ec: {  	p0 =	slt.u32 s31, $0x3E;
	v7 =	vnsel vm0, $0x0, v7  }
0x5ed: {  	[tilespmem:v4+s26+$0x0] =	vst.idx.add.f32.msk $0xffff, v7  }
0x5ee: {  	v4 =	vld.idx.msk [tilespmem:v6+s17+$0x0], $0xffff  }
0x5ef: {  	v5 =	vld.idx.msk [tilespmem:v5+s18+$0x0], $0xffff;
	_ =	sdelay $0x4  }
0x5f0: {  	v4 =	vtrunc.f32 v4  }
0x5f1: {  	v4 =	vcvt.f32.s32 v4;
	v5 =	vtrunc.f32 v5  }
0x5f2: {  	v5 =	vcvt.f32.s32 v5  }
0x5f3: {  	v7 =	vand.u32 $0x3FF, v4;
	v6 =	vld.idx.msk [tilespmem:v3+s18+$0x0], $0xffff  }
0x5f4: {  	v5 =	vadd.s32 v5, v7  }
0x5f5: {  	v3 =	vld.idx.msk [tilespmem:v3+s17+$0x0], $0xffff;
	_ =	sdelay $0x3  }
0x5f6: {  	v6 =	vmul.f32 $5.000000000e-01, v6;
	v5 =	vld.idx.msk [tilespmem:v5+s12+$0x0], $0xffff  }
0x5f7: {  	v7 =	vld [tilespmem:s29+$0xFFFFFFF0]  }
0x5f8: {  	v3 =	vadd.f32 v6, v3;
	_ =	sdelay $0x1  }
0x5f9: {  	v6 =	vadd.f32 $-1.000000000e+00, v3;
	(erf) = vrcp.f32 v3  }
0x5fa: {  	v8 =	vmul.f32 $1.609437940e+00, v3  }
0x5fb: {  	v5 =	vmul.f32 v5, v6;
	v3 =	vmul.f32 v7, v3;
	_ =	sdelay $0x1  }
0x5fc: {  	v3 =	vsub.f32 v5, v3;
	v5 =	vsub.f32 v5, v8;
	_ =	sdelay $0x1  }
0x5fd: {  	v6 =	vld.idx.msk [tilespmem:v2+s18+$0x0], $0xffff;
	v8 =	vmul.f32 $1.442695020e+00, v3;
	v5 =	vmul.f32 $1.442695020e+00, v5  }
0x5fe: {  	v2 =	vld.idx.msk [tilespmem:v2+s17+$0x0], $0xffff  }
0x5ff: {  	(erf) = vpow2.f32 v8  }
0x600: {  	(erf) = vpow2.f32 v5;
	v3 =	vpop (erf);
	_ =	sdelay $0x3  }
0x601: {  	v2 =	vmul.f32 v6, v2;
	_ =	sdelay $0x1  }
0x602: {  	v2 =	vand.u32 $0x7FFFFFFF, v2  }
0x603: {  	v2 =	vmul.f32 $7.199800010e+00, v2  }
0x604: {  	v8 =	vmov s30;
	v6 =	vpop (erf)  }
0x605: {  	v4 =	vshra.s32 v4, $0xA;
	v2 =	vmul.f32 v3, v2;
	v3 =	vshll.u32 v8, $0x4;
	v5 =	vpop (erf)  }
0x606: {  	v3 =	vor.u32 v1, v3;
	v5 =	vsub.f32 v6, v5  }
0x607: {  	v6 =	vor.u32 $0x2, v3  }
0x608: {  	vm0 =	vle.f32 v7, $1.609437940e+00;
	v2 =	vmul.f32 v5, v2;
	v5 =	vor.u32 $0x3, v3;
	_ =	sdelay $0x1  }
0x609: {  	v2 =	vnsel vm0, $0x0, v2  }
0x60a: {  	[tilespmem:v4+s26+$0x0] =	vst.idx.add.f32.msk $0xffff, v2  }
0x60b: {  	v2 =	vld.idx.msk [tilespmem:v6+s17+$0x0], $0xffff  }
0x60c: {  	v4 =	vld.idx.msk [tilespmem:v5+s18+$0x0], $0xffff;
	_ =	sdelay $0x2  }
0x60d: {  	v5 =	vor.u32 $0x1, v3;
	_ =	sdelay $0x1  }
0x60e: {  	v2 =	vtrunc.f32 v2  }
0x60f: {  	v2 =	vcvt.f32.s32 v2;
	v4 =	vtrunc.f32 v4  }
0x610: {  	v4 =	vcvt.f32.s32 v4  }
0x611: {  	v7 =	vand.u32 $0x3FF, v2;
	v6 =	vld.idx.msk [tilespmem:v5+s18+$0x0], $0xffff  }
0x612: {  	v4 =	vadd.s32 v4, v7  }
0x613: {  	v5 =	vld.idx.msk [tilespmem:v5+s17+$0x0], $0xffff;
	_ =	sdelay $0x3  }
0x614: {  	v6 =	vmul.f32 $5.000000000e-01, v6;
	v4 =	vld.idx.msk [tilespmem:v4+s12+$0x0], $0xffff  }
0x615: {  	v7 =	vld [tilespmem:s29+$0x0]  }
0x616: {  	v5 =	vadd.f32 v6, v5;
	_ =	sdelay $0x1  }
0x617: {  	v6 =	vadd.f32 $-1.000000000e+00, v5;
	(erf) = vrcp.f32 v5  }
0x618: {  	v8 =	vmul.f32 $1.609437940e+00, v5  }
0x619: {  	v4 =	vmul.f32 v4, v6;
	v5 =	vmul.f32 v7, v5;
	_ =	sdelay $0x1  }
0x61a: {  	v5 =	vsub.f32 v4, v5;
	v4 =	vsub.f32 v4, v8  }
0x61b: {  	v6 =	vld.idx.msk [tilespmem:v3+s18+$0x0], $0xffff  }
0x61c: {  	v3 =	vld.idx.msk [tilespmem:v3+s17+$0x0], $0xffff;
	v8 =	vmul.f32 $1.442695020e+00, v5;
	v4 =	vmul.f32 $1.442695020e+00, v4;
	_ =	sdelay $0x1  }
0x61d: {  	(erf) = vpow2.f32 v8  }
0x61e: {  	(erf) = vpow2.f32 v4;
	v5 =	vpop (erf);
	_ =	sdelay $0x2  }
0x61f: {  	v3 =	vmul.f32 v6, v3;
	_ =	sdelay $0x1  }
0x620: {  	v3 =	vand.u32 $0x7FFFFFFF, v3  }
0x621: {  	s30 =	sadd.s32 $0x20, s30;
	v9 =	vmul.f32 $7.199800010e+00, v3  }
0x622: {  	s0 =	sadd.s32 $0xFFFFFFF0, s30  }
.Ltmp7:
0x623: {  	v4 =	vshra.s32 v2, $0xA;
	v6 =	vmov s0;
	v8 =	vmul.f32 v5, v9;
	v3 =	vpop (erf);
	(pc) =	sbr.rel @p0 .LBB2_17-.Ltmp7, $4  }
0x624: {  	v2 =	vshll.u32 v6, $0x4;
	v5 =	vpop (erf)  }
0x625: {  	vm0 =	vle.f32 v7, $1.609437940e+00;
	v2 =	vor.u32 v1, v2;
	v9 =	vsub.f32 v3, v5  }
0x626: {  	v6 =	vor.u32 $0x2, v2;
	v3 =	vor.u32 $0x1, v2;
	v5 =	vor.u32 $0x3, v2  }
0x627: {  	v7 =	vmul.f32 v9, v8  }
0x628: {  	_ =	sdelay $0x2  }
0x629: {  	v7 =	vnsel vm0, $0x0, v7  }
0x62a: {  	[tilespmem:v4+s26+$0x0] =	vst.idx.add.f32.msk $0xffff, v7  }
0x62b: {  	v4 =	vld.idx.msk [tilespmem:v6+s17+$0x0], $0xffff  }
0x62c: {  	v5 =	vld.idx.msk [tilespmem:v5+s18+$0x0], $0xffff;
	_ =	sdelay $0x3  }
0x62d: {  	v4 =	vtrunc.f32 v4  }
0x62e: {  	v5 =	vtrunc.f32 v5;
	v4 =	vcvt.f32.s32 v4  }
0x62f: {  	v5 =	vcvt.f32.s32 v5  }
0x630: {  	v7 =	vld.idx.msk [tilespmem:v3+s18+$0x0], $0xffff;
	v44 =	vand.u32 $0x3FF, v4  }
0x631: {  	v5 =	vadd.s32 v5, v44  }
0x632: {  	v3 =	vld.idx.msk [tilespmem:v3+s17+$0x0], $0xffff;
	_ =	sdelay $0x1  }
0x633: {  	s0 =	sadd.s32 $0x20, s29  }
0x634: {  	v46 =	vld [tilespmem:s0+$0xFFFFFFF0];
	v45 =	vmul.f32 $5.000000000e-01, v7  }
0x635: {  	v5 =	vld.idx.msk [tilespmem:v5+s12+$0x0], $0xffff  }
0x636: {  	v3 =	vadd.f32 v45, v3;
	_ =	sdelay $0x1  }
0x637: {  	v6 =	vadd.f32 $-1.000000000e+00, v3;
	_ =	sdelay $0x1  }
0x638: {  	v47 =	vmul.f32 v46, v3;
	v5 =	vmul.f32 v5, v6  }
0x639: {  	v8 =	vmul.f32 $1.609437940e+00, v3  }
0x63a: {  	v6 =	vsub.f32 v5, v47  }
0x63b: {  	v5 =	vsub.f32 v5, v8  }
0x63c: {  	v6 =	vmul.f32 $1.442695020e+00, v6  }
0x63d: {  	(erf) = vrcp.f32 v3;
	v3 =	vmul.f32 $1.442695020e+00, v5  }
0x63e: {  	v48 =	vld.idx.msk [tilespmem:v2+s18+$0x0], $0xffff;
	(erf) = vpow2.f32 v6  }
0x63f: {  	v2 =	vld.idx.msk [tilespmem:v2+s17+$0x0], $0xffff;
	(erf) = vpow2.f32 v3;
	_ =	sdelay $0x4  }
0x640: {  	v2 =	vmul.f32 v48, v2;
	_ =	sdelay $0x1  }
0x641: {  	v2 =	vand.u32 $0x7FFFFFFF, v2;
	v3 =	vpop (erf)  }
0x642: {  	v49 =	vmov s30;
	v2 =	vmul.f32 $7.199800010e+00, v2;
	v6 =	vpop (erf)  }
0x643: {  	v4 =	vshra.s32 v4, $0xA;
	v5 =	vshll.u32 v49, $0x4;
	v50 =	vpop (erf)  }
0x644: {  	v5 =	vor.u32 v1, v5;
	v2 =	vmul.f32 v3, v2;
	v3 =	vsub.f32 v6, v50  }
0x645: {  	v51 =	vor.u32 $0x2, v5  }
0x646: {  	v2 =	vmul.f32 v3, v2;
	v3 =	vor.u32 $0x3, v5  }
0x647: {  	vm14 =	vle.f32 v46, $1.609437940e+00  }
0x648: {  	v2 =	vnsel vm14, $0x0, v2  }
0x649: {  	[tilespmem:v4+s26+$0x0] =	vst.idx.add.f32.msk $0xffff, v2  }
0x64a: {  	v2 =	vld.idx.msk [tilespmem:v51+s17+$0x0], $0xffff  }
0x64b: {  	v3 =	vld.idx.msk [tilespmem:v3+s18+$0x0], $0xffff;
	_ =	sdelay $0x1  }
0x64c: {  	v52 =	vor.u32 $0x1, v5;
	_ =	sdelay $0x1  }
0x64d: {  	v2 =	vtrunc.f32 v2  }
0x64e: {  	v2 =	vcvt.f32.s32 v2;
	v3 =	vtrunc.f32 v3  }
0x64f: {  	v3 =	vcvt.f32.s32 v3  }
0x650: {  	v54 =	vld.idx.msk [tilespmem:v52+s18+$0x0], $0xffff;
	v53 =	vand.u32 $0x3FF, v2  }
0x651: {  	v3 =	vadd.s32 v3, v53  }
0x652: {  	v4 =	vld.idx.msk [tilespmem:v52+s17+$0x0], $0xffff;
	_ =	sdelay $0x2  }
0x653: {  	v56 =	vld [tilespmem:s0+$0x0];
	v55 =	vmul.f32 $5.000000000e-01, v54  }
0x654: {  	v3 =	vld.idx.msk [tilespmem:v3+s12+$0x0], $0xffff  }
0x655: {  	v4 =	vadd.f32 v55, v4;
	_ =	sdelay $0x1  }
0x656: {  	v6 =	vadd.f32 $-1.000000000e+00, v4;
	_ =	sdelay $0x1  }
0x657: {  	v57 =	vmul.f32 v56, v4;
	v3 =	vmul.f32 v3, v6  }
0x658: {  	v58 =	vmul.f32 $1.609437940e+00, v4  }
0x659: {  	v6 =	vsub.f32 v3, v57  }
0x65a: {  	v3 =	vsub.f32 v3, v58  }
0x65b: {  	v6 =	vmul.f32 $1.442695020e+00, v6  }
0x65c: {  	(erf) = vrcp.f32 v4;
	v3 =	vmul.f32 $1.442695020e+00, v3  }
0x65d: {  	v59 =	vld.idx.msk [tilespmem:v5+s18+$0x0], $0xffff;
	(erf) = vpow2.f32 v6  }
0x65e: {  	v5 =	vld.idx.msk [tilespmem:v5+s17+$0x0], $0xffff;
	(erf) = vpow2.f32 v3;
	_ =	sdelay $0x4  }
0x65f: {  	v3 =	vmul.f32 v59, v5;
	_ =	sdelay $0x1  }
0x660: {  	v60 =	vpop (erf);
	v3 =	vand.u32 $0x7FFFFFFF, v3  }
0x661: {  	v3 =	vmul.f32 $7.199800010e+00, v3;
	v61 =	vpop (erf)  }
0x662: {  	s28 =	sadd.s32 $0x1, s28;
	v62 =	vpop (erf)  }
0x663: {  	p0 =	sne.s32 s28, s8;
	v2 =	vshra.s32 v2, $0xA;
	v3 =	vmul.f32 v60, v3;
	v63 =	vsub.f32 v61, v62  }
.Ltmp8:
0x664: {  	_ = 	snop;
	(pc) =	sbr.rel @p0 .LBB2_2-.Ltmp8, $4  }
0x665: {  	v3 =	vmul.f32 v63, v3  }
0x666: {  	vm15 =	vle.f32 v56, $1.609437940e+00  }
0x667: {  	v3 =	vnsel vm15, $0x0, v3  }
0x668: {  	[tilespmem:v2+s26+$0x0] =	vst.idx.add.f32.msk $0xffff, v3  }
0x669: {  	s0 =	rddreg [dreg:$0x5]  }
0x66a: {  	[hbm4b:s0+s5] =	stream.linear.scatter [tilespmem:s26], [sflag:$0x1], $0x200, $0x38;
	[tilespmem:$0x8F90] =	vst v63  }
0x66b: {  	_ =	swait.ge [sflag:s13], $0x200  }
0x66c: {  	s28 =	rddreg [dreg:$0x7]  }
0x66d: {  	s31 =	rddreg [dreg:$0x6];
	s28 =	sadd.s32 $0x1, s28  }
0x66e: {  	p0 =	sne.s32 s28, s31  }
.Ltmp9:
0x66f: {  	_ = 	snop;
	(pc) =	sbr.rel @p0 .LBB2_1-.Ltmp9, $3  }
0x670: {  	_ =	sdelay $0x1  }
0x671: {  	[sflag:s13] =	ssyncset.done $0x0  }
0x672: {  	[sflag:s13] =	ssyncadd.s32 $0xFFFFFE00  }
0x673: {  	_ =	sfence.sel $0x180000  }
0x674: {  	[bflag:$0x0] =	sbarrier.arrive $0xFFFF  }
0x675: {  	_ =	strace $0x90000047  }
0x676: {  	s0 =	stileid.u32;
	[bflag:$0x2] =	sbarrier.arrive $0xFFFF  }
0x677: {  	p0 =	sne.s32 s0, $0x0;
	s0 =	rddreg [dreg:$0x4]  }
0x678: {  	s0 =	sadd.s32 @!p0 $0x100000, s0  }
0x679: {  	[sflag:s0] =	ssyncadd.tile.s32 @!p0 $0x1;
	_ =	shalt  }
.Lfunc_end2:
_tile_overlayer_lowered:
.L_overlay_start_2:
0x67a: {  	(tag) =	ssettag $0x2  }
0x67b: {  	s0 =	rddreg [dreg:$0x0];
	s2 =	stileid.u32  }
0x67c: {  	s1 =	rddreg [dreg:$0x1];
	p0 =	sne.s32 s2, $0x0  }
0x67d: {  	s3 =	rddreg [dreg:$0x2];
	[bflag:$0x3] =	sbarrier.arrive $0xFFFF;
	s2 =	simm.s32 @!p0 $0x1C02  }
0x67e: {  	[timem:s3], [sflag:s2] =	dma.local @!p0 [hbm:s0], s1  }
0x67f: {  	s0 =	simm.s32 @!p0 $0x2  }
0x680: {  	_ =	swait.ge @!p0 [sflag:s0], s1  }
0x681: {  	s1 =	ssub.s32 @!p0 $0x0, s1;
	[sflag:s0] =	ssyncset.done @!p0 $0x0  }
0x682: {  	[sflag:s0] =	ssyncadd.s32 @!p0 s1  }
0x683: {  	[bflag:$0x3] =	sbarrier.arrive $0xFFFF  }
0x684: {  	_ =	shalt  }

</sc_bundles>
